<compile_context>
chip_gen: v7x
topology: tpu7x:2x2x1
jax: 0.10.2.dev20260603
libtpu: 0.0.44.dev20260713+nightly
codegen_flags: <defaults>
</compile_context>

<pallas_src>
import functools

import jax
import jax.numpy as jnp
from jax import lax
from jax.experimental import pallas as pl
from jax.experimental.pallas import tpu as pltpu
from jax.experimental.pallas import tpu_sc as plsc

N = 10000
E = 320000
F_IN = 128
HID = 16
C = 64

NC = 2
NS = 16
NW = NC * NS
CHUNK = 128
ROWS = E // CHUNK
WQ, WR = divmod(ROWS, NW)
TQ, TR = divmod(ROWS, NS)
N_PAD = 10240
RPT = N_PAD // NS
NB = 8
QMAX = (WQ + 1 + NB - 1) // NB


def _newton_rsqrt(v):
    i = plsc.bitcast(v, jnp.int32)
    i = jnp.int32(0x5F3759DF) - lax.shift_right_logical(i, 1)
    y = plsc.bitcast(i, jnp.float32)
    for _ in range(3):
        y = y * (1.5 - 0.5 * v * y * y)
    return y


def _split_bounds(wid):
    base = wid * WQ + jnp.minimum(wid, WR)
    cnt = WQ + (wid < WR).astype(jnp.int32)
    return base, cnt


def _stage_edges(e_hbm, ev, base, has_extra, nmain, sem0, sem1):
    d0 = pltpu.async_copy(e_hbm.at[pl.ds(base, nmain)],
                          ev.at[pl.ds(0, nmain)], sem0)

    @pl.when(has_extra)
    def _():
        pltpu.async_copy(e_hbm.at[base + nmain], ev.at[nmain], sem1).wait()

    d0.wait()


def _split_edge_scatter(table_sh, acc_sh, ev, rows_v, gsem, cnt):
    def gather(g, b):
        return pltpu.async_copy(table_sh.at[ev.at[g, 0]], rows_v.at[b],
                                gsem.at[b])

    for b in range(NB):
        gather(b, b)

    def body(q, carry):
        for b in range(NB):
            g = q * NB + b

            @pl.when(g < cnt)
            def _():
                pltpu.make_async_copy(table_sh.at[ev.at[g, 0]], rows_v.at[b],
                                      gsem.at[b]).wait()
                pltpu.sync_copy(rows_v.at[b], acc_sh.at[ev.at[g, 1]],
                                add=True)

                @pl.when(g + NB < cnt)
                def _():
                    gather(g + NB, b)
        return carry

    lax.fori_loop(0, QMAX, body, 0)


def _sc_layer1_body(xw_hbm, zeros_hbm, zeros1_hbm, ones1_hbm, e_hbm,
                    s1_hbm, deg_hbm,
                    ev, rows_v, xwl, degl, dl, ones_v,
                    table_sh, acc_sh, acc1d, gsem, dsem, stsem):
    c = lax.axis_index("c")
    s = lax.axis_index("s")
    wid = c * NS + s

    tbase = s * TQ + jnp.minimum(s, TR)
    tcnt = TQ + (s < TR).astype(jnp.int32)
    cps = [
        pltpu.async_copy(zeros_hbm.at[pl.ds(s * RPT, RPT)],
                         acc_sh.at[pl.ds(s * RPT, RPT)], stsem.at[0]),
        pltpu.async_copy(zeros1_hbm.at[pl.ds(s * RPT, RPT)],
                         acc1d.at[pl.ds(s * RPT, RPT)], stsem.at[1]),
        pltpu.async_copy(xw_hbm.at[pl.ds(s * RPT, RPT), pl.ds(0, HID)],
                         xwl, stsem.at[3]),
        pltpu.async_copy(ones1_hbm, ones_v, stsem.at[4]),
    ]
    _stage_edges(e_hbm, ev, tbase, s < TR, TQ, stsem.at[2], stsem.at[5])
    for d in cps:
        d.wait()
    plsc.subcore_barrier()

    def fire(j, carry):
        pltpu.async_copy(ones_v, acc1d.at[ev.at[j, 1]], dsem, add=True)
        return carry

    lax.fori_loop(0, tcnt, fire, 0)

    def drain(j, carry):
        pltpu.make_async_copy(ones_v, acc1d.at[ev.at[j, 1]], dsem).wait()
        return carry

    lax.fori_loop(0, tcnt, drain, 0)
    plsc.subcore_barrier()

    pltpu.sync_copy(acc1d.at[pl.ds(s * RPT, RPT)], degl)

    def newton(k, carry):
        dl[pl.ds(k * 16, 16)] = _newton_rsqrt(degl[pl.ds(k * 16, 16)] + 1.0)
        return carry

    lax.fori_loop(0, RPT // 16, newton, 0)

    def scale(i, carry):
        dsp = plsc.load_gather(dl, [jnp.full((16,), i, jnp.int32)])
        xwl[i, :] = dsp * xwl[i, :]
        return carry

    lax.fori_loop(0, RPT, scale, 0)
    pltpu.sync_copy(xwl, table_sh.at[pl.ds(s * RPT, RPT)])
    wbase, wcnt = _split_bounds(wid)
    _stage_edges(e_hbm, ev, wbase, wid < WR, WQ, stsem.at[0], stsem.at[1])
    plsc.subcore_barrier()

    _split_edge_scatter(table_sh, acc_sh, ev, rows_v, gsem, wcnt)
    plsc.subcore_barrier()

    pltpu.sync_copy(acc_sh.at[pl.ds(s * RPT, RPT)],
                    s1_hbm.at[c, pl.ds(s * RPT, RPT)])

    @pl.when(c == 0)
    def _():
        pltpu.sync_copy(acc1d.at[pl.ds(s * RPT, RPT)],
                        deg_hbm.at[pl.ds(s * RPT, RPT)])


@functools.cache
def _sc_layer1():
    return pl.kernel(
        _sc_layer1_body,
        mesh=plsc.VectorSubcoreMesh(core_axis_name="c", subcore_axis_name="s",
                                    num_cores=NC, num_subcores=NS),
        out_type=(
            jax.ShapeDtypeStruct((NC, N_PAD, HID), jnp.float32),
            jax.ShapeDtypeStruct((N_PAD,), jnp.float32),
        ),
        scratch_types=[
            pltpu.VMEM((TQ + 1, 2, CHUNK), jnp.int32),
            pltpu.VMEM((NB, CHUNK, HID), jnp.float32),
            pltpu.VMEM((RPT, HID), jnp.float32),
            pltpu.VMEM((RPT,), jnp.float32),
            pltpu.VMEM((RPT,), jnp.float32),
            pltpu.VMEM((CHUNK,), jnp.float32),
            pltpu.VMEM_SHARED((N_PAD, HID), jnp.float32),
            pltpu.VMEM_SHARED((N_PAD, HID), jnp.float32),
            pltpu.VMEM_SHARED((N_PAD,), jnp.float32),
            pltpu.SemaphoreType.DMA((NB,)),
            pltpu.SemaphoreType.DMA,
            pltpu.SemaphoreType.DMA((6,)),
        ],
        compiler_params=pltpu.CompilerParams(use_tc_tiling_on_sc=False,
                                             needs_layout_passes=False),
    )


def _sc_layer2_body(xw_hbm, deg_hbm, s1_hbm, b1_hbm, zeros_hbm, e_hbm,
                    s2a_hbm, s2b_hbm, z_hbm, dsp_hbm,
                    ev, rows_v, xwl, l0, l1, degl, dl, dspl, b1v,
                    table_sh, acc_sh, gsem, stsem):
    c = lax.axis_index("c")
    s = lax.axis_index("s")
    wid = c * NS + s
    wbase, wcnt = _split_bounds(wid)

    cps = [
        pltpu.async_copy(zeros_hbm.at[pl.ds(s * RPT, RPT)],
                         acc_sh.at[pl.ds(s * RPT, RPT)], stsem.at[0]),
        pltpu.async_copy(xw_hbm.at[pl.ds(s * RPT, RPT), pl.ds(0, HID)],
                         xwl, stsem.at[1]),
        pltpu.async_copy(s1_hbm.at[0, pl.ds(s * RPT, RPT)], l0, stsem.at[2]),
        pltpu.async_copy(s1_hbm.at[1, pl.ds(s * RPT, RPT)], l1, stsem.at[3]),
        pltpu.async_copy(deg_hbm.at[pl.ds(s * RPT, RPT)], degl, stsem.at[4]),
        pltpu.async_copy(b1_hbm, b1v, stsem.at[5]),
    ]
    _stage_edges(e_hbm, ev, wbase, wid < WR, WQ, stsem.at[6], stsem.at[7])
    for d in cps:
        d.wait()

    def newton(k, carry):
        dl[pl.ds(k * 16, 16)] = _newton_rsqrt(degl[pl.ds(k * 16, 16)] + 1.0)
        return carry

    lax.fori_loop(0, RPT // 16, newton, 0)
    b1row = b1v[...]

    def zrow(i, carry):
        dsp = plsc.load_gather(dl, [jnp.full((16,), i, jnp.int32)])
        y1 = dsp * xwl[i, :]
        h = jnp.maximum(dsp * (l0[i, :] + l1[i, :] + y1) + b1row, 0.0)
        xwl[i, :] = dsp * h
        dspl[i, :] = dsp
        return carry

    lax.fori_loop(0, RPT, zrow, 0)
    pltpu.sync_copy(xwl, table_sh.at[pl.ds(s * RPT, RPT)])

    @pl.when(c == 0)
    def _():
        pltpu.sync_copy(xwl,
                        z_hbm.at[pl.ds(s * RPT, RPT)])
        pltpu.sync_copy(dspl,
                        dsp_hbm.at[pl.ds(s * RPT, RPT)])

    plsc.subcore_barrier()
    _split_edge_scatter(table_sh, acc_sh, ev, rows_v, gsem, wcnt)
    plsc.subcore_barrier()

    @pl.when(c == 0)
    def _():
        pltpu.sync_copy(acc_sh.at[pl.ds(s * RPT, RPT)],
                        s2a_hbm.at[pl.ds(s * RPT, RPT)])

    @pl.when(c == 1)
    def _():
        pltpu.sync_copy(acc_sh.at[pl.ds(s * RPT, RPT)],
                        s2b_hbm.at[pl.ds(s * RPT, RPT)])


@functools.cache
def _sc_layer2():
    return pl.kernel(
        _sc_layer2_body,
        mesh=plsc.VectorSubcoreMesh(core_axis_name="c", subcore_axis_name="s",
                                    num_cores=NC, num_subcores=NS),
        out_type=(
            jax.ShapeDtypeStruct((N_PAD, HID), jnp.float32),
            jax.ShapeDtypeStruct((N_PAD, HID), jnp.float32),
            jax.ShapeDtypeStruct((N_PAD, HID), jnp.float32),
            jax.ShapeDtypeStruct((N_PAD, HID), jnp.float32),
        ),
        scratch_types=[
            pltpu.VMEM((WQ + 1, 2, CHUNK), jnp.int32),
            pltpu.VMEM((NB, CHUNK, HID), jnp.float32),
            pltpu.VMEM((RPT, HID), jnp.float32),
            pltpu.VMEM((RPT, HID), jnp.float32),
            pltpu.VMEM((RPT, HID), jnp.float32),
            pltpu.VMEM((RPT,), jnp.float32),
            pltpu.VMEM((RPT,), jnp.float32),
            pltpu.VMEM((RPT, HID), jnp.float32),
            pltpu.VMEM((HID,), jnp.float32),
            pltpu.VMEM_SHARED((N_PAD, HID), jnp.float32),
            pltpu.VMEM_SHARED((N_PAD, HID), jnp.float32),
            pltpu.SemaphoreType.DMA((NB,)),
            pltpu.SemaphoreType.DMA((8,)),
        ],
        compiler_params=pltpu.CompilerParams(use_tc_tiling_on_sc=False,
                                             needs_layout_passes=False),
    )


def _tc_xw_body(x_ref, w1_ref, xw_ref):
    xw = jnp.dot(x_ref[...], w1_ref[...], preferred_element_type=jnp.float32)
    xw_ref[:N, :] = jnp.pad(xw, ((0, 0), (0, 128 - HID)))
    xw_ref[N:, :] = jnp.zeros((N_PAD - N, 128), jnp.float32)


def _tc_out_body(s2a_ref, s2b_ref, z_ref, dsp_ref, w2b_ref, b2b_ref,
                 out_ref):
    pre = dsp_ref[...] * (s2a_ref[...] + s2b_ref[...] + z_ref[...])
    out_ref[...] = (
        jnp.dot(pre, w2b_ref[...], preferred_element_type=jnp.float32)
        + b2b_ref[...]
    )


def kernel(x, edge_index, W1, b1, W2, b2):
    e3 = edge_index.astype(jnp.int32).reshape(2, ROWS, CHUNK) \
        .transpose(1, 0, 2)
    zeros = jnp.zeros((N_PAD, HID), jnp.float32)
    zeros1 = jnp.zeros((N_PAD,), jnp.float32)
    ones1 = jnp.ones((CHUNK,), jnp.float32)

    W2big = jnp.kron(jnp.eye(8, dtype=jnp.float32), W2)
    b2big = jnp.tile(b2.reshape(1, C), (1, 8))

    xw = pl.pallas_call(
        _tc_xw_body,
        out_shape=jax.ShapeDtypeStruct((N_PAD, 128), jnp.float32),
    )(x, W1)

    s1, deg = _sc_layer1()(xw, zeros, zeros1, ones1, e3)

    s2a, s2b, z, dsp = _sc_layer2()(xw, deg, s1, b1, zeros, e3)

    outp = pl.pallas_call(
        _tc_out_body,
        out_shape=jax.ShapeDtypeStruct((N_PAD // 8, 8 * C), jnp.float32),
    )(s2a.reshape(N_PAD // 8, 128), s2b.reshape(N_PAD // 8, 128),
      z.reshape(N_PAD // 8, 128), dsp.reshape(N_PAD // 8, 128),
      W2big, b2big)
    return outp.reshape(N_PAD, C)[:N]

# --- scband reference (transcript-rebuilt; emitter-appended) ---
"""Pipeline reference for scband-gcn-44461501448279 (READ-ONLY COPY).

The authoritative reference and input builder live on the scoring server;
editing this copy changes nothing except your own understanding.
"""

import jax, jax.numpy as jnp
import numpy as np

N = 10000
E = 320000
F_IN = 128
HID = 16
C = 64


def setup_inputs(seed: int = 0) -> dict:
    key = jax.random.key(seed)
    k1, k2, k3, k4, k5, k6 = jax.random.split(key, 6)
    x = jax.random.normal(k1, (N, F_IN), dtype=jnp.float32)
    edge_index = jax.random.randint(k2, (2, E), 0, N)
    W1 = jax.random.normal(k3, (F_IN, HID), dtype=jnp.float32) * (1.0 / np.sqrt(F_IN))
    b1 = jnp.zeros((HID,), dtype=jnp.float32)
    W2 = jax.random.normal(k4, (HID, C), dtype=jnp.float32) * (1.0 / np.sqrt(HID))
    b2 = jnp.zeros((C,), dtype=jnp.float32)
    return {"x": x, "edge_index": edge_index, "W1": W1, "b1": b1, "W2": W2, "b2": b2}


def _gcn_conv(x, edge_index, W, b):
    # GCNConv: x' = D^{-1/2} (A + I) D^{-1/2} X W + b
    n = x.shape[0]
    xw = x @ W
    src = edge_index[0]
    dst = edge_index[1]
    loop = jnp.arange(n, dtype=src.dtype)
    src = jnp.concatenate([src, loop])
    dst = jnp.concatenate([dst, loop])
    deg = jnp.zeros((n,), dtype=xw.dtype).at[dst].add(1.0)
    deg_inv_sqrt = jnp.where(deg > 0, 1.0 / jnp.sqrt(deg), 0.0)
    norm = deg_inv_sqrt[src] * deg_inv_sqrt[dst]
    msgs = xw[src] * norm[:, None]
    out = jnp.zeros_like(xw).at[dst].add(msgs)
    return out + b


def reference(x, edge_index, W1, b1, W2, b2):
    h = _gcn_conv(x, edge_index, W1, b1)
    h = jax.nn.relu(h)
    # dropout is identity in eval mode
    out = _gcn_conv(h, edge_index, W2, b2)
    return out

if __name__ == "__main__":
    import jax
    _d = setup_inputs()
    print(jax.jit(kernel)(*tuple(_d.values())))

</pallas_src>

<mosaic_0001>
#map = affine_map<(d0, d1) -> (0, 0)>
#map1 = affine_map<(d0, d1) -> (0)>
#map2 = affine_map<(d0, d1) -> (0, 0, 0)>
module attributes {stable_mosaic.version = 14 : i64} {
  func.func @_sc_layer1_body(%arg0: i32, %arg1: i32, %arg2: memref<10240x128xf32, #tpu.memory_space<hbm>>, %arg3: memref<10240x16xf32, #tpu.memory_space<hbm>>, %arg4: memref<10240xf32, #tpu.memory_space<hbm>>, %arg5: memref<128xf32, #tpu.memory_space<hbm>>, %arg6: memref<2500x2x128xi32, #tpu.memory_space<hbm>>, %arg7: memref<2x10240x16xf32, #tpu.memory_space<hbm>>, %arg8: memref<10240xf32, #tpu.memory_space<hbm>>, %arg9: memref<157x2x128xi32, #tpu.memory_space<vmem>>, %arg10: memref<8x128x16xf32, #tpu.memory_space<vmem>>, %arg11: memref<640x16xf32, #tpu.memory_space<vmem>>, %arg12: memref<640xf32, #tpu.memory_space<vmem>>, %arg13: memref<640xf32, #tpu.memory_space<vmem>>, %arg14: memref<128xf32, #tpu.memory_space<vmem>>, %arg15: memref<10240x16xf32, #tpu.memory_space<vmem_shared>>, %arg16: memref<10240x16xf32, #tpu.memory_space<vmem_shared>>, %arg17: memref<10240xf32, #tpu.memory_space<vmem_shared>>, %arg18: memref<8x!tpu.dma_semaphore, #tpu.memory_space<semaphore_mem>>, %arg19: memref<!tpu.dma_semaphore, #tpu.memory_space<semaphore_mem>>, %arg20: memref<6x!tpu.dma_semaphore, #tpu.memory_space<semaphore_mem>>) attributes {dimension_semantics = [#tpu.dimension_semantics<core_parallel>, #tpu.dimension_semantics<subcore_parallel>], iteration_bounds = array<i64: 2, 16>, scalar_prefetch = 0 : i64, scratch_operands = 12 : i64, tpu.core_type = #tpu.core_type<sc_vector_subcore>, window_params = [{transform_indices = #map}, {transform_indices = #map}, {transform_indices = #map1}, {transform_indices = #map1}, {transform_indices = #map2}, {transform_indices = #map2}, {transform_indices = #map1}]} {
    %mul3A = arith.constant 16 : i32
    %mul3A_0 = arith.muli %arg0, %mul3A : i32
    %add3A = arith.addi %mul3A_0, %arg1 : i32
    %mul3A_1 = arith.constant 156 : i32
    %mul3A_2 = arith.muli %arg1, %mul3A_1 : i32
    %min3A = arith.constant 4 : i32
    %min3A_3 = arith.minsi %arg1, %min3A : i32
    %add3A_4 = arith.addi %mul3A_2, %min3A_3 : i32
    %lt3A = arith.constant 4 : i32
    %lt3A_5 = arith.cmpi slt, %arg1, %lt3A : i32
    %convert_element_type3A = arith.extui %lt3A_5 : i1 to i32
    %add3A_6 = arith.constant 156 : i32
    %add3A_7 = arith.addi %add3A_6, %convert_element_type3A : i32
    %mul3A_8 = arith.constant 640 : i32
    %mul3A_9 = arith.muli %arg1, %mul3A_8 : i32
    %mul3A_10 = arith.constant 640 : i32
    %mul3A_11 = arith.muli %arg1, %mul3A_10 : i32
    %dma_start3A = arith.constant 0 : i32
    %dma_start3A_12 = tpu.memref_slice %arg20[%dma_start3A] : memref<6x!tpu.dma_semaphore, #tpu.memory_space<semaphore_mem>> -> memref<1x!tpu.dma_semaphore, #tpu.memory_space<semaphore_mem>>
    %dma_start3A_13 = tpu.memref_squeeze %dma_start3A_12 : memref<1x!tpu.dma_semaphore, #tpu.memory_space<semaphore_mem>> -> memref<!tpu.dma_semaphore, #tpu.memory_space<semaphore_mem>>
    %dma_start3A_14 = arith.constant 0 : i32
    %dma_start3A_15 = tpu.memref_slice %arg16[%mul3A_11, %dma_start3A_14] : memref<10240x16xf32, #tpu.memory_space<vmem_shared>> -> memref<640x16xf32, #tpu.memory_space<vmem_shared>>
    %dma_start3A_16 = arith.constant 0 : i32
    %dma_start3A_17 = tpu.memref_slice %arg3[%mul3A_9, %dma_start3A_16] : memref<10240x16xf32, #tpu.memory_space<hbm>> -> memref<640x16xf32, #tpu.memory_space<hbm>>
    tpu.enqueue_dma source(%dma_start3A_17 : memref<640x16xf32, #tpu.memory_space<hbm>>) target(%dma_start3A_15 : memref<640x16xf32, #tpu.memory_space<vmem_shared>>) target_semaphore(%dma_start3A_13 : memref<!tpu.dma_semaphore, #tpu.memory_space<semaphore_mem>>)
    %mul3A_18 = arith.constant 640 : i32
    %mul3A_19 = arith.muli %arg1, %mul3A_18 : i32
    %mul3A_20 = arith.constant 640 : i32
    %mul3A_21 = arith.muli %arg1, %mul3A_20 : i32
    %dma_start3A_22 = arith.constant 1 : i32
    %dma_start3A_23 = tpu.memref_slice %arg20[%dma_start3A_22] : memref<6x!tpu.dma_semaphore, #tpu.memory_space<semaphore_mem>> -> memref<1x!tpu.dma_semaphore, #tpu.memory_space<semaphore_mem>>
    %dma_start3A_24 = tpu.memref_squeeze %dma_start3A_23 : memref<1x!tpu.dma_semaphore, #tpu.memory_space<semaphore_mem>> -> memref<!tpu.dma_semaphore, #tpu.memory_space<semaphore_mem>>
    %dma_start3A_25 = tpu.memref_slice %arg17[%mul3A_21] : memref<10240xf32, #tpu.memory_space<vmem_shared>> -> memref<640xf32, #tpu.memory_space<vmem_shared>>
    %dma_start3A_26 = tpu.memref_slice %arg4[%mul3A_19] : memref<10240xf32, #tpu.memory_space<hbm>> -> memref<640xf32, #tpu.memory_space<hbm>>
    tpu.enqueue_dma source(%dma_start3A_26 : memref<640xf32, #tpu.memory_space<hbm>>) target(%dma_start3A_25 : memref<640xf32, #tpu.memory_space<vmem_shared>>) target_semaphore(%dma_start3A_24 : memref<!tpu.dma_semaphore, #tpu.memory_space<semaphore_mem>>)
    %mul3A_27 = arith.constant 640 : i32
    %mul3A_28 = arith.muli %arg1, %mul3A_27 : i32
    %dma_start3A_29 = arith.constant 3 : i32
    %dma_start3A_30 = arith.constant 0 : i32
    %dma_start3A_31 = tpu.memref_slice %arg2[%mul3A_28, %dma_start3A_30] : memref<10240x128xf32, #tpu.memory_space<hbm>> -> memref<640x16xf32, #tpu.memory_space<hbm>>
    %dma_start3A_32 = tpu.memref_slice %arg20[%dma_start3A_29] : memref<6x!tpu.dma_semaphore, #tpu.memory_space<semaphore_mem>> -> memref<1x!tpu.dma_semaphore, #tpu.memory_space<semaphore_mem>>
    %dma_start3A_33 = tpu.memref_squeeze %dma_start3A_32 : memref<1x!tpu.dma_semaphore, #tpu.memory_space<semaphore_mem>> -> memref<!tpu.dma_semaphore, #tpu.memory_space<semaphore_mem>>
    %dma_start3A_34 = arith.constant 0 : i32
    %dma_start3A_35 = tpu.memref_slice %arg2[%mul3A_28, %dma_start3A_34] : memref<10240x128xf32, #tpu.memory_space<hbm>> -> memref<640x16xf32, #tpu.memory_space<hbm>>
    tpu.enqueue_dma source(%dma_start3A_35 : memref<640x16xf32, #tpu.memory_space<hbm>>) target(%arg11 : memref<640x16xf32, #tpu.memory_space<vmem>>) target_semaphore(%dma_start3A_33 : memref<!tpu.dma_semaphore, #tpu.memory_space<semaphore_mem>>)
    %dma_start3A_36 = arith.constant 4 : i32
    %dma_start3A_37 = tpu.memref_slice %arg20[%dma_start3A_36] : memref<6x!tpu.dma_semaphore, #tpu.memory_space<semaphore_mem>> -> memref<1x!tpu.dma_semaphore, #tpu.memory_space<semaphore_mem>>
    %dma_start3A_38 = tpu.memref_squeeze %dma_start3A_37 : memref<1x!tpu.dma_semaphore, #tpu.memory_space<semaphore_mem>> -> memref<!tpu.dma_semaphore, #tpu.memory_space<semaphore_mem>>
    tpu.enqueue_dma source(%arg5 : memref<128xf32, #tpu.memory_space<hbm>>) target(%arg14 : memref<128xf32, #tpu.memory_space<vmem>>) target_semaphore(%dma_start3A_38 : memref<!tpu.dma_semaphore, #tpu.memory_space<semaphore_mem>>)
    %lt3A_39 = arith.constant 4 : i32
    %lt3A_40 = arith.cmpi slt, %arg1, %lt3A_39 : i32
    %dma_start3A_41 = arith.constant 2 : i32
    %dma_start3A_42 = arith.constant 0 : i32
    %dma_start3A_43 = arith.constant 0 : i32
    %dma_start3A_44 = arith.constant 0 : i32
    %dma_start3A_45 = tpu.memref_slice %arg9[%dma_start3A_42, %dma_start3A_43, %dma_start3A_44] : memref<157x2x128xi32, #tpu.memory_space<vmem>> -> memref<156x2x128xi32, #tpu.memory_space<vmem>>
    %dma_start3A_46 = arith.constant 0 : i32
    %dma_start3A_47 = arith.constant 0 : i32
    %dma_start3A_48 = tpu.memref_slice %arg6[%add3A_4, %dma_start3A_46, %dma_start3A_47] : memref<2500x2x128xi32, #tpu.memory_space<hbm>> -> memref<156x2x128xi32, #tpu.memory_space<hbm>>
    %dma_start3A_49 = tpu.memref_slice %arg20[%dma_start3A_41] : memref<6x!tpu.dma_semaphore, #tpu.memory_space<semaphore_mem>> -> memref<1x!tpu.dma_semaphore, #tpu.memory_space<semaphore_mem>>
    %dma_start3A_50 = tpu.memref_squeeze %dma_start3A_49 : memref<1x!tpu.dma_semaphore, #tpu.memory_space<semaphore_mem>> -> memref<!tpu.dma_semaphore, #tpu.memory_space<semaphore_mem>>
    %dma_start3A_51 = arith.constant 0 : i32
    %dma_start3A_52 = arith.constant 0 : i32
    %dma_start3A_53 = arith.constant 0 : i32
    %dma_start3A_54 = tpu.memref_slice %arg9[%dma_start3A_51, %dma_start3A_52, %dma_start3A_53] : memref<157x2x128xi32, #tpu.memory_space<vmem>> -> memref<156x2x128xi32, #tpu.memory_space<vmem>>
    %dma_start3A_55 = arith.constant 0 : i32
    %dma_start3A_56 = arith.constant 0 : i32
    %dma_start3A_57 = tpu.memref_slice %arg6[%add3A_4, %dma_start3A_55, %dma_start3A_56] : memref<2500x2x128xi32, #tpu.memory_space<hbm>> -> memref<156x2x128xi32, #tpu.memory_space<hbm>>
    tpu.enqueue_dma source(%dma_start3A_57 : memref<156x2x128xi32, #tpu.memory_space<hbm>>) target(%dma_start3A_54 : memref<156x2x128xi32, #tpu.memory_space<vmem>>) target_semaphore(%dma_start3A_50 : memref<!tpu.dma_semaphore, #tpu.memory_space<semaphore_mem>>)
    %convert_element_type3A_58 = arith.extui %lt3A_40 : i1 to i32
    %cond3A = arith.constant 5 : i32
    %cond3A_59 = arith.constant 0 : i32
    %cond3A_60 = arith.cmpi ne, %convert_element_type3A_58, %cond3A_59 : i32
    scf.if %cond3A_60 {
      %add3A_328 = arith.constant 156 : i32
      %add3A_329 = arith.addi %add3A_4, %add3A_328 : i32
      %dma_start3A_330 = arith.constant 156 : i32
      %dma_start3A_331 = arith.constant 0 : i32
      %dma_start3A_332 = arith.constant 0 : i32
      %dma_start3A_333 = tpu.memref_slice %arg9[%dma_start3A_330, %dma_start3A_331, %dma_start3A_332] : memref<157x2x128xi32, #tpu.memory_space<vmem>> -> memref<1x2x128xi32, #tpu.memory_space<vmem>>
      %dma_start3A_334 = tpu.memref_squeeze %dma_start3A_333 : memref<1x2x128xi32, #tpu.memory_space<vmem>> -> memref<2x128xi32, #tpu.memory_space<vmem>>
      %dma_start3A_335 = arith.constant 0 : i32
      %dma_start3A_336 = arith.constant 0 : i32
      %dma_start3A_337 = tpu.memref_slice %arg6[%add3A_329, %dma_start3A_335, %dma_start3A_336] : memref<2500x2x128xi32, #tpu.memory_space<hbm>> -> memref<1x2x128xi32, #tpu.memory_space<hbm>>
      %dma_start3A_338 = tpu.memref_squeeze %dma_start3A_337 : memref<1x2x128xi32, #tpu.memory_space<hbm>> -> memref<2x128xi32, #tpu.memory_space<hbm>>
      %dma_start3A_339 = tpu.memref_slice %arg20[%cond3A] : memref<6x!tpu.dma_semaphore, #tpu.memory_space<semaphore_mem>> -> memref<1x!tpu.dma_semaphore, #tpu.memory_space<semaphore_mem>>
      %dma_start3A_340 = tpu.memref_squeeze %dma_start3A_339 : memref<1x!tpu.dma_semaphore, #tpu.memory_space<semaphore_mem>> -> memref<!tpu.dma_semaphore, #tpu.memory_space<semaphore_mem>>
      %dma_start3A_341 = arith.constant 0 : i32
      %dma_start3A_342 = arith.constant 0 : i32
      %dma_start3A_343 = tpu.memref_slice %arg9[%dma_start3A_330, %dma_start3A_341, %dma_start3A_342] : memref<157x2x128xi32, #tpu.memory_space<vmem>> -> memref<1x2x128xi32, #tpu.memory_space<vmem>>
      %dma_start3A_344 = tpu.memref_squeeze %dma_start3A_343 : memref<1x2x128xi32, #tpu.memory_space<vmem>> -> memref<2x128xi32, #tpu.memory_space<vmem>>
      %dma_start3A_345 = arith.constant 0 : i32
      %dma_start3A_346 = arith.constant 0 : i32
      %dma_start3A_347 = tpu.memref_slice %arg6[%add3A_329, %dma_start3A_345, %dma_start3A_346] : memref<2500x2x128xi32, #tpu.memory_space<hbm>> -> memref<1x2x128xi32, #tpu.memory_space<hbm>>
      %dma_start3A_348 = tpu.memref_squeeze %dma_start3A_347 : memref<1x2x128xi32, #tpu.memory_space<hbm>> -> memref<2x128xi32, #tpu.memory_space<hbm>>
      tpu.enqueue_dma source(%dma_start3A_348 : memref<2x128xi32, #tpu.memory_space<hbm>>) target(%dma_start3A_344 : memref<2x128xi32, #tpu.memory_space<vmem>>) target_semaphore(%dma_start3A_340 : memref<!tpu.dma_semaphore, #tpu.memory_space<semaphore_mem>>)
      %dma_wait3A_349 = arith.constant 156 : i32
      %dma_wait3A_350 = arith.constant 0 : i32
      %dma_wait3A_351 = arith.constant 0 : i32
      %dma_wait3A_352 = tpu.memref_slice %arg9[%dma_wait3A_349, %dma_wait3A_350, %dma_wait3A_351] : memref<157x2x128xi32, #tpu.memory_space<vmem>> -> memref<1x2x128xi32, #tpu.memory_space<vmem>>
      %dma_wait3A_353 = tpu.memref_squeeze %dma_wait3A_352 : memref<1x2x128xi32, #tpu.memory_space<vmem>> -> memref<2x128xi32, #tpu.memory_space<vmem>>
      %dma_wait3A_354 = arith.constant 0 : i32
      %dma_wait3A_355 = arith.constant 0 : i32
      %dma_wait3A_356 = tpu.memref_slice %arg6[%add3A_329, %dma_wait3A_354, %dma_wait3A_355] : memref<2500x2x128xi32, #tpu.memory_space<hbm>> -> memref<1x2x128xi32, #tpu.memory_space<hbm>>
      %dma_wait3A_357 = tpu.memref_squeeze %dma_wait3A_356 : memref<1x2x128xi32, #tpu.memory_space<hbm>> -> memref<2x128xi32, #tpu.memory_space<hbm>>
      %dma_wait3A_358 = tpu.memref_slice %arg20[%cond3A] : memref<6x!tpu.dma_semaphore, #tpu.memory_space<semaphore_mem>> -> memref<1x!tpu.dma_semaphore, #tpu.memory_space<semaphore_mem>>
      %dma_wait3A_359 = tpu.memref_squeeze %dma_wait3A_358 : memref<1x!tpu.dma_semaphore, #tpu.memory_space<semaphore_mem>> -> memref<!tpu.dma_semaphore, #tpu.memory_space<semaphore_mem>>
      %dma_wait3A_360 = arith.constant 0 : i32
      %dma_wait3A_361 = arith.constant 0 : i32
      %dma_wait3A_362 = tpu.memref_slice %arg9[%dma_wait3A_349, %dma_wait3A_360, %dma_wait3A_361] : memref<157x2x128xi32, #tpu.memory_space<vmem>> -> memref<1x2x128xi32, #tpu.memory_space<vmem>>
      %dma_wait3A_363 = tpu.memref_squeeze %dma_wait3A_362 : memref<1x2x128xi32, #tpu.memory_space<vmem>> -> memref<2x128xi32, #tpu.memory_space<vmem>>
      %dma_wait3A_364 = arith.constant 0 : i32
      %dma_wait3A_365 = arith.constant 0 : i32
      %dma_wait3A_366 = tpu.memref_slice %arg6[%add3A_329, %dma_wait3A_364, %dma_wait3A_365] : memref<2500x2x128xi32, #tpu.memory_space<hbm>> -> memref<1x2x128xi32, #tpu.memory_space<hbm>>
      %dma_wait3A_367 = tpu.memref_squeeze %dma_wait3A_366 : memref<1x2x128xi32, #tpu.memory_space<hbm>> -> memref<2x128xi32, #tpu.memory_space<hbm>>
      tpu.wait_dma2 semaphore(%dma_wait3A_359 : memref<!tpu.dma_semaphore, #tpu.memory_space<semaphore_mem>>) src(%dma_wait3A_367 : memref<2x128xi32, #tpu.memory_space<hbm>>) dst(%dma_wait3A_363 : memref<2x128xi32, #tpu.memory_space<vmem>>)
    } else {
    }
    %dma_wait3A = arith.constant 2 : i32
    %dma_wait3A_61 = arith.constant 0 : i32
    %dma_wait3A_62 = arith.constant 0 : i32
    %dma_wait3A_63 = arith.constant 0 : i32
    %dma_wait3A_64 = tpu.memref_slice %arg9[%dma_wait3A_61, %dma_wait3A_62, %dma_wait3A_63] : memref<157x2x128xi32, #tpu.memory_space<vmem>> -> memref<156x2x128xi32, #tpu.memory_space<vmem>>
    %dma_wait3A_65 = arith.constant 0 : i32
    %dma_wait3A_66 = arith.constant 0 : i32
    %dma_wait3A_67 = tpu.memref_slice %arg6[%add3A_4, %dma_wait3A_65, %dma_wait3A_66] : memref<2500x2x128xi32, #tpu.memory_space<hbm>> -> memref<156x2x128xi32, #tpu.memory_space<hbm>>
    %dma_wait3A_68 = tpu.memref_slice %arg20[%dma_wait3A] : memref<6x!tpu.dma_semaphore, #tpu.memory_space<semaphore_mem>> -> memref<1x!tpu.dma_semaphore, #tpu.memory_space<semaphore_mem>>
    %dma_wait3A_69 = tpu.memref_squeeze %dma_wait3A_68 : memref<1x!tpu.dma_semaphore, #tpu.memory_space<semaphore_mem>> -> memref<!tpu.dma_semaphore, #tpu.memory_space<semaphore_mem>>
    %dma_wait3A_70 = arith.constant 0 : i32
    %dma_wait3A_71 = arith.constant 0 : i32
    %dma_wait3A_72 = arith.constant 0 : i32
    %dma_wait3A_73 = tpu.memref_slice %arg9[%dma_wait3A_70, %dma_wait3A_71, %dma_wait3A_72] : memref<157x2x128xi32, #tpu.memory_space<vmem>> -> memref<156x2x128xi32, #tpu.memory_space<vmem>>
    %dma_wait3A_74 = arith.constant 0 : i32
    %dma_wait3A_75 = arith.constant 0 : i32
    %dma_wait3A_76 = tpu.memref_slice %arg6[%add3A_4, %dma_wait3A_74, %dma_wait3A_75] : memref<2500x2x128xi32, #tpu.memory_space<hbm>> -> memref<156x2x128xi32, #tpu.memory_space<hbm>>
    tpu.wait_dma2 semaphore(%dma_wait3A_69 : memref<!tpu.dma_semaphore, #tpu.memory_space<semaphore_mem>>) src(%dma_wait3A_76 : memref<156x2x128xi32, #tpu.memory_space<hbm>>) dst(%dma_wait3A_73 : memref<156x2x128xi32, #tpu.memory_space<vmem>>)
    %dma_wait3A_77 = arith.constant 0 : i32
    %dma_wait3A_78 = tpu.memref_slice %arg20[%dma_wait3A_77] : memref<6x!tpu.dma_semaphore, #tpu.memory_space<semaphore_mem>> -> memref<1x!tpu.dma_semaphore, #tpu.memory_space<semaphore_mem>>
    %dma_wait3A_79 = tpu.memref_squeeze %dma_wait3A_78 : memref<1x!tpu.dma_semaphore, #tpu.memory_space<semaphore_mem>> -> memref<!tpu.dma_semaphore, #tpu.memory_space<semaphore_mem>>
    %dma_wait3A_80 = arith.constant 0 : i32
    %dma_wait3A_81 = tpu.memref_slice %arg16[%mul3A_11, %dma_wait3A_80] : memref<10240x16xf32, #tpu.memory_space<vmem_shared>> -> memref<640x16xf32, #tpu.memory_space<vmem_shared>>
    %dma_wait3A_82 = arith.constant 0 : i32
    %dma_wait3A_83 = tpu.memref_slice %arg3[%mul3A_9, %dma_wait3A_82] : memref<10240x16xf32, #tpu.memory_space<hbm>> -> memref<640x16xf32, #tpu.memory_space<hbm>>
    tpu.wait_dma2 semaphore(%dma_wait3A_79 : memref<!tpu.dma_semaphore, #tpu.memory_space<semaphore_mem>>) src(%dma_wait3A_83 : memref<640x16xf32, #tpu.memory_space<hbm>>) dst(%dma_wait3A_81 : memref<640x16xf32, #tpu.memory_space<vmem_shared>>)
    %dma_wait3A_84 = arith.constant 1 : i32
    %dma_wait3A_85 = tpu.memref_slice %arg20[%dma_wait3A_84] : memref<6x!tpu.dma_semaphore, #tpu.memory_space<semaphore_mem>> -> memref<1x!tpu.dma_semaphore, #tpu.memory_space<semaphore_mem>>
    %dma_wait3A_86 = tpu.memref_squeeze %dma_wait3A_85 : memref<1x!tpu.dma_semaphore, #tpu.memory_space<semaphore_mem>> -> memref<!tpu.dma_semaphore, #tpu.memory_space<semaphore_mem>>
    %dma_wait3A_87 = tpu.memref_slice %arg17[%mul3A_21] : memref<10240xf32, #tpu.memory_space<vmem_shared>> -> memref<640xf32, #tpu.memory_space<vmem_shared>>
    %dma_wait3A_88 = tpu.memref_slice %arg4[%mul3A_19] : memref<10240xf32, #tpu.memory_space<hbm>> -> memref<640xf32, #tpu.memory_space<hbm>>
    tpu.wait_dma2 semaphore(%dma_wait3A_86 : memref<!tpu.dma_semaphore, #tpu.memory_space<semaphore_mem>>) src(%dma_wait3A_88 : memref<640xf32, #tpu.memory_space<hbm>>) dst(%dma_wait3A_87 : memref<640xf32, #tpu.memory_space<vmem_shared>>)
    %dma_wait3A_89 = arith.constant 3 : i32
    %dma_wait3A_90 = arith.constant 0 : i32
    %dma_wait3A_91 = tpu.memref_slice %arg2[%mul3A_28, %dma_wait3A_90] : memref<10240x128xf32, #tpu.memory_space<hbm>> -> memref<640x16xf32, #tpu.memory_space<hbm>>
    %dma_wait3A_92 = tpu.memref_slice %arg20[%dma_wait3A_89] : memref<6x!tpu.dma_semaphore, #tpu.memory_space<semaphore_mem>> -> memref<1x!tpu.dma_semaphore, #tpu.memory_space<semaphore_mem>>
    %dma_wait3A_93 = tpu.memref_squeeze %dma_wait3A_92 : memref<1x!tpu.dma_semaphore, #tpu.memory_space<semaphore_mem>> -> memref<!tpu.dma_semaphore, #tpu.memory_space<semaphore_mem>>
    %dma_wait3A_94 = arith.constant 0 : i32
    %dma_wait3A_95 = tpu.memref_slice %arg2[%mul3A_28, %dma_wait3A_94] : memref<10240x128xf32, #tpu.memory_space<hbm>> -> memref<640x16xf32, #tpu.memory_space<hbm>>
    tpu.wait_dma2 semaphore(%dma_wait3A_93 : memref<!tpu.dma_semaphore, #tpu.memory_space<semaphore_mem>>) src(%dma_wait3A_95 : memref<640x16xf32, #tpu.memory_space<hbm>>) dst(%arg11 : memref<640x16xf32, #tpu.memory_space<vmem>>)
    %dma_wait3A_96 = arith.constant 4 : i32
    %dma_wait3A_97 = tpu.memref_slice %arg20[%dma_wait3A_96] : memref<6x!tpu.dma_semaphore, #tpu.memory_space<semaphore_mem>> -> memref<1x!tpu.dma_semaphore, #tpu.memory_space<semaphore_mem>>
    %dma_wait3A_98 = tpu.memref_squeeze %dma_wait3A_97 : memref<1x!tpu.dma_semaphore, #tpu.memory_space<semaphore_mem>> -> memref<!tpu.dma_semaphore, #tpu.memory_space<semaphore_mem>>
    tpu.wait_dma2 semaphore(%dma_wait3A_98 : memref<!tpu.dma_semaphore, #tpu.memory_space<semaphore_mem>>) src(%arg5 : memref<128xf32, #tpu.memory_space<hbm>>) dst(%arg14 : memref<128xf32, #tpu.memory_space<vmem>>)
    %barrier3A = arith.constant 0 : index
    tpu.barrier barrier_id(%barrier3A)
    %while3A = arith.constant 0 : i32
    %while3A_99 = arith.constant 0 : i32
    %while3A_100 = arith.subi %add3A_7, %while3A_99 : i32
    %while3A_101 = arith.addi %while3A_99, %while3A_100 : i32
    %while3A_102 = arith.constant 1 : i32
    %while3A_103 = arith.divsi %while3A_100, %while3A_102 : i32
    %while3A_104 = arith.muli %while3A_103, %while3A_102 : i32
    %while3A_105 = arith.addi %while3A_99, %while3A_104 : i32
    %while3A_106 = arith.constant 1 : i32
    scf.for %while3A_328 = %while3A_99 to %while3A_105 step %while3A_106  : i32 {
      %dma_start3A_329 = arith.constant 1 : i32
      %dma_start3A_330 = arith.constant 0 : i32
      %dma_start3A_331 = tpu.memref_slice %arg9[%while3A_328, %dma_start3A_329, %dma_start3A_330] : memref<157x2x128xi32, #tpu.memory_space<vmem>> -> memref<1x1x128xi32, #tpu.memory_space<vmem>>
      %dma_start3A_332 = tpu.memref_squeeze %dma_start3A_331 : memref<1x1x128xi32, #tpu.memory_space<vmem>> -> memref<128xi32, #tpu.memory_space<vmem>>
      %dma_start3A_333 = arith.constant 0 : i32
      %dma_start3A_334 = tpu.memref_slice %arg17[%dma_start3A_333] : memref<10240xf32, #tpu.memory_space<vmem_shared>> -> memref<10240xf32, #tpu.memory_space<vmem_shared>>
      tpu.enqueue_indirect_dma source(%arg14 : memref<128xf32, #tpu.memory_space<vmem>>) target(%dma_start3A_334 : memref<10240xf32, #tpu.memory_space<vmem_shared>>) offsets(%dma_start3A_332 : memref<128xi32, #tpu.memory_space<vmem>>) semaphore(%arg19 : memref<!tpu.dma_semaphore, #tpu.memory_space<semaphore_mem>>) {add = true}
    }
    %while3A_107 = arith.constant 1 : i32
    scf.for %while3A_328 = %while3A_105 to %while3A_101 step %while3A_107  : i32 {
      %dma_start3A_329 = arith.constant 1 : i32
      %dma_start3A_330 = arith.constant 0 : i32
      %dma_start3A_331 = tpu.memref_slice %arg9[%while3A_328, %dma_start3A_329, %dma_start3A_330] : memref<157x2x128xi32, #tpu.memory_space<vmem>> -> memref<1x1x128xi32, #tpu.memory_space<vmem>>
      %dma_start3A_332 = tpu.memref_squeeze %dma_start3A_331 : memref<1x1x128xi32, #tpu.memory_space<vmem>> -> memref<128xi32, #tpu.memory_space<vmem>>
      %dma_start3A_333 = arith.constant 0 : i32
      %dma_start3A_334 = tpu.memref_slice %arg17[%dma_start3A_333] : memref<10240xf32, #tpu.memory_space<vmem_shared>> -> memref<10240xf32, #tpu.memory_space<vmem_shared>>
      tpu.enqueue_indirect_dma source(%arg14 : memref<128xf32, #tpu.memory_space<vmem>>) target(%dma_start3A_334 : memref<10240xf32, #tpu.memory_space<vmem_shared>>) offsets(%dma_start3A_332 : memref<128xi32, #tpu.memory_space<vmem>>) semaphore(%arg19 : memref<!tpu.dma_semaphore, #tpu.memory_space<semaphore_mem>>) {add = true}
    }
    %while3A_108 = arith.constant 0 : i32
    %while3A_109 = arith.constant 0 : i32
    %while3A_110 = arith.subi %add3A_7, %while3A_109 : i32
    %while3A_111 = arith.addi %while3A_109, %while3A_110 : i32
    %while3A_112 = arith.constant 1 : i32
    %while3A_113 = arith.divsi %while3A_110, %while3A_112 : i32
    %while3A_114 = arith.muli %while3A_113, %while3A_112 : i32
    %while3A_115 = arith.addi %while3A_109, %while3A_114 : i32
    %while3A_116 = arith.constant 1 : i32
    scf.for %while3A_328 = %while3A_109 to %while3A_115 step %while3A_116  : i32 {
      %dma_wait3A_329 = arith.constant 1 : i32
      %dma_wait3A_330 = arith.constant 0 : i32
      %dma_wait3A_331 = tpu.memref_slice %arg9[%while3A_328, %dma_wait3A_329, %dma_wait3A_330] : memref<157x2x128xi32, #tpu.memory_space<vmem>> -> memref<1x1x128xi32, #tpu.memory_space<vmem>>
      %dma_wait3A_332 = tpu.memref_squeeze %dma_wait3A_331 : memref<1x1x128xi32, #tpu.memory_space<vmem>> -> memref<128xi32, #tpu.memory_space<vmem>>
      %dma_wait3A_333 = arith.constant 0 : i32
      %dma_wait3A_334 = tpu.memref_slice %arg17[%dma_wait3A_333] : memref<10240xf32, #tpu.memory_space<vmem_shared>> -> memref<10240xf32, #tpu.memory_space<vmem_shared>>
      tpu.wait_indirect_dma semaphore(%arg19 : memref<!tpu.dma_semaphore, #tpu.memory_space<semaphore_mem>>) src(%arg14 : memref<128xf32, #tpu.memory_space<vmem>>) dst(%dma_wait3A_334 : memref<10240xf32, #tpu.memory_space<vmem_shared>>)
    }
    %while3A_117 = arith.constant 1 : i32
    scf.for %while3A_328 = %while3A_115 to %while3A_111 step %while3A_117  : i32 {
      %dma_wait3A_329 = arith.constant 1 : i32
      %dma_wait3A_330 = arith.constant 0 : i32
      %dma_wait3A_331 = tpu.memref_slice %arg9[%while3A_328, %dma_wait3A_329, %dma_wait3A_330] : memref<157x2x128xi32, #tpu.memory_space<vmem>> -> memref<1x1x128xi32, #tpu.memory_space<vmem>>
      %dma_wait3A_332 = tpu.memref_squeeze %dma_wait3A_331 : memref<1x1x128xi32, #tpu.memory_space<vmem>> -> memref<128xi32, #tpu.memory_space<vmem>>
      %dma_wait3A_333 = arith.constant 0 : i32
      %dma_wait3A_334 = tpu.memref_slice %arg17[%dma_wait3A_333] : memref<10240xf32, #tpu.memory_space<vmem_shared>> -> memref<10240xf32, #tpu.memory_space<vmem_shared>>
      tpu.wait_indirect_dma semaphore(%arg19 : memref<!tpu.dma_semaphore, #tpu.memory_space<semaphore_mem>>) src(%arg14 : memref<128xf32, #tpu.memory_space<vmem>>) dst(%dma_wait3A_334 : memref<10240xf32, #tpu.memory_space<vmem_shared>>)
    }
    %barrier3A_118 = arith.constant 0 : index
    tpu.barrier barrier_id(%barrier3A_118)
    %mul3A_119 = arith.constant 640 : i32
    %mul3A_120 = arith.muli %arg1, %mul3A_119 : i32
    "tpu.region"() ({
      %run_scoped3A = tpu.sem_alloc : memref<!tpu.dma_semaphore, #tpu.memory_space<semaphore_mem>>
      %dma_start3A_328 = tpu.memref_slice %arg17[%mul3A_120] : memref<10240xf32, #tpu.memory_space<vmem_shared>> -> memref<640xf32, #tpu.memory_space<vmem_shared>>
      %dma_start3A_329 = tpu.memref_slice %arg17[%mul3A_120] : memref<10240xf32, #tpu.memory_space<vmem_shared>> -> memref<640xf32, #tpu.memory_space<vmem_shared>>
      tpu.enqueue_dma source(%dma_start3A_329 : memref<640xf32, #tpu.memory_space<vmem_shared>>) target(%arg12 : memref<640xf32, #tpu.memory_space<vmem>>) target_semaphore(%run_scoped3A : memref<!tpu.dma_semaphore, #tpu.memory_space<semaphore_mem>>)
      %dma_wait3A_330 = tpu.memref_slice %arg17[%mul3A_120] : memref<10240xf32, #tpu.memory_space<vmem_shared>> -> memref<640xf32, #tpu.memory_space<vmem_shared>>
      %dma_wait3A_331 = tpu.memref_slice %arg17[%mul3A_120] : memref<10240xf32, #tpu.memory_space<vmem_shared>> -> memref<640xf32, #tpu.memory_space<vmem_shared>>
      tpu.wait_dma2 semaphore(%run_scoped3A : memref<!tpu.dma_semaphore, #tpu.memory_space<semaphore_mem>>) src(%dma_wait3A_331 : memref<640xf32, #tpu.memory_space<vmem_shared>>) dst(%arg12 : memref<640xf32, #tpu.memory_space<vmem>>)
      tpu.yield
    }) : () -> ()
    %scan3A = arith.constant 0 : i32
    %scan3A_121 = arith.constant 0 : i32
    %scan3A_122 = arith.constant 40 : i32
    %scan3A_123 = arith.addi %scan3A_121, %scan3A_122 : i32
    %scan3A_124 = arith.constant 1 : i32
    scf.for %scan3A_328 = %scan3A_121 to %scan3A_123 step %scan3A_124  : i32 {
      %mul3A_329 = arith.constant 16 : i32
      %mul3A_330 = arith.muli %scan3A_328, %mul3A_329 : i32
      %get3A = arith.index_cast %mul3A_330 : i32 to index
      %get3A_331 = tpu.vector_load %arg12[%get3A] {strides = array<i32>} : memref<640xf32, #tpu.memory_space<vmem>>, vector<16xf32>,
      %add3A_332 = arith.constant 1.000000e+00 : f32
      %add3A_333 = vector.broadcast %add3A_332 : f32 to vector<16xf32>
      %add3A_334 = arith.addf %get3A_331, %add3A_333 : vector<16xf32>
      %bitcast3A = vector.bitcast %add3A_334 : vector<16xf32> to vector<16xi32>
      %shift_right_logical3A = arith.constant 1 : i32
      %shift_right_logical3A_335 = vector.broadcast %shift_right_logical3A : i32 to vector<16xi32>
      %shift_right_logical3A_336 = arith.shrui %bitcast3A, %shift_right_logical3A_335 : vector<16xi32>
      %sub3A = arith.constant 1597463007 : i32
      %sub3A_337 = vector.broadcast %sub3A : i32 to vector<16xi32>
      %sub3A_338 = arith.subi %sub3A_337, %shift_right_logical3A_336 : vector<16xi32>
      %bitcast3A_339 = vector.bitcast %sub3A_338 : vector<16xi32> to vector<16xf32>
      %mul3A_340 = arith.constant 5.000000e-01 : f32
      %mul3A_341 = vector.broadcast %mul3A_340 : f32 to vector<16xf32>
      %mul3A_342 = arith.mulf %mul3A_341, %add3A_334 : vector<16xf32>
      %mul3A_343 = arith.mulf %mul3A_342, %bitcast3A_339 : vector<16xf32>
      %mul3A_344 = arith.mulf %mul3A_343, %bitcast3A_339 : vector<16xf32>
      %sub3A_345 = arith.constant 1.500000e+00 : f32
      %sub3A_346 = vector.broadcast %sub3A_345 : f32 to vector<16xf32>
      %sub3A_347 = arith.subf %sub3A_346, %mul3A_344 : vector<16xf32>
      %mul3A_348 = arith.mulf %bitcast3A_339, %sub3A_347 : vector<16xf32>
      %mul3A_349 = arith.constant 5.000000e-01 : f32
      %mul3A_350 = vector.broadcast %mul3A_349 : f32 to vector<16xf32>
      %mul3A_351 = arith.mulf %mul3A_350, %add3A_334 : vector<16xf32>
      %mul3A_352 = arith.mulf %mul3A_351, %mul3A_348 : vector<16xf32>
      %mul3A_353 = arith.mulf %mul3A_352, %mul3A_348 : vector<16xf32>
      %sub3A_354 = arith.constant 1.500000e+00 : f32
      %sub3A_355 = vector.broadcast %sub3A_354 : f32 to vector<16xf32>
      %sub3A_356 = arith.subf %sub3A_355, %mul3A_353 : vector<16xf32>
      %mul3A_357 = arith.mulf %mul3A_348, %sub3A_356 : vector<16xf32>
      %mul3A_358 = arith.constant 5.000000e-01 : f32
      %mul3A_359 = vector.broadcast %mul3A_358 : f32 to vector<16xf32>
      %mul3A_360 = arith.mulf %mul3A_359, %add3A_334 : vector<16xf32>
      %mul3A_361 = arith.mulf %mul3A_360, %mul3A_357 : vector<16xf32>
      %mul3A_362 = arith.mulf %mul3A_361, %mul3A_357 : vector<16xf32>
      %sub3A_363 = arith.constant 1.500000e+00 : f32
      %sub3A_364 = vector.broadcast %sub3A_363 : f32 to vector<16xf32>
      %sub3A_365 = arith.subf %sub3A_364, %mul3A_362 : vector<16xf32>
      %mul3A_366 = arith.mulf %mul3A_357, %sub3A_365 : vector<16xf32>
      %mul3A_367 = arith.constant 16 : i32
      %mul3A_368 = arith.muli %scan3A_328, %mul3A_367 : i32
      %swap3A = arith.index_cast %mul3A_368 : i32 to index
      %swap3A_369 = tpu.vector_load %arg13[%swap3A] {strides = array<i32>} : memref<640xf32, #tpu.memory_space<vmem>>, vector<16xf32>,
      tpu.vector_store %arg13[%swap3A], %mul3A_366 {strides = array<i32>} : memref<640xf32, #tpu.memory_space<vmem>>, vector<16xf32>,
    }
    %scan3A_125 = arith.constant 40 : i32
    %scan3A_126 = arith.constant 0 : i32
    %scan3A_127 = arith.constant 0 : i32
    %scan3A_128 = arith.constant 640 : i32
    %scan3A_129 = arith.addi %scan3A_127, %scan3A_128 : i32
    %scan3A_130 = arith.constant 1 : i32
    scf.for %scan3A_328 = %scan3A_127 to %scan3A_129 step %scan3A_130  : i32 {
      %broadcast_in_dim3A = vector.broadcast %scan3A_328 : i32 to vector<16xi32>
      %gather3A = tpu.vector_load_idx %arg13[%broadcast_in_dim3A] : memref<640xf32, #tpu.memory_space<vmem>>[vector<16xi32>], vector<16xf32>,
      %get3A = arith.index_cast %scan3A_328 : i32 to index
      %get3A_329 = arith.constant 0 : index
      %get3A_330 = tpu.vector_load %arg11[%get3A, %get3A_329] {strides = array<i32>} : memref<640x16xf32, #tpu.memory_space<vmem>>, vector<16xf32>,
      %mul3A_331 = arith.mulf %gather3A, %get3A_330 : vector<16xf32>
      %swap3A = arith.index_cast %scan3A_328 : i32 to index
      %swap3A_332 = arith.constant 0 : index
      %swap3A_333 = tpu.vector_load %arg11[%swap3A, %swap3A_332] {strides = array<i32>} : memref<640x16xf32, #tpu.memory_space<vmem>>, vector<16xf32>,
      tpu.vector_store %arg11[%swap3A, %swap3A_332], %mul3A_331 {strides = array<i32>} : memref<640x16xf32, #tpu.memory_space<vmem>>, vector<16xf32>,
    }
    %scan3A_131 = arith.constant 640 : i32
    %mul3A_132 = arith.constant 640 : i32
    %mul3A_133 = arith.muli %arg1, %mul3A_132 : i32
    "tpu.region"() ({
      %run_scoped3A = tpu.sem_alloc : memref<!tpu.dma_semaphore, #tpu.memory_space<semaphore_mem>>
      %dma_start3A_328 = arith.constant 0 : i32
      %dma_start3A_329 = tpu.memref_slice %arg15[%mul3A_133, %dma_start3A_328] : memref<10240x16xf32, #tpu.memory_space<vmem_shared>> -> memref<640x16xf32, #tpu.memory_space<vmem_shared>>
      %dma_start3A_330 = arith.constant 0 : i32
      %dma_start3A_331 = tpu.memref_slice %arg15[%mul3A_133, %dma_start3A_330] : memref<10240x16xf32, #tpu.memory_space<vmem_shared>> -> memref<640x16xf32, #tpu.memory_space<vmem_shared>>
      tpu.enqueue_dma source(%arg11 : memref<640x16xf32, #tpu.memory_space<vmem>>) target(%dma_start3A_331 : memref<640x16xf32, #tpu.memory_space<vmem_shared>>) target_semaphore(%run_scoped3A : memref<!tpu.dma_semaphore, #tpu.memory_space<semaphore_mem>>)
      %dma_wait3A_332 = arith.constant 0 : i32
      %dma_wait3A_333 = tpu.memref_slice %arg15[%mul3A_133, %dma_wait3A_332] : memref<10240x16xf32, #tpu.memory_space<vmem_shared>> -> memref<640x16xf32, #tpu.memory_space<vmem_shared>>
      %dma_wait3A_334 = arith.constant 0 : i32
      %dma_wait3A_335 = tpu.memref_slice %arg15[%mul3A_133, %dma_wait3A_334] : memref<10240x16xf32, #tpu.memory_space<vmem_shared>> -> memref<640x16xf32, #tpu.memory_space<vmem_shared>>
      tpu.wait_dma2 semaphore(%run_scoped3A : memref<!tpu.dma_semaphore, #tpu.memory_space<semaphore_mem>>) src(%arg11 : memref<640x16xf32, #tpu.memory_space<vmem>>) dst(%dma_wait3A_335 : memref<640x16xf32, #tpu.memory_space<vmem_shared>>)
      tpu.yield
    }) : () -> ()
    %mul3A_134 = arith.constant 78 : i32
    %mul3A_135 = arith.muli %add3A, %mul3A_134 : i32
    %min3A_136 = arith.constant 4 : i32
    %min3A_137 = arith.minsi %add3A, %min3A_136 : i32
    %add3A_138 = arith.addi %mul3A_135, %min3A_137 : i32
    %lt3A_139 = arith.constant 4 : i32
    %lt3A_140 = arith.cmpi slt, %add3A, %lt3A_139 : i32
    %convert_element_type3A_141 = arith.extui %lt3A_140 : i1 to i32
    %add3A_142 = arith.constant 78 : i32
    %add3A_143 = arith.addi %add3A_142, %convert_element_type3A_141 : i32
    %lt3A_144 = arith.constant 4 : i32
    %lt3A_145 = arith.cmpi slt, %add3A, %lt3A_144 : i32
    %dma_start3A_146 = arith.constant 0 : i32
    %dma_start3A_147 = arith.constant 0 : i32
    %dma_start3A_148 = arith.constant 0 : i32
    %dma_start3A_149 = arith.constant 0 : i32
    %dma_start3A_150 = tpu.memref_slice %arg9[%dma_start3A_147, %dma_start3A_148, %dma_start3A_149] : memref<157x2x128xi32, #tpu.memory_space<vmem>> -> memref<78x2x128xi32, #tpu.memory_space<vmem>>
    %dma_start3A_151 = arith.constant 0 : i32
    %dma_start3A_152 = arith.constant 0 : i32
    %dma_start3A_153 = tpu.memref_slice %arg6[%add3A_138, %dma_start3A_151, %dma_start3A_152] : memref<2500x2x128xi32, #tpu.memory_space<hbm>> -> memref<78x2x128xi32, #tpu.memory_space<hbm>>
    %dma_start3A_154 = tpu.memref_slice %arg20[%dma_start3A_146] : memref<6x!tpu.dma_semaphore, #tpu.memory_space<semaphore_mem>> -> memref<1x!tpu.dma_semaphore, #tpu.memory_space<semaphore_mem>>
    %dma_start3A_155 = tpu.memref_squeeze %dma_start3A_154 : memref<1x!tpu.dma_semaphore, #tpu.memory_space<semaphore_mem>> -> memref<!tpu.dma_semaphore, #tpu.memory_space<semaphore_mem>>
    %dma_start3A_156 = arith.constant 0 : i32
    %dma_start3A_157 = arith.constant 0 : i32
    %dma_start3A_158 = arith.constant 0 : i32
    %dma_start3A_159 = tpu.memref_slice %arg9[%dma_start3A_156, %dma_start3A_157, %dma_start3A_158] : memref<157x2x128xi32, #tpu.memory_space<vmem>> -> memref<78x2x128xi32, #tpu.memory_space<vmem>>
    %dma_start3A_160 = arith.constant 0 : i32
    %dma_start3A_161 = arith.constant 0 : i32
    %dma_start3A_162 = tpu.memref_slice %arg6[%add3A_138, %dma_start3A_160, %dma_start3A_161] : memref<2500x2x128xi32, #tpu.memory_space<hbm>> -> memref<78x2x128xi32, #tpu.memory_space<hbm>>
    tpu.enqueue_dma source(%dma_start3A_162 : memref<78x2x128xi32, #tpu.memory_space<hbm>>) target(%dma_start3A_159 : memref<78x2x128xi32, #tpu.memory_space<vmem>>) target_semaphore(%dma_start3A_155 : memref<!tpu.dma_semaphore, #tpu.memory_space<semaphore_mem>>)
    %convert_element_type3A_163 = arith.extui %lt3A_145 : i1 to i32
    %cond3A_164 = arith.constant 1 : i32
    %cond3A_165 = arith.constant 0 : i32
    %cond3A_166 = arith.cmpi ne, %convert_element_type3A_163, %cond3A_165 : i32
    scf.if %cond3A_166 {
      %add3A_328 = arith.constant 78 : i32
      %add3A_329 = arith.addi %add3A_138, %add3A_328 : i32
      %dma_start3A_330 = arith.constant 78 : i32
      %dma_start3A_331 = arith.constant 0 : i32
      %dma_start3A_332 = arith.constant 0 : i32
      %dma_start3A_333 = tpu.memref_slice %arg9[%dma_start3A_330, %dma_start3A_331, %dma_start3A_332] : memref<157x2x128xi32, #tpu.memory_space<vmem>> -> memref<1x2x128xi32, #tpu.memory_space<vmem>>
      %dma_start3A_334 = tpu.memref_squeeze %dma_start3A_333 : memref<1x2x128xi32, #tpu.memory_space<vmem>> -> memref<2x128xi32, #tpu.memory_space<vmem>>
      %dma_start3A_335 = arith.constant 0 : i32
      %dma_start3A_336 = arith.constant 0 : i32
      %dma_start3A_337 = tpu.memref_slice %arg6[%add3A_329, %dma_start3A_335, %dma_start3A_336] : memref<2500x2x128xi32, #tpu.memory_space<hbm>> -> memref<1x2x128xi32, #tpu.memory_space<hbm>>
      %dma_start3A_338 = tpu.memref_squeeze %dma_start3A_337 : memref<1x2x128xi32, #tpu.memory_space<hbm>> -> memref<2x128xi32, #tpu.memory_space<hbm>>
      %dma_start3A_339 = tpu.memref_slice %arg20[%cond3A_164] : memref<6x!tpu.dma_semaphore, #tpu.memory_space<semaphore_mem>> -> memref<1x!tpu.dma_semaphore, #tpu.memory_space<semaphore_mem>>
      %dma_start3A_340 = tpu.memref_squeeze %dma_start3A_339 : memref<1x!tpu.dma_semaphore, #tpu.memory_space<semaphore_mem>> -> memref<!tpu.dma_semaphore, #tpu.memory_space<semaphore_mem>>
      %dma_start3A_341 = arith.constant 0 : i32
      %dma_start3A_342 = arith.constant 0 : i32
      %dma_start3A_343 = tpu.memref_slice %arg9[%dma_start3A_330, %dma_start3A_341, %dma_start3A_342] : memref<157x2x128xi32, #tpu.memory_space<vmem>> -> memref<1x2x128xi32, #tpu.memory_space<vmem>>
      %dma_start3A_344 = tpu.memref_squeeze %dma_start3A_343 : memref<1x2x128xi32, #tpu.memory_space<vmem>> -> memref<2x128xi32, #tpu.memory_space<vmem>>
      %dma_start3A_345 = arith.constant 0 : i32
      %dma_start3A_346 = arith.constant 0 : i32
      %dma_start3A_347 = tpu.memref_slice %arg6[%add3A_329, %dma_start3A_345, %dma_start3A_346] : memref<2500x2x128xi32, #tpu.memory_space<hbm>> -> memref<1x2x128xi32, #tpu.memory_space<hbm>>
      %dma_start3A_348 = tpu.memref_squeeze %dma_start3A_347 : memref<1x2x128xi32, #tpu.memory_space<hbm>> -> memref<2x128xi32, #tpu.memory_space<hbm>>
      tpu.enqueue_dma source(%dma_start3A_348 : memref<2x128xi32, #tpu.memory_space<hbm>>) target(%dma_start3A_344 : memref<2x128xi32, #tpu.memory_space<vmem>>) target_semaphore(%dma_start3A_340 : memref<!tpu.dma_semaphore, #tpu.memory_space<semaphore_mem>>)
      %dma_wait3A_349 = arith.constant 78 : i32
      %dma_wait3A_350 = arith.constant 0 : i32
      %dma_wait3A_351 = arith.constant 0 : i32
      %dma_wait3A_352 = tpu.memref_slice %arg9[%dma_wait3A_349, %dma_wait3A_350, %dma_wait3A_351] : memref<157x2x128xi32, #tpu.memory_space<vmem>> -> memref<1x2x128xi32, #tpu.memory_space<vmem>>
      %dma_wait3A_353 = tpu.memref_squeeze %dma_wait3A_352 : memref<1x2x128xi32, #tpu.memory_space<vmem>> -> memref<2x128xi32, #tpu.memory_space<vmem>>
      %dma_wait3A_354 = arith.constant 0 : i32
      %dma_wait3A_355 = arith.constant 0 : i32
      %dma_wait3A_356 = tpu.memref_slice %arg6[%add3A_329, %dma_wait3A_354, %dma_wait3A_355] : memref<2500x2x128xi32, #tpu.memory_space<hbm>> -> memref<1x2x128xi32, #tpu.memory_space<hbm>>
      %dma_wait3A_357 = tpu.memref_squeeze %dma_wait3A_356 : memref<1x2x128xi32, #tpu.memory_space<hbm>> -> memref<2x128xi32, #tpu.memory_space<hbm>>
      %dma_wait3A_358 = tpu.memref_slice %arg20[%cond3A_164] : memref<6x!tpu.dma_semaphore, #tpu.memory_space<semaphore_mem>> -> memref<1x!tpu.dma_semaphore, #tpu.memory_space<semaphore_mem>>
      %dma_wait3A_359 = tpu.memref_squeeze %dma_wait3A_358 : memref<1x!tpu.dma_semaphore, #tpu.memory_space<semaphore_mem>> -> memref<!tpu.dma_semaphore, #tpu.memory_space<semaphore_mem>>
      %dma_wait3A_360 = arith.constant 0 : i32
      %dma_wait3A_361 = arith.constant 0 : i32
      %dma_wait3A_362 = tpu.memref_slice %arg9[%dma_wait3A_349, %dma_wait3A_360, %dma_wait3A_361] : memref<157x2x128xi32, #tpu.memory_space<vmem>> -> memref<1x2x128xi32, #tpu.memory_space<vmem>>
      %dma_wait3A_363 = tpu.memref_squeeze %dma_wait3A_362 : memref<1x2x128xi32, #tpu.memory_space<vmem>> -> memref<2x128xi32, #tpu.memory_space<vmem>>
      %dma_wait3A_364 = arith.constant 0 : i32
      %dma_wait3A_365 = arith.constant 0 : i32
      %dma_wait3A_366 = tpu.memref_slice %arg6[%add3A_329, %dma_wait3A_364, %dma_wait3A_365] : memref<2500x2x128xi32, #tpu.memory_space<hbm>> -> memref<1x2x128xi32, #tpu.memory_space<hbm>>
      %dma_wait3A_367 = tpu.memref_squeeze %dma_wait3A_366 : memref<1x2x128xi32, #tpu.memory_space<hbm>> -> memref<2x128xi32, #tpu.memory_space<hbm>>
      tpu.wait_dma2 semaphore(%dma_wait3A_359 : memref<!tpu.dma_semaphore, #tpu.memory_space<semaphore_mem>>) src(%dma_wait3A_367 : memref<2x128xi32, #tpu.memory_space<hbm>>) dst(%dma_wait3A_363 : memref<2x128xi32, #tpu.memory_space<vmem>>)
    } else {
    }
    %dma_wait3A_167 = arith.constant 0 : i32
    %dma_wait3A_168 = arith.constant 0 : i32
    %dma_wait3A_169 = arith.constant 0 : i32
    %dma_wait3A_170 = arith.constant 0 : i32
    %dma_wait3A_171 = tpu.memref_slice %arg9[%dma_wait3A_168, %dma_wait3A_169, %dma_wait3A_170] : memref<157x2x128xi32, #tpu.memory_space<vmem>> -> memref<78x2x128xi32, #tpu.memory_space<vmem>>
    %dma_wait3A_172 = arith.constant 0 : i32
    %dma_wait3A_173 = arith.constant 0 : i32
    %dma_wait3A_174 = tpu.memref_slice %arg6[%add3A_138, %dma_wait3A_172, %dma_wait3A_173] : memref<2500x2x128xi32, #tpu.memory_space<hbm>> -> memref<78x2x128xi32, #tpu.memory_space<hbm>>
    %dma_wait3A_175 = tpu.memref_slice %arg20[%dma_wait3A_167] : memref<6x!tpu.dma_semaphore, #tpu.memory_space<semaphore_mem>> -> memref<1x!tpu.dma_semaphore, #tpu.memory_space<semaphore_mem>>
    %dma_wait3A_176 = tpu.memref_squeeze %dma_wait3A_175 : memref<1x!tpu.dma_semaphore, #tpu.memory_space<semaphore_mem>> -> memref<!tpu.dma_semaphore, #tpu.memory_space<semaphore_mem>>
    %dma_wait3A_177 = arith.constant 0 : i32
    %dma_wait3A_178 = arith.constant 0 : i32
    %dma_wait3A_179 = arith.constant 0 : i32
    %dma_wait3A_180 = tpu.memref_slice %arg9[%dma_wait3A_177, %dma_wait3A_178, %dma_wait3A_179] : memref<157x2x128xi32, #tpu.memory_space<vmem>> -> memref<78x2x128xi32, #tpu.memory_space<vmem>>
    %dma_wait3A_181 = arith.constant 0 : i32
    %dma_wait3A_182 = arith.constant 0 : i32
    %dma_wait3A_183 = tpu.memref_slice %arg6[%add3A_138, %dma_wait3A_181, %dma_wait3A_182] : memref<2500x2x128xi32, #tpu.memory_space<hbm>> -> memref<78x2x128xi32, #tpu.memory_space<hbm>>
    tpu.wait_dma2 semaphore(%dma_wait3A_176 : memref<!tpu.dma_semaphore, #tpu.memory_space<semaphore_mem>>) src(%dma_wait3A_183 : memref<78x2x128xi32, #tpu.memory_space<hbm>>) dst(%dma_wait3A_180 : memref<78x2x128xi32, #tpu.memory_space<vmem>>)
    %barrier3A_184 = arith.constant 0 : index
    tpu.barrier barrier_id(%barrier3A_184)
    %dma_start3A_185 = arith.constant 0 : i32
    %dma_start3A_186 = arith.constant 0 : i32
    %dma_start3A_187 = arith.constant 0 : i32
    %dma_start3A_188 = arith.constant 0 : i32
    %dma_start3A_189 = arith.constant 0 : i32
    %dma_start3A_190 = arith.constant 0 : i32
    %dma_start3A_191 = tpu.memref_slice %arg10[%dma_start3A_187, %dma_start3A_189, %dma_start3A_190] : memref<8x128x16xf32, #tpu.memory_space<vmem>> -> memref<1x128x16xf32, #tpu.memory_space<vmem>>
    %dma_start3A_192 = tpu.memref_squeeze %dma_start3A_191 : memref<1x128x16xf32, #tpu.memory_space<vmem>> -> memref<128x16xf32, #tpu.memory_space<vmem>>
    %dma_start3A_193 = arith.constant 0 : i32
    %dma_start3A_194 = tpu.memref_slice %arg9[%dma_start3A_185, %dma_start3A_186, %dma_start3A_193] : memref<157x2x128xi32, #tpu.memory_space<vmem>> -> memref<1x1x128xi32, #tpu.memory_space<vmem>>
    %dma_start3A_195 = tpu.memref_squeeze %dma_start3A_194 : memref<1x1x128xi32, #tpu.memory_space<vmem>> -> memref<128xi32, #tpu.memory_space<vmem>>
    %dma_start3A_196 = arith.constant 0 : i32
    %dma_start3A_197 = arith.constant 0 : i32
    %dma_start3A_198 = tpu.memref_slice %arg15[%dma_start3A_196, %dma_start3A_197] : memref<10240x16xf32, #tpu.memory_space<vmem_shared>> -> memref<10240x16xf32, #tpu.memory_space<vmem_shared>>
    %dma_start3A_199 = tpu.memref_slice %arg18[%dma_start3A_188] : memref<8x!tpu.dma_semaphore, #tpu.memory_space<semaphore_mem>> -> memref<1x!tpu.dma_semaphore, #tpu.memory_space<semaphore_mem>>
    %dma_start3A_200 = tpu.memref_squeeze %dma_start3A_199 : memref<1x!tpu.dma_semaphore, #tpu.memory_space<semaphore_mem>> -> memref<!tpu.dma_semaphore, #tpu.memory_space<semaphore_mem>>
    tpu.enqueue_indirect_dma source(%dma_start3A_198 : memref<10240x16xf32, #tpu.memory_space<vmem_shared>>) target(%dma_start3A_192 : memref<128x16xf32, #tpu.memory_space<vmem>>) offsets(%dma_start3A_195 : memref<128xi32, #tpu.memory_space<vmem>>) semaphore(%dma_start3A_200 : memref<!tpu.dma_semaphore, #tpu.memory_space<semaphore_mem>>)
    %dma_start3A_201 = arith.constant 1 : i32
    %dma_start3A_202 = arith.constant 0 : i32
    %dma_start3A_203 = arith.constant 1 : i32
    %dma_start3A_204 = arith.constant 1 : i32
    %dma_start3A_205 = arith.constant 0 : i32
    %dma_start3A_206 = arith.constant 0 : i32
    %dma_start3A_207 = tpu.memref_slice %arg10[%dma_start3A_203, %dma_start3A_205, %dma_start3A_206] : memref<8x128x16xf32, #tpu.memory_space<vmem>> -> memref<1x128x16xf32, #tpu.memory_space<vmem>>
    %dma_start3A_208 = tpu.memref_squeeze %dma_start3A_207 : memref<1x128x16xf32, #tpu.memory_space<vmem>> -> memref<128x16xf32, #tpu.memory_space<vmem>>
    %dma_start3A_209 = arith.constant 0 : i32
    %dma_start3A_210 = tpu.memref_slice %arg9[%dma_start3A_201, %dma_start3A_202, %dma_start3A_209] : memref<157x2x128xi32, #tpu.memory_space<vmem>> -> memref<1x1x128xi32, #tpu.memory_space<vmem>>
    %dma_start3A_211 = tpu.memref_squeeze %dma_start3A_210 : memref<1x1x128xi32, #tpu.memory_space<vmem>> -> memref<128xi32, #tpu.memory_space<vmem>>
    %dma_start3A_212 = arith.constant 0 : i32
    %dma_start3A_213 = arith.constant 0 : i32
    %dma_start3A_214 = tpu.memref_slice %arg15[%dma_start3A_212, %dma_start3A_213] : memref<10240x16xf32, #tpu.memory_space<vmem_shared>> -> memref<10240x16xf32, #tpu.memory_space<vmem_shared>>
    %dma_start3A_215 = tpu.memref_slice %arg18[%dma_start3A_204] : memref<8x!tpu.dma_semaphore, #tpu.memory_space<semaphore_mem>> -> memref<1x!tpu.dma_semaphore, #tpu.memory_space<semaphore_mem>>
    %dma_start3A_216 = tpu.memref_squeeze %dma_start3A_215 : memref<1x!tpu.dma_semaphore, #tpu.memory_space<semaphore_mem>> -> memref<!tpu.dma_semaphore, #tpu.memory_space<semaphore_mem>>
    tpu.enqueue_indirect_dma source(%dma_start3A_214 : memref<10240x16xf32, #tpu.memory_space<vmem_shared>>) target(%dma_start3A_208 : memref<128x16xf32, #tpu.memory_space<vmem>>) offsets(%dma_start3A_211 : memref<128xi32, #tpu.memory_space<vmem>>) semaphore(%dma_start3A_216 : memref<!tpu.dma_semaphore, #tpu.memory_space<semaphore_mem>>)
    %dma_start3A_217 = arith.constant 2 : i32
    %dma_start3A_218 = arith.constant 0 : i32
    %dma_start3A_219 = arith.constant 2 : i32
    %dma_start3A_220 = arith.constant 2 : i32
    %dma_start3A_221 = arith.constant 0 : i32
    %dma_start3A_222 = arith.constant 0 : i32
    %dma_start3A_223 = tpu.memref_slice %arg10[%dma_start3A_219, %dma_start3A_221, %dma_start3A_222] : memref<8x128x16xf32, #tpu.memory_space<vmem>> -> memref<1x128x16xf32, #tpu.memory_space<vmem>>
    %dma_start3A_224 = tpu.memref_squeeze %dma_start3A_223 : memref<1x128x16xf32, #tpu.memory_space<vmem>> -> memref<128x16xf32, #tpu.memory_space<vmem>>
    %dma_start3A_225 = arith.constant 0 : i32
    %dma_start3A_226 = tpu.memref_slice %arg9[%dma_start3A_217, %dma_start3A_218, %dma_start3A_225] : memref<157x2x128xi32, #tpu.memory_space<vmem>> -> memref<1x1x128xi32, #tpu.memory_space<vmem>>
    %dma_start3A_227 = tpu.memref_squeeze %dma_start3A_226 : memref<1x1x128xi32, #tpu.memory_space<vmem>> -> memref<128xi32, #tpu.memory_space<vmem>>
    %dma_start3A_228 = arith.constant 0 : i32
    %dma_start3A_229 = arith.constant 0 : i32
    %dma_start3A_230 = tpu.memref_slice %arg15[%dma_start3A_228, %dma_start3A_229] : memref<10240x16xf32, #tpu.memory_space<vmem_shared>> -> memref<10240x16xf32, #tpu.memory_space<vmem_shared>>
    %dma_start3A_231 = tpu.memref_slice %arg18[%dma_start3A_220] : memref<8x!tpu.dma_semaphore, #tpu.memory_space<semaphore_mem>> -> memref<1x!tpu.dma_semaphore, #tpu.memory_space<semaphore_mem>>
    %dma_start3A_232 = tpu.memref_squeeze %dma_start3A_231 : memref<1x!tpu.dma_semaphore, #tpu.memory_space<semaphore_mem>> -> memref<!tpu.dma_semaphore, #tpu.memory_space<semaphore_mem>>
    tpu.enqueue_indirect_dma source(%dma_start3A_230 : memref<10240x16xf32, #tpu.memory_space<vmem_shared>>) target(%dma_start3A_224 : memref<128x16xf32, #tpu.memory_space<vmem>>) offsets(%dma_start3A_227 : memref<128xi32, #tpu.memory_space<vmem>>) semaphore(%dma_start3A_232 : memref<!tpu.dma_semaphore, #tpu.memory_space<semaphore_mem>>)
    %dma_start3A_233 = arith.constant 3 : i32
    %dma_start3A_234 = arith.constant 0 : i32
    %dma_start3A_235 = arith.constant 3 : i32
    %dma_start3A_236 = arith.constant 3 : i32
    %dma_start3A_237 = arith.constant 0 : i32
    %dma_start3A_238 = arith.constant 0 : i32
    %dma_start3A_239 = tpu.memref_slice %arg10[%dma_start3A_235, %dma_start3A_237, %dma_start3A_238] : memref<8x128x16xf32, #tpu.memory_space<vmem>> -> memref<1x128x16xf32, #tpu.memory_space<vmem>>
    %dma_start3A_240 = tpu.memref_squeeze %dma_start3A_239 : memref<1x128x16xf32, #tpu.memory_space<vmem>> -> memref<128x16xf32, #tpu.memory_space<vmem>>
    %dma_start3A_241 = arith.constant 0 : i32
    %dma_start3A_242 = tpu.memref_slice %arg9[%dma_start3A_233, %dma_start3A_234, %dma_start3A_241] : memref<157x2x128xi32, #tpu.memory_space<vmem>> -> memref<1x1x128xi32, #tpu.memory_space<vmem>>
    %dma_start3A_243 = tpu.memref_squeeze %dma_start3A_242 : memref<1x1x128xi32, #tpu.memory_space<vmem>> -> memref<128xi32, #tpu.memory_space<vmem>>
    %dma_start3A_244 = arith.constant 0 : i32
    %dma_start3A_245 = arith.constant 0 : i32
    %dma_start3A_246 = tpu.memref_slice %arg15[%dma_start3A_244, %dma_start3A_245] : memref<10240x16xf32, #tpu.memory_space<vmem_shared>> -> memref<10240x16xf32, #tpu.memory_space<vmem_shared>>
    %dma_start3A_247 = tpu.memref_slice %arg18[%dma_start3A_236] : memref<8x!tpu.dma_semaphore, #tpu.memory_space<semaphore_mem>> -> memref<1x!tpu.dma_semaphore, #tpu.memory_space<semaphore_mem>>
    %dma_start3A_248 = tpu.memref_squeeze %dma_start3A_247 : memref<1x!tpu.dma_semaphore, #tpu.memory_space<semaphore_mem>> -> memref<!tpu.dma_semaphore, #tpu.memory_space<semaphore_mem>>
    tpu.enqueue_indirect_dma source(%dma_start3A_246 : memref<10240x16xf32, #tpu.memory_space<vmem_shared>>) target(%dma_start3A_240 : memref<128x16xf32, #tpu.memory_space<vmem>>) offsets(%dma_start3A_243 : memref<128xi32, #tpu.memory_space<vmem>>) semaphore(%dma_start3A_248 : memref<!tpu.dma_semaphore, #tpu.memory_space<semaphore_mem>>)
    %dma_start3A_249 = arith.constant 4 : i32
    %dma_start3A_250 = arith.constant 0 : i32
    %dma_start3A_251 = arith.constant 4 : i32
    %dma_start3A_252 = arith.constant 4 : i32
    %dma_start3A_253 = arith.constant 0 : i32
    %dma_start3A_254 = arith.constant 0 : i32
    %dma_start3A_255 = tpu.memref_slice %arg10[%dma_start3A_251, %dma_start3A_253, %dma_start3A_254] : memref<8x128x16xf32, #tpu.memory_space<vmem>> -> memref<1x128x16xf32, #tpu.memory_space<vmem>>
    %dma_start3A_256 = tpu.memref_squeeze %dma_start3A_255 : memref<1x128x16xf32, #tpu.memory_space<vmem>> -> memref<128x16xf32, #tpu.memory_space<vmem>>
    %dma_start3A_257 = arith.constant 0 : i32
    %dma_start3A_258 = tpu.memref_slice %arg9[%dma_start3A_249, %dma_start3A_250, %dma_start3A_257] : memref<157x2x128xi32, #tpu.memory_space<vmem>> -> memref<1x1x128xi32, #tpu.memory_space<vmem>>
    %dma_start3A_259 = tpu.memref_squeeze %dma_start3A_258 : memref<1x1x128xi32, #tpu.memory_space<vmem>> -> memref<128xi32, #tpu.memory_space<vmem>>
    %dma_start3A_260 = arith.constant 0 : i32
    %dma_start3A_261 = arith.constant 0 : i32
    %dma_start3A_262 = tpu.memref_slice %arg15[%dma_start3A_260, %dma_start3A_261] : memref<10240x16xf32, #tpu.memory_space<vmem_shared>> -> memref<10240x16xf32, #tpu.memory_space<vmem_shared>>
    %dma_start3A_263 = tpu.memref_slice %arg18[%dma_start3A_252] : memref<8x!tpu.dma_semaphore, #tpu.memory_space<semaphore_mem>> -> memref<1x!tpu.dma_semaphore, #tpu.memory_space<semaphore_mem>>
    %dma_start3A_264 = tpu.memref_squeeze %dma_start3A_263 : memref<1x!tpu.dma_semaphore, #tpu.memory_space<semaphore_mem>> -> memref<!tpu.dma_semaphore, #tpu.memory_space<semaphore_mem>>
    tpu.enqueue_indirect_dma source(%dma_start3A_262 : memref<10240x16xf32, #tpu.memory_space<vmem_shared>>) target(%dma_start3A_256 : memref<128x16xf32, #tpu.memory_space<vmem>>) offsets(%dma_start3A_259 : memref<128xi32, #tpu.memory_space<vmem>>) semaphore(%dma_start3A_264 : memref<!tpu.dma_semaphore, #tpu.memory_space<semaphore_mem>>)
    %dma_start3A_265 = arith.constant 5 : i32
    %dma_start3A_266 = arith.constant 0 : i32
    %dma_start3A_267 = arith.constant 5 : i32
    %dma_start3A_268 = arith.constant 5 : i32
    %dma_start3A_269 = arith.constant 0 : i32
    %dma_start3A_270 = arith.constant 0 : i32
    %dma_start3A_271 = tpu.memref_slice %arg10[%dma_start3A_267, %dma_start3A_269, %dma_start3A_270] : memref<8x128x16xf32, #tpu.memory_space<vmem>> -> memref<1x128x16xf32, #tpu.memory_space<vmem>>
    %dma_start3A_272 = tpu.memref_squeeze %dma_start3A_271 : memref<1x128x16xf32, #tpu.memory_space<vmem>> -> memref<128x16xf32, #tpu.memory_space<vmem>>
    %dma_start3A_273 = arith.constant 0 : i32
    %dma_start3A_274 = tpu.memref_slice %arg9[%dma_start3A_265, %dma_start3A_266, %dma_start3A_273] : memref<157x2x128xi32, #tpu.memory_space<vmem>> -> memref<1x1x128xi32, #tpu.memory_space<vmem>>
    %dma_start3A_275 = tpu.memref_squeeze %dma_start3A_274 : memref<1x1x128xi32, #tpu.memory_space<vmem>> -> memref<128xi32, #tpu.memory_space<vmem>>
    %dma_start3A_276 = arith.constant 0 : i32
    %dma_start3A_277 = arith.constant 0 : i32
    %dma_start3A_278 = tpu.memref_slice %arg15[%dma_start3A_276, %dma_start3A_277] : memref<10240x16xf32, #tpu.memory_space<vmem_shared>> -> memref<10240x16xf32, #tpu.memory_space<vmem_shared>>
    %dma_start3A_279 = tpu.memref_slice %arg18[%dma_start3A_268] : memref<8x!tpu.dma_semaphore, #tpu.memory_space<semaphore_mem>> -> memref<1x!tpu.dma_semaphore, #tpu.memory_space<semaphore_mem>>
    %dma_start3A_280 = tpu.memref_squeeze %dma_start3A_279 : memref<1x!tpu.dma_semaphore, #tpu.memory_space<semaphore_mem>> -> memref<!tpu.dma_semaphore, #tpu.memory_space<semaphore_mem>>
    tpu.enqueue_indirect_dma source(%dma_start3A_278 : memref<10240x16xf32, #tpu.memory_space<vmem_shared>>) target(%dma_start3A_272 : memref<128x16xf32, #tpu.memory_space<vmem>>) offsets(%dma_start3A_275 : memref<128xi32, #tpu.memory_space<vmem>>) semaphore(%dma_start3A_280 : memref<!tpu.dma_semaphore, #tpu.memory_space<semaphore_mem>>)
    %dma_start3A_281 = arith.constant 6 : i32
    %dma_start3A_282 = arith.constant 0 : i32
    %dma_start3A_283 = arith.constant 6 : i32
    %dma_start3A_284 = arith.constant 6 : i32
    %dma_start3A_285 = arith.constant 0 : i32
    %dma_start3A_286 = arith.constant 0 : i32
    %dma_start3A_287 = tpu.memref_slice %arg10[%dma_start3A_283, %dma_start3A_285, %dma_start3A_286] : memref<8x128x16xf32, #tpu.memory_space<vmem>> -> memref<1x128x16xf32, #tpu.memory_space<vmem>>
    %dma_start3A_288 = tpu.memref_squeeze %dma_start3A_287 : memref<1x128x16xf32, #tpu.memory_space<vmem>> -> memref<128x16xf32, #tpu.memory_space<vmem>>
    %dma_start3A_289 = arith.constant 0 : i32
    %dma_start3A_290 = tpu.memref_slice %arg9[%dma_start3A_281, %dma_start3A_282, %dma_start3A_289] : memref<157x2x128xi32, #tpu.memory_space<vmem>> -> memref<1x1x128xi32, #tpu.memory_space<vmem>>
    %dma_start3A_291 = tpu.memref_squeeze %dma_start3A_290 : memref<1x1x128xi32, #tpu.memory_space<vmem>> -> memref<128xi32, #tpu.memory_space<vmem>>
    %dma_start3A_292 = arith.constant 0 : i32
    %dma_start3A_293 = arith.constant 0 : i32
    %dma_start3A_294 = tpu.memref_slice %arg15[%dma_start3A_292, %dma_start3A_293] : memref<10240x16xf32, #tpu.memory_space<vmem_shared>> -> memref<10240x16xf32, #tpu.memory_space<vmem_shared>>
    %dma_start3A_295 = tpu.memref_slice %arg18[%dma_start3A_284] : memref<8x!tpu.dma_semaphore, #tpu.memory_space<semaphore_mem>> -> memref<1x!tpu.dma_semaphore, #tpu.memory_space<semaphore_mem>>
    %dma_start3A_296 = tpu.memref_squeeze %dma_start3A_295 : memref<1x!tpu.dma_semaphore, #tpu.memory_space<semaphore_mem>> -> memref<!tpu.dma_semaphore, #tpu.memory_space<semaphore_mem>>
    tpu.enqueue_indirect_dma source(%dma_start3A_294 : memref<10240x16xf32, #tpu.memory_space<vmem_shared>>) target(%dma_start3A_288 : memref<128x16xf32, #tpu.memory_space<vmem>>) offsets(%dma_start3A_291 : memref<128xi32, #tpu.memory_space<vmem>>) semaphore(%dma_start3A_296 : memref<!tpu.dma_semaphore, #tpu.memory_space<semaphore_mem>>)
    %dma_start3A_297 = arith.constant 7 : i32
    %dma_start3A_298 = arith.constant 0 : i32
    %dma_start3A_299 = arith.constant 7 : i32
    %dma_start3A_300 = arith.constant 7 : i32
    %dma_start3A_301 = arith.constant 0 : i32
    %dma_start3A_302 = arith.constant 0 : i32
    %dma_start3A_303 = tpu.memref_slice %arg10[%dma_start3A_299, %dma_start3A_301, %dma_start3A_302] : memref<8x128x16xf32, #tpu.memory_space<vmem>> -> memref<1x128x16xf32, #tpu.memory_space<vmem>>
    %dma_start3A_304 = tpu.memref_squeeze %dma_start3A_303 : memref<1x128x16xf32, #tpu.memory_space<vmem>> -> memref<128x16xf32, #tpu.memory_space<vmem>>
    %dma_start3A_305 = arith.constant 0 : i32
    %dma_start3A_306 = tpu.memref_slice %arg9[%dma_start3A_297, %dma_start3A_298, %dma_start3A_305] : memref<157x2x128xi32, #tpu.memory_space<vmem>> -> memref<1x1x128xi32, #tpu.memory_space<vmem>>
    %dma_start3A_307 = tpu.memref_squeeze %dma_start3A_306 : memref<1x1x128xi32, #tpu.memory_space<vmem>> -> memref<128xi32, #tpu.memory_space<vmem>>
    %dma_start3A_308 = arith.constant 0 : i32
    %dma_start3A_309 = arith.constant 0 : i32
    %dma_start3A_310 = tpu.memref_slice %arg15[%dma_start3A_308, %dma_start3A_309] : memref<10240x16xf32, #tpu.memory_space<vmem_shared>> -> memref<10240x16xf32, #tpu.memory_space<vmem_shared>>
    %dma_start3A_311 = tpu.memref_slice %arg18[%dma_start3A_300] : memref<8x!tpu.dma_semaphore, #tpu.memory_space<semaphore_mem>> -> memref<1x!tpu.dma_semaphore, #tpu.memory_space<semaphore_mem>>
    %dma_start3A_312 = tpu.memref_squeeze %dma_start3A_311 : memref<1x!tpu.dma_semaphore, #tpu.memory_space<semaphore_mem>> -> memref<!tpu.dma_semaphore, #tpu.memory_space<semaphore_mem>>
    tpu.enqueue_indirect_dma source(%dma_start3A_310 : memref<10240x16xf32, #tpu.memory_space<vmem_shared>>) target(%dma_start3A_304 : memref<128x16xf32, #tpu.memory_space<vmem>>) offsets(%dma_start3A_307 : memref<128xi32, #tpu.memory_space<vmem>>) semaphore(%dma_start3A_312 : memref<!tpu.dma_semaphore, #tpu.memory_space<semaphore_mem>>)
    %scan3A_313 = arith.constant 0 : i32
    %scan3A_314 = arith.constant 0 : i32
    %scan3A_315 = arith.constant 10 : i32
    %scan3A_316 = arith.addi %scan3A_314, %scan3A_315 : i32
    %scan3A_317 = arith.constant 1 : i32
    scf.for %scan3A_328 = %scan3A_314 to %scan3A_316 step %scan3A_317  : i32 {
      %mul3A_329 = arith.constant 8 : i32
      %mul3A_330 = arith.muli %scan3A_328, %mul3A_329 : i32
      %add3A_331 = arith.constant 0 : i32
      %add3A_332 = arith.addi %mul3A_330, %add3A_331 : i32
      %lt3A_333 = arith.cmpi slt, %add3A_332, %add3A_143 : i32
      %convert_element_type3A_334 = arith.extui %lt3A_333 : i1 to i32
      %cond3A_335 = arith.constant 0 : i32
      %cond3A_336 = arith.cmpi ne, %convert_element_type3A_334, %cond3A_335 : i32
      scf.if %cond3A_336 {
        %dma_wait3A_393 = arith.constant 0 : i32
        %dma_wait3A_394 = arith.constant 0 : i32
        %dma_wait3A_395 = arith.constant 0 : i32
        %dma_wait3A_396 = arith.constant 0 : i32
        %dma_wait3A_397 = arith.constant 0 : i32
        %dma_wait3A_398 = tpu.memref_slice %arg10[%dma_wait3A_394, %dma_wait3A_396, %dma_wait3A_397] : memref<8x128x16xf32, #tpu.memory_space<vmem>> -> memref<1x128x16xf32, #tpu.memory_space<vmem>>
        %dma_wait3A_399 = tpu.memref_squeeze %dma_wait3A_398 : memref<1x128x16xf32, #tpu.memory_space<vmem>> -> memref<128x16xf32, #tpu.memory_space<vmem>>
        %dma_wait3A_400 = arith.constant 0 : i32
        %dma_wait3A_401 = tpu.memref_slice %arg9[%add3A_332, %dma_wait3A_393, %dma_wait3A_400] : memref<157x2x128xi32, #tpu.memory_space<vmem>> -> memref<1x1x128xi32, #tpu.memory_space<vmem>>
        %dma_wait3A_402 = tpu.memref_squeeze %dma_wait3A_401 : memref<1x1x128xi32, #tpu.memory_space<vmem>> -> memref<128xi32, #tpu.memory_space<vmem>>
        %dma_wait3A_403 = arith.constant 0 : i32
        %dma_wait3A_404 = arith.constant 0 : i32
        %dma_wait3A_405 = tpu.memref_slice %arg15[%dma_wait3A_403, %dma_wait3A_404] : memref<10240x16xf32, #tpu.memory_space<vmem_shared>> -> memref<10240x16xf32, #tpu.memory_space<vmem_shared>>
        %dma_wait3A_406 = tpu.memref_slice %arg18[%dma_wait3A_395] : memref<8x!tpu.dma_semaphore, #tpu.memory_space<semaphore_mem>> -> memref<1x!tpu.dma_semaphore, #tpu.memory_space<semaphore_mem>>
        %dma_wait3A_407 = tpu.memref_squeeze %dma_wait3A_406 : memref<1x!tpu.dma_semaphore, #tpu.memory_space<semaphore_mem>> -> memref<!tpu.dma_semaphore, #tpu.memory_space<semaphore_mem>>
        tpu.wait_indirect_dma semaphore(%dma_wait3A_407 : memref<!tpu.dma_semaphore, #tpu.memory_space<semaphore_mem>>) src(%dma_wait3A_405 : memref<10240x16xf32, #tpu.memory_space<vmem_shared>>) dst(%dma_wait3A_399 : memref<128x16xf32, #tpu.memory_space<vmem>>)
        %run_scoped3A = arith.constant 0 : i32
        %run_scoped3A_408 = arith.constant 1 : i32
        "tpu.region"() ({
          %run_scoped3A_415 = tpu.sem_alloc : memref<!tpu.dma_semaphore, #tpu.memory_space<semaphore_mem>>
          %dma_start3A_416 = arith.constant 0 : i32
          %dma_start3A_417 = arith.constant 0 : i32
          %dma_start3A_418 = tpu.memref_slice %arg10[%run_scoped3A, %dma_start3A_416, %dma_start3A_417] : memref<8x128x16xf32, #tpu.memory_space<vmem>> -> memref<1x128x16xf32, #tpu.memory_space<vmem>>
          %dma_start3A_419 = tpu.memref_squeeze %dma_start3A_418 : memref<1x128x16xf32, #tpu.memory_space<vmem>> -> memref<128x16xf32, #tpu.memory_space<vmem>>
          %dma_start3A_420 = arith.constant 0 : i32
          %dma_start3A_421 = tpu.memref_slice %arg9[%add3A_332, %run_scoped3A_408, %dma_start3A_420] : memref<157x2x128xi32, #tpu.memory_space<vmem>> -> memref<1x1x128xi32, #tpu.memory_space<vmem>>
          %dma_start3A_422 = tpu.memref_squeeze %dma_start3A_421 : memref<1x1x128xi32, #tpu.memory_space<vmem>> -> memref<128xi32, #tpu.memory_space<vmem>>
          %dma_start3A_423 = arith.constant 0 : i32
          %dma_start3A_424 = arith.constant 0 : i32
          %dma_start3A_425 = tpu.memref_slice %arg16[%dma_start3A_423, %dma_start3A_424] : memref<10240x16xf32, #tpu.memory_space<vmem_shared>> -> memref<10240x16xf32, #tpu.memory_space<vmem_shared>>
          tpu.enqueue_indirect_dma source(%dma_start3A_419 : memref<128x16xf32, #tpu.memory_space<vmem>>) target(%dma_start3A_425 : memref<10240x16xf32, #tpu.memory_space<vmem_shared>>) offsets(%dma_start3A_422 : memref<128xi32, #tpu.memory_space<vmem>>) semaphore(%run_scoped3A_415 : memref<!tpu.dma_semaphore, #tpu.memory_space<semaphore_mem>>) {add = true}
          %dma_wait3A_426 = arith.constant 0 : i32
          %dma_wait3A_427 = arith.constant 0 : i32
          %dma_wait3A_428 = tpu.memref_slice %arg10[%run_scoped3A, %dma_wait3A_426, %dma_wait3A_427] : memref<8x128x16xf32, #tpu.memory_space<vmem>> -> memref<1x128x16xf32, #tpu.memory_space<vmem>>
          %dma_wait3A_429 = tpu.memref_squeeze %dma_wait3A_428 : memref<1x128x16xf32, #tpu.memory_space<vmem>> -> memref<128x16xf32, #tpu.memory_space<vmem>>
          %dma_wait3A_430 = arith.constant 0 : i32
          %dma_wait3A_431 = tpu.memref_slice %arg9[%add3A_332, %run_scoped3A_408, %dma_wait3A_430] : memref<157x2x128xi32, #tpu.memory_space<vmem>> -> memref<1x1x128xi32, #tpu.memory_space<vmem>>
          %dma_wait3A_432 = tpu.memref_squeeze %dma_wait3A_431 : memref<1x1x128xi32, #tpu.memory_space<vmem>> -> memref<128xi32, #tpu.memory_space<vmem>>
          %dma_wait3A_433 = arith.constant 0 : i32
          %dma_wait3A_434 = arith.constant 0 : i32
          %dma_wait3A_435 = tpu.memref_slice %arg16[%dma_wait3A_433, %dma_wait3A_434] : memref<10240x16xf32, #tpu.memory_space<vmem_shared>> -> memref<10240x16xf32, #tpu.memory_space<vmem_shared>>
          tpu.wait_indirect_dma semaphore(%run_scoped3A_415 : memref<!tpu.dma_semaphore, #tpu.memory_space<semaphore_mem>>) src(%dma_wait3A_429 : memref<128x16xf32, #tpu.memory_space<vmem>>) dst(%dma_wait3A_435 : memref<10240x16xf32, #tpu.memory_space<vmem_shared>>)
          tpu.yield
        }) : () -> ()
        %add3A_409 = arith.constant 8 : i32
        %add3A_410 = arith.addi %add3A_332, %add3A_409 : i32
        %lt3A_411 = arith.cmpi slt, %add3A_410, %add3A_143 : i32
        %convert_element_type3A_412 = arith.extui %lt3A_411 : i1 to i32
        %cond3A_413 = arith.constant 0 : i32
        %cond3A_414 = arith.cmpi ne, %convert_element_type3A_412, %cond3A_413 : i32
        scf.if %cond3A_414 {
          %add3A_415 = arith.constant 8 : i32
          %add3A_416 = arith.addi %add3A_332, %add3A_415 : i32
          %dma_start3A_417 = arith.constant 0 : i32
          %dma_start3A_418 = arith.constant 0 : i32
          %dma_start3A_419 = arith.constant 0 : i32
          %dma_start3A_420 = arith.constant 0 : i32
          %dma_start3A_421 = arith.constant 0 : i32
          %dma_start3A_422 = tpu.memref_slice %arg10[%dma_start3A_418, %dma_start3A_420, %dma_start3A_421] : memref<8x128x16xf32, #tpu.memory_space<vmem>> -> memref<1x128x16xf32, #tpu.memory_space<vmem>>
          %dma_start3A_423 = tpu.memref_squeeze %dma_start3A_422 : memref<1x128x16xf32, #tpu.memory_space<vmem>> -> memref<128x16xf32, #tpu.memory_space<vmem>>
          %dma_start3A_424 = arith.constant 0 : i32
          %dma_start3A_425 = tpu.memref_slice %arg9[%add3A_416, %dma_start3A_417, %dma_start3A_424] : memref<157x2x128xi32, #tpu.memory_space<vmem>> -> memref<1x1x128xi32, #tpu.memory_space<vmem>>
          %dma_start3A_426 = tpu.memref_squeeze %dma_start3A_425 : memref<1x1x128xi32, #tpu.memory_space<vmem>> -> memref<128xi32, #tpu.memory_space<vmem>>
          %dma_start3A_427 = arith.constant 0 : i32
          %dma_start3A_428 = arith.constant 0 : i32
          %dma_start3A_429 = tpu.memref_slice %arg15[%dma_start3A_427, %dma_start3A_428] : memref<10240x16xf32, #tpu.memory_space<vmem_shared>> -> memref<10240x16xf32, #tpu.memory_space<vmem_shared>>
          %dma_start3A_430 = tpu.memref_slice %arg18[%dma_start3A_419] : memref<8x!tpu.dma_semaphore, #tpu.memory_space<semaphore_mem>> -> memref<1x!tpu.dma_semaphore, #tpu.memory_space<semaphore_mem>>
          %dma_start3A_431 = tpu.memref_squeeze %dma_start3A_430 : memref<1x!tpu.dma_semaphore, #tpu.memory_space<semaphore_mem>> -> memref<!tpu.dma_semaphore, #tpu.memory_space<semaphore_mem>>
          tpu.enqueue_indirect_dma source(%dma_start3A_429 : memref<10240x16xf32, #tpu.memory_space<vmem_shared>>) target(%dma_start3A_423 : memref<128x16xf32, #tpu.memory_space<vmem>>) offsets(%dma_start3A_426 : memref<128xi32, #tpu.memory_space<vmem>>) semaphore(%dma_start3A_431 : memref<!tpu.dma_semaphore, #tpu.memory_space<semaphore_mem>>)
        } else {
        }
      } else {
      }
      %mul3A_337 = arith.constant 8 : i32
      %mul3A_338 = arith.muli %scan3A_328, %mul3A_337 : i32
      %add3A_339 = arith.constant 1 : i32
      %add3A_340 = arith.addi %mul3A_338, %add3A_339 : i32
      %lt3A_341 = arith.cmpi slt, %add3A_340, %add3A_143 : i32
      %convert_element_type3A_342 = arith.extui %lt3A_341 : i1 to i32
      %cond3A_343 = arith.constant 0 : i32
      %cond3A_344 = arith.cmpi ne, %convert_element_type3A_342, %cond3A_343 : i32
      scf.if %cond3A_344 {
        %dma_wait3A_393 = arith.constant 0 : i32
        %dma_wait3A_394 = arith.constant 1 : i32
        %dma_wait3A_395 = arith.constant 1 : i32
        %dma_wait3A_396 = arith.constant 0 : i32
        %dma_wait3A_397 = arith.constant 0 : i32
        %dma_wait3A_398 = tpu.memref_slice %arg10[%dma_wait3A_394, %dma_wait3A_396, %dma_wait3A_397] : memref<8x128x16xf32, #tpu.memory_space<vmem>> -> memref<1x128x16xf32, #tpu.memory_space<vmem>>
        %dma_wait3A_399 = tpu.memref_squeeze %dma_wait3A_398 : memref<1x128x16xf32, #tpu.memory_space<vmem>> -> memref<128x16xf32, #tpu.memory_space<vmem>>
        %dma_wait3A_400 = arith.constant 0 : i32
        %dma_wait3A_401 = tpu.memref_slice %arg9[%add3A_340, %dma_wait3A_393, %dma_wait3A_400] : memref<157x2x128xi32, #tpu.memory_space<vmem>> -> memref<1x1x128xi32, #tpu.memory_space<vmem>>
        %dma_wait3A_402 = tpu.memref_squeeze %dma_wait3A_401 : memref<1x1x128xi32, #tpu.memory_space<vmem>> -> memref<128xi32, #tpu.memory_space<vmem>>
        %dma_wait3A_403 = arith.constant 0 : i32
        %dma_wait3A_404 = arith.constant 0 : i32
        %dma_wait3A_405 = tpu.memref_slice %arg15[%dma_wait3A_403, %dma_wait3A_404] : memref<10240x16xf32, #tpu.memory_space<vmem_shared>> -> memref<10240x16xf32, #tpu.memory_space<vmem_shared>>
        %dma_wait3A_406 = tpu.memref_slice %arg18[%dma_wait3A_395] : memref<8x!tpu.dma_semaphore, #tpu.memory_space<semaphore_mem>> -> memref<1x!tpu.dma_semaphore, #tpu.memory_space<semaphore_mem>>
        %dma_wait3A_407 = tpu.memref_squeeze %dma_wait3A_406 : memref<1x!tpu.dma_semaphore, #tpu.memory_space<semaphore_mem>> -> memref<!tpu.dma_semaphore, #tpu.memory_space<semaphore_mem>>
        tpu.wait_indirect_dma semaphore(%dma_wait3A_407 : memref<!tpu.dma_semaphore, #tpu.memory_space<semaphore_mem>>) src(%dma_wait3A_405 : memref<10240x16xf32, #tpu.memory_space<vmem_shared>>) dst(%dma_wait3A_399 : memref<128x16xf32, #tpu.memory_space<vmem>>)
        %run_scoped3A = arith.constant 1 : i32
        %run_scoped3A_408 = arith.constant 1 : i32
        "tpu.region"() ({
          %run_scoped3A_415 = tpu.sem_alloc : memref<!tpu.dma_semaphore, #tpu.memory_space<semaphore_mem>>
          %dma_start3A_416 = arith.constant 0 : i32
          %dma_start3A_417 = arith.constant 0 : i32
          %dma_start3A_418 = tpu.memref_slice %arg10[%run_scoped3A, %dma_start3A_416, %dma_start3A_417] : memref<8x128x16xf32, #tpu.memory_space<vmem>> -> memref<1x128x16xf32, #tpu.memory_space<vmem>>
          %dma_start3A_419 = tpu.memref_squeeze %dma_start3A_418 : memref<1x128x16xf32, #tpu.memory_space<vmem>> -> memref<128x16xf32, #tpu.memory_space<vmem>>
          %dma_start3A_420 = arith.constant 0 : i32
          %dma_start3A_421 = tpu.memref_slice %arg9[%add3A_340, %run_scoped3A_408, %dma_start3A_420] : memref<157x2x128xi32, #tpu.memory_space<vmem>> -> memref<1x1x128xi32, #tpu.memory_space<vmem>>
          %dma_start3A_422 = tpu.memref_squeeze %dma_start3A_421 : memref<1x1x128xi32, #tpu.memory_space<vmem>> -> memref<128xi32, #tpu.memory_space<vmem>>
          %dma_start3A_423 = arith.constant 0 : i32
          %dma_start3A_424 = arith.constant 0 : i32
          %dma_start3A_425 = tpu.memref_slice %arg16[%dma_start3A_423, %dma_start3A_424] : memref<10240x16xf32, #tpu.memory_space<vmem_shared>> -> memref<10240x16xf32, #tpu.memory_space<vmem_shared>>
          tpu.enqueue_indirect_dma source(%dma_start3A_419 : memref<128x16xf32, #tpu.memory_space<vmem>>) target(%dma_start3A_425 : memref<10240x16xf32, #tpu.memory_space<vmem_shared>>) offsets(%dma_start3A_422 : memref<128xi32, #tpu.memory_space<vmem>>) semaphore(%run_scoped3A_415 : memref<!tpu.dma_semaphore, #tpu.memory_space<semaphore_mem>>) {add = true}
          %dma_wait3A_426 = arith.constant 0 : i32
          %dma_wait3A_427 = arith.constant 0 : i32
          %dma_wait3A_428 = tpu.memref_slice %arg10[%run_scoped3A, %dma_wait3A_426, %dma_wait3A_427] : memref<8x128x16xf32, #tpu.memory_space<vmem>> -> memref<1x128x16xf32, #tpu.memory_space<vmem>>
          %dma_wait3A_429 = tpu.memref_squeeze %dma_wait3A_428 : memref<1x128x16xf32, #tpu.memory_space<vmem>> -> memref<128x16xf32, #tpu.memory_space<vmem>>
          %dma_wait3A_430 = arith.constant 0 : i32
          %dma_wait3A_431 = tpu.memref_slice %arg9[%add3A_340, %run_scoped3A_408, %dma_wait3A_430] : memref<157x2x128xi32, #tpu.memory_space<vmem>> -> memref<1x1x128xi32, #tpu.memory_space<vmem>>
          %dma_wait3A_432 = tpu.memref_squeeze %dma_wait3A_431 : memref<1x1x128xi32, #tpu.memory_space<vmem>> -> memref<128xi32, #tpu.memory_space<vmem>>
          %dma_wait3A_433 = arith.constant 0 : i32
          %dma_wait3A_434 = arith.constant 0 : i32
          %dma_wait3A_435 = tpu.memref_slice %arg16[%dma_wait3A_433, %dma_wait3A_434] : memref<10240x16xf32, #tpu.memory_space<vmem_shared>> -> memref<10240x16xf32, #tpu.memory_space<vmem_shared>>
          tpu.wait_indirect_dma semaphore(%run_scoped3A_415 : memref<!tpu.dma_semaphore, #tpu.memory_space<semaphore_mem>>) src(%dma_wait3A_429 : memref<128x16xf32, #tpu.memory_space<vmem>>) dst(%dma_wait3A_435 : memref<10240x16xf32, #tpu.memory_space<vmem_shared>>)
          tpu.yield
        }) : () -> ()
        %add3A_409 = arith.constant 8 : i32
        %add3A_410 = arith.addi %add3A_340, %add3A_409 : i32
        %lt3A_411 = arith.cmpi slt, %add3A_410, %add3A_143 : i32
        %convert_element_type3A_412 = arith.extui %lt3A_411 : i1 to i32
        %cond3A_413 = arith.constant 0 : i32
        %cond3A_414 = arith.cmpi ne, %convert_element_type3A_412, %cond3A_413 : i32
        scf.if %cond3A_414 {
          %add3A_415 = arith.constant 8 : i32
          %add3A_416 = arith.addi %add3A_340, %add3A_415 : i32
          %dma_start3A_417 = arith.constant 0 : i32
          %dma_start3A_418 = arith.constant 1 : i32
          %dma_start3A_419 = arith.constant 1 : i32
          %dma_start3A_420 = arith.constant 0 : i32
          %dma_start3A_421 = arith.constant 0 : i32
          %dma_start3A_422 = tpu.memref_slice %arg10[%dma_start3A_418, %dma_start3A_420, %dma_start3A_421] : memref<8x128x16xf32, #tpu.memory_space<vmem>> -> memref<1x128x16xf32, #tpu.memory_space<vmem>>
          %dma_start3A_423 = tpu.memref_squeeze %dma_start3A_422 : memref<1x128x16xf32, #tpu.memory_space<vmem>> -> memref<128x16xf32, #tpu.memory_space<vmem>>
          %dma_start3A_424 = arith.constant 0 : i32
          %dma_start3A_425 = tpu.memref_slice %arg9[%add3A_416, %dma_start3A_417, %dma_start3A_424] : memref<157x2x128xi32, #tpu.memory_space<vmem>> -> memref<1x1x128xi32, #tpu.memory_space<vmem>>
          %dma_start3A_426 = tpu.memref_squeeze %dma_start3A_425 : memref<1x1x128xi32, #tpu.memory_space<vmem>> -> memref<128xi32, #tpu.memory_space<vmem>>
          %dma_start3A_427 = arith.constant 0 : i32
          %dma_start3A_428 = arith.constant 0 : i32
          %dma_start3A_429 = tpu.memref_slice %arg15[%dma_start3A_427, %dma_start3A_428] : memref<10240x16xf32, #tpu.memory_space<vmem_shared>> -> memref<10240x16xf32, #tpu.memory_space<vmem_shared>>
          %dma_start3A_430 = tpu.memref_slice %arg18[%dma_start3A_419] : memref<8x!tpu.dma_semaphore, #tpu.memory_space<semaphore_mem>> -> memref<1x!tpu.dma_semaphore, #tpu.memory_space<semaphore_mem>>
          %dma_start3A_431 = tpu.memref_squeeze %dma_start3A_430 : memref<1x!tpu.dma_semaphore, #tpu.memory_space<semaphore_mem>> -> memref<!tpu.dma_semaphore, #tpu.memory_space<semaphore_mem>>
          tpu.enqueue_indirect_dma source(%dma_start3A_429 : memref<10240x16xf32, #tpu.memory_space<vmem_shared>>) target(%dma_start3A_423 : memref<128x16xf32, #tpu.memory_space<vmem>>) offsets(%dma_start3A_426 : memref<128xi32, #tpu.memory_space<vmem>>) semaphore(%dma_start3A_431 : memref<!tpu.dma_semaphore, #tpu.memory_space<semaphore_mem>>)
        } else {
        }
      } else {
      }
      %mul3A_345 = arith.constant 8 : i32
      %mul3A_346 = arith.muli %scan3A_328, %mul3A_345 : i32
      %add3A_347 = arith.constant 2 : i32
      %add3A_348 = arith.addi %mul3A_346, %add3A_347 : i32
      %lt3A_349 = arith.cmpi slt, %add3A_348, %add3A_143 : i32
      %convert_element_type3A_350 = arith.extui %lt3A_349 : i1 to i32
      %cond3A_351 = arith.constant 0 : i32
      %cond3A_352 = arith.cmpi ne, %convert_element_type3A_350, %cond3A_351 : i32
      scf.if %cond3A_352 {
        %dma_wait3A_393 = arith.constant 0 : i32
        %dma_wait3A_394 = arith.constant 2 : i32
        %dma_wait3A_395 = arith.constant 2 : i32
        %dma_wait3A_396 = arith.constant 0 : i32
        %dma_wait3A_397 = arith.constant 0 : i32
        %dma_wait3A_398 = tpu.memref_slice %arg10[%dma_wait3A_394, %dma_wait3A_396, %dma_wait3A_397] : memref<8x128x16xf32, #tpu.memory_space<vmem>> -> memref<1x128x16xf32, #tpu.memory_space<vmem>>
        %dma_wait3A_399 = tpu.memref_squeeze %dma_wait3A_398 : memref<1x128x16xf32, #tpu.memory_space<vmem>> -> memref<128x16xf32, #tpu.memory_space<vmem>>
        %dma_wait3A_400 = arith.constant 0 : i32
        %dma_wait3A_401 = tpu.memref_slice %arg9[%add3A_348, %dma_wait3A_393, %dma_wait3A_400] : memref<157x2x128xi32, #tpu.memory_space<vmem>> -> memref<1x1x128xi32, #tpu.memory_space<vmem>>
        %dma_wait3A_402 = tpu.memref_squeeze %dma_wait3A_401 : memref<1x1x128xi32, #tpu.memory_space<vmem>> -> memref<128xi32, #tpu.memory_space<vmem>>
        %dma_wait3A_403 = arith.constant 0 : i32
        %dma_wait3A_404 = arith.constant 0 : i32
        %dma_wait3A_405 = tpu.memref_slice %arg15[%dma_wait3A_403, %dma_wait3A_404] : memref<10240x16xf32, #tpu.memory_space<vmem_shared>> -> memref<10240x16xf32, #tpu.memory_space<vmem_shared>>
        %dma_wait3A_406 = tpu.memref_slice %arg18[%dma_wait3A_395] : memref<8x!tpu.dma_semaphore, #tpu.memory_space<semaphore_mem>> -> memref<1x!tpu.dma_semaphore, #tpu.memory_space<semaphore_mem>>
        %dma_wait3A_407 = tpu.memref_squeeze %dma_wait3A_406 : memref<1x!tpu.dma_semaphore, #tpu.memory_space<semaphore_mem>> -> memref<!tpu.dma_semaphore, #tpu.memory_space<semaphore_mem>>
        tpu.wait_indirect_dma semaphore(%dma_wait3A_407 : memref<!tpu.dma_semaphore, #tpu.memory_space<semaphore_mem>>) src(%dma_wait3A_405 : memref<10240x16xf32, #tpu.memory_space<vmem_shared>>) dst(%dma_wait3A_399 : memref<128x16xf32, #tpu.memory_space<vmem>>)
        %run_scoped3A = arith.constant 2 : i32
        %run_scoped3A_408 = arith.constant 1 : i32
        "tpu.region"() ({
          %run_scoped3A_415 = tpu.sem_alloc : memref<!tpu.dma_semaphore, #tpu.memory_space<semaphore_mem>>
          %dma_start3A_416 = arith.constant 0 : i32
          %dma_start3A_417 = arith.constant 0 : i32
          %dma_start3A_418 = tpu.memref_slice %arg10[%run_scoped3A, %dma_start3A_416, %dma_start3A_417] : memref<8x128x16xf32, #tpu.memory_space<vmem>> -> memref<1x128x16xf32, #tpu.memory_space<vmem>>
          %dma_start3A_419 = tpu.memref_squeeze %dma_start3A_418 : memref<1x128x16xf32, #tpu.memory_space<vmem>> -> memref<128x16xf32, #tpu.memory_space<vmem>>
          %dma_start3A_420 = arith.constant 0 : i32
          %dma_start3A_421 = tpu.memref_slice %arg9[%add3A_348, %run_scoped3A_408, %dma_start3A_420] : memref<157x2x128xi32, #tpu.memory_space<vmem>> -> memref<1x1x128xi32, #tpu.memory_space<vmem>>
          %dma_start3A_422 = tpu.memref_squeeze %dma_start3A_421 : memref<1x1x128xi32, #tpu.memory_space<vmem>> -> memref<128xi32, #tpu.memory_space<vmem>>
          %dma_start3A_423 = arith.constant 0 : i32
          %dma_start3A_424 = arith.constant 0 : i32
          %dma_start3A_425 = tpu.memref_slice %arg16[%dma_start3A_423, %dma_start3A_424] : memref<10240x16xf32, #tpu.memory_space<vmem_shared>> -> memref<10240x16xf32, #tpu.memory_space<vmem_shared>>
          tpu.enqueue_indirect_dma source(%dma_start3A_419 : memref<128x16xf32, #tpu.memory_space<vmem>>) target(%dma_start3A_425 : memref<10240x16xf32, #tpu.memory_space<vmem_shared>>) offsets(%dma_start3A_422 : memref<128xi32, #tpu.memory_space<vmem>>) semaphore(%run_scoped3A_415 : memref<!tpu.dma_semaphore, #tpu.memory_space<semaphore_mem>>) {add = true}
          %dma_wait3A_426 = arith.constant 0 : i32
          %dma_wait3A_427 = arith.constant 0 : i32
          %dma_wait3A_428 = tpu.memref_slice %arg10[%run_scoped3A, %dma_wait3A_426, %dma_wait3A_427] : memref<8x128x16xf32, #tpu.memory_space<vmem>> -> memref<1x128x16xf32, #tpu.memory_space<vmem>>
          %dma_wait3A_429 = tpu.memref_squeeze %dma_wait3A_428 : memref<1x128x16xf32, #tpu.memory_space<vmem>> -> memref<128x16xf32, #tpu.memory_space<vmem>>
          %dma_wait3A_430 = arith.constant 0 : i32
          %dma_wait3A_431 = tpu.memref_slice %arg9[%add3A_348, %run_scoped3A_408, %dma_wait3A_430] : memref<157x2x128xi32, #tpu.memory_space<vmem>> -> memref<1x1x128xi32, #tpu.memory_space<vmem>>
          %dma_wait3A_432 = tpu.memref_squeeze %dma_wait3A_431 : memref<1x1x128xi32, #tpu.memory_space<vmem>> -> memref<128xi32, #tpu.memory_space<vmem>>
          %dma_wait3A_433 = arith.constant 0 : i32
          %dma_wait3A_434 = arith.constant 0 : i32
          %dma_wait3A_435 = tpu.memref_slice %arg16[%dma_wait3A_433, %dma_wait3A_434] : memref<10240x16xf32, #tpu.memory_space<vmem_shared>> -> memref<10240x16xf32, #tpu.memory_space<vmem_shared>>
          tpu.wait_indirect_dma semaphore(%run_scoped3A_415 : memref<!tpu.dma_semaphore, #tpu.memory_space<semaphore_mem>>) src(%dma_wait3A_429 : memref<128x16xf32, #tpu.memory_space<vmem>>) dst(%dma_wait3A_435 : memref<10240x16xf32, #tpu.memory_space<vmem_shared>>)
          tpu.yield
        }) : () -> ()
        %add3A_409 = arith.constant 8 : i32
        %add3A_410 = arith.addi %add3A_348, %add3A_409 : i32
        %lt3A_411 = arith.cmpi slt, %add3A_410, %add3A_143 : i32
        %convert_element_type3A_412 = arith.extui %lt3A_411 : i1 to i32
        %cond3A_413 = arith.constant 0 : i32
        %cond3A_414 = arith.cmpi ne, %convert_element_type3A_412, %cond3A_413 : i32
        scf.if %cond3A_414 {
          %add3A_415 = arith.constant 8 : i32
          %add3A_416 = arith.addi %add3A_348, %add3A_415 : i32
          %dma_start3A_417 = arith.constant 0 : i32
          %dma_start3A_418 = arith.constant 2 : i32
          %dma_start3A_419 = arith.constant 2 : i32
          %dma_start3A_420 = arith.constant 0 : i32
          %dma_start3A_421 = arith.constant 0 : i32
          %dma_start3A_422 = tpu.memref_slice %arg10[%dma_start3A_418, %dma_start3A_420, %dma_start3A_421] : memref<8x128x16xf32, #tpu.memory_space<vmem>> -> memref<1x128x16xf32, #tpu.memory_space<vmem>>
          %dma_start3A_423 = tpu.memref_squeeze %dma_start3A_422 : memref<1x128x16xf32, #tpu.memory_space<vmem>> -> memref<128x16xf32, #tpu.memory_space<vmem>>
          %dma_start3A_424 = arith.constant 0 : i32
          %dma_start3A_425 = tpu.memref_slice %arg9[%add3A_416, %dma_start3A_417, %dma_start3A_424] : memref<157x2x128xi32, #tpu.memory_space<vmem>> -> memref<1x1x128xi32, #tpu.memory_space<vmem>>
          %dma_start3A_426 = tpu.memref_squeeze %dma_start3A_425 : memref<1x1x128xi32, #tpu.memory_space<vmem>> -> memref<128xi32, #tpu.memory_space<vmem>>
          %dma_start3A_427 = arith.constant 0 : i32
          %dma_start3A_428 = arith.constant 0 : i32
          %dma_start3A_429 = tpu.memref_slice %arg15[%dma_start3A_427, %dma_start3A_428] : memref<10240x16xf32, #tpu.memory_space<vmem_shared>> -> memref<10240x16xf32, #tpu.memory_space<vmem_shared>>
          %dma_start3A_430 = tpu.memref_slice %arg18[%dma_start3A_419] : memref<8x!tpu.dma_semaphore, #tpu.memory_space<semaphore_mem>> -> memref<1x!tpu.dma_semaphore, #tpu.memory_space<semaphore_mem>>
          %dma_start3A_431 = tpu.memref_squeeze %dma_start3A_430 : memref<1x!tpu.dma_semaphore, #tpu.memory_space<semaphore_mem>> -> memref<!tpu.dma_semaphore, #tpu.memory_space<semaphore_mem>>
          tpu.enqueue_indirect_dma source(%dma_start3A_429 : memref<10240x16xf32, #tpu.memory_space<vmem_shared>>) target(%dma_start3A_423 : memref<128x16xf32, #tpu.memory_space<vmem>>) offsets(%dma_start3A_426 : memref<128xi32, #tpu.memory_space<vmem>>) semaphore(%dma_start3A_431 : memref<!tpu.dma_semaphore, #tpu.memory_space<semaphore_mem>>)
        } else {
        }
      } else {
      }
      %mul3A_353 = arith.constant 8 : i32
      %mul3A_354 = arith.muli %scan3A_328, %mul3A_353 : i32
      %add3A_355 = arith.constant 3 : i32
      %add3A_356 = arith.addi %mul3A_354, %add3A_355 : i32
      %lt3A_357 = arith.cmpi slt, %add3A_356, %add3A_143 : i32
      %convert_element_type3A_358 = arith.extui %lt3A_357 : i1 to i32
      %cond3A_359 = arith.constant 0 : i32
      %cond3A_360 = arith.cmpi ne, %convert_element_type3A_358, %cond3A_359 : i32
      scf.if %cond3A_360 {
        %dma_wait3A_393 = arith.constant 0 : i32
        %dma_wait3A_394 = arith.constant 3 : i32
        %dma_wait3A_395 = arith.constant 3 : i32
        %dma_wait3A_396 = arith.constant 0 : i32
        %dma_wait3A_397 = arith.constant 0 : i32
        %dma_wait3A_398 = tpu.memref_slice %arg10[%dma_wait3A_394, %dma_wait3A_396, %dma_wait3A_397] : memref<8x128x16xf32, #tpu.memory_space<vmem>> -> memref<1x128x16xf32, #tpu.memory_space<vmem>>
        %dma_wait3A_399 = tpu.memref_squeeze %dma_wait3A_398 : memref<1x128x16xf32, #tpu.memory_space<vmem>> -> memref<128x16xf32, #tpu.memory_space<vmem>>
        %dma_wait3A_400 = arith.constant 0 : i32
        %dma_wait3A_401 = tpu.memref_slice %arg9[%add3A_356, %dma_wait3A_393, %dma_wait3A_400] : memref<157x2x128xi32, #tpu.memory_space<vmem>> -> memref<1x1x128xi32, #tpu.memory_space<vmem>>
        %dma_wait3A_402 = tpu.memref_squeeze %dma_wait3A_401 : memref<1x1x128xi32, #tpu.memory_space<vmem>> -> memref<128xi32, #tpu.memory_space<vmem>>
        %dma_wait3A_403 = arith.constant 0 : i32
        %dma_wait3A_404 = arith.constant 0 : i32
        %dma_wait3A_405 = tpu.memref_slice %arg15[%dma_wait3A_403, %dma_wait3A_404] : memref<10240x16xf32, #tpu.memory_space<vmem_shared>> -> memref<10240x16xf32, #tpu.memory_space<vmem_shared>>
        %dma_wait3A_406 = tpu.memref_slice %arg18[%dma_wait3A_395] : memref<8x!tpu.dma_semaphore, #tpu.memory_space<semaphore_mem>> -> memref<1x!tpu.dma_semaphore, #tpu.memory_space<semaphore_mem>>
        %dma_wait3A_407 = tpu.memref_squeeze %dma_wait3A_406 : memref<1x!tpu.dma_semaphore, #tpu.memory_space<semaphore_mem>> -> memref<!tpu.dma_semaphore, #tpu.memory_space<semaphore_mem>>
        tpu.wait_indirect_dma semaphore(%dma_wait3A_407 : memref<!tpu.dma_semaphore, #tpu.memory_space<semaphore_mem>>) src(%dma_wait3A_405 : memref<10240x16xf32, #tpu.memory_space<vmem_shared>>) dst(%dma_wait3A_399 : memref<128x16xf32, #tpu.memory_space<vmem>>)
        %run_scoped3A = arith.constant 3 : i32
        %run_scoped3A_408 = arith.constant 1 : i32
        "tpu.region"() ({
          %run_scoped3A_415 = tpu.sem_alloc : memref<!tpu.dma_semaphore, #tpu.memory_space<semaphore_mem>>
          %dma_start3A_416 = arith.constant 0 : i32
          %dma_start3A_417 = arith.constant 0 : i32
          %dma_start3A_418 = tpu.memref_slice %arg10[%run_scoped3A, %dma_start3A_416, %dma_start3A_417] : memref<8x128x16xf32, #tpu.memory_space<vmem>> -> memref<1x128x16xf32, #tpu.memory_space<vmem>>
          %dma_start3A_419 = tpu.memref_squeeze %dma_start3A_418 : memref<1x128x16xf32, #tpu.memory_space<vmem>> -> memref<128x16xf32, #tpu.memory_space<vmem>>
          %dma_start3A_420 = arith.constant 0 : i32
          %dma_start3A_421 = tpu.memref_slice %arg9[%add3A_356, %run_scoped3A_408, %dma_start3A_420] : memref<157x2x128xi32, #tpu.memory_space<vmem>> -> memref<1x1x128xi32, #tpu.memory_space<vmem>>
          %dma_start3A_422 = tpu.memref_squeeze %dma_start3A_421 : memref<1x1x128xi32, #tpu.memory_space<vmem>> -> memref<128xi32, #tpu.memory_space<vmem>>
          %dma_start3A_423 = arith.constant 0 : i32
          %dma_start3A_424 = arith.constant 0 : i32
          %dma_start3A_425 = tpu.memref_slice %arg16[%dma_start3A_423, %dma_start3A_424] : memref<10240x16xf32, #tpu.memory_space<vmem_shared>> -> memref<10240x16xf32, #tpu.memory_space<vmem_shared>>
          tpu.enqueue_indirect_dma source(%dma_start3A_419 : memref<128x16xf32, #tpu.memory_space<vmem>>) target(%dma_start3A_425 : memref<10240x16xf32, #tpu.memory_space<vmem_shared>>) offsets(%dma_start3A_422 : memref<128xi32, #tpu.memory_space<vmem>>) semaphore(%run_scoped3A_415 : memref<!tpu.dma_semaphore, #tpu.memory_space<semaphore_mem>>) {add = true}
          %dma_wait3A_426 = arith.constant 0 : i32
          %dma_wait3A_427 = arith.constant 0 : i32
          %dma_wait3A_428 = tpu.memref_slice %arg10[%run_scoped3A, %dma_wait3A_426, %dma_wait3A_427] : memref<8x128x16xf32, #tpu.memory_space<vmem>> -> memref<1x128x16xf32, #tpu.memory_space<vmem>>
          %dma_wait3A_429 = tpu.memref_squeeze %dma_wait3A_428 : memref<1x128x16xf32, #tpu.memory_space<vmem>> -> memref<128x16xf32, #tpu.memory_space<vmem>>
          %dma_wait3A_430 = arith.constant 0 : i32
          %dma_wait3A_431 = tpu.memref_slice %arg9[%add3A_356, %run_scoped3A_408, %dma_wait3A_430] : memref<157x2x128xi32, #tpu.memory_space<vmem>> -> memref<1x1x128xi32, #tpu.memory_space<vmem>>
          %dma_wait3A_432 = tpu.memref_squeeze %dma_wait3A_431 : memref<1x1x128xi32, #tpu.memory_space<vmem>> -> memref<128xi32, #tpu.memory_space<vmem>>
          %dma_wait3A_433 = arith.constant 0 : i32
          %dma_wait3A_434 = arith.constant 0 : i32
          %dma_wait3A_435 = tpu.memref_slice %arg16[%dma_wait3A_433, %dma_wait3A_434] : memref<10240x16xf32, #tpu.memory_space<vmem_shared>> -> memref<10240x16xf32, #tpu.memory_space<vmem_shared>>
          tpu.wait_indirect_dma semaphore(%run_scoped3A_415 : memref<!tpu.dma_semaphore, #tpu.memory_space<semaphore_mem>>) src(%dma_wait3A_429 : memref<128x16xf32, #tpu.memory_space<vmem>>) dst(%dma_wait3A_435 : memref<10240x16xf32, #tpu.memory_space<vmem_shared>>)
          tpu.yield
        }) : () -> ()
        %add3A_409 = arith.constant 8 : i32
        %add3A_410 = arith.addi %add3A_356, %add3A_409 : i32
        %lt3A_411 = arith.cmpi slt, %add3A_410, %add3A_143 : i32
        %convert_element_type3A_412 = arith.extui %lt3A_411 : i1 to i32
        %cond3A_413 = arith.constant 0 : i32
        %cond3A_414 = arith.cmpi ne, %convert_element_type3A_412, %cond3A_413 : i32
        scf.if %cond3A_414 {
          %add3A_415 = arith.constant 8 : i32
          %add3A_416 = arith.addi %add3A_356, %add3A_415 : i32
          %dma_start3A_417 = arith.constant 0 : i32
          %dma_start3A_418 = arith.constant 3 : i32
          %dma_start3A_419 = arith.constant 3 : i32
          %dma_start3A_420 = arith.constant 0 : i32
          %dma_start3A_421 = arith.constant 0 : i32
          %dma_start3A_422 = tpu.memref_slice %arg10[%dma_start3A_418, %dma_start3A_420, %dma_start3A_421] : memref<8x128x16xf32, #tpu.memory_space<vmem>> -> memref<1x128x16xf32, #tpu.memory_space<vmem>>
          %dma_start3A_423 = tpu.memref_squeeze %dma_start3A_422 : memref<1x128x16xf32, #tpu.memory_space<vmem>> -> memref<128x16xf32, #tpu.memory_space<vmem>>
          %dma_start3A_424 = arith.constant 0 : i32
          %dma_start3A_425 = tpu.memref_slice %arg9[%add3A_416, %dma_start3A_417, %dma_start3A_424] : memref<157x2x128xi32, #tpu.memory_space<vmem>> -> memref<1x1x128xi32, #tpu.memory_space<vmem>>
          %dma_start3A_426 = tpu.memref_squeeze %dma_start3A_425 : memref<1x1x128xi32, #tpu.memory_space<vmem>> -> memref<128xi32, #tpu.memory_space<vmem>>
          %dma_start3A_427 = arith.constant 0 : i32
          %dma_start3A_428 = arith.constant 0 : i32
          %dma_start3A_429 = tpu.memref_slice %arg15[%dma_start3A_427, %dma_start3A_428] : memref<10240x16xf32, #tpu.memory_space<vmem_shared>> -> memref<10240x16xf32, #tpu.memory_space<vmem_shared>>
          %dma_start3A_430 = tpu.memref_slice %arg18[%dma_start3A_419] : memref<8x!tpu.dma_semaphore, #tpu.memory_space<semaphore_mem>> -> memref<1x!tpu.dma_semaphore, #tpu.memory_space<semaphore_mem>>
          %dma_start3A_431 = tpu.memref_squeeze %dma_start3A_430 : memref<1x!tpu.dma_semaphore, #tpu.memory_space<semaphore_mem>> -> memref<!tpu.dma_semaphore, #tpu.memory_space<semaphore_mem>>
          tpu.enqueue_indirect_dma source(%dma_start3A_429 : memref<10240x16xf32, #tpu.memory_space<vmem_shared>>) target(%dma_start3A_423 : memref<128x16xf32, #tpu.memory_space<vmem>>) offsets(%dma_start3A_426 : memref<128xi32, #tpu.memory_space<vmem>>) semaphore(%dma_start3A_431 : memref<!tpu.dma_semaphore, #tpu.memory_space<semaphore_mem>>)
        } else {
        }
      } else {
      }
      %mul3A_361 = arith.constant 8 : i32
      %mul3A_362 = arith.muli %scan3A_328, %mul3A_361 : i32
      %add3A_363 = arith.constant 4 : i32
      %add3A_364 = arith.addi %mul3A_362, %add3A_363 : i32
      %lt3A_365 = arith.cmpi slt, %add3A_364, %add3A_143 : i32
      %convert_element_type3A_366 = arith.extui %lt3A_365 : i1 to i32
      %cond3A_367 = arith.constant 0 : i32
      %cond3A_368 = arith.cmpi ne, %convert_element_type3A_366, %cond3A_367 : i32
      scf.if %cond3A_368 {
        %dma_wait3A_393 = arith.constant 0 : i32
        %dma_wait3A_394 = arith.constant 4 : i32
        %dma_wait3A_395 = arith.constant 4 : i32
        %dma_wait3A_396 = arith.constant 0 : i32
        %dma_wait3A_397 = arith.constant 0 : i32
        %dma_wait3A_398 = tpu.memref_slice %arg10[%dma_wait3A_394, %dma_wait3A_396, %dma_wait3A_397] : memref<8x128x16xf32, #tpu.memory_space<vmem>> -> memref<1x128x16xf32, #tpu.memory_space<vmem>>
        %dma_wait3A_399 = tpu.memref_squeeze %dma_wait3A_398 : memref<1x128x16xf32, #tpu.memory_space<vmem>> -> memref<128x16xf32, #tpu.memory_space<vmem>>
        %dma_wait3A_400 = arith.constant 0 : i32
        %dma_wait3A_401 = tpu.memref_slice %arg9[%add3A_364, %dma_wait3A_393, %dma_wait3A_400] : memref<157x2x128xi32, #tpu.memory_space<vmem>> -> memref<1x1x128xi32, #tpu.memory_space<vmem>>
        %dma_wait3A_402 = tpu.memref_squeeze %dma_wait3A_401 : memref<1x1x128xi32, #tpu.memory_space<vmem>> -> memref<128xi32, #tpu.memory_space<vmem>>
        %dma_wait3A_403 = arith.constant 0 : i32
        %dma_wait3A_404 = arith.constant 0 : i32
        %dma_wait3A_405 = tpu.memref_slice %arg15[%dma_wait3A_403, %dma_wait3A_404] : memref<10240x16xf32, #tpu.memory_space<vmem_shared>> -> memref<10240x16xf32, #tpu.memory_space<vmem_shared>>
        %dma_wait3A_406 = tpu.memref_slice %arg18[%dma_wait3A_395] : memref<8x!tpu.dma_semaphore, #tpu.memory_space<semaphore_mem>> -> memref<1x!tpu.dma_semaphore, #tpu.memory_space<semaphore_mem>>
        %dma_wait3A_407 = tpu.memref_squeeze %dma_wait3A_406 : memref<1x!tpu.dma_semaphore, #tpu.memory_space<semaphore_mem>> -> memref<!tpu.dma_semaphore, #tpu.memory_space<semaphore_mem>>
        tpu.wait_indirect_dma semaphore(%dma_wait3A_407 : memref<!tpu.dma_semaphore, #tpu.memory_space<semaphore_mem>>) src(%dma_wait3A_405 : memref<10240x16xf32, #tpu.memory_space<vmem_shared>>) dst(%dma_wait3A_399 : memref<128x16xf32, #tpu.memory_space<vmem>>)
        %run_scoped3A = arith.constant 4 : i32
        %run_scoped3A_408 = arith.constant 1 : i32
        "tpu.region"() ({
          %run_scoped3A_415 = tpu.sem_alloc : memref<!tpu.dma_semaphore, #tpu.memory_space<semaphore_mem>>
          %dma_start3A_416 = arith.constant 0 : i32
          %dma_start3A_417 = arith.constant 0 : i32
          %dma_start3A_418 = tpu.memref_slice %arg10[%run_scoped3A, %dma_start3A_416, %dma_start3A_417] : memref<8x128x16xf32, #tpu.memory_space<vmem>> -> memref<1x128x16xf32, #tpu.memory_space<vmem>>
          %dma_start3A_419 = tpu.memref_squeeze %dma_start3A_418 : memref<1x128x16xf32, #tpu.memory_space<vmem>> -> memref<128x16xf32, #tpu.memory_space<vmem>>
          %dma_start3A_420 = arith.constant 0 : i32
          %dma_start3A_421 = tpu.memref_slice %arg9[%add3A_364, %run_scoped3A_408, %dma_start3A_420] : memref<157x2x128xi32, #tpu.memory_space<vmem>> -> memref<1x1x128xi32, #tpu.memory_space<vmem>>
          %dma_start3A_422 = tpu.memref_squeeze %dma_start3A_421 : memref<1x1x128xi32, #tpu.memory_space<vmem>> -> memref<128xi32, #tpu.memory_space<vmem>>
          %dma_start3A_423 = arith.constant 0 : i32
          %dma_start3A_424 = arith.constant 0 : i32
          %dma_start3A_425 = tpu.memref_slice %arg16[%dma_start3A_423, %dma_start3A_424] : memref<10240x16xf32, #tpu.memory_space<vmem_shared>> -> memref<10240x16xf32, #tpu.memory_space<vmem_shared>>
          tpu.enqueue_indirect_dma source(%dma_start3A_419 : memref<128x16xf32, #tpu.memory_space<vmem>>) target(%dma_start3A_425 : memref<10240x16xf32, #tpu.memory_space<vmem_shared>>) offsets(%dma_start3A_422 : memref<128xi32, #tpu.memory_space<vmem>>) semaphore(%run_scoped3A_415 : memref<!tpu.dma_semaphore, #tpu.memory_space<semaphore_mem>>) {add = true}
          %dma_wait3A_426 = arith.constant 0 : i32
          %dma_wait3A_427 = arith.constant 0 : i32
          %dma_wait3A_428 = tpu.memref_slice %arg10[%run_scoped3A, %dma_wait3A_426, %dma_wait3A_427] : memref<8x128x16xf32, #tpu.memory_space<vmem>> -> memref<1x128x16xf32, #tpu.memory_space<vmem>>
          %dma_wait3A_429 = tpu.memref_squeeze %dma_wait3A_428 : memref<1x128x16xf32, #tpu.memory_space<vmem>> -> memref<128x16xf32, #tpu.memory_space<vmem>>
          %dma_wait3A_430 = arith.constant 0 : i32
          %dma_wait3A_431 = tpu.memref_slice %arg9[%add3A_364, %run_scoped3A_408, %dma_wait3A_430] : memref<157x2x128xi32, #tpu.memory_space<vmem>> -> memref<1x1x128xi32, #tpu.memory_space<vmem>>
          %dma_wait3A_432 = tpu.memref_squeeze %dma_wait3A_431 : memref<1x1x128xi32, #tpu.memory_space<vmem>> -> memref<128xi32, #tpu.memory_space<vmem>>
          %dma_wait3A_433 = arith.constant 0 : i32
          %dma_wait3A_434 = arith.constant 0 : i32
          %dma_wait3A_435 = tpu.memref_slice %arg16[%dma_wait3A_433, %dma_wait3A_434] : memref<10240x16xf32, #tpu.memory_space<vmem_shared>> -> memref<10240x16xf32, #tpu.memory_space<vmem_shared>>
          tpu.wait_indirect_dma semaphore(%run_scoped3A_415 : memref<!tpu.dma_semaphore, #tpu.memory_space<semaphore_mem>>) src(%dma_wait3A_429 : memref<128x16xf32, #tpu.memory_space<vmem>>) dst(%dma_wait3A_435 : memref<10240x16xf32, #tpu.memory_space<vmem_shared>>)
          tpu.yield
        }) : () -> ()
        %add3A_409 = arith.constant 8 : i32
        %add3A_410 = arith.addi %add3A_364, %add3A_409 : i32
        %lt3A_411 = arith.cmpi slt, %add3A_410, %add3A_143 : i32
        %convert_element_type3A_412 = arith.extui %lt3A_411 : i1 to i32
        %cond3A_413 = arith.constant 0 : i32
        %cond3A_414 = arith.cmpi ne, %convert_element_type3A_412, %cond3A_413 : i32
        scf.if %cond3A_414 {
          %add3A_415 = arith.constant 8 : i32
          %add3A_416 = arith.addi %add3A_364, %add3A_415 : i32
          %dma_start3A_417 = arith.constant 0 : i32
          %dma_start3A_418 = arith.constant 4 : i32
          %dma_start3A_419 = arith.constant 4 : i32
          %dma_start3A_420 = arith.constant 0 : i32
          %dma_start3A_421 = arith.constant 0 : i32
          %dma_start3A_422 = tpu.memref_slice %arg10[%dma_start3A_418, %dma_start3A_420, %dma_start3A_421] : memref<8x128x16xf32, #tpu.memory_space<vmem>> -> memref<1x128x16xf32, #tpu.memory_space<vmem>>
          %dma_start3A_423 = tpu.memref_squeeze %dma_start3A_422 : memref<1x128x16xf32, #tpu.memory_space<vmem>> -> memref<128x16xf32, #tpu.memory_space<vmem>>
          %dma_start3A_424 = arith.constant 0 : i32
          %dma_start3A_425 = tpu.memref_slice %arg9[%add3A_416, %dma_start3A_417, %dma_start3A_424] : memref<157x2x128xi32, #tpu.memory_space<vmem>> -> memref<1x1x128xi32, #tpu.memory_space<vmem>>
          %dma_start3A_426 = tpu.memref_squeeze %dma_start3A_425 : memref<1x1x128xi32, #tpu.memory_space<vmem>> -> memref<128xi32, #tpu.memory_space<vmem>>
          %dma_start3A_427 = arith.constant 0 : i32
          %dma_start3A_428 = arith.constant 0 : i32
          %dma_start3A_429 = tpu.memref_slice %arg15[%dma_start3A_427, %dma_start3A_428] : memref<10240x16xf32, #tpu.memory_space<vmem_shared>> -> memref<10240x16xf32, #tpu.memory_space<vmem_shared>>
          %dma_start3A_430 = tpu.memref_slice %arg18[%dma_start3A_419] : memref<8x!tpu.dma_semaphore, #tpu.memory_space<semaphore_mem>> -> memref<1x!tpu.dma_semaphore, #tpu.memory_space<semaphore_mem>>
          %dma_start3A_431 = tpu.memref_squeeze %dma_start3A_430 : memref<1x!tpu.dma_semaphore, #tpu.memory_space<semaphore_mem>> -> memref<!tpu.dma_semaphore, #tpu.memory_space<semaphore_mem>>
          tpu.enqueue_indirect_dma source(%dma_start3A_429 : memref<10240x16xf32, #tpu.memory_space<vmem_shared>>) target(%dma_start3A_423 : memref<128x16xf32, #tpu.memory_space<vmem>>) offsets(%dma_start3A_426 : memref<128xi32, #tpu.memory_space<vmem>>) semaphore(%dma_start3A_431 : memref<!tpu.dma_semaphore, #tpu.memory_space<semaphore_mem>>)
        } else {
        }
      } else {
      }
      %mul3A_369 = arith.constant 8 : i32
      %mul3A_370 = arith.muli %scan3A_328, %mul3A_369 : i32
      %add3A_371 = arith.constant 5 : i32
      %add3A_372 = arith.addi %mul3A_370, %add3A_371 : i32
      %lt3A_373 = arith.cmpi slt, %add3A_372, %add3A_143 : i32
      %convert_element_type3A_374 = arith.extui %lt3A_373 : i1 to i32
      %cond3A_375 = arith.constant 0 : i32
      %cond3A_376 = arith.cmpi ne, %convert_element_type3A_374, %cond3A_375 : i32
      scf.if %cond3A_376 {
        %dma_wait3A_393 = arith.constant 0 : i32
        %dma_wait3A_394 = arith.constant 5 : i32
        %dma_wait3A_395 = arith.constant 5 : i32
        %dma_wait3A_396 = arith.constant 0 : i32
        %dma_wait3A_397 = arith.constant 0 : i32
        %dma_wait3A_398 = tpu.memref_slice %arg10[%dma_wait3A_394, %dma_wait3A_396, %dma_wait3A_397] : memref<8x128x16xf32, #tpu.memory_space<vmem>> -> memref<1x128x16xf32, #tpu.memory_space<vmem>>
        %dma_wait3A_399 = tpu.memref_squeeze %dma_wait3A_398 : memref<1x128x16xf32, #tpu.memory_space<vmem>> -> memref<128x16xf32, #tpu.memory_space<vmem>>
        %dma_wait3A_400 = arith.constant 0 : i32
        %dma_wait3A_401 = tpu.memref_slice %arg9[%add3A_372, %dma_wait3A_393, %dma_wait3A_400] : memref<157x2x128xi32, #tpu.memory_space<vmem>> -> memref<1x1x128xi32, #tpu.memory_space<vmem>>
        %dma_wait3A_402 = tpu.memref_squeeze %dma_wait3A_401 : memref<1x1x128xi32, #tpu.memory_space<vmem>> -> memref<128xi32, #tpu.memory_space<vmem>>
        %dma_wait3A_403 = arith.constant 0 : i32
        %dma_wait3A_404 = arith.constant 0 : i32
        %dma_wait3A_405 = tpu.memref_slice %arg15[%dma_wait3A_403, %dma_wait3A_404] : memref<10240x16xf32, #tpu.memory_space<vmem_shared>> -> memref<10240x16xf32, #tpu.memory_space<vmem_shared>>
        %dma_wait3A_406 = tpu.memref_slice %arg18[%dma_wait3A_395] : memref<8x!tpu.dma_semaphore, #tpu.memory_space<semaphore_mem>> -> memref<1x!tpu.dma_semaphore, #tpu.memory_space<semaphore_mem>>
        %dma_wait3A_407 = tpu.memref_squeeze %dma_wait3A_406 : memref<1x!tpu.dma_semaphore, #tpu.memory_space<semaphore_mem>> -> memref<!tpu.dma_semaphore, #tpu.memory_space<semaphore_mem>>
        tpu.wait_indirect_dma semaphore(%dma_wait3A_407 : memref<!tpu.dma_semaphore, #tpu.memory_space<semaphore_mem>>) src(%dma_wait3A_405 : memref<10240x16xf32, #tpu.memory_space<vmem_shared>>) dst(%dma_wait3A_399 : memref<128x16xf32, #tpu.memory_space<vmem>>)
        %run_scoped3A = arith.constant 5 : i32
        %run_scoped3A_408 = arith.constant 1 : i32
        "tpu.region"() ({
          %run_scoped3A_415 = tpu.sem_alloc : memref<!tpu.dma_semaphore, #tpu.memory_space<semaphore_mem>>
          %dma_start3A_416 = arith.constant 0 : i32
          %dma_start3A_417 = arith.constant 0 : i32
          %dma_start3A_418 = tpu.memref_slice %arg10[%run_scoped3A, %dma_start3A_416, %dma_start3A_417] : memref<8x128x16xf32, #tpu.memory_space<vmem>> -> memref<1x128x16xf32, #tpu.memory_space<vmem>>
          %dma_start3A_419 = tpu.memref_squeeze %dma_start3A_418 : memref<1x128x16xf32, #tpu.memory_space<vmem>> -> memref<128x16xf32, #tpu.memory_space<vmem>>
          %dma_start3A_420 = arith.constant 0 : i32
          %dma_start3A_421 = tpu.memref_slice %arg9[%add3A_372, %run_scoped3A_408, %dma_start3A_420] : memref<157x2x128xi32, #tpu.memory_space<vmem>> -> memref<1x1x128xi32, #tpu.memory_space<vmem>>
          %dma_start3A_422 = tpu.memref_squeeze %dma_start3A_421 : memref<1x1x128xi32, #tpu.memory_space<vmem>> -> memref<128xi32, #tpu.memory_space<vmem>>
          %dma_start3A_423 = arith.constant 0 : i32
          %dma_start3A_424 = arith.constant 0 : i32
          %dma_start3A_425 = tpu.memref_slice %arg16[%dma_start3A_423, %dma_start3A_424] : memref<10240x16xf32, #tpu.memory_space<vmem_shared>> -> memref<10240x16xf32, #tpu.memory_space<vmem_shared>>
          tpu.enqueue_indirect_dma source(%dma_start3A_419 : memref<128x16xf32, #tpu.memory_space<vmem>>) target(%dma_start3A_425 : memref<10240x16xf32, #tpu.memory_space<vmem_shared>>) offsets(%dma_start3A_422 : memref<128xi32, #tpu.memory_space<vmem>>) semaphore(%run_scoped3A_415 : memref<!tpu.dma_semaphore, #tpu.memory_space<semaphore_mem>>) {add = true}
          %dma_wait3A_426 = arith.constant 0 : i32
          %dma_wait3A_427 = arith.constant 0 : i32
          %dma_wait3A_428 = tpu.memref_slice %arg10[%run_scoped3A, %dma_wait3A_426, %dma_wait3A_427] : memref<8x128x16xf32, #tpu.memory_space<vmem>> -> memref<1x128x16xf32, #tpu.memory_space<vmem>>
          %dma_wait3A_429 = tpu.memref_squeeze %dma_wait3A_428 : memref<1x128x16xf32, #tpu.memory_space<vmem>> -> memref<128x16xf32, #tpu.memory_space<vmem>>
          %dma_wait3A_430 = arith.constant 0 : i32
          %dma_wait3A_431 = tpu.memref_slice %arg9[%add3A_372, %run_scoped3A_408, %dma_wait3A_430] : memref<157x2x128xi32, #tpu.memory_space<vmem>> -> memref<1x1x128xi32, #tpu.memory_space<vmem>>
          %dma_wait3A_432 = tpu.memref_squeeze %dma_wait3A_431 : memref<1x1x128xi32, #tpu.memory_space<vmem>> -> memref<128xi32, #tpu.memory_space<vmem>>
          %dma_wait3A_433 = arith.constant 0 : i32
          %dma_wait3A_434 = arith.constant 0 : i32
          %dma_wait3A_435 = tpu.memref_slice %arg16[%dma_wait3A_433, %dma_wait3A_434] : memref<10240x16xf32, #tpu.memory_space<vmem_shared>> -> memref<10240x16xf32, #tpu.memory_space<vmem_shared>>
          tpu.wait_indirect_dma semaphore(%run_scoped3A_415 : memref<!tpu.dma_semaphore, #tpu.memory_space<semaphore_mem>>) src(%dma_wait3A_429 : memref<128x16xf32, #tpu.memory_space<vmem>>) dst(%dma_wait3A_435 : memref<10240x16xf32, #tpu.memory_space<vmem_shared>>)
          tpu.yield
        }) : () -> ()
        %add3A_409 = arith.constant 8 : i32
        %add3A_410 = arith.addi %add3A_372, %add3A_409 : i32
        %lt3A_411 = arith.cmpi slt, %add3A_410, %add3A_143 : i32
        %convert_element_type3A_412 = arith.extui %lt3A_411 : i1 to i32
        %cond3A_413 = arith.constant 0 : i32
        %cond3A_414 = arith.cmpi ne, %convert_element_type3A_412, %cond3A_413 : i32
        scf.if %cond3A_414 {
          %add3A_415 = arith.constant 8 : i32
          %add3A_416 = arith.addi %add3A_372, %add3A_415 : i32
          %dma_start3A_417 = arith.constant 0 : i32
          %dma_start3A_418 = arith.constant 5 : i32
          %dma_start3A_419 = arith.constant 5 : i32
          %dma_start3A_420 = arith.constant 0 : i32
          %dma_start3A_421 = arith.constant 0 : i32
          %dma_start3A_422 = tpu.memref_slice %arg10[%dma_start3A_418, %dma_start3A_420, %dma_start3A_421] : memref<8x128x16xf32, #tpu.memory_space<vmem>> -> memref<1x128x16xf32, #tpu.memory_space<vmem>>
          %dma_start3A_423 = tpu.memref_squeeze %dma_start3A_422 : memref<1x128x16xf32, #tpu.memory_space<vmem>> -> memref<128x16xf32, #tpu.memory_space<vmem>>
          %dma_start3A_424 = arith.constant 0 : i32
          %dma_start3A_425 = tpu.memref_slice %arg9[%add3A_416, %dma_start3A_417, %dma_start3A_424] : memref<157x2x128xi32, #tpu.memory_space<vmem>> -> memref<1x1x128xi32, #tpu.memory_space<vmem>>
          %dma_start3A_426 = tpu.memref_squeeze %dma_start3A_425 : memref<1x1x128xi32, #tpu.memory_space<vmem>> -> memref<128xi32, #tpu.memory_space<vmem>>
          %dma_start3A_427 = arith.constant 0 : i32
          %dma_start3A_428 = arith.constant 0 : i32
          %dma_start3A_429 = tpu.memref_slice %arg15[%dma_start3A_427, %dma_start3A_428] : memref<10240x16xf32, #tpu.memory_space<vmem_shared>> -> memref<10240x16xf32, #tpu.memory_space<vmem_shared>>
          %dma_start3A_430 = tpu.memref_slice %arg18[%dma_start3A_419] : memref<8x!tpu.dma_semaphore, #tpu.memory_space<semaphore_mem>> -> memref<1x!tpu.dma_semaphore, #tpu.memory_space<semaphore_mem>>
          %dma_start3A_431 = tpu.memref_squeeze %dma_start3A_430 : memref<1x!tpu.dma_semaphore, #tpu.memory_space<semaphore_mem>> -> memref<!tpu.dma_semaphore, #tpu.memory_space<semaphore_mem>>
          tpu.enqueue_indirect_dma source(%dma_start3A_429 : memref<10240x16xf32, #tpu.memory_space<vmem_shared>>) target(%dma_start3A_423 : memref<128x16xf32, #tpu.memory_space<vmem>>) offsets(%dma_start3A_426 : memref<128xi32, #tpu.memory_space<vmem>>) semaphore(%dma_start3A_431 : memref<!tpu.dma_semaphore, #tpu.memory_space<semaphore_mem>>)
        } else {
        }
      } else {
      }
      %mul3A_377 = arith.constant 8 : i32
      %mul3A_378 = arith.muli %scan3A_328, %mul3A_377 : i32
      %add3A_379 = arith.constant 6 : i32
      %add3A_380 = arith.addi %mul3A_378, %add3A_379 : i32
      %lt3A_381 = arith.cmpi slt, %add3A_380, %add3A_143 : i32
      %convert_element_type3A_382 = arith.extui %lt3A_381 : i1 to i32
      %cond3A_383 = arith.constant 0 : i32
      %cond3A_384 = arith.cmpi ne, %convert_element_type3A_382, %cond3A_383 : i32
      scf.if %cond3A_384 {
        %dma_wait3A_393 = arith.constant 0 : i32
        %dma_wait3A_394 = arith.constant 6 : i32
        %dma_wait3A_395 = arith.constant 6 : i32
        %dma_wait3A_396 = arith.constant 0 : i32
        %dma_wait3A_397 = arith.constant 0 : i32
        %dma_wait3A_398 = tpu.memref_slice %arg10[%dma_wait3A_394, %dma_wait3A_396, %dma_wait3A_397] : memref<8x128x16xf32, #tpu.memory_space<vmem>> -> memref<1x128x16xf32, #tpu.memory_space<vmem>>
        %dma_wait3A_399 = tpu.memref_squeeze %dma_wait3A_398 : memref<1x128x16xf32, #tpu.memory_space<vmem>> -> memref<128x16xf32, #tpu.memory_space<vmem>>
        %dma_wait3A_400 = arith.constant 0 : i32
        %dma_wait3A_401 = tpu.memref_slice %arg9[%add3A_380, %dma_wait3A_393, %dma_wait3A_400] : memref<157x2x128xi32, #tpu.memory_space<vmem>> -> memref<1x1x128xi32, #tpu.memory_space<vmem>>
        %dma_wait3A_402 = tpu.memref_squeeze %dma_wait3A_401 : memref<1x1x128xi32, #tpu.memory_space<vmem>> -> memref<128xi32, #tpu.memory_space<vmem>>
        %dma_wait3A_403 = arith.constant 0 : i32
        %dma_wait3A_404 = arith.constant 0 : i32
        %dma_wait3A_405 = tpu.memref_slice %arg15[%dma_wait3A_403, %dma_wait3A_404] : memref<10240x16xf32, #tpu.memory_space<vmem_shared>> -> memref<10240x16xf32, #tpu.memory_space<vmem_shared>>
        %dma_wait3A_406 = tpu.memref_slice %arg18[%dma_wait3A_395] : memref<8x!tpu.dma_semaphore, #tpu.memory_space<semaphore_mem>> -> memref<1x!tpu.dma_semaphore, #tpu.memory_space<semaphore_mem>>
        %dma_wait3A_407 = tpu.memref_squeeze %dma_wait3A_406 : memref<1x!tpu.dma_semaphore, #tpu.memory_space<semaphore_mem>> -> memref<!tpu.dma_semaphore, #tpu.memory_space<semaphore_mem>>
        tpu.wait_indirect_dma semaphore(%dma_wait3A_407 : memref<!tpu.dma_semaphore, #tpu.memory_space<semaphore_mem>>) src(%dma_wait3A_405 : memref<10240x16xf32, #tpu.memory_space<vmem_shared>>) dst(%dma_wait3A_399 : memref<128x16xf32, #tpu.memory_space<vmem>>)
        %run_scoped3A = arith.constant 6 : i32
        %run_scoped3A_408 = arith.constant 1 : i32
        "tpu.region"() ({
          %run_scoped3A_415 = tpu.sem_alloc : memref<!tpu.dma_semaphore, #tpu.memory_space<semaphore_mem>>
          %dma_start3A_416 = arith.constant 0 : i32
          %dma_start3A_417 = arith.constant 0 : i32
          %dma_start3A_418 = tpu.memref_slice %arg10[%run_scoped3A, %dma_start3A_416, %dma_start3A_417] : memref<8x128x16xf32, #tpu.memory_space<vmem>> -> memref<1x128x16xf32, #tpu.memory_space<vmem>>
          %dma_start3A_419 = tpu.memref_squeeze %dma_start3A_418 : memref<1x128x16xf32, #tpu.memory_space<vmem>> -> memref<128x16xf32, #tpu.memory_space<vmem>>
          %dma_start3A_420 = arith.constant 0 : i32
          %dma_start3A_421 = tpu.memref_slice %arg9[%add3A_380, %run_scoped3A_408, %dma_start3A_420] : memref<157x2x128xi32, #tpu.memory_space<vmem>> -> memref<1x1x128xi32, #tpu.memory_space<vmem>>
          %dma_start3A_422 = tpu.memref_squeeze %dma_start3A_421 : memref<1x1x128xi32, #tpu.memory_space<vmem>> -> memref<128xi32, #tpu.memory_space<vmem>>
          %dma_start3A_423 = arith.constant 0 : i32
          %dma_start3A_424 = arith.constant 0 : i32
          %dma_start3A_425 = tpu.memref_slice %arg16[%dma_start3A_423, %dma_start3A_424] : memref<10240x16xf32, #tpu.memory_space<vmem_shared>> -> memref<10240x16xf32, #tpu.memory_space<vmem_shared>>
          tpu.enqueue_indirect_dma source(%dma_start3A_419 : memref<128x16xf32, #tpu.memory_space<vmem>>) target(%dma_start3A_425 : memref<10240x16xf32, #tpu.memory_space<vmem_shared>>) offsets(%dma_start3A_422 : memref<128xi32, #tpu.memory_space<vmem>>) semaphore(%run_scoped3A_415 : memref<!tpu.dma_semaphore, #tpu.memory_space<semaphore_mem>>) {add = true}
          %dma_wait3A_426 = arith.constant 0 : i32
          %dma_wait3A_427 = arith.constant 0 : i32
          %dma_wait3A_428 = tpu.memref_slice %arg10[%run_scoped3A, %dma_wait3A_426, %dma_wait3A_427] : memref<8x128x16xf32, #tpu.memory_space<vmem>> -> memref<1x128x16xf32, #tpu.memory_space<vmem>>
          %dma_wait3A_429 = tpu.memref_squeeze %dma_wait3A_428 : memref<1x128x16xf32, #tpu.memory_space<vmem>> -> memref<128x16xf32, #tpu.memory_space<vmem>>
          %dma_wait3A_430 = arith.constant 0 : i32
          %dma_wait3A_431 = tpu.memref_slice %arg9[%add3A_380, %run_scoped3A_408, %dma_wait3A_430] : memref<157x2x128xi32, #tpu.memory_space<vmem>> -> memref<1x1x128xi32, #tpu.memory_space<vmem>>
          %dma_wait3A_432 = tpu.memref_squeeze %dma_wait3A_431 : memref<1x1x128xi32, #tpu.memory_space<vmem>> -> memref<128xi32, #tpu.memory_space<vmem>>
          %dma_wait3A_433 = arith.constant 0 : i32
          %dma_wait3A_434 = arith.constant 0 : i32
          %dma_wait3A_435 = tpu.memref_slice %arg16[%dma_wait3A_433, %dma_wait3A_434] : memref<10240x16xf32, #tpu.memory_space<vmem_shared>> -> memref<10240x16xf32, #tpu.memory_space<vmem_shared>>
          tpu.wait_indirect_dma semaphore(%run_scoped3A_415 : memref<!tpu.dma_semaphore, #tpu.memory_space<semaphore_mem>>) src(%dma_wait3A_429 : memref<128x16xf32, #tpu.memory_space<vmem>>) dst(%dma_wait3A_435 : memref<10240x16xf32, #tpu.memory_space<vmem_shared>>)
          tpu.yield
        }) : () -> ()
        %add3A_409 = arith.constant 8 : i32
        %add3A_410 = arith.addi %add3A_380, %add3A_409 : i32
        %lt3A_411 = arith.cmpi slt, %add3A_410, %add3A_143 : i32
        %convert_element_type3A_412 = arith.extui %lt3A_411 : i1 to i32
        %cond3A_413 = arith.constant 0 : i32
        %cond3A_414 = arith.cmpi ne, %convert_element_type3A_412, %cond3A_413 : i32
        scf.if %cond3A_414 {
          %add3A_415 = arith.constant 8 : i32
          %add3A_416 = arith.addi %add3A_380, %add3A_415 : i32
          %dma_start3A_417 = arith.constant 0 : i32
          %dma_start3A_418 = arith.constant 6 : i32
          %dma_start3A_419 = arith.constant 6 : i32
          %dma_start3A_420 = arith.constant 0 : i32
          %dma_start3A_421 = arith.constant 0 : i32
          %dma_start3A_422 = tpu.memref_slice %arg10[%dma_start3A_418, %dma_start3A_420, %dma_start3A_421] : memref<8x128x16xf32, #tpu.memory_space<vmem>> -> memref<1x128x16xf32, #tpu.memory_space<vmem>>
          %dma_start3A_423 = tpu.memref_squeeze %dma_start3A_422 : memref<1x128x16xf32, #tpu.memory_space<vmem>> -> memref<128x16xf32, #tpu.memory_space<vmem>>
          %dma_start3A_424 = arith.constant 0 : i32
          %dma_start3A_425 = tpu.memref_slice %arg9[%add3A_416, %dma_start3A_417, %dma_start3A_424] : memref<157x2x128xi32, #tpu.memory_space<vmem>> -> memref<1x1x128xi32, #tpu.memory_space<vmem>>
          %dma_start3A_426 = tpu.memref_squeeze %dma_start3A_425 : memref<1x1x128xi32, #tpu.memory_space<vmem>> -> memref<128xi32, #tpu.memory_space<vmem>>
          %dma_start3A_427 = arith.constant 0 : i32
          %dma_start3A_428 = arith.constant 0 : i32
          %dma_start3A_429 = tpu.memref_slice %arg15[%dma_start3A_427, %dma_start3A_428] : memref<10240x16xf32, #tpu.memory_space<vmem_shared>> -> memref<10240x16xf32, #tpu.memory_space<vmem_shared>>
          %dma_start3A_430 = tpu.memref_slice %arg18[%dma_start3A_419] : memref<8x!tpu.dma_semaphore, #tpu.memory_space<semaphore_mem>> -> memref<1x!tpu.dma_semaphore, #tpu.memory_space<semaphore_mem>>
          %dma_start3A_431 = tpu.memref_squeeze %dma_start3A_430 : memref<1x!tpu.dma_semaphore, #tpu.memory_space<semaphore_mem>> -> memref<!tpu.dma_semaphore, #tpu.memory_space<semaphore_mem>>
          tpu.enqueue_indirect_dma source(%dma_start3A_429 : memref<10240x16xf32, #tpu.memory_space<vmem_shared>>) target(%dma_start3A_423 : memref<128x16xf32, #tpu.memory_space<vmem>>) offsets(%dma_start3A_426 : memref<128xi32, #tpu.memory_space<vmem>>) semaphore(%dma_start3A_431 : memref<!tpu.dma_semaphore, #tpu.memory_space<semaphore_mem>>)
        } else {
        }
      } else {
      }
      %mul3A_385 = arith.constant 8 : i32
      %mul3A_386 = arith.muli %scan3A_328, %mul3A_385 : i32
      %add3A_387 = arith.constant 7 : i32
      %add3A_388 = arith.addi %mul3A_386, %add3A_387 : i32
      %lt3A_389 = arith.cmpi slt, %add3A_388, %add3A_143 : i32
      %convert_element_type3A_390 = arith.extui %lt3A_389 : i1 to i32
      %cond3A_391 = arith.constant 0 : i32
      %cond3A_392 = arith.cmpi ne, %convert_element_type3A_390, %cond3A_391 : i32
      scf.if %cond3A_392 {
        %dma_wait3A_393 = arith.constant 0 : i32
        %dma_wait3A_394 = arith.constant 7 : i32
        %dma_wait3A_395 = arith.constant 7 : i32
        %dma_wait3A_396 = arith.constant 0 : i32
        %dma_wait3A_397 = arith.constant 0 : i32
        %dma_wait3A_398 = tpu.memref_slice %arg10[%dma_wait3A_394, %dma_wait3A_396, %dma_wait3A_397] : memref<8x128x16xf32, #tpu.memory_space<vmem>> -> memref<1x128x16xf32, #tpu.memory_space<vmem>>
        %dma_wait3A_399 = tpu.memref_squeeze %dma_wait3A_398 : memref<1x128x16xf32, #tpu.memory_space<vmem>> -> memref<128x16xf32, #tpu.memory_space<vmem>>
        %dma_wait3A_400 = arith.constant 0 : i32
        %dma_wait3A_401 = tpu.memref_slice %arg9[%add3A_388, %dma_wait3A_393, %dma_wait3A_400] : memref<157x2x128xi32, #tpu.memory_space<vmem>> -> memref<1x1x128xi32, #tpu.memory_space<vmem>>
        %dma_wait3A_402 = tpu.memref_squeeze %dma_wait3A_401 : memref<1x1x128xi32, #tpu.memory_space<vmem>> -> memref<128xi32, #tpu.memory_space<vmem>>
        %dma_wait3A_403 = arith.constant 0 : i32
        %dma_wait3A_404 = arith.constant 0 : i32
        %dma_wait3A_405 = tpu.memref_slice %arg15[%dma_wait3A_403, %dma_wait3A_404] : memref<10240x16xf32, #tpu.memory_space<vmem_shared>> -> memref<10240x16xf32, #tpu.memory_space<vmem_shared>>
        %dma_wait3A_406 = tpu.memref_slice %arg18[%dma_wait3A_395] : memref<8x!tpu.dma_semaphore, #tpu.memory_space<semaphore_mem>> -> memref<1x!tpu.dma_semaphore, #tpu.memory_space<semaphore_mem>>
        %dma_wait3A_407 = tpu.memref_squeeze %dma_wait3A_406 : memref<1x!tpu.dma_semaphore, #tpu.memory_space<semaphore_mem>> -> memref<!tpu.dma_semaphore, #tpu.memory_space<semaphore_mem>>
        tpu.wait_indirect_dma semaphore(%dma_wait3A_407 : memref<!tpu.dma_semaphore, #tpu.memory_space<semaphore_mem>>) src(%dma_wait3A_405 : memref<10240x16xf32, #tpu.memory_space<vmem_shared>>) dst(%dma_wait3A_399 : memref<128x16xf32, #tpu.memory_space<vmem>>)
        %run_scoped3A = arith.constant 7 : i32
        %run_scoped3A_408 = arith.constant 1 : i32
        "tpu.region"() ({
          %run_scoped3A_415 = tpu.sem_alloc : memref<!tpu.dma_semaphore, #tpu.memory_space<semaphore_mem>>
          %dma_start3A_416 = arith.constant 0 : i32
          %dma_start3A_417 = arith.constant 0 : i32
          %dma_start3A_418 = tpu.memref_slice %arg10[%run_scoped3A, %dma_start3A_416, %dma_start3A_417] : memref<8x128x16xf32, #tpu.memory_space<vmem>> -> memref<1x128x16xf32, #tpu.memory_space<vmem>>
          %dma_start3A_419 = tpu.memref_squeeze %dma_start3A_418 : memref<1x128x16xf32, #tpu.memory_space<vmem>> -> memref<128x16xf32, #tpu.memory_space<vmem>>
          %dma_start3A_420 = arith.constant 0 : i32
          %dma_start3A_421 = tpu.memref_slice %arg9[%add3A_388, %run_scoped3A_408, %dma_start3A_420] : memref<157x2x128xi32, #tpu.memory_space<vmem>> -> memref<1x1x128xi32, #tpu.memory_space<vmem>>
          %dma_start3A_422 = tpu.memref_squeeze %dma_start3A_421 : memref<1x1x128xi32, #tpu.memory_space<vmem>> -> memref<128xi32, #tpu.memory_space<vmem>>
          %dma_start3A_423 = arith.constant 0 : i32
          %dma_start3A_424 = arith.constant 0 : i32
          %dma_start3A_425 = tpu.memref_slice %arg16[%dma_start3A_423, %dma_start3A_424] : memref<10240x16xf32, #tpu.memory_space<vmem_shared>> -> memref<10240x16xf32, #tpu.memory_space<vmem_shared>>
          tpu.enqueue_indirect_dma source(%dma_start3A_419 : memref<128x16xf32, #tpu.memory_space<vmem>>) target(%dma_start3A_425 : memref<10240x16xf32, #tpu.memory_space<vmem_shared>>) offsets(%dma_start3A_422 : memref<128xi32, #tpu.memory_space<vmem>>) semaphore(%run_scoped3A_415 : memref<!tpu.dma_semaphore, #tpu.memory_space<semaphore_mem>>) {add = true}
          %dma_wait3A_426 = arith.constant 0 : i32
          %dma_wait3A_427 = arith.constant 0 : i32
          %dma_wait3A_428 = tpu.memref_slice %arg10[%run_scoped3A, %dma_wait3A_426, %dma_wait3A_427] : memref<8x128x16xf32, #tpu.memory_space<vmem>> -> memref<1x128x16xf32, #tpu.memory_space<vmem>>
          %dma_wait3A_429 = tpu.memref_squeeze %dma_wait3A_428 : memref<1x128x16xf32, #tpu.memory_space<vmem>> -> memref<128x16xf32, #tpu.memory_space<vmem>>
          %dma_wait3A_430 = arith.constant 0 : i32
          %dma_wait3A_431 = tpu.memref_slice %arg9[%add3A_388, %run_scoped3A_408, %dma_wait3A_430] : memref<157x2x128xi32, #tpu.memory_space<vmem>> -> memref<1x1x128xi32, #tpu.memory_space<vmem>>
          %dma_wait3A_432 = tpu.memref_squeeze %dma_wait3A_431 : memref<1x1x128xi32, #tpu.memory_space<vmem>> -> memref<128xi32, #tpu.memory_space<vmem>>
          %dma_wait3A_433 = arith.constant 0 : i32
          %dma_wait3A_434 = arith.constant 0 : i32
          %dma_wait3A_435 = tpu.memref_slice %arg16[%dma_wait3A_433, %dma_wait3A_434] : memref<10240x16xf32, #tpu.memory_space<vmem_shared>> -> memref<10240x16xf32, #tpu.memory_space<vmem_shared>>
          tpu.wait_indirect_dma semaphore(%run_scoped3A_415 : memref<!tpu.dma_semaphore, #tpu.memory_space<semaphore_mem>>) src(%dma_wait3A_429 : memref<128x16xf32, #tpu.memory_space<vmem>>) dst(%dma_wait3A_435 : memref<10240x16xf32, #tpu.memory_space<vmem_shared>>)
          tpu.yield
        }) : () -> ()
        %add3A_409 = arith.constant 8 : i32
        %add3A_410 = arith.addi %add3A_388, %add3A_409 : i32
        %lt3A_411 = arith.cmpi slt, %add3A_410, %add3A_143 : i32
        %convert_element_type3A_412 = arith.extui %lt3A_411 : i1 to i32
        %cond3A_413 = arith.constant 0 : i32
        %cond3A_414 = arith.cmpi ne, %convert_element_type3A_412, %cond3A_413 : i32
        scf.if %cond3A_414 {
          %add3A_415 = arith.constant 8 : i32
          %add3A_416 = arith.addi %add3A_388, %add3A_415 : i32
          %dma_start3A_417 = arith.constant 0 : i32
          %dma_start3A_418 = arith.constant 7 : i32
          %dma_start3A_419 = arith.constant 7 : i32
          %dma_start3A_420 = arith.constant 0 : i32
          %dma_start3A_421 = arith.constant 0 : i32
          %dma_start3A_422 = tpu.memref_slice %arg10[%dma_start3A_418, %dma_start3A_420, %dma_start3A_421] : memref<8x128x16xf32, #tpu.memory_space<vmem>> -> memref<1x128x16xf32, #tpu.memory_space<vmem>>
          %dma_start3A_423 = tpu.memref_squeeze %dma_start3A_422 : memref<1x128x16xf32, #tpu.memory_space<vmem>> -> memref<128x16xf32, #tpu.memory_space<vmem>>
          %dma_start3A_424 = arith.constant 0 : i32
          %dma_start3A_425 = tpu.memref_slice %arg9[%add3A_416, %dma_start3A_417, %dma_start3A_424] : memref<157x2x128xi32, #tpu.memory_space<vmem>> -> memref<1x1x128xi32, #tpu.memory_space<vmem>>
          %dma_start3A_426 = tpu.memref_squeeze %dma_start3A_425 : memref<1x1x128xi32, #tpu.memory_space<vmem>> -> memref<128xi32, #tpu.memory_space<vmem>>
          %dma_start3A_427 = arith.constant 0 : i32
          %dma_start3A_428 = arith.constant 0 : i32
          %dma_start3A_429 = tpu.memref_slice %arg15[%dma_start3A_427, %dma_start3A_428] : memref<10240x16xf32, #tpu.memory_space<vmem_shared>> -> memref<10240x16xf32, #tpu.memory_space<vmem_shared>>
          %dma_start3A_430 = tpu.memref_slice %arg18[%dma_start3A_419] : memref<8x!tpu.dma_semaphore, #tpu.memory_space<semaphore_mem>> -> memref<1x!tpu.dma_semaphore, #tpu.memory_space<semaphore_mem>>
          %dma_start3A_431 = tpu.memref_squeeze %dma_start3A_430 : memref<1x!tpu.dma_semaphore, #tpu.memory_space<semaphore_mem>> -> memref<!tpu.dma_semaphore, #tpu.memory_space<semaphore_mem>>
          tpu.enqueue_indirect_dma source(%dma_start3A_429 : memref<10240x16xf32, #tpu.memory_space<vmem_shared>>) target(%dma_start3A_423 : memref<128x16xf32, #tpu.memory_space<vmem>>) offsets(%dma_start3A_426 : memref<128xi32, #tpu.memory_space<vmem>>) semaphore(%dma_start3A_431 : memref<!tpu.dma_semaphore, #tpu.memory_space<semaphore_mem>>)
        } else {
        }
      } else {
      }
    }
    %scan3A_318 = arith.constant 10 : i32
    %barrier3A_319 = arith.constant 0 : index
    tpu.barrier barrier_id(%barrier3A_319)
    %mul3A_320 = arith.constant 640 : i32
    %mul3A_321 = arith.muli %arg1, %mul3A_320 : i32
    %mul3A_322 = arith.constant 640 : i32
    %mul3A_323 = arith.muli %arg1, %mul3A_322 : i32
    "tpu.region"() ({
      %run_scoped3A = tpu.sem_alloc : memref<!tpu.dma_semaphore, #tpu.memory_space<semaphore_mem>>
      %dma_start3A_328 = arith.constant 0 : i32
      %dma_start3A_329 = tpu.memref_slice %arg7[%arg0, %mul3A_323, %dma_start3A_328] : memref<2x10240x16xf32, #tpu.memory_space<hbm>> -> memref<1x640x16xf32, #tpu.memory_space<hbm>>
      %dma_start3A_330 = tpu.memref_squeeze %dma_start3A_329 : memref<1x640x16xf32, #tpu.memory_space<hbm>> -> memref<640x16xf32, #tpu.memory_space<hbm>>
      %dma_start3A_331 = arith.constant 0 : i32
      %dma_start3A_332 = tpu.memref_slice %arg16[%mul3A_321, %dma_start3A_331] : memref<10240x16xf32, #tpu.memory_space<vmem_shared>> -> memref<640x16xf32, #tpu.memory_space<vmem_shared>>
      tpu.enqueue_dma source(%dma_start3A_332 : memref<640x16xf32, #tpu.memory_space<vmem_shared>>) target(%dma_start3A_330 : memref<640x16xf32, #tpu.memory_space<hbm>>) target_semaphore(%run_scoped3A : memref<!tpu.dma_semaphore, #tpu.memory_space<semaphore_mem>>)
      %dma_wait3A_333 = arith.constant 0 : i32
      %dma_wait3A_334 = tpu.memref_slice %arg7[%arg0, %mul3A_323, %dma_wait3A_333] : memref<2x10240x16xf32, #tpu.memory_space<hbm>> -> memref<1x640x16xf32, #tpu.memory_space<hbm>>
      %dma_wait3A_335 = tpu.memref_squeeze %dma_wait3A_334 : memref<1x640x16xf32, #tpu.memory_space<hbm>> -> memref<640x16xf32, #tpu.memory_space<hbm>>
      %dma_wait3A_336 = arith.constant 0 : i32
      %dma_wait3A_337 = tpu.memref_slice %arg16[%mul3A_321, %dma_wait3A_336] : memref<10240x16xf32, #tpu.memory_space<vmem_shared>> -> memref<640x16xf32, #tpu.memory_space<vmem_shared>>
      tpu.wait_dma2 semaphore(%run_scoped3A : memref<!tpu.dma_semaphore, #tpu.memory_space<semaphore_mem>>) src(%dma_wait3A_337 : memref<640x16xf32, #tpu.memory_space<vmem_shared>>) dst(%dma_wait3A_335 : memref<640x16xf32, #tpu.memory_space<hbm>>)
      tpu.yield
    }) : () -> ()
    %eq3A = arith.constant 0 : i32
    %eq3A_324 = arith.cmpi eq, %arg0, %eq3A : i32
    %convert_element_type3A_325 = arith.extui %eq3A_324 : i1 to i32
    %cond3A_326 = arith.constant 0 : i32
    %cond3A_327 = arith.cmpi ne, %convert_element_type3A_325, %cond3A_326 : i32
    scf.if %cond3A_327 {
      %mul3A_328 = arith.constant 640 : i32
      %mul3A_329 = arith.muli %arg1, %mul3A_328 : i32
      %mul3A_330 = arith.constant 640 : i32
      %mul3A_331 = arith.muli %arg1, %mul3A_330 : i32
      "tpu.region"() ({
        %run_scoped3A = tpu.sem_alloc : memref<!tpu.dma_semaphore, #tpu.memory_space<semaphore_mem>>
        %dma_start3A_332 = tpu.memref_slice %arg8[%mul3A_331] : memref<10240xf32, #tpu.memory_space<hbm>> -> memref<640xf32, #tpu.memory_space<hbm>>
        %dma_start3A_333 = tpu.memref_slice %arg17[%mul3A_329] : memref<10240xf32, #tpu.memory_space<vmem_shared>> -> memref<640xf32, #tpu.memory_space<vmem_shared>>
        tpu.enqueue_dma source(%dma_start3A_333 : memref<640xf32, #tpu.memory_space<vmem_shared>>) target(%dma_start3A_332 : memref<640xf32, #tpu.memory_space<hbm>>) target_semaphore(%run_scoped3A : memref<!tpu.dma_semaphore, #tpu.memory_space<semaphore_mem>>)
        %dma_wait3A_334 = tpu.memref_slice %arg8[%mul3A_331] : memref<10240xf32, #tpu.memory_space<hbm>> -> memref<640xf32, #tpu.memory_space<hbm>>
        %dma_wait3A_335 = tpu.memref_slice %arg17[%mul3A_329] : memref<10240xf32, #tpu.memory_space<vmem_shared>> -> memref<640xf32, #tpu.memory_space<vmem_shared>>
        tpu.wait_dma2 semaphore(%run_scoped3A : memref<!tpu.dma_semaphore, #tpu.memory_space<semaphore_mem>>) src(%dma_wait3A_335 : memref<640xf32, #tpu.memory_space<vmem_shared>>) dst(%dma_wait3A_334 : memref<640xf32, #tpu.memory_space<hbm>>)
        tpu.yield
      }) : () -> ()
    } else {
    }
    return
  }
}

#map = affine_map<(d0, d1) -> (0, 0)>
#map1 = affine_map<(d0, d1) -> (0)>
#map2 = affine_map<(d0, d1) -> (0, 0, 0)>
module attributes {stable_mosaic.version = 14 : i64} {
  func.func @_sc_layer2_body(%arg0: i32, %arg1: i32, %arg2: memref<10240x128xf32, #tpu.memory_space<hbm>>, %arg3: memref<10240xf32, #tpu.memory_space<hbm>>, %arg4: memref<2x10240x16xf32, #tpu.memory_space<hbm>>, %arg5: memref<16xf32, #tpu.memory_space<hbm>>, %arg6: memref<10240x16xf32, #tpu.memory_space<hbm>>, %arg7: memref<2500x2x128xi32, #tpu.memory_space<hbm>>, %arg8: memref<10240x16xf32, #tpu.memory_space<hbm>>, %arg9: memref<10240x16xf32, #tpu.memory_space<hbm>>, %arg10: memref<10240x16xf32, #tpu.memory_space<hbm>>, %arg11: memref<10240x16xf32, #tpu.memory_space<hbm>>, %arg12: memref<79x2x128xi32, #tpu.memory_space<vmem>>, %arg13: memref<8x128x16xf32, #tpu.memory_space<vmem>>, %arg14: memref<640x16xf32, #tpu.memory_space<vmem>>, %arg15: memref<640x16xf32, #tpu.memory_space<vmem>>, %arg16: memref<640x16xf32, #tpu.memory_space<vmem>>, %arg17: memref<640xf32, #tpu.memory_space<vmem>>, %arg18: memref<640xf32, #tpu.memory_space<vmem>>, %arg19: memref<640x16xf32, #tpu.memory_space<vmem>>, %arg20: memref<16xf32, #tpu.memory_space<vmem>>, %arg21: memref<10240x16xf32, #tpu.memory_space<vmem_shared>>, %arg22: memref<10240x16xf32, #tpu.memory_space<vmem_shared>>, %arg23: memref<8x!tpu.dma_semaphore, #tpu.memory_space<semaphore_mem>>, %arg24: memref<8x!tpu.dma_semaphore, #tpu.memory_space<semaphore_mem>>) attributes {dimension_semantics = [#tpu.dimension_semantics<core_parallel>, #tpu.dimension_semantics<subcore_parallel>], iteration_bounds = array<i64: 2, 16>, scalar_prefetch = 0 : i64, scratch_operands = 13 : i64, tpu.core_type = #tpu.core_type<sc_vector_subcore>, window_params = [{transform_indices = #map}, {transform_indices = #map1}, {transform_indices = #map2}, {transform_indices = #map1}, {transform_indices = #map}, {transform_indices = #map2}, {transform_indices = #map}, {transform_indices = #map}, {transform_indices = #map}, {transform_indices = #map}]} {
    %mul3A = arith.constant 16 : i32
    %mul3A_0 = arith.muli %arg0, %mul3A : i32
    %add3A = arith.addi %mul3A_0, %arg1 : i32
    %mul3A_1 = arith.constant 78 : i32
    %mul3A_2 = arith.muli %add3A, %mul3A_1 : i32
    %min3A = arith.constant 4 : i32
    %min3A_3 = arith.minsi %add3A, %min3A : i32
    %add3A_4 = arith.addi %mul3A_2, %min3A_3 : i32
    %lt3A = arith.constant 4 : i32
    %lt3A_5 = arith.cmpi slt, %add3A, %lt3A : i32
    %convert_element_type3A = arith.extui %lt3A_5 : i1 to i32
    %add3A_6 = arith.constant 78 : i32
    %add3A_7 = arith.addi %add3A_6, %convert_element_type3A : i32
    %mul3A_8 = arith.constant 640 : i32
    %mul3A_9 = arith.muli %arg1, %mul3A_8 : i32
    %mul3A_10 = arith.constant 640 : i32
    %mul3A_11 = arith.muli %arg1, %mul3A_10 : i32
    %dma_start3A = arith.constant 0 : i32
    %dma_start3A_12 = tpu.memref_slice %arg24[%dma_start3A] : memref<8x!tpu.dma_semaphore, #tpu.memory_space<semaphore_mem>> -> memref<1x!tpu.dma_semaphore, #tpu.memory_space<semaphore_mem>>
    %dma_start3A_13 = tpu.memref_squeeze %dma_start3A_12 : memref<1x!tpu.dma_semaphore, #tpu.memory_space<semaphore_mem>> -> memref<!tpu.dma_semaphore, #tpu.memory_space<semaphore_mem>>
    %dma_start3A_14 = arith.constant 0 : i32
    %dma_start3A_15 = tpu.memref_slice %arg22[%mul3A_11, %dma_start3A_14] : memref<10240x16xf32, #tpu.memory_space<vmem_shared>> -> memref<640x16xf32, #tpu.memory_space<vmem_shared>>
    %dma_start3A_16 = arith.constant 0 : i32
    %dma_start3A_17 = tpu.memref_slice %arg6[%mul3A_9, %dma_start3A_16] : memref<10240x16xf32, #tpu.memory_space<hbm>> -> memref<640x16xf32, #tpu.memory_space<hbm>>
    tpu.enqueue_dma source(%dma_start3A_17 : memref<640x16xf32, #tpu.memory_space<hbm>>) target(%dma_start3A_15 : memref<640x16xf32, #tpu.memory_space<vmem_shared>>) target_semaphore(%dma_start3A_13 : memref<!tpu.dma_semaphore, #tpu.memory_space<semaphore_mem>>)
    %mul3A_18 = arith.constant 640 : i32
    %mul3A_19 = arith.muli %arg1, %mul3A_18 : i32
    %dma_start3A_20 = arith.constant 1 : i32
    %dma_start3A_21 = arith.constant 0 : i32
    %dma_start3A_22 = tpu.memref_slice %arg2[%mul3A_19, %dma_start3A_21] : memref<10240x128xf32, #tpu.memory_space<hbm>> -> memref<640x16xf32, #tpu.memory_space<hbm>>
    %dma_start3A_23 = tpu.memref_slice %arg24[%dma_start3A_20] : memref<8x!tpu.dma_semaphore, #tpu.memory_space<semaphore_mem>> -> memref<1x!tpu.dma_semaphore, #tpu.memory_space<semaphore_mem>>
    %dma_start3A_24 = tpu.memref_squeeze %dma_start3A_23 : memref<1x!tpu.dma_semaphore, #tpu.memory_space<semaphore_mem>> -> memref<!tpu.dma_semaphore, #tpu.memory_space<semaphore_mem>>
    %dma_start3A_25 = arith.constant 0 : i32
    %dma_start3A_26 = tpu.memref_slice %arg2[%mul3A_19, %dma_start3A_25] : memref<10240x128xf32, #tpu.memory_space<hbm>> -> memref<640x16xf32, #tpu.memory_space<hbm>>
    tpu.enqueue_dma source(%dma_start3A_26 : memref<640x16xf32, #tpu.memory_space<hbm>>) target(%arg14 : memref<640x16xf32, #tpu.memory_space<vmem>>) target_semaphore(%dma_start3A_24 : memref<!tpu.dma_semaphore, #tpu.memory_space<semaphore_mem>>)
    %mul3A_27 = arith.constant 640 : i32
    %mul3A_28 = arith.muli %arg1, %mul3A_27 : i32
    %dma_start3A_29 = arith.constant 0 : i32
    %dma_start3A_30 = arith.constant 2 : i32
    %dma_start3A_31 = arith.constant 0 : i32
    %dma_start3A_32 = tpu.memref_slice %arg4[%dma_start3A_29, %mul3A_28, %dma_start3A_31] : memref<2x10240x16xf32, #tpu.memory_space<hbm>> -> memref<1x640x16xf32, #tpu.memory_space<hbm>>
    %dma_start3A_33 = tpu.memref_squeeze %dma_start3A_32 : memref<1x640x16xf32, #tpu.memory_space<hbm>> -> memref<640x16xf32, #tpu.memory_space<hbm>>
    %dma_start3A_34 = tpu.memref_slice %arg24[%dma_start3A_30] : memref<8x!tpu.dma_semaphore, #tpu.memory_space<semaphore_mem>> -> memref<1x!tpu.dma_semaphore, #tpu.memory_space<semaphore_mem>>
    %dma_start3A_35 = tpu.memref_squeeze %dma_start3A_34 : memref<1x!tpu.dma_semaphore, #tpu.memory_space<semaphore_mem>> -> memref<!tpu.dma_semaphore, #tpu.memory_space<semaphore_mem>>
    %dma_start3A_36 = arith.constant 0 : i32
    %dma_start3A_37 = tpu.memref_slice %arg4[%dma_start3A_29, %mul3A_28, %dma_start3A_36] : memref<2x10240x16xf32, #tpu.memory_space<hbm>> -> memref<1x640x16xf32, #tpu.memory_space<hbm>>
    %dma_start3A_38 = tpu.memref_squeeze %dma_start3A_37 : memref<1x640x16xf32, #tpu.memory_space<hbm>> -> memref<640x16xf32, #tpu.memory_space<hbm>>
    tpu.enqueue_dma source(%dma_start3A_38 : memref<640x16xf32, #tpu.memory_space<hbm>>) target(%arg15 : memref<640x16xf32, #tpu.memory_space<vmem>>) target_semaphore(%dma_start3A_35 : memref<!tpu.dma_semaphore, #tpu.memory_space<semaphore_mem>>)
    %mul3A_39 = arith.constant 640 : i32
    %mul3A_40 = arith.muli %arg1, %mul3A_39 : i32
    %dma_start3A_41 = arith.constant 1 : i32
    %dma_start3A_42 = arith.constant 3 : i32
    %dma_start3A_43 = arith.constant 0 : i32
    %dma_start3A_44 = tpu.memref_slice %arg4[%dma_start3A_41, %mul3A_40, %dma_start3A_43] : memref<2x10240x16xf32, #tpu.memory_space<hbm>> -> memref<1x640x16xf32, #tpu.memory_space<hbm>>
    %dma_start3A_45 = tpu.memref_squeeze %dma_start3A_44 : memref<1x640x16xf32, #tpu.memory_space<hbm>> -> memref<640x16xf32, #tpu.memory_space<hbm>>
    %dma_start3A_46 = tpu.memref_slice %arg24[%dma_start3A_42] : memref<8x!tpu.dma_semaphore, #tpu.memory_space<semaphore_mem>> -> memref<1x!tpu.dma_semaphore, #tpu.memory_space<semaphore_mem>>
    %dma_start3A_47 = tpu.memref_squeeze %dma_start3A_46 : memref<1x!tpu.dma_semaphore, #tpu.memory_space<semaphore_mem>> -> memref<!tpu.dma_semaphore, #tpu.memory_space<semaphore_mem>>
    %dma_start3A_48 = arith.constant 0 : i32
    %dma_start3A_49 = tpu.memref_slice %arg4[%dma_start3A_41, %mul3A_40, %dma_start3A_48] : memref<2x10240x16xf32, #tpu.memory_space<hbm>> -> memref<1x640x16xf32, #tpu.memory_space<hbm>>
    %dma_start3A_50 = tpu.memref_squeeze %dma_start3A_49 : memref<1x640x16xf32, #tpu.memory_space<hbm>> -> memref<640x16xf32, #tpu.memory_space<hbm>>
    tpu.enqueue_dma source(%dma_start3A_50 : memref<640x16xf32, #tpu.memory_space<hbm>>) target(%arg16 : memref<640x16xf32, #tpu.memory_space<vmem>>) target_semaphore(%dma_start3A_47 : memref<!tpu.dma_semaphore, #tpu.memory_space<semaphore_mem>>)
    %mul3A_51 = arith.constant 640 : i32
    %mul3A_52 = arith.muli %arg1, %mul3A_51 : i32
    %dma_start3A_53 = arith.constant 4 : i32
    %dma_start3A_54 = tpu.memref_slice %arg3[%mul3A_52] : memref<10240xf32, #tpu.memory_space<hbm>> -> memref<640xf32, #tpu.memory_space<hbm>>
    %dma_start3A_55 = tpu.memref_slice %arg24[%dma_start3A_53] : memref<8x!tpu.dma_semaphore, #tpu.memory_space<semaphore_mem>> -> memref<1x!tpu.dma_semaphore, #tpu.memory_space<semaphore_mem>>
    %dma_start3A_56 = tpu.memref_squeeze %dma_start3A_55 : memref<1x!tpu.dma_semaphore, #tpu.memory_space<semaphore_mem>> -> memref<!tpu.dma_semaphore, #tpu.memory_space<semaphore_mem>>
    %dma_start3A_57 = tpu.memref_slice %arg3[%mul3A_52] : memref<10240xf32, #tpu.memory_space<hbm>> -> memref<640xf32, #tpu.memory_space<hbm>>
    tpu.enqueue_dma source(%dma_start3A_57 : memref<640xf32, #tpu.memory_space<hbm>>) target(%arg17 : memref<640xf32, #tpu.memory_space<vmem>>) target_semaphore(%dma_start3A_56 : memref<!tpu.dma_semaphore, #tpu.memory_space<semaphore_mem>>)
    %dma_start3A_58 = arith.constant 5 : i32
    %dma_start3A_59 = tpu.memref_slice %arg24[%dma_start3A_58] : memref<8x!tpu.dma_semaphore, #tpu.memory_space<semaphore_mem>> -> memref<1x!tpu.dma_semaphore, #tpu.memory_space<semaphore_mem>>
    %dma_start3A_60 = tpu.memref_squeeze %dma_start3A_59 : memref<1x!tpu.dma_semaphore, #tpu.memory_space<semaphore_mem>> -> memref<!tpu.dma_semaphore, #tpu.memory_space<semaphore_mem>>
    tpu.enqueue_dma source(%arg5 : memref<16xf32, #tpu.memory_space<hbm>>) target(%arg20 : memref<16xf32, #tpu.memory_space<vmem>>) target_semaphore(%dma_start3A_60 : memref<!tpu.dma_semaphore, #tpu.memory_space<semaphore_mem>>)
    %lt3A_61 = arith.constant 4 : i32
    %lt3A_62 = arith.cmpi slt, %add3A, %lt3A_61 : i32
    %dma_start3A_63 = arith.constant 6 : i32
    %dma_start3A_64 = arith.constant 0 : i32
    %dma_start3A_65 = arith.constant 0 : i32
    %dma_start3A_66 = arith.constant 0 : i32
    %dma_start3A_67 = tpu.memref_slice %arg12[%dma_start3A_64, %dma_start3A_65, %dma_start3A_66] : memref<79x2x128xi32, #tpu.memory_space<vmem>> -> memref<78x2x128xi32, #tpu.memory_space<vmem>>
    %dma_start3A_68 = arith.constant 0 : i32
    %dma_start3A_69 = arith.constant 0 : i32
    %dma_start3A_70 = tpu.memref_slice %arg7[%add3A_4, %dma_start3A_68, %dma_start3A_69] : memref<2500x2x128xi32, #tpu.memory_space<hbm>> -> memref<78x2x128xi32, #tpu.memory_space<hbm>>
    %dma_start3A_71 = tpu.memref_slice %arg24[%dma_start3A_63] : memref<8x!tpu.dma_semaphore, #tpu.memory_space<semaphore_mem>> -> memref<1x!tpu.dma_semaphore, #tpu.memory_space<semaphore_mem>>
    %dma_start3A_72 = tpu.memref_squeeze %dma_start3A_71 : memref<1x!tpu.dma_semaphore, #tpu.memory_space<semaphore_mem>> -> memref<!tpu.dma_semaphore, #tpu.memory_space<semaphore_mem>>
    %dma_start3A_73 = arith.constant 0 : i32
    %dma_start3A_74 = arith.constant 0 : i32
    %dma_start3A_75 = arith.constant 0 : i32
    %dma_start3A_76 = tpu.memref_slice %arg12[%dma_start3A_73, %dma_start3A_74, %dma_start3A_75] : memref<79x2x128xi32, #tpu.memory_space<vmem>> -> memref<78x2x128xi32, #tpu.memory_space<vmem>>
    %dma_start3A_77 = arith.constant 0 : i32
    %dma_start3A_78 = arith.constant 0 : i32
    %dma_start3A_79 = tpu.memref_slice %arg7[%add3A_4, %dma_start3A_77, %dma_start3A_78] : memref<2500x2x128xi32, #tpu.memory_space<hbm>> -> memref<78x2x128xi32, #tpu.memory_space<hbm>>
    tpu.enqueue_dma source(%dma_start3A_79 : memref<78x2x128xi32, #tpu.memory_space<hbm>>) target(%dma_start3A_76 : memref<78x2x128xi32, #tpu.memory_space<vmem>>) target_semaphore(%dma_start3A_72 : memref<!tpu.dma_semaphore, #tpu.memory_space<semaphore_mem>>)
    %convert_element_type3A_80 = arith.extui %lt3A_62 : i1 to i32
    %cond3A = arith.constant 7 : i32
    %cond3A_81 = arith.constant 0 : i32
    %cond3A_82 = arith.cmpi ne, %convert_element_type3A_80, %cond3A_81 : i32
    scf.if %cond3A_82 {
      %add3A_304 = arith.constant 78 : i32
      %add3A_305 = arith.addi %add3A_4, %add3A_304 : i32
      %dma_start3A_306 = arith.constant 78 : i32
      %dma_start3A_307 = arith.constant 0 : i32
      %dma_start3A_308 = arith.constant 0 : i32
      %dma_start3A_309 = tpu.memref_slice %arg12[%dma_start3A_306, %dma_start3A_307, %dma_start3A_308] : memref<79x2x128xi32, #tpu.memory_space<vmem>> -> memref<1x2x128xi32, #tpu.memory_space<vmem>>
      %dma_start3A_310 = tpu.memref_squeeze %dma_start3A_309 : memref<1x2x128xi32, #tpu.memory_space<vmem>> -> memref<2x128xi32, #tpu.memory_space<vmem>>
      %dma_start3A_311 = arith.constant 0 : i32
      %dma_start3A_312 = arith.constant 0 : i32
      %dma_start3A_313 = tpu.memref_slice %arg7[%add3A_305, %dma_start3A_311, %dma_start3A_312] : memref<2500x2x128xi32, #tpu.memory_space<hbm>> -> memref<1x2x128xi32, #tpu.memory_space<hbm>>
      %dma_start3A_314 = tpu.memref_squeeze %dma_start3A_313 : memref<1x2x128xi32, #tpu.memory_space<hbm>> -> memref<2x128xi32, #tpu.memory_space<hbm>>
      %dma_start3A_315 = tpu.memref_slice %arg24[%cond3A] : memref<8x!tpu.dma_semaphore, #tpu.memory_space<semaphore_mem>> -> memref<1x!tpu.dma_semaphore, #tpu.memory_space<semaphore_mem>>
      %dma_start3A_316 = tpu.memref_squeeze %dma_start3A_315 : memref<1x!tpu.dma_semaphore, #tpu.memory_space<semaphore_mem>> -> memref<!tpu.dma_semaphore, #tpu.memory_space<semaphore_mem>>
      %dma_start3A_317 = arith.constant 0 : i32
      %dma_start3A_318 = arith.constant 0 : i32
      %dma_start3A_319 = tpu.memref_slice %arg12[%dma_start3A_306, %dma_start3A_317, %dma_start3A_318] : memref<79x2x128xi32, #tpu.memory_space<vmem>> -> memref<1x2x128xi32, #tpu.memory_space<vmem>>
      %dma_start3A_320 = tpu.memref_squeeze %dma_start3A_319 : memref<1x2x128xi32, #tpu.memory_space<vmem>> -> memref<2x128xi32, #tpu.memory_space<vmem>>
      %dma_start3A_321 = arith.constant 0 : i32
      %dma_start3A_322 = arith.constant 0 : i32
      %dma_start3A_323 = tpu.memref_slice %arg7[%add3A_305, %dma_start3A_321, %dma_start3A_322] : memref<2500x2x128xi32, #tpu.memory_space<hbm>> -> memref<1x2x128xi32, #tpu.memory_space<hbm>>
      %dma_start3A_324 = tpu.memref_squeeze %dma_start3A_323 : memref<1x2x128xi32, #tpu.memory_space<hbm>> -> memref<2x128xi32, #tpu.memory_space<hbm>>
      tpu.enqueue_dma source(%dma_start3A_324 : memref<2x128xi32, #tpu.memory_space<hbm>>) target(%dma_start3A_320 : memref<2x128xi32, #tpu.memory_space<vmem>>) target_semaphore(%dma_start3A_316 : memref<!tpu.dma_semaphore, #tpu.memory_space<semaphore_mem>>)
      %dma_wait3A_325 = arith.constant 78 : i32
      %dma_wait3A_326 = arith.constant 0 : i32
      %dma_wait3A_327 = arith.constant 0 : i32
      %dma_wait3A_328 = tpu.memref_slice %arg12[%dma_wait3A_325, %dma_wait3A_326, %dma_wait3A_327] : memref<79x2x128xi32, #tpu.memory_space<vmem>> -> memref<1x2x128xi32, #tpu.memory_space<vmem>>
      %dma_wait3A_329 = tpu.memref_squeeze %dma_wait3A_328 : memref<1x2x128xi32, #tpu.memory_space<vmem>> -> memref<2x128xi32, #tpu.memory_space<vmem>>
      %dma_wait3A_330 = arith.constant 0 : i32
      %dma_wait3A_331 = arith.constant 0 : i32
      %dma_wait3A_332 = tpu.memref_slice %arg7[%add3A_305, %dma_wait3A_330, %dma_wait3A_331] : memref<2500x2x128xi32, #tpu.memory_space<hbm>> -> memref<1x2x128xi32, #tpu.memory_space<hbm>>
      %dma_wait3A_333 = tpu.memref_squeeze %dma_wait3A_332 : memref<1x2x128xi32, #tpu.memory_space<hbm>> -> memref<2x128xi32, #tpu.memory_space<hbm>>
      %dma_wait3A_334 = tpu.memref_slice %arg24[%cond3A] : memref<8x!tpu.dma_semaphore, #tpu.memory_space<semaphore_mem>> -> memref<1x!tpu.dma_semaphore, #tpu.memory_space<semaphore_mem>>
      %dma_wait3A_335 = tpu.memref_squeeze %dma_wait3A_334 : memref<1x!tpu.dma_semaphore, #tpu.memory_space<semaphore_mem>> -> memref<!tpu.dma_semaphore, #tpu.memory_space<semaphore_mem>>
      %dma_wait3A_336 = arith.constant 0 : i32
      %dma_wait3A_337 = arith.constant 0 : i32
      %dma_wait3A_338 = tpu.memref_slice %arg12[%dma_wait3A_325, %dma_wait3A_336, %dma_wait3A_337] : memref<79x2x128xi32, #tpu.memory_space<vmem>> -> memref<1x2x128xi32, #tpu.memory_space<vmem>>
      %dma_wait3A_339 = tpu.memref_squeeze %dma_wait3A_338 : memref<1x2x128xi32, #tpu.memory_space<vmem>> -> memref<2x128xi32, #tpu.memory_space<vmem>>
      %dma_wait3A_340 = arith.constant 0 : i32
      %dma_wait3A_341 = arith.constant 0 : i32
      %dma_wait3A_342 = tpu.memref_slice %arg7[%add3A_305, %dma_wait3A_340, %dma_wait3A_341] : memref<2500x2x128xi32, #tpu.memory_space<hbm>> -> memref<1x2x128xi32, #tpu.memory_space<hbm>>
      %dma_wait3A_343 = tpu.memref_squeeze %dma_wait3A_342 : memref<1x2x128xi32, #tpu.memory_space<hbm>> -> memref<2x128xi32, #tpu.memory_space<hbm>>
      tpu.wait_dma2 semaphore(%dma_wait3A_335 : memref<!tpu.dma_semaphore, #tpu.memory_space<semaphore_mem>>) src(%dma_wait3A_343 : memref<2x128xi32, #tpu.memory_space<hbm>>) dst(%dma_wait3A_339 : memref<2x128xi32, #tpu.memory_space<vmem>>)
    } else {
    }
    %dma_wait3A = arith.constant 6 : i32
    %dma_wait3A_83 = arith.constant 0 : i32
    %dma_wait3A_84 = arith.constant 0 : i32
    %dma_wait3A_85 = arith.constant 0 : i32
    %dma_wait3A_86 = tpu.memref_slice %arg12[%dma_wait3A_83, %dma_wait3A_84, %dma_wait3A_85] : memref<79x2x128xi32, #tpu.memory_space<vmem>> -> memref<78x2x128xi32, #tpu.memory_space<vmem>>
    %dma_wait3A_87 = arith.constant 0 : i32
    %dma_wait3A_88 = arith.constant 0 : i32
    %dma_wait3A_89 = tpu.memref_slice %arg7[%add3A_4, %dma_wait3A_87, %dma_wait3A_88] : memref<2500x2x128xi32, #tpu.memory_space<hbm>> -> memref<78x2x128xi32, #tpu.memory_space<hbm>>
    %dma_wait3A_90 = tpu.memref_slice %arg24[%dma_wait3A] : memref<8x!tpu.dma_semaphore, #tpu.memory_space<semaphore_mem>> -> memref<1x!tpu.dma_semaphore, #tpu.memory_space<semaphore_mem>>
    %dma_wait3A_91 = tpu.memref_squeeze %dma_wait3A_90 : memref<1x!tpu.dma_semaphore, #tpu.memory_space<semaphore_mem>> -> memref<!tpu.dma_semaphore, #tpu.memory_space<semaphore_mem>>
    %dma_wait3A_92 = arith.constant 0 : i32
    %dma_wait3A_93 = arith.constant 0 : i32
    %dma_wait3A_94 = arith.constant 0 : i32
    %dma_wait3A_95 = tpu.memref_slice %arg12[%dma_wait3A_92, %dma_wait3A_93, %dma_wait3A_94] : memref<79x2x128xi32, #tpu.memory_space<vmem>> -> memref<78x2x128xi32, #tpu.memory_space<vmem>>
    %dma_wait3A_96 = arith.constant 0 : i32
    %dma_wait3A_97 = arith.constant 0 : i32
    %dma_wait3A_98 = tpu.memref_slice %arg7[%add3A_4, %dma_wait3A_96, %dma_wait3A_97] : memref<2500x2x128xi32, #tpu.memory_space<hbm>> -> memref<78x2x128xi32, #tpu.memory_space<hbm>>
    tpu.wait_dma2 semaphore(%dma_wait3A_91 : memref<!tpu.dma_semaphore, #tpu.memory_space<semaphore_mem>>) src(%dma_wait3A_98 : memref<78x2x128xi32, #tpu.memory_space<hbm>>) dst(%dma_wait3A_95 : memref<78x2x128xi32, #tpu.memory_space<vmem>>)
    %dma_wait3A_99 = arith.constant 0 : i32
    %dma_wait3A_100 = tpu.memref_slice %arg24[%dma_wait3A_99] : memref<8x!tpu.dma_semaphore, #tpu.memory_space<semaphore_mem>> -> memref<1x!tpu.dma_semaphore, #tpu.memory_space<semaphore_mem>>
    %dma_wait3A_101 = tpu.memref_squeeze %dma_wait3A_100 : memref<1x!tpu.dma_semaphore, #tpu.memory_space<semaphore_mem>> -> memref<!tpu.dma_semaphore, #tpu.memory_space<semaphore_mem>>
    %dma_wait3A_102 = arith.constant 0 : i32
    %dma_wait3A_103 = tpu.memref_slice %arg22[%mul3A_11, %dma_wait3A_102] : memref<10240x16xf32, #tpu.memory_space<vmem_shared>> -> memref<640x16xf32, #tpu.memory_space<vmem_shared>>
    %dma_wait3A_104 = arith.constant 0 : i32
    %dma_wait3A_105 = tpu.memref_slice %arg6[%mul3A_9, %dma_wait3A_104] : memref<10240x16xf32, #tpu.memory_space<hbm>> -> memref<640x16xf32, #tpu.memory_space<hbm>>
    tpu.wait_dma2 semaphore(%dma_wait3A_101 : memref<!tpu.dma_semaphore, #tpu.memory_space<semaphore_mem>>) src(%dma_wait3A_105 : memref<640x16xf32, #tpu.memory_space<hbm>>) dst(%dma_wait3A_103 : memref<640x16xf32, #tpu.memory_space<vmem_shared>>)
    %dma_wait3A_106 = arith.constant 1 : i32
    %dma_wait3A_107 = arith.constant 0 : i32
    %dma_wait3A_108 = tpu.memref_slice %arg2[%mul3A_19, %dma_wait3A_107] : memref<10240x128xf32, #tpu.memory_space<hbm>> -> memref<640x16xf32, #tpu.memory_space<hbm>>
    %dma_wait3A_109 = tpu.memref_slice %arg24[%dma_wait3A_106] : memref<8x!tpu.dma_semaphore, #tpu.memory_space<semaphore_mem>> -> memref<1x!tpu.dma_semaphore, #tpu.memory_space<semaphore_mem>>
    %dma_wait3A_110 = tpu.memref_squeeze %dma_wait3A_109 : memref<1x!tpu.dma_semaphore, #tpu.memory_space<semaphore_mem>> -> memref<!tpu.dma_semaphore, #tpu.memory_space<semaphore_mem>>
    %dma_wait3A_111 = arith.constant 0 : i32
    %dma_wait3A_112 = tpu.memref_slice %arg2[%mul3A_19, %dma_wait3A_111] : memref<10240x128xf32, #tpu.memory_space<hbm>> -> memref<640x16xf32, #tpu.memory_space<hbm>>
    tpu.wait_dma2 semaphore(%dma_wait3A_110 : memref<!tpu.dma_semaphore, #tpu.memory_space<semaphore_mem>>) src(%dma_wait3A_112 : memref<640x16xf32, #tpu.memory_space<hbm>>) dst(%arg14 : memref<640x16xf32, #tpu.memory_space<vmem>>)
    %dma_wait3A_113 = arith.constant 0 : i32
    %dma_wait3A_114 = arith.constant 2 : i32
    %dma_wait3A_115 = arith.constant 0 : i32
    %dma_wait3A_116 = tpu.memref_slice %arg4[%dma_wait3A_113, %mul3A_28, %dma_wait3A_115] : memref<2x10240x16xf32, #tpu.memory_space<hbm>> -> memref<1x640x16xf32, #tpu.memory_space<hbm>>
    %dma_wait3A_117 = tpu.memref_squeeze %dma_wait3A_116 : memref<1x640x16xf32, #tpu.memory_space<hbm>> -> memref<640x16xf32, #tpu.memory_space<hbm>>
    %dma_wait3A_118 = tpu.memref_slice %arg24[%dma_wait3A_114] : memref<8x!tpu.dma_semaphore, #tpu.memory_space<semaphore_mem>> -> memref<1x!tpu.dma_semaphore, #tpu.memory_space<semaphore_mem>>
    %dma_wait3A_119 = tpu.memref_squeeze %dma_wait3A_118 : memref<1x!tpu.dma_semaphore, #tpu.memory_space<semaphore_mem>> -> memref<!tpu.dma_semaphore, #tpu.memory_space<semaphore_mem>>
    %dma_wait3A_120 = arith.constant 0 : i32
    %dma_wait3A_121 = tpu.memref_slice %arg4[%dma_wait3A_113, %mul3A_28, %dma_wait3A_120] : memref<2x10240x16xf32, #tpu.memory_space<hbm>> -> memref<1x640x16xf32, #tpu.memory_space<hbm>>
    %dma_wait3A_122 = tpu.memref_squeeze %dma_wait3A_121 : memref<1x640x16xf32, #tpu.memory_space<hbm>> -> memref<640x16xf32, #tpu.memory_space<hbm>>
    tpu.wait_dma2 semaphore(%dma_wait3A_119 : memref<!tpu.dma_semaphore, #tpu.memory_space<semaphore_mem>>) src(%dma_wait3A_122 : memref<640x16xf32, #tpu.memory_space<hbm>>) dst(%arg15 : memref<640x16xf32, #tpu.memory_space<vmem>>)
    %dma_wait3A_123 = arith.constant 1 : i32
    %dma_wait3A_124 = arith.constant 3 : i32
    %dma_wait3A_125 = arith.constant 0 : i32
    %dma_wait3A_126 = tpu.memref_slice %arg4[%dma_wait3A_123, %mul3A_40, %dma_wait3A_125] : memref<2x10240x16xf32, #tpu.memory_space<hbm>> -> memref<1x640x16xf32, #tpu.memory_space<hbm>>
    %dma_wait3A_127 = tpu.memref_squeeze %dma_wait3A_126 : memref<1x640x16xf32, #tpu.memory_space<hbm>> -> memref<640x16xf32, #tpu.memory_space<hbm>>
    %dma_wait3A_128 = tpu.memref_slice %arg24[%dma_wait3A_124] : memref<8x!tpu.dma_semaphore, #tpu.memory_space<semaphore_mem>> -> memref<1x!tpu.dma_semaphore, #tpu.memory_space<semaphore_mem>>
    %dma_wait3A_129 = tpu.memref_squeeze %dma_wait3A_128 : memref<1x!tpu.dma_semaphore, #tpu.memory_space<semaphore_mem>> -> memref<!tpu.dma_semaphore, #tpu.memory_space<semaphore_mem>>
    %dma_wait3A_130 = arith.constant 0 : i32
    %dma_wait3A_131 = tpu.memref_slice %arg4[%dma_wait3A_123, %mul3A_40, %dma_wait3A_130] : memref<2x10240x16xf32, #tpu.memory_space<hbm>> -> memref<1x640x16xf32, #tpu.memory_space<hbm>>
    %dma_wait3A_132 = tpu.memref_squeeze %dma_wait3A_131 : memref<1x640x16xf32, #tpu.memory_space<hbm>> -> memref<640x16xf32, #tpu.memory_space<hbm>>
    tpu.wait_dma2 semaphore(%dma_wait3A_129 : memref<!tpu.dma_semaphore, #tpu.memory_space<semaphore_mem>>) src(%dma_wait3A_132 : memref<640x16xf32, #tpu.memory_space<hbm>>) dst(%arg16 : memref<640x16xf32, #tpu.memory_space<vmem>>)
    %dma_wait3A_133 = arith.constant 4 : i32
    %dma_wait3A_134 = tpu.memref_slice %arg3[%mul3A_52] : memref<10240xf32, #tpu.memory_space<hbm>> -> memref<640xf32, #tpu.memory_space<hbm>>
    %dma_wait3A_135 = tpu.memref_slice %arg24[%dma_wait3A_133] : memref<8x!tpu.dma_semaphore, #tpu.memory_space<semaphore_mem>> -> memref<1x!tpu.dma_semaphore, #tpu.memory_space<semaphore_mem>>
    %dma_wait3A_136 = tpu.memref_squeeze %dma_wait3A_135 : memref<1x!tpu.dma_semaphore, #tpu.memory_space<semaphore_mem>> -> memref<!tpu.dma_semaphore, #tpu.memory_space<semaphore_mem>>
    %dma_wait3A_137 = tpu.memref_slice %arg3[%mul3A_52] : memref<10240xf32, #tpu.memory_space<hbm>> -> memref<640xf32, #tpu.memory_space<hbm>>
    tpu.wait_dma2 semaphore(%dma_wait3A_136 : memref<!tpu.dma_semaphore, #tpu.memory_space<semaphore_mem>>) src(%dma_wait3A_137 : memref<640xf32, #tpu.memory_space<hbm>>) dst(%arg17 : memref<640xf32, #tpu.memory_space<vmem>>)
    %dma_wait3A_138 = arith.constant 5 : i32
    %dma_wait3A_139 = tpu.memref_slice %arg24[%dma_wait3A_138] : memref<8x!tpu.dma_semaphore, #tpu.memory_space<semaphore_mem>> -> memref<1x!tpu.dma_semaphore, #tpu.memory_space<semaphore_mem>>
    %dma_wait3A_140 = tpu.memref_squeeze %dma_wait3A_139 : memref<1x!tpu.dma_semaphore, #tpu.memory_space<semaphore_mem>> -> memref<!tpu.dma_semaphore, #tpu.memory_space<semaphore_mem>>
    tpu.wait_dma2 semaphore(%dma_wait3A_140 : memref<!tpu.dma_semaphore, #tpu.memory_space<semaphore_mem>>) src(%arg5 : memref<16xf32, #tpu.memory_space<hbm>>) dst(%arg20 : memref<16xf32, #tpu.memory_space<vmem>>)
    %scan3A = arith.constant 0 : i32
    %scan3A_141 = arith.constant 0 : i32
    %scan3A_142 = arith.constant 40 : i32
    %scan3A_143 = arith.addi %scan3A_141, %scan3A_142 : i32
    %scan3A_144 = arith.constant 1 : i32
    scf.for %scan3A_304 = %scan3A_141 to %scan3A_143 step %scan3A_144  : i32 {
      %mul3A_305 = arith.constant 16 : i32
      %mul3A_306 = arith.muli %scan3A_304, %mul3A_305 : i32
      %get3A_307 = arith.index_cast %mul3A_306 : i32 to index
      %get3A_308 = tpu.vector_load %arg17[%get3A_307] {strides = array<i32>} : memref<640xf32, #tpu.memory_space<vmem>>, vector<16xf32>,
      %add3A_309 = arith.constant 1.000000e+00 : f32
      %add3A_310 = vector.broadcast %add3A_309 : f32 to vector<16xf32>
      %add3A_311 = arith.addf %get3A_308, %add3A_310 : vector<16xf32>
      %bitcast3A = vector.bitcast %add3A_311 : vector<16xf32> to vector<16xi32>
      %shift_right_logical3A = arith.constant 1 : i32
      %shift_right_logical3A_312 = vector.broadcast %shift_right_logical3A : i32 to vector<16xi32>
      %shift_right_logical3A_313 = arith.shrui %bitcast3A, %shift_right_logical3A_312 : vector<16xi32>
      %sub3A = arith.constant 1597463007 : i32
      %sub3A_314 = vector.broadcast %sub3A : i32 to vector<16xi32>
      %sub3A_315 = arith.subi %sub3A_314, %shift_right_logical3A_313 : vector<16xi32>
      %bitcast3A_316 = vector.bitcast %sub3A_315 : vector<16xi32> to vector<16xf32>
      %mul3A_317 = arith.constant 5.000000e-01 : f32
      %mul3A_318 = vector.broadcast %mul3A_317 : f32 to vector<16xf32>
      %mul3A_319 = arith.mulf %mul3A_318, %add3A_311 : vector<16xf32>
      %mul3A_320 = arith.mulf %mul3A_319, %bitcast3A_316 : vector<16xf32>
      %mul3A_321 = arith.mulf %mul3A_320, %bitcast3A_316 : vector<16xf32>
      %sub3A_322 = arith.constant 1.500000e+00 : f32
      %sub3A_323 = vector.broadcast %sub3A_322 : f32 to vector<16xf32>
      %sub3A_324 = arith.subf %sub3A_323, %mul3A_321 : vector<16xf32>
      %mul3A_325 = arith.mulf %bitcast3A_316, %sub3A_324 : vector<16xf32>
      %mul3A_326 = arith.constant 5.000000e-01 : f32
      %mul3A_327 = vector.broadcast %mul3A_326 : f32 to vector<16xf32>
      %mul3A_328 = arith.mulf %mul3A_327, %add3A_311 : vector<16xf32>
      %mul3A_329 = arith.mulf %mul3A_328, %mul3A_325 : vector<16xf32>
      %mul3A_330 = arith.mulf %mul3A_329, %mul3A_325 : vector<16xf32>
      %sub3A_331 = arith.constant 1.500000e+00 : f32
      %sub3A_332 = vector.broadcast %sub3A_331 : f32 to vector<16xf32>
      %sub3A_333 = arith.subf %sub3A_332, %mul3A_330 : vector<16xf32>
      %mul3A_334 = arith.mulf %mul3A_325, %sub3A_333 : vector<16xf32>
      %mul3A_335 = arith.constant 5.000000e-01 : f32
      %mul3A_336 = vector.broadcast %mul3A_335 : f32 to vector<16xf32>
      %mul3A_337 = arith.mulf %mul3A_336, %add3A_311 : vector<16xf32>
      %mul3A_338 = arith.mulf %mul3A_337, %mul3A_334 : vector<16xf32>
      %mul3A_339 = arith.mulf %mul3A_338, %mul3A_334 : vector<16xf32>
      %sub3A_340 = arith.constant 1.500000e+00 : f32
      %sub3A_341 = vector.broadcast %sub3A_340 : f32 to vector<16xf32>
      %sub3A_342 = arith.subf %sub3A_341, %mul3A_339 : vector<16xf32>
      %mul3A_343 = arith.mulf %mul3A_334, %sub3A_342 : vector<16xf32>
      %mul3A_344 = arith.constant 16 : i32
      %mul3A_345 = arith.muli %scan3A_304, %mul3A_344 : i32
      %swap3A = arith.index_cast %mul3A_345 : i32 to index
      %swap3A_346 = tpu.vector_load %arg18[%swap3A] {strides = array<i32>} : memref<640xf32, #tpu.memory_space<vmem>>, vector<16xf32>,
      tpu.vector_store %arg18[%swap3A], %mul3A_343 {strides = array<i32>} : memref<640xf32, #tpu.memory_space<vmem>>, vector<16xf32>,
    }
    %scan3A_145 = arith.constant 40 : i32
    %get3A = arith.constant 0 : index
    %get3A_146 = tpu.vector_load %arg20[%get3A] {strides = array<i32>} : memref<16xf32, #tpu.memory_space<vmem>>, vector<16xf32>,
    %scan3A_147 = arith.constant 0 : i32
    %scan3A_148 = arith.constant 0 : i32
    %scan3A_149 = arith.constant 640 : i32
    %scan3A_150 = arith.addi %scan3A_148, %scan3A_149 : i32
    %scan3A_151 = arith.constant 1 : i32
    scf.for %scan3A_304 = %scan3A_148 to %scan3A_150 step %scan3A_151  : i32 {
      %broadcast_in_dim3A = vector.broadcast %scan3A_304 : i32 to vector<16xi32>
      %gather3A = tpu.vector_load_idx %arg18[%broadcast_in_dim3A] : memref<640xf32, #tpu.memory_space<vmem>>[vector<16xi32>], vector<16xf32>,
      %get3A_305 = arith.index_cast %scan3A_304 : i32 to index
      %get3A_306 = arith.constant 0 : index
      %get3A_307 = tpu.vector_load %arg14[%get3A_305, %get3A_306] {strides = array<i32>} : memref<640x16xf32, #tpu.memory_space<vmem>>, vector<16xf32>,
      %mul3A_308 = arith.mulf %gather3A, %get3A_307 : vector<16xf32>
      %get3A_309 = arith.index_cast %scan3A_304 : i32 to index
      %get3A_310 = arith.constant 0 : index
      %get3A_311 = tpu.vector_load %arg15[%get3A_309, %get3A_310] {strides = array<i32>} : memref<640x16xf32, #tpu.memory_space<vmem>>, vector<16xf32>,
      %get3A_312 = arith.index_cast %scan3A_304 : i32 to index
      %get3A_313 = arith.constant 0 : index
      %get3A_314 = tpu.vector_load %arg16[%get3A_312, %get3A_313] {strides = array<i32>} : memref<640x16xf32, #tpu.memory_space<vmem>>, vector<16xf32>,
      %add3A_315 = arith.addf %get3A_311, %get3A_314 : vector<16xf32>
      %add3A_316 = arith.addf %add3A_315, %mul3A_308 : vector<16xf32>
      %mul3A_317 = arith.mulf %gather3A, %add3A_316 : vector<16xf32>
      %add3A_318 = arith.addf %mul3A_317, %get3A_146 : vector<16xf32>
      %max3A = arith.constant 0.000000e+00 : f32
      %max3A_319 = vector.broadcast %max3A : f32 to vector<16xf32>
      %max3A_320 = arith.maximumf %add3A_318, %max3A_319 : vector<16xf32>
      %mul3A_321 = arith.mulf %gather3A, %max3A_320 : vector<16xf32>
      %swap3A = arith.index_cast %scan3A_304 : i32 to index
      %swap3A_322 = arith.constant 0 : index
      %swap3A_323 = tpu.vector_load %arg14[%swap3A, %swap3A_322] {strides = array<i32>} : memref<640x16xf32, #tpu.memory_space<vmem>>, vector<16xf32>,
      tpu.vector_store %arg14[%swap3A, %swap3A_322], %mul3A_321 {strides = array<i32>} : memref<640x16xf32, #tpu.memory_space<vmem>>, vector<16xf32>,
      %swap3A_324 = arith.index_cast %scan3A_304 : i32 to index
      %swap3A_325 = arith.constant 0 : index
      %swap3A_326 = tpu.vector_load %arg19[%swap3A_324, %swap3A_325] {strides = array<i32>} : memref<640x16xf32, #tpu.memory_space<vmem>>, vector<16xf32>,
      tpu.vector_store %arg19[%swap3A_324, %swap3A_325], %gather3A {strides = array<i32>} : memref<640x16xf32, #tpu.memory_space<vmem>>, vector<16xf32>,
    }
    %scan3A_152 = arith.constant 640 : i32
    %mul3A_153 = arith.constant 640 : i32
    %mul3A_154 = arith.muli %arg1, %mul3A_153 : i32
    "tpu.region"() ({
      %run_scoped3A = tpu.sem_alloc : memref<!tpu.dma_semaphore, #tpu.memory_space<semaphore_mem>>
      %dma_start3A_304 = arith.constant 0 : i32
      %dma_start3A_305 = tpu.memref_slice %arg21[%mul3A_154, %dma_start3A_304] : memref<10240x16xf32, #tpu.memory_space<vmem_shared>> -> memref<640x16xf32, #tpu.memory_space<vmem_shared>>
      %dma_start3A_306 = arith.constant 0 : i32
      %dma_start3A_307 = tpu.memref_slice %arg21[%mul3A_154, %dma_start3A_306] : memref<10240x16xf32, #tpu.memory_space<vmem_shared>> -> memref<640x16xf32, #tpu.memory_space<vmem_shared>>
      tpu.enqueue_dma source(%arg14 : memref<640x16xf32, #tpu.memory_space<vmem>>) target(%dma_start3A_307 : memref<640x16xf32, #tpu.memory_space<vmem_shared>>) target_semaphore(%run_scoped3A : memref<!tpu.dma_semaphore, #tpu.memory_space<semaphore_mem>>)
      %dma_wait3A_308 = arith.constant 0 : i32
      %dma_wait3A_309 = tpu.memref_slice %arg21[%mul3A_154, %dma_wait3A_308] : memref<10240x16xf32, #tpu.memory_space<vmem_shared>> -> memref<640x16xf32, #tpu.memory_space<vmem_shared>>
      %dma_wait3A_310 = arith.constant 0 : i32
      %dma_wait3A_311 = tpu.memref_slice %arg21[%mul3A_154, %dma_wait3A_310] : memref<10240x16xf32, #tpu.memory_space<vmem_shared>> -> memref<640x16xf32, #tpu.memory_space<vmem_shared>>
      tpu.wait_dma2 semaphore(%run_scoped3A : memref<!tpu.dma_semaphore, #tpu.memory_space<semaphore_mem>>) src(%arg14 : memref<640x16xf32, #tpu.memory_space<vmem>>) dst(%dma_wait3A_311 : memref<640x16xf32, #tpu.memory_space<vmem_shared>>)
      tpu.yield
    }) : () -> ()
    %eq3A = arith.constant 0 : i32
    %eq3A_155 = arith.cmpi eq, %arg0, %eq3A : i32
    %convert_element_type3A_156 = arith.extui %eq3A_155 : i1 to i32
    %cond3A_157 = arith.constant 0 : i32
    %cond3A_158 = arith.cmpi ne, %convert_element_type3A_156, %cond3A_157 : i32
    scf.if %cond3A_158 {
      %mul3A_304 = arith.constant 640 : i32
      %mul3A_305 = arith.muli %arg1, %mul3A_304 : i32
      "tpu.region"() ({
        %run_scoped3A = tpu.sem_alloc : memref<!tpu.dma_semaphore, #tpu.memory_space<semaphore_mem>>
        %dma_start3A_308 = arith.constant 0 : i32
        %dma_start3A_309 = tpu.memref_slice %arg10[%mul3A_305, %dma_start3A_308] : memref<10240x16xf32, #tpu.memory_space<hbm>> -> memref<640x16xf32, #tpu.memory_space<hbm>>
        %dma_start3A_310 = arith.constant 0 : i32
        %dma_start3A_311 = tpu.memref_slice %arg10[%mul3A_305, %dma_start3A_310] : memref<10240x16xf32, #tpu.memory_space<hbm>> -> memref<640x16xf32, #tpu.memory_space<hbm>>
        tpu.enqueue_dma source(%arg14 : memref<640x16xf32, #tpu.memory_space<vmem>>) target(%dma_start3A_311 : memref<640x16xf32, #tpu.memory_space<hbm>>) target_semaphore(%run_scoped3A : memref<!tpu.dma_semaphore, #tpu.memory_space<semaphore_mem>>)
        %dma_wait3A_312 = arith.constant 0 : i32
        %dma_wait3A_313 = tpu.memref_slice %arg10[%mul3A_305, %dma_wait3A_312] : memref<10240x16xf32, #tpu.memory_space<hbm>> -> memref<640x16xf32, #tpu.memory_space<hbm>>
        %dma_wait3A_314 = arith.constant 0 : i32
        %dma_wait3A_315 = tpu.memref_slice %arg10[%mul3A_305, %dma_wait3A_314] : memref<10240x16xf32, #tpu.memory_space<hbm>> -> memref<640x16xf32, #tpu.memory_space<hbm>>
        tpu.wait_dma2 semaphore(%run_scoped3A : memref<!tpu.dma_semaphore, #tpu.memory_space<semaphore_mem>>) src(%arg14 : memref<640x16xf32, #tpu.memory_space<vmem>>) dst(%dma_wait3A_315 : memref<640x16xf32, #tpu.memory_space<hbm>>)
        tpu.yield
      }) : () -> ()
      %mul3A_306 = arith.constant 640 : i32
      %mul3A_307 = arith.muli %arg1, %mul3A_306 : i32
      "tpu.region"() ({
        %run_scoped3A = tpu.sem_alloc : memref<!tpu.dma_semaphore, #tpu.memory_space<semaphore_mem>>
        %dma_start3A_308 = arith.constant 0 : i32
        %dma_start3A_309 = tpu.memref_slice %arg11[%mul3A_307, %dma_start3A_308] : memref<10240x16xf32, #tpu.memory_space<hbm>> -> memref<640x16xf32, #tpu.memory_space<hbm>>
        %dma_start3A_310 = arith.constant 0 : i32
        %dma_start3A_311 = tpu.memref_slice %arg11[%mul3A_307, %dma_start3A_310] : memref<10240x16xf32, #tpu.memory_space<hbm>> -> memref<640x16xf32, #tpu.memory_space<hbm>>
        tpu.enqueue_dma source(%arg19 : memref<640x16xf32, #tpu.memory_space<vmem>>) target(%dma_start3A_311 : memref<640x16xf32, #tpu.memory_space<hbm>>) target_semaphore(%run_scoped3A : memref<!tpu.dma_semaphore, #tpu.memory_space<semaphore_mem>>)
        %dma_wait3A_312 = arith.constant 0 : i32
        %dma_wait3A_313 = tpu.memref_slice %arg11[%mul3A_307, %dma_wait3A_312] : memref<10240x16xf32, #tpu.memory_space<hbm>> -> memref<640x16xf32, #tpu.memory_space<hbm>>
        %dma_wait3A_314 = arith.constant 0 : i32
        %dma_wait3A_315 = tpu.memref_slice %arg11[%mul3A_307, %dma_wait3A_314] : memref<10240x16xf32, #tpu.memory_space<hbm>> -> memref<640x16xf32, #tpu.memory_space<hbm>>
        tpu.wait_dma2 semaphore(%run_scoped3A : memref<!tpu.dma_semaphore, #tpu.memory_space<semaphore_mem>>) src(%arg19 : memref<640x16xf32, #tpu.memory_space<vmem>>) dst(%dma_wait3A_315 : memref<640x16xf32, #tpu.memory_space<hbm>>)
        tpu.yield
      }) : () -> ()
    } else {
    }
    %barrier3A = arith.constant 0 : index
    tpu.barrier barrier_id(%barrier3A)
    %dma_start3A_159 = arith.constant 0 : i32
    %dma_start3A_160 = arith.constant 0 : i32
    %dma_start3A_161 = arith.constant 0 : i32
    %dma_start3A_162 = arith.constant 0 : i32
    %dma_start3A_163 = arith.constant 0 : i32
    %dma_start3A_164 = arith.constant 0 : i32
    %dma_start3A_165 = tpu.memref_slice %arg13[%dma_start3A_161, %dma_start3A_163, %dma_start3A_164] : memref<8x128x16xf32, #tpu.memory_space<vmem>> -> memref<1x128x16xf32, #tpu.memory_space<vmem>>
    %dma_start3A_166 = tpu.memref_squeeze %dma_start3A_165 : memref<1x128x16xf32, #tpu.memory_space<vmem>> -> memref<128x16xf32, #tpu.memory_space<vmem>>
    %dma_start3A_167 = arith.constant 0 : i32
    %dma_start3A_168 = tpu.memref_slice %arg12[%dma_start3A_159, %dma_start3A_160, %dma_start3A_167] : memref<79x2x128xi32, #tpu.memory_space<vmem>> -> memref<1x1x128xi32, #tpu.memory_space<vmem>>
    %dma_start3A_169 = tpu.memref_squeeze %dma_start3A_168 : memref<1x1x128xi32, #tpu.memory_space<vmem>> -> memref<128xi32, #tpu.memory_space<vmem>>
    %dma_start3A_170 = arith.constant 0 : i32
    %dma_start3A_171 = arith.constant 0 : i32
    %dma_start3A_172 = tpu.memref_slice %arg21[%dma_start3A_170, %dma_start3A_171] : memref<10240x16xf32, #tpu.memory_space<vmem_shared>> -> memref<10240x16xf32, #tpu.memory_space<vmem_shared>>
    %dma_start3A_173 = tpu.memref_slice %arg23[%dma_start3A_162] : memref<8x!tpu.dma_semaphore, #tpu.memory_space<semaphore_mem>> -> memref<1x!tpu.dma_semaphore, #tpu.memory_space<semaphore_mem>>
    %dma_start3A_174 = tpu.memref_squeeze %dma_start3A_173 : memref<1x!tpu.dma_semaphore, #tpu.memory_space<semaphore_mem>> -> memref<!tpu.dma_semaphore, #tpu.memory_space<semaphore_mem>>
    tpu.enqueue_indirect_dma source(%dma_start3A_172 : memref<10240x16xf32, #tpu.memory_space<vmem_shared>>) target(%dma_start3A_166 : memref<128x16xf32, #tpu.memory_space<vmem>>) offsets(%dma_start3A_169 : memref<128xi32, #tpu.memory_space<vmem>>) semaphore(%dma_start3A_174 : memref<!tpu.dma_semaphore, #tpu.memory_space<semaphore_mem>>)
    %dma_start3A_175 = arith.constant 1 : i32
    %dma_start3A_176 = arith.constant 0 : i32
    %dma_start3A_177 = arith.constant 1 : i32
    %dma_start3A_178 = arith.constant 1 : i32
    %dma_start3A_179 = arith.constant 0 : i32
    %dma_start3A_180 = arith.constant 0 : i32
    %dma_start3A_181 = tpu.memref_slice %arg13[%dma_start3A_177, %dma_start3A_179, %dma_start3A_180] : memref<8x128x16xf32, #tpu.memory_space<vmem>> -> memref<1x128x16xf32, #tpu.memory_space<vmem>>
    %dma_start3A_182 = tpu.memref_squeeze %dma_start3A_181 : memref<1x128x16xf32, #tpu.memory_space<vmem>> -> memref<128x16xf32, #tpu.memory_space<vmem>>
    %dma_start3A_183 = arith.constant 0 : i32
    %dma_start3A_184 = tpu.memref_slice %arg12[%dma_start3A_175, %dma_start3A_176, %dma_start3A_183] : memref<79x2x128xi32, #tpu.memory_space<vmem>> -> memref<1x1x128xi32, #tpu.memory_space<vmem>>
    %dma_start3A_185 = tpu.memref_squeeze %dma_start3A_184 : memref<1x1x128xi32, #tpu.memory_space<vmem>> -> memref<128xi32, #tpu.memory_space<vmem>>
    %dma_start3A_186 = arith.constant 0 : i32
    %dma_start3A_187 = arith.constant 0 : i32
    %dma_start3A_188 = tpu.memref_slice %arg21[%dma_start3A_186, %dma_start3A_187] : memref<10240x16xf32, #tpu.memory_space<vmem_shared>> -> memref<10240x16xf32, #tpu.memory_space<vmem_shared>>
    %dma_start3A_189 = tpu.memref_slice %arg23[%dma_start3A_178] : memref<8x!tpu.dma_semaphore, #tpu.memory_space<semaphore_mem>> -> memref<1x!tpu.dma_semaphore, #tpu.memory_space<semaphore_mem>>
    %dma_start3A_190 = tpu.memref_squeeze %dma_start3A_189 : memref<1x!tpu.dma_semaphore, #tpu.memory_space<semaphore_mem>> -> memref<!tpu.dma_semaphore, #tpu.memory_space<semaphore_mem>>
    tpu.enqueue_indirect_dma source(%dma_start3A_188 : memref<10240x16xf32, #tpu.memory_space<vmem_shared>>) target(%dma_start3A_182 : memref<128x16xf32, #tpu.memory_space<vmem>>) offsets(%dma_start3A_185 : memref<128xi32, #tpu.memory_space<vmem>>) semaphore(%dma_start3A_190 : memref<!tpu.dma_semaphore, #tpu.memory_space<semaphore_mem>>)
    %dma_start3A_191 = arith.constant 2 : i32
    %dma_start3A_192 = arith.constant 0 : i32
    %dma_start3A_193 = arith.constant 2 : i32
    %dma_start3A_194 = arith.constant 2 : i32
    %dma_start3A_195 = arith.constant 0 : i32
    %dma_start3A_196 = arith.constant 0 : i32
    %dma_start3A_197 = tpu.memref_slice %arg13[%dma_start3A_193, %dma_start3A_195, %dma_start3A_196] : memref<8x128x16xf32, #tpu.memory_space<vmem>> -> memref<1x128x16xf32, #tpu.memory_space<vmem>>
    %dma_start3A_198 = tpu.memref_squeeze %dma_start3A_197 : memref<1x128x16xf32, #tpu.memory_space<vmem>> -> memref<128x16xf32, #tpu.memory_space<vmem>>
    %dma_start3A_199 = arith.constant 0 : i32
    %dma_start3A_200 = tpu.memref_slice %arg12[%dma_start3A_191, %dma_start3A_192, %dma_start3A_199] : memref<79x2x128xi32, #tpu.memory_space<vmem>> -> memref<1x1x128xi32, #tpu.memory_space<vmem>>
    %dma_start3A_201 = tpu.memref_squeeze %dma_start3A_200 : memref<1x1x128xi32, #tpu.memory_space<vmem>> -> memref<128xi32, #tpu.memory_space<vmem>>
    %dma_start3A_202 = arith.constant 0 : i32
    %dma_start3A_203 = arith.constant 0 : i32
    %dma_start3A_204 = tpu.memref_slice %arg21[%dma_start3A_202, %dma_start3A_203] : memref<10240x16xf32, #tpu.memory_space<vmem_shared>> -> memref<10240x16xf32, #tpu.memory_space<vmem_shared>>
    %dma_start3A_205 = tpu.memref_slice %arg23[%dma_start3A_194] : memref<8x!tpu.dma_semaphore, #tpu.memory_space<semaphore_mem>> -> memref<1x!tpu.dma_semaphore, #tpu.memory_space<semaphore_mem>>
    %dma_start3A_206 = tpu.memref_squeeze %dma_start3A_205 : memref<1x!tpu.dma_semaphore, #tpu.memory_space<semaphore_mem>> -> memref<!tpu.dma_semaphore, #tpu.memory_space<semaphore_mem>>
    tpu.enqueue_indirect_dma source(%dma_start3A_204 : memref<10240x16xf32, #tpu.memory_space<vmem_shared>>) target(%dma_start3A_198 : memref<128x16xf32, #tpu.memory_space<vmem>>) offsets(%dma_start3A_201 : memref<128xi32, #tpu.memory_space<vmem>>) semaphore(%dma_start3A_206 : memref<!tpu.dma_semaphore, #tpu.memory_space<semaphore_mem>>)
    %dma_start3A_207 = arith.constant 3 : i32
    %dma_start3A_208 = arith.constant 0 : i32
    %dma_start3A_209 = arith.constant 3 : i32
    %dma_start3A_210 = arith.constant 3 : i32
    %dma_start3A_211 = arith.constant 0 : i32
    %dma_start3A_212 = arith.constant 0 : i32
    %dma_start3A_213 = tpu.memref_slice %arg13[%dma_start3A_209, %dma_start3A_211, %dma_start3A_212] : memref<8x128x16xf32, #tpu.memory_space<vmem>> -> memref<1x128x16xf32, #tpu.memory_space<vmem>>
    %dma_start3A_214 = tpu.memref_squeeze %dma_start3A_213 : memref<1x128x16xf32, #tpu.memory_space<vmem>> -> memref<128x16xf32, #tpu.memory_space<vmem>>
    %dma_start3A_215 = arith.constant 0 : i32
    %dma_start3A_216 = tpu.memref_slice %arg12[%dma_start3A_207, %dma_start3A_208, %dma_start3A_215] : memref<79x2x128xi32, #tpu.memory_space<vmem>> -> memref<1x1x128xi32, #tpu.memory_space<vmem>>
    %dma_start3A_217 = tpu.memref_squeeze %dma_start3A_216 : memref<1x1x128xi32, #tpu.memory_space<vmem>> -> memref<128xi32, #tpu.memory_space<vmem>>
    %dma_start3A_218 = arith.constant 0 : i32
    %dma_start3A_219 = arith.constant 0 : i32
    %dma_start3A_220 = tpu.memref_slice %arg21[%dma_start3A_218, %dma_start3A_219] : memref<10240x16xf32, #tpu.memory_space<vmem_shared>> -> memref<10240x16xf32, #tpu.memory_space<vmem_shared>>
    %dma_start3A_221 = tpu.memref_slice %arg23[%dma_start3A_210] : memref<8x!tpu.dma_semaphore, #tpu.memory_space<semaphore_mem>> -> memref<1x!tpu.dma_semaphore, #tpu.memory_space<semaphore_mem>>
    %dma_start3A_222 = tpu.memref_squeeze %dma_start3A_221 : memref<1x!tpu.dma_semaphore, #tpu.memory_space<semaphore_mem>> -> memref<!tpu.dma_semaphore, #tpu.memory_space<semaphore_mem>>
    tpu.enqueue_indirect_dma source(%dma_start3A_220 : memref<10240x16xf32, #tpu.memory_space<vmem_shared>>) target(%dma_start3A_214 : memref<128x16xf32, #tpu.memory_space<vmem>>) offsets(%dma_start3A_217 : memref<128xi32, #tpu.memory_space<vmem>>) semaphore(%dma_start3A_222 : memref<!tpu.dma_semaphore, #tpu.memory_space<semaphore_mem>>)
    %dma_start3A_223 = arith.constant 4 : i32
    %dma_start3A_224 = arith.constant 0 : i32
    %dma_start3A_225 = arith.constant 4 : i32
    %dma_start3A_226 = arith.constant 4 : i32
    %dma_start3A_227 = arith.constant 0 : i32
    %dma_start3A_228 = arith.constant 0 : i32
    %dma_start3A_229 = tpu.memref_slice %arg13[%dma_start3A_225, %dma_start3A_227, %dma_start3A_228] : memref<8x128x16xf32, #tpu.memory_space<vmem>> -> memref<1x128x16xf32, #tpu.memory_space<vmem>>
    %dma_start3A_230 = tpu.memref_squeeze %dma_start3A_229 : memref<1x128x16xf32, #tpu.memory_space<vmem>> -> memref<128x16xf32, #tpu.memory_space<vmem>>
    %dma_start3A_231 = arith.constant 0 : i32
    %dma_start3A_232 = tpu.memref_slice %arg12[%dma_start3A_223, %dma_start3A_224, %dma_start3A_231] : memref<79x2x128xi32, #tpu.memory_space<vmem>> -> memref<1x1x128xi32, #tpu.memory_space<vmem>>
    %dma_start3A_233 = tpu.memref_squeeze %dma_start3A_232 : memref<1x1x128xi32, #tpu.memory_space<vmem>> -> memref<128xi32, #tpu.memory_space<vmem>>
    %dma_start3A_234 = arith.constant 0 : i32
    %dma_start3A_235 = arith.constant 0 : i32
    %dma_start3A_236 = tpu.memref_slice %arg21[%dma_start3A_234, %dma_start3A_235] : memref<10240x16xf32, #tpu.memory_space<vmem_shared>> -> memref<10240x16xf32, #tpu.memory_space<vmem_shared>>
    %dma_start3A_237 = tpu.memref_slice %arg23[%dma_start3A_226] : memref<8x!tpu.dma_semaphore, #tpu.memory_space<semaphore_mem>> -> memref<1x!tpu.dma_semaphore, #tpu.memory_space<semaphore_mem>>
    %dma_start3A_238 = tpu.memref_squeeze %dma_start3A_237 : memref<1x!tpu.dma_semaphore, #tpu.memory_space<semaphore_mem>> -> memref<!tpu.dma_semaphore, #tpu.memory_space<semaphore_mem>>
    tpu.enqueue_indirect_dma source(%dma_start3A_236 : memref<10240x16xf32, #tpu.memory_space<vmem_shared>>) target(%dma_start3A_230 : memref<128x16xf32, #tpu.memory_space<vmem>>) offsets(%dma_start3A_233 : memref<128xi32, #tpu.memory_space<vmem>>) semaphore(%dma_start3A_238 : memref<!tpu.dma_semaphore, #tpu.memory_space<semaphore_mem>>)
    %dma_start3A_239 = arith.constant 5 : i32
    %dma_start3A_240 = arith.constant 0 : i32
    %dma_start3A_241 = arith.constant 5 : i32
    %dma_start3A_242 = arith.constant 5 : i32
    %dma_start3A_243 = arith.constant 0 : i32
    %dma_start3A_244 = arith.constant 0 : i32
    %dma_start3A_245 = tpu.memref_slice %arg13[%dma_start3A_241, %dma_start3A_243, %dma_start3A_244] : memref<8x128x16xf32, #tpu.memory_space<vmem>> -> memref<1x128x16xf32, #tpu.memory_space<vmem>>
    %dma_start3A_246 = tpu.memref_squeeze %dma_start3A_245 : memref<1x128x16xf32, #tpu.memory_space<vmem>> -> memref<128x16xf32, #tpu.memory_space<vmem>>
    %dma_start3A_247 = arith.constant 0 : i32
    %dma_start3A_248 = tpu.memref_slice %arg12[%dma_start3A_239, %dma_start3A_240, %dma_start3A_247] : memref<79x2x128xi32, #tpu.memory_space<vmem>> -> memref<1x1x128xi32, #tpu.memory_space<vmem>>
    %dma_start3A_249 = tpu.memref_squeeze %dma_start3A_248 : memref<1x1x128xi32, #tpu.memory_space<vmem>> -> memref<128xi32, #tpu.memory_space<vmem>>
    %dma_start3A_250 = arith.constant 0 : i32
    %dma_start3A_251 = arith.constant 0 : i32
    %dma_start3A_252 = tpu.memref_slice %arg21[%dma_start3A_250, %dma_start3A_251] : memref<10240x16xf32, #tpu.memory_space<vmem_shared>> -> memref<10240x16xf32, #tpu.memory_space<vmem_shared>>
    %dma_start3A_253 = tpu.memref_slice %arg23[%dma_start3A_242] : memref<8x!tpu.dma_semaphore, #tpu.memory_space<semaphore_mem>> -> memref<1x!tpu.dma_semaphore, #tpu.memory_space<semaphore_mem>>
    %dma_start3A_254 = tpu.memref_squeeze %dma_start3A_253 : memref<1x!tpu.dma_semaphore, #tpu.memory_space<semaphore_mem>> -> memref<!tpu.dma_semaphore, #tpu.memory_space<semaphore_mem>>
    tpu.enqueue_indirect_dma source(%dma_start3A_252 : memref<10240x16xf32, #tpu.memory_space<vmem_shared>>) target(%dma_start3A_246 : memref<128x16xf32, #tpu.memory_space<vmem>>) offsets(%dma_start3A_249 : memref<128xi32, #tpu.memory_space<vmem>>) semaphore(%dma_start3A_254 : memref<!tpu.dma_semaphore, #tpu.memory_space<semaphore_mem>>)
    %dma_start3A_255 = arith.constant 6 : i32
    %dma_start3A_256 = arith.constant 0 : i32
    %dma_start3A_257 = arith.constant 6 : i32
    %dma_start3A_258 = arith.constant 6 : i32
    %dma_start3A_259 = arith.constant 0 : i32
    %dma_start3A_260 = arith.constant 0 : i32
    %dma_start3A_261 = tpu.memref_slice %arg13[%dma_start3A_257, %dma_start3A_259, %dma_start3A_260] : memref<8x128x16xf32, #tpu.memory_space<vmem>> -> memref<1x128x16xf32, #tpu.memory_space<vmem>>
    %dma_start3A_262 = tpu.memref_squeeze %dma_start3A_261 : memref<1x128x16xf32, #tpu.memory_space<vmem>> -> memref<128x16xf32, #tpu.memory_space<vmem>>
    %dma_start3A_263 = arith.constant 0 : i32
    %dma_start3A_264 = tpu.memref_slice %arg12[%dma_start3A_255, %dma_start3A_256, %dma_start3A_263] : memref<79x2x128xi32, #tpu.memory_space<vmem>> -> memref<1x1x128xi32, #tpu.memory_space<vmem>>
    %dma_start3A_265 = tpu.memref_squeeze %dma_start3A_264 : memref<1x1x128xi32, #tpu.memory_space<vmem>> -> memref<128xi32, #tpu.memory_space<vmem>>
    %dma_start3A_266 = arith.constant 0 : i32
    %dma_start3A_267 = arith.constant 0 : i32
    %dma_start3A_268 = tpu.memref_slice %arg21[%dma_start3A_266, %dma_start3A_267] : memref<10240x16xf32, #tpu.memory_space<vmem_shared>> -> memref<10240x16xf32, #tpu.memory_space<vmem_shared>>
    %dma_start3A_269 = tpu.memref_slice %arg23[%dma_start3A_258] : memref<8x!tpu.dma_semaphore, #tpu.memory_space<semaphore_mem>> -> memref<1x!tpu.dma_semaphore, #tpu.memory_space<semaphore_mem>>
    %dma_start3A_270 = tpu.memref_squeeze %dma_start3A_269 : memref<1x!tpu.dma_semaphore, #tpu.memory_space<semaphore_mem>> -> memref<!tpu.dma_semaphore, #tpu.memory_space<semaphore_mem>>
    tpu.enqueue_indirect_dma source(%dma_start3A_268 : memref<10240x16xf32, #tpu.memory_space<vmem_shared>>) target(%dma_start3A_262 : memref<128x16xf32, #tpu.memory_space<vmem>>) offsets(%dma_start3A_265 : memref<128xi32, #tpu.memory_space<vmem>>) semaphore(%dma_start3A_270 : memref<!tpu.dma_semaphore, #tpu.memory_space<semaphore_mem>>)
    %dma_start3A_271 = arith.constant 7 : i32
    %dma_start3A_272 = arith.constant 0 : i32
    %dma_start3A_273 = arith.constant 7 : i32
    %dma_start3A_274 = arith.constant 7 : i32
    %dma_start3A_275 = arith.constant 0 : i32
    %dma_start3A_276 = arith.constant 0 : i32
    %dma_start3A_277 = tpu.memref_slice %arg13[%dma_start3A_273, %dma_start3A_275, %dma_start3A_276] : memref<8x128x16xf32, #tpu.memory_space<vmem>> -> memref<1x128x16xf32, #tpu.memory_space<vmem>>
    %dma_start3A_278 = tpu.memref_squeeze %dma_start3A_277 : memref<1x128x16xf32, #tpu.memory_space<vmem>> -> memref<128x16xf32, #tpu.memory_space<vmem>>
    %dma_start3A_279 = arith.constant 0 : i32
    %dma_start3A_280 = tpu.memref_slice %arg12[%dma_start3A_271, %dma_start3A_272, %dma_start3A_279] : memref<79x2x128xi32, #tpu.memory_space<vmem>> -> memref<1x1x128xi32, #tpu.memory_space<vmem>>
    %dma_start3A_281 = tpu.memref_squeeze %dma_start3A_280 : memref<1x1x128xi32, #tpu.memory_space<vmem>> -> memref<128xi32, #tpu.memory_space<vmem>>
    %dma_start3A_282 = arith.constant 0 : i32
    %dma_start3A_283 = arith.constant 0 : i32
    %dma_start3A_284 = tpu.memref_slice %arg21[%dma_start3A_282, %dma_start3A_283] : memref<10240x16xf32, #tpu.memory_space<vmem_shared>> -> memref<10240x16xf32, #tpu.memory_space<vmem_shared>>
    %dma_start3A_285 = tpu.memref_slice %arg23[%dma_start3A_274] : memref<8x!tpu.dma_semaphore, #tpu.memory_space<semaphore_mem>> -> memref<1x!tpu.dma_semaphore, #tpu.memory_space<semaphore_mem>>
    %dma_start3A_286 = tpu.memref_squeeze %dma_start3A_285 : memref<1x!tpu.dma_semaphore, #tpu.memory_space<semaphore_mem>> -> memref<!tpu.dma_semaphore, #tpu.memory_space<semaphore_mem>>
    tpu.enqueue_indirect_dma source(%dma_start3A_284 : memref<10240x16xf32, #tpu.memory_space<vmem_shared>>) target(%dma_start3A_278 : memref<128x16xf32, #tpu.memory_space<vmem>>) offsets(%dma_start3A_281 : memref<128xi32, #tpu.memory_space<vmem>>) semaphore(%dma_start3A_286 : memref<!tpu.dma_semaphore, #tpu.memory_space<semaphore_mem>>)
    %scan3A_287 = arith.constant 0 : i32
    %scan3A_288 = arith.constant 0 : i32
    %scan3A_289 = arith.constant 10 : i32
    %scan3A_290 = arith.addi %scan3A_288, %scan3A_289 : i32
    %scan3A_291 = arith.constant 1 : i32
    scf.for %scan3A_304 = %scan3A_288 to %scan3A_290 step %scan3A_291  : i32 {
      %mul3A_305 = arith.constant 8 : i32
      %mul3A_306 = arith.muli %scan3A_304, %mul3A_305 : i32
      %add3A_307 = arith.constant 0 : i32
      %add3A_308 = arith.addi %mul3A_306, %add3A_307 : i32
      %lt3A_309 = arith.cmpi slt, %add3A_308, %add3A_7 : i32
      %convert_element_type3A_310 = arith.extui %lt3A_309 : i1 to i32
      %cond3A_311 = arith.constant 0 : i32
      %cond3A_312 = arith.cmpi ne, %convert_element_type3A_310, %cond3A_311 : i32
      scf.if %cond3A_312 {
        %dma_wait3A_369 = arith.constant 0 : i32
        %dma_wait3A_370 = arith.constant 0 : i32
        %dma_wait3A_371 = arith.constant 0 : i32
        %dma_wait3A_372 = arith.constant 0 : i32
        %dma_wait3A_373 = arith.constant 0 : i32
        %dma_wait3A_374 = tpu.memref_slice %arg13[%dma_wait3A_370, %dma_wait3A_372, %dma_wait3A_373] : memref<8x128x16xf32, #tpu.memory_space<vmem>> -> memref<1x128x16xf32, #tpu.memory_space<vmem>>
        %dma_wait3A_375 = tpu.memref_squeeze %dma_wait3A_374 : memref<1x128x16xf32, #tpu.memory_space<vmem>> -> memref<128x16xf32, #tpu.memory_space<vmem>>
        %dma_wait3A_376 = arith.constant 0 : i32
        %dma_wait3A_377 = tpu.memref_slice %arg12[%add3A_308, %dma_wait3A_369, %dma_wait3A_376] : memref<79x2x128xi32, #tpu.memory_space<vmem>> -> memref<1x1x128xi32, #tpu.memory_space<vmem>>
        %dma_wait3A_378 = tpu.memref_squeeze %dma_wait3A_377 : memref<1x1x128xi32, #tpu.memory_space<vmem>> -> memref<128xi32, #tpu.memory_space<vmem>>
        %dma_wait3A_379 = arith.constant 0 : i32
        %dma_wait3A_380 = arith.constant 0 : i32
        %dma_wait3A_381 = tpu.memref_slice %arg21[%dma_wait3A_379, %dma_wait3A_380] : memref<10240x16xf32, #tpu.memory_space<vmem_shared>> -> memref<10240x16xf32, #tpu.memory_space<vmem_shared>>
        %dma_wait3A_382 = tpu.memref_slice %arg23[%dma_wait3A_371] : memref<8x!tpu.dma_semaphore, #tpu.memory_space<semaphore_mem>> -> memref<1x!tpu.dma_semaphore, #tpu.memory_space<semaphore_mem>>
        %dma_wait3A_383 = tpu.memref_squeeze %dma_wait3A_382 : memref<1x!tpu.dma_semaphore, #tpu.memory_space<semaphore_mem>> -> memref<!tpu.dma_semaphore, #tpu.memory_space<semaphore_mem>>
        tpu.wait_indirect_dma semaphore(%dma_wait3A_383 : memref<!tpu.dma_semaphore, #tpu.memory_space<semaphore_mem>>) src(%dma_wait3A_381 : memref<10240x16xf32, #tpu.memory_space<vmem_shared>>) dst(%dma_wait3A_375 : memref<128x16xf32, #tpu.memory_space<vmem>>)
        %run_scoped3A = arith.constant 0 : i32
        %run_scoped3A_384 = arith.constant 1 : i32
        "tpu.region"() ({
          %run_scoped3A_391 = tpu.sem_alloc : memref<!tpu.dma_semaphore, #tpu.memory_space<semaphore_mem>>
          %dma_start3A_392 = arith.constant 0 : i32
          %dma_start3A_393 = arith.constant 0 : i32
          %dma_start3A_394 = tpu.memref_slice %arg13[%run_scoped3A, %dma_start3A_392, %dma_start3A_393] : memref<8x128x16xf32, #tpu.memory_space<vmem>> -> memref<1x128x16xf32, #tpu.memory_space<vmem>>
          %dma_start3A_395 = tpu.memref_squeeze %dma_start3A_394 : memref<1x128x16xf32, #tpu.memory_space<vmem>> -> memref<128x16xf32, #tpu.memory_space<vmem>>
          %dma_start3A_396 = arith.constant 0 : i32
          %dma_start3A_397 = tpu.memref_slice %arg12[%add3A_308, %run_scoped3A_384, %dma_start3A_396] : memref<79x2x128xi32, #tpu.memory_space<vmem>> -> memref<1x1x128xi32, #tpu.memory_space<vmem>>
          %dma_start3A_398 = tpu.memref_squeeze %dma_start3A_397 : memref<1x1x128xi32, #tpu.memory_space<vmem>> -> memref<128xi32, #tpu.memory_space<vmem>>
          %dma_start3A_399 = arith.constant 0 : i32
          %dma_start3A_400 = arith.constant 0 : i32
          %dma_start3A_401 = tpu.memref_slice %arg22[%dma_start3A_399, %dma_start3A_400] : memref<10240x16xf32, #tpu.memory_space<vmem_shared>> -> memref<10240x16xf32, #tpu.memory_space<vmem_shared>>
          tpu.enqueue_indirect_dma source(%dma_start3A_395 : memref<128x16xf32, #tpu.memory_space<vmem>>) target(%dma_start3A_401 : memref<10240x16xf32, #tpu.memory_space<vmem_shared>>) offsets(%dma_start3A_398 : memref<128xi32, #tpu.memory_space<vmem>>) semaphore(%run_scoped3A_391 : memref<!tpu.dma_semaphore, #tpu.memory_space<semaphore_mem>>) {add = true}
          %dma_wait3A_402 = arith.constant 0 : i32
          %dma_wait3A_403 = arith.constant 0 : i32
          %dma_wait3A_404 = tpu.memref_slice %arg13[%run_scoped3A, %dma_wait3A_402, %dma_wait3A_403] : memref<8x128x16xf32, #tpu.memory_space<vmem>> -> memref<1x128x16xf32, #tpu.memory_space<vmem>>
          %dma_wait3A_405 = tpu.memref_squeeze %dma_wait3A_404 : memref<1x128x16xf32, #tpu.memory_space<vmem>> -> memref<128x16xf32, #tpu.memory_space<vmem>>
          %dma_wait3A_406 = arith.constant 0 : i32
          %dma_wait3A_407 = tpu.memref_slice %arg12[%add3A_308, %run_scoped3A_384, %dma_wait3A_406] : memref<79x2x128xi32, #tpu.memory_space<vmem>> -> memref<1x1x128xi32, #tpu.memory_space<vmem>>
          %dma_wait3A_408 = tpu.memref_squeeze %dma_wait3A_407 : memref<1x1x128xi32, #tpu.memory_space<vmem>> -> memref<128xi32, #tpu.memory_space<vmem>>
          %dma_wait3A_409 = arith.constant 0 : i32
          %dma_wait3A_410 = arith.constant 0 : i32
          %dma_wait3A_411 = tpu.memref_slice %arg22[%dma_wait3A_409, %dma_wait3A_410] : memref<10240x16xf32, #tpu.memory_space<vmem_shared>> -> memref<10240x16xf32, #tpu.memory_space<vmem_shared>>
          tpu.wait_indirect_dma semaphore(%run_scoped3A_391 : memref<!tpu.dma_semaphore, #tpu.memory_space<semaphore_mem>>) src(%dma_wait3A_405 : memref<128x16xf32, #tpu.memory_space<vmem>>) dst(%dma_wait3A_411 : memref<10240x16xf32, #tpu.memory_space<vmem_shared>>)
          tpu.yield
        }) : () -> ()
        %add3A_385 = arith.constant 8 : i32
        %add3A_386 = arith.addi %add3A_308, %add3A_385 : i32
        %lt3A_387 = arith.cmpi slt, %add3A_386, %add3A_7 : i32
        %convert_element_type3A_388 = arith.extui %lt3A_387 : i1 to i32
        %cond3A_389 = arith.constant 0 : i32
        %cond3A_390 = arith.cmpi ne, %convert_element_type3A_388, %cond3A_389 : i32
        scf.if %cond3A_390 {
          %add3A_391 = arith.constant 8 : i32
          %add3A_392 = arith.addi %add3A_308, %add3A_391 : i32
          %dma_start3A_393 = arith.constant 0 : i32
          %dma_start3A_394 = arith.constant 0 : i32
          %dma_start3A_395 = arith.constant 0 : i32
          %dma_start3A_396 = arith.constant 0 : i32
          %dma_start3A_397 = arith.constant 0 : i32
          %dma_start3A_398 = tpu.memref_slice %arg13[%dma_start3A_394, %dma_start3A_396, %dma_start3A_397] : memref<8x128x16xf32, #tpu.memory_space<vmem>> -> memref<1x128x16xf32, #tpu.memory_space<vmem>>
          %dma_start3A_399 = tpu.memref_squeeze %dma_start3A_398 : memref<1x128x16xf32, #tpu.memory_space<vmem>> -> memref<128x16xf32, #tpu.memory_space<vmem>>
          %dma_start3A_400 = arith.constant 0 : i32
          %dma_start3A_401 = tpu.memref_slice %arg12[%add3A_392, %dma_start3A_393, %dma_start3A_400] : memref<79x2x128xi32, #tpu.memory_space<vmem>> -> memref<1x1x128xi32, #tpu.memory_space<vmem>>
          %dma_start3A_402 = tpu.memref_squeeze %dma_start3A_401 : memref<1x1x128xi32, #tpu.memory_space<vmem>> -> memref<128xi32, #tpu.memory_space<vmem>>
          %dma_start3A_403 = arith.constant 0 : i32
          %dma_start3A_404 = arith.constant 0 : i32
          %dma_start3A_405 = tpu.memref_slice %arg21[%dma_start3A_403, %dma_start3A_404] : memref<10240x16xf32, #tpu.memory_space<vmem_shared>> -> memref<10240x16xf32, #tpu.memory_space<vmem_shared>>
          %dma_start3A_406 = tpu.memref_slice %arg23[%dma_start3A_395] : memref<8x!tpu.dma_semaphore, #tpu.memory_space<semaphore_mem>> -> memref<1x!tpu.dma_semaphore, #tpu.memory_space<semaphore_mem>>
          %dma_start3A_407 = tpu.memref_squeeze %dma_start3A_406 : memref<1x!tpu.dma_semaphore, #tpu.memory_space<semaphore_mem>> -> memref<!tpu.dma_semaphore, #tpu.memory_space<semaphore_mem>>
          tpu.enqueue_indirect_dma source(%dma_start3A_405 : memref<10240x16xf32, #tpu.memory_space<vmem_shared>>) target(%dma_start3A_399 : memref<128x16xf32, #tpu.memory_space<vmem>>) offsets(%dma_start3A_402 : memref<128xi32, #tpu.memory_space<vmem>>) semaphore(%dma_start3A_407 : memref<!tpu.dma_semaphore, #tpu.memory_space<semaphore_mem>>)
        } else {
        }
      } else {
      }
      %mul3A_313 = arith.constant 8 : i32
      %mul3A_314 = arith.muli %scan3A_304, %mul3A_313 : i32
      %add3A_315 = arith.constant 1 : i32
      %add3A_316 = arith.addi %mul3A_314, %add3A_315 : i32
      %lt3A_317 = arith.cmpi slt, %add3A_316, %add3A_7 : i32
      %convert_element_type3A_318 = arith.extui %lt3A_317 : i1 to i32
      %cond3A_319 = arith.constant 0 : i32
      %cond3A_320 = arith.cmpi ne, %convert_element_type3A_318, %cond3A_319 : i32
      scf.if %cond3A_320 {
        %dma_wait3A_369 = arith.constant 0 : i32
        %dma_wait3A_370 = arith.constant 1 : i32
        %dma_wait3A_371 = arith.constant 1 : i32
        %dma_wait3A_372 = arith.constant 0 : i32
        %dma_wait3A_373 = arith.constant 0 : i32
        %dma_wait3A_374 = tpu.memref_slice %arg13[%dma_wait3A_370, %dma_wait3A_372, %dma_wait3A_373] : memref<8x128x16xf32, #tpu.memory_space<vmem>> -> memref<1x128x16xf32, #tpu.memory_space<vmem>>
        %dma_wait3A_375 = tpu.memref_squeeze %dma_wait3A_374 : memref<1x128x16xf32, #tpu.memory_space<vmem>> -> memref<128x16xf32, #tpu.memory_space<vmem>>
        %dma_wait3A_376 = arith.constant 0 : i32
        %dma_wait3A_377 = tpu.memref_slice %arg12[%add3A_316, %dma_wait3A_369, %dma_wait3A_376] : memref<79x2x128xi32, #tpu.memory_space<vmem>> -> memref<1x1x128xi32, #tpu.memory_space<vmem>>
        %dma_wait3A_378 = tpu.memref_squeeze %dma_wait3A_377 : memref<1x1x128xi32, #tpu.memory_space<vmem>> -> memref<128xi32, #tpu.memory_space<vmem>>
        %dma_wait3A_379 = arith.constant 0 : i32
        %dma_wait3A_380 = arith.constant 0 : i32
        %dma_wait3A_381 = tpu.memref_slice %arg21[%dma_wait3A_379, %dma_wait3A_380] : memref<10240x16xf32, #tpu.memory_space<vmem_shared>> -> memref<10240x16xf32, #tpu.memory_space<vmem_shared>>
        %dma_wait3A_382 = tpu.memref_slice %arg23[%dma_wait3A_371] : memref<8x!tpu.dma_semaphore, #tpu.memory_space<semaphore_mem>> -> memref<1x!tpu.dma_semaphore, #tpu.memory_space<semaphore_mem>>
        %dma_wait3A_383 = tpu.memref_squeeze %dma_wait3A_382 : memref<1x!tpu.dma_semaphore, #tpu.memory_space<semaphore_mem>> -> memref<!tpu.dma_semaphore, #tpu.memory_space<semaphore_mem>>
        tpu.wait_indirect_dma semaphore(%dma_wait3A_383 : memref<!tpu.dma_semaphore, #tpu.memory_space<semaphore_mem>>) src(%dma_wait3A_381 : memref<10240x16xf32, #tpu.memory_space<vmem_shared>>) dst(%dma_wait3A_375 : memref<128x16xf32, #tpu.memory_space<vmem>>)
        %run_scoped3A = arith.constant 1 : i32
        %run_scoped3A_384 = arith.constant 1 : i32
        "tpu.region"() ({
          %run_scoped3A_391 = tpu.sem_alloc : memref<!tpu.dma_semaphore, #tpu.memory_space<semaphore_mem>>
          %dma_start3A_392 = arith.constant 0 : i32
          %dma_start3A_393 = arith.constant 0 : i32
          %dma_start3A_394 = tpu.memref_slice %arg13[%run_scoped3A, %dma_start3A_392, %dma_start3A_393] : memref<8x128x16xf32, #tpu.memory_space<vmem>> -> memref<1x128x16xf32, #tpu.memory_space<vmem>>
          %dma_start3A_395 = tpu.memref_squeeze %dma_start3A_394 : memref<1x128x16xf32, #tpu.memory_space<vmem>> -> memref<128x16xf32, #tpu.memory_space<vmem>>
          %dma_start3A_396 = arith.constant 0 : i32
          %dma_start3A_397 = tpu.memref_slice %arg12[%add3A_316, %run_scoped3A_384, %dma_start3A_396] : memref<79x2x128xi32, #tpu.memory_space<vmem>> -> memref<1x1x128xi32, #tpu.memory_space<vmem>>
          %dma_start3A_398 = tpu.memref_squeeze %dma_start3A_397 : memref<1x1x128xi32, #tpu.memory_space<vmem>> -> memref<128xi32, #tpu.memory_space<vmem>>
          %dma_start3A_399 = arith.constant 0 : i32
          %dma_start3A_400 = arith.constant 0 : i32
          %dma_start3A_401 = tpu.memref_slice %arg22[%dma_start3A_399, %dma_start3A_400] : memref<10240x16xf32, #tpu.memory_space<vmem_shared>> -> memref<10240x16xf32, #tpu.memory_space<vmem_shared>>
          tpu.enqueue_indirect_dma source(%dma_start3A_395 : memref<128x16xf32, #tpu.memory_space<vmem>>) target(%dma_start3A_401 : memref<10240x16xf32, #tpu.memory_space<vmem_shared>>) offsets(%dma_start3A_398 : memref<128xi32, #tpu.memory_space<vmem>>) semaphore(%run_scoped3A_391 : memref<!tpu.dma_semaphore, #tpu.memory_space<semaphore_mem>>) {add = true}
          %dma_wait3A_402 = arith.constant 0 : i32
          %dma_wait3A_403 = arith.constant 0 : i32
          %dma_wait3A_404 = tpu.memref_slice %arg13[%run_scoped3A, %dma_wait3A_402, %dma_wait3A_403] : memref<8x128x16xf32, #tpu.memory_space<vmem>> -> memref<1x128x16xf32, #tpu.memory_space<vmem>>
          %dma_wait3A_405 = tpu.memref_squeeze %dma_wait3A_404 : memref<1x128x16xf32, #tpu.memory_space<vmem>> -> memref<128x16xf32, #tpu.memory_space<vmem>>
          %dma_wait3A_406 = arith.constant 0 : i32
          %dma_wait3A_407 = tpu.memref_slice %arg12[%add3A_316, %run_scoped3A_384, %dma_wait3A_406] : memref<79x2x128xi32, #tpu.memory_space<vmem>> -> memref<1x1x128xi32, #tpu.memory_space<vmem>>
          %dma_wait3A_408 = tpu.memref_squeeze %dma_wait3A_407 : memref<1x1x128xi32, #tpu.memory_space<vmem>> -> memref<128xi32, #tpu.memory_space<vmem>>
          %dma_wait3A_409 = arith.constant 0 : i32
          %dma_wait3A_410 = arith.constant 0 : i32
          %dma_wait3A_411 = tpu.memref_slice %arg22[%dma_wait3A_409, %dma_wait3A_410] : memref<10240x16xf32, #tpu.memory_space<vmem_shared>> -> memref<10240x16xf32, #tpu.memory_space<vmem_shared>>
          tpu.wait_indirect_dma semaphore(%run_scoped3A_391 : memref<!tpu.dma_semaphore, #tpu.memory_space<semaphore_mem>>) src(%dma_wait3A_405 : memref<128x16xf32, #tpu.memory_space<vmem>>) dst(%dma_wait3A_411 : memref<10240x16xf32, #tpu.memory_space<vmem_shared>>)
          tpu.yield
        }) : () -> ()
        %add3A_385 = arith.constant 8 : i32
        %add3A_386 = arith.addi %add3A_316, %add3A_385 : i32
        %lt3A_387 = arith.cmpi slt, %add3A_386, %add3A_7 : i32
        %convert_element_type3A_388 = arith.extui %lt3A_387 : i1 to i32
        %cond3A_389 = arith.constant 0 : i32
        %cond3A_390 = arith.cmpi ne, %convert_element_type3A_388, %cond3A_389 : i32
        scf.if %cond3A_390 {
          %add3A_391 = arith.constant 8 : i32
          %add3A_392 = arith.addi %add3A_316, %add3A_391 : i32
          %dma_start3A_393 = arith.constant 0 : i32
          %dma_start3A_394 = arith.constant 1 : i32
          %dma_start3A_395 = arith.constant 1 : i32
          %dma_start3A_396 = arith.constant 0 : i32
          %dma_start3A_397 = arith.constant 0 : i32
          %dma_start3A_398 = tpu.memref_slice %arg13[%dma_start3A_394, %dma_start3A_396, %dma_start3A_397] : memref<8x128x16xf32, #tpu.memory_space<vmem>> -> memref<1x128x16xf32, #tpu.memory_space<vmem>>
          %dma_start3A_399 = tpu.memref_squeeze %dma_start3A_398 : memref<1x128x16xf32, #tpu.memory_space<vmem>> -> memref<128x16xf32, #tpu.memory_space<vmem>>
          %dma_start3A_400 = arith.constant 0 : i32
          %dma_start3A_401 = tpu.memref_slice %arg12[%add3A_392, %dma_start3A_393, %dma_start3A_400] : memref<79x2x128xi32, #tpu.memory_space<vmem>> -> memref<1x1x128xi32, #tpu.memory_space<vmem>>
          %dma_start3A_402 = tpu.memref_squeeze %dma_start3A_401 : memref<1x1x128xi32, #tpu.memory_space<vmem>> -> memref<128xi32, #tpu.memory_space<vmem>>
          %dma_start3A_403 = arith.constant 0 : i32
          %dma_start3A_404 = arith.constant 0 : i32
          %dma_start3A_405 = tpu.memref_slice %arg21[%dma_start3A_403, %dma_start3A_404] : memref<10240x16xf32, #tpu.memory_space<vmem_shared>> -> memref<10240x16xf32, #tpu.memory_space<vmem_shared>>
          %dma_start3A_406 = tpu.memref_slice %arg23[%dma_start3A_395] : memref<8x!tpu.dma_semaphore, #tpu.memory_space<semaphore_mem>> -> memref<1x!tpu.dma_semaphore, #tpu.memory_space<semaphore_mem>>
          %dma_start3A_407 = tpu.memref_squeeze %dma_start3A_406 : memref<1x!tpu.dma_semaphore, #tpu.memory_space<semaphore_mem>> -> memref<!tpu.dma_semaphore, #tpu.memory_space<semaphore_mem>>
          tpu.enqueue_indirect_dma source(%dma_start3A_405 : memref<10240x16xf32, #tpu.memory_space<vmem_shared>>) target(%dma_start3A_399 : memref<128x16xf32, #tpu.memory_space<vmem>>) offsets(%dma_start3A_402 : memref<128xi32, #tpu.memory_space<vmem>>) semaphore(%dma_start3A_407 : memref<!tpu.dma_semaphore, #tpu.memory_space<semaphore_mem>>)
        } else {
        }
      } else {
      }
      %mul3A_321 = arith.constant 8 : i32
      %mul3A_322 = arith.muli %scan3A_304, %mul3A_321 : i32
      %add3A_323 = arith.constant 2 : i32
      %add3A_324 = arith.addi %mul3A_322, %add3A_323 : i32
      %lt3A_325 = arith.cmpi slt, %add3A_324, %add3A_7 : i32
      %convert_element_type3A_326 = arith.extui %lt3A_325 : i1 to i32
      %cond3A_327 = arith.constant 0 : i32
      %cond3A_328 = arith.cmpi ne, %convert_element_type3A_326, %cond3A_327 : i32
      scf.if %cond3A_328 {
        %dma_wait3A_369 = arith.constant 0 : i32
        %dma_wait3A_370 = arith.constant 2 : i32
        %dma_wait3A_371 = arith.constant 2 : i32
        %dma_wait3A_372 = arith.constant 0 : i32
        %dma_wait3A_373 = arith.constant 0 : i32
        %dma_wait3A_374 = tpu.memref_slice %arg13[%dma_wait3A_370, %dma_wait3A_372, %dma_wait3A_373] : memref<8x128x16xf32, #tpu.memory_space<vmem>> -> memref<1x128x16xf32, #tpu.memory_space<vmem>>
        %dma_wait3A_375 = tpu.memref_squeeze %dma_wait3A_374 : memref<1x128x16xf32, #tpu.memory_space<vmem>> -> memref<128x16xf32, #tpu.memory_space<vmem>>
        %dma_wait3A_376 = arith.constant 0 : i32
        %dma_wait3A_377 = tpu.memref_slice %arg12[%add3A_324, %dma_wait3A_369, %dma_wait3A_376] : memref<79x2x128xi32, #tpu.memory_space<vmem>> -> memref<1x1x128xi32, #tpu.memory_space<vmem>>
        %dma_wait3A_378 = tpu.memref_squeeze %dma_wait3A_377 : memref<1x1x128xi32, #tpu.memory_space<vmem>> -> memref<128xi32, #tpu.memory_space<vmem>>
        %dma_wait3A_379 = arith.constant 0 : i32
        %dma_wait3A_380 = arith.constant 0 : i32
        %dma_wait3A_381 = tpu.memref_slice %arg21[%dma_wait3A_379, %dma_wait3A_380] : memref<10240x16xf32, #tpu.memory_space<vmem_shared>> -> memref<10240x16xf32, #tpu.memory_space<vmem_shared>>
        %dma_wait3A_382 = tpu.memref_slice %arg23[%dma_wait3A_371] : memref<8x!tpu.dma_semaphore, #tpu.memory_space<semaphore_mem>> -> memref<1x!tpu.dma_semaphore, #tpu.memory_space<semaphore_mem>>
        %dma_wait3A_383 = tpu.memref_squeeze %dma_wait3A_382 : memref<1x!tpu.dma_semaphore, #tpu.memory_space<semaphore_mem>> -> memref<!tpu.dma_semaphore, #tpu.memory_space<semaphore_mem>>
        tpu.wait_indirect_dma semaphore(%dma_wait3A_383 : memref<!tpu.dma_semaphore, #tpu.memory_space<semaphore_mem>>) src(%dma_wait3A_381 : memref<10240x16xf32, #tpu.memory_space<vmem_shared>>) dst(%dma_wait3A_375 : memref<128x16xf32, #tpu.memory_space<vmem>>)
        %run_scoped3A = arith.constant 2 : i32
        %run_scoped3A_384 = arith.constant 1 : i32
        "tpu.region"() ({
          %run_scoped3A_391 = tpu.sem_alloc : memref<!tpu.dma_semaphore, #tpu.memory_space<semaphore_mem>>
          %dma_start3A_392 = arith.constant 0 : i32
          %dma_start3A_393 = arith.constant 0 : i32
          %dma_start3A_394 = tpu.memref_slice %arg13[%run_scoped3A, %dma_start3A_392, %dma_start3A_393] : memref<8x128x16xf32, #tpu.memory_space<vmem>> -> memref<1x128x16xf32, #tpu.memory_space<vmem>>
          %dma_start3A_395 = tpu.memref_squeeze %dma_start3A_394 : memref<1x128x16xf32, #tpu.memory_space<vmem>> -> memref<128x16xf32, #tpu.memory_space<vmem>>
          %dma_start3A_396 = arith.constant 0 : i32
          %dma_start3A_397 = tpu.memref_slice %arg12[%add3A_324, %run_scoped3A_384, %dma_start3A_396] : memref<79x2x128xi32, #tpu.memory_space<vmem>> -> memref<1x1x128xi32, #tpu.memory_space<vmem>>
          %dma_start3A_398 = tpu.memref_squeeze %dma_start3A_397 : memref<1x1x128xi32, #tpu.memory_space<vmem>> -> memref<128xi32, #tpu.memory_space<vmem>>
          %dma_start3A_399 = arith.constant 0 : i32
          %dma_start3A_400 = arith.constant 0 : i32
          %dma_start3A_401 = tpu.memref_slice %arg22[%dma_start3A_399, %dma_start3A_400] : memref<10240x16xf32, #tpu.memory_space<vmem_shared>> -> memref<10240x16xf32, #tpu.memory_space<vmem_shared>>
          tpu.enqueue_indirect_dma source(%dma_start3A_395 : memref<128x16xf32, #tpu.memory_space<vmem>>) target(%dma_start3A_401 : memref<10240x16xf32, #tpu.memory_space<vmem_shared>>) offsets(%dma_start3A_398 : memref<128xi32, #tpu.memory_space<vmem>>) semaphore(%run_scoped3A_391 : memref<!tpu.dma_semaphore, #tpu.memory_space<semaphore_mem>>) {add = true}
          %dma_wait3A_402 = arith.constant 0 : i32
          %dma_wait3A_403 = arith.constant 0 : i32
          %dma_wait3A_404 = tpu.memref_slice %arg13[%run_scoped3A, %dma_wait3A_402, %dma_wait3A_403] : memref<8x128x16xf32, #tpu.memory_space<vmem>> -> memref<1x128x16xf32, #tpu.memory_space<vmem>>
          %dma_wait3A_405 = tpu.memref_squeeze %dma_wait3A_404 : memref<1x128x16xf32, #tpu.memory_space<vmem>> -> memref<128x16xf32, #tpu.memory_space<vmem>>
          %dma_wait3A_406 = arith.constant 0 : i32
          %dma_wait3A_407 = tpu.memref_slice %arg12[%add3A_324, %run_scoped3A_384, %dma_wait3A_406] : memref<79x2x128xi32, #tpu.memory_space<vmem>> -> memref<1x1x128xi32, #tpu.memory_space<vmem>>
          %dma_wait3A_408 = tpu.memref_squeeze %dma_wait3A_407 : memref<1x1x128xi32, #tpu.memory_space<vmem>> -> memref<128xi32, #tpu.memory_space<vmem>>
          %dma_wait3A_409 = arith.constant 0 : i32
          %dma_wait3A_410 = arith.constant 0 : i32
          %dma_wait3A_411 = tpu.memref_slice %arg22[%dma_wait3A_409, %dma_wait3A_410] : memref<10240x16xf32, #tpu.memory_space<vmem_shared>> -> memref<10240x16xf32, #tpu.memory_space<vmem_shared>>
          tpu.wait_indirect_dma semaphore(%run_scoped3A_391 : memref<!tpu.dma_semaphore, #tpu.memory_space<semaphore_mem>>) src(%dma_wait3A_405 : memref<128x16xf32, #tpu.memory_space<vmem>>) dst(%dma_wait3A_411 : memref<10240x16xf32, #tpu.memory_space<vmem_shared>>)
          tpu.yield
        }) : () -> ()
        %add3A_385 = arith.constant 8 : i32
        %add3A_386 = arith.addi %add3A_324, %add3A_385 : i32
        %lt3A_387 = arith.cmpi slt, %add3A_386, %add3A_7 : i32
        %convert_element_type3A_388 = arith.extui %lt3A_387 : i1 to i32
        %cond3A_389 = arith.constant 0 : i32
        %cond3A_390 = arith.cmpi ne, %convert_element_type3A_388, %cond3A_389 : i32
        scf.if %cond3A_390 {
          %add3A_391 = arith.constant 8 : i32
          %add3A_392 = arith.addi %add3A_324, %add3A_391 : i32
          %dma_start3A_393 = arith.constant 0 : i32
          %dma_start3A_394 = arith.constant 2 : i32
          %dma_start3A_395 = arith.constant 2 : i32
          %dma_start3A_396 = arith.constant 0 : i32
          %dma_start3A_397 = arith.constant 0 : i32
          %dma_start3A_398 = tpu.memref_slice %arg13[%dma_start3A_394, %dma_start3A_396, %dma_start3A_397] : memref<8x128x16xf32, #tpu.memory_space<vmem>> -> memref<1x128x16xf32, #tpu.memory_space<vmem>>
          %dma_start3A_399 = tpu.memref_squeeze %dma_start3A_398 : memref<1x128x16xf32, #tpu.memory_space<vmem>> -> memref<128x16xf32, #tpu.memory_space<vmem>>
          %dma_start3A_400 = arith.constant 0 : i32
          %dma_start3A_401 = tpu.memref_slice %arg12[%add3A_392, %dma_start3A_393, %dma_start3A_400] : memref<79x2x128xi32, #tpu.memory_space<vmem>> -> memref<1x1x128xi32, #tpu.memory_space<vmem>>
          %dma_start3A_402 = tpu.memref_squeeze %dma_start3A_401 : memref<1x1x128xi32, #tpu.memory_space<vmem>> -> memref<128xi32, #tpu.memory_space<vmem>>
          %dma_start3A_403 = arith.constant 0 : i32
          %dma_start3A_404 = arith.constant 0 : i32
          %dma_start3A_405 = tpu.memref_slice %arg21[%dma_start3A_403, %dma_start3A_404] : memref<10240x16xf32, #tpu.memory_space<vmem_shared>> -> memref<10240x16xf32, #tpu.memory_space<vmem_shared>>
          %dma_start3A_406 = tpu.memref_slice %arg23[%dma_start3A_395] : memref<8x!tpu.dma_semaphore, #tpu.memory_space<semaphore_mem>> -> memref<1x!tpu.dma_semaphore, #tpu.memory_space<semaphore_mem>>
          %dma_start3A_407 = tpu.memref_squeeze %dma_start3A_406 : memref<1x!tpu.dma_semaphore, #tpu.memory_space<semaphore_mem>> -> memref<!tpu.dma_semaphore, #tpu.memory_space<semaphore_mem>>
          tpu.enqueue_indirect_dma source(%dma_start3A_405 : memref<10240x16xf32, #tpu.memory_space<vmem_shared>>) target(%dma_start3A_399 : memref<128x16xf32, #tpu.memory_space<vmem>>) offsets(%dma_start3A_402 : memref<128xi32, #tpu.memory_space<vmem>>) semaphore(%dma_start3A_407 : memref<!tpu.dma_semaphore, #tpu.memory_space<semaphore_mem>>)
        } else {
        }
      } else {
      }
      %mul3A_329 = arith.constant 8 : i32
      %mul3A_330 = arith.muli %scan3A_304, %mul3A_329 : i32
      %add3A_331 = arith.constant 3 : i32
      %add3A_332 = arith.addi %mul3A_330, %add3A_331 : i32
      %lt3A_333 = arith.cmpi slt, %add3A_332, %add3A_7 : i32
      %convert_element_type3A_334 = arith.extui %lt3A_333 : i1 to i32
      %cond3A_335 = arith.constant 0 : i32
      %cond3A_336 = arith.cmpi ne, %convert_element_type3A_334, %cond3A_335 : i32
      scf.if %cond3A_336 {
        %dma_wait3A_369 = arith.constant 0 : i32
        %dma_wait3A_370 = arith.constant 3 : i32
        %dma_wait3A_371 = arith.constant 3 : i32
        %dma_wait3A_372 = arith.constant 0 : i32
        %dma_wait3A_373 = arith.constant 0 : i32
        %dma_wait3A_374 = tpu.memref_slice %arg13[%dma_wait3A_370, %dma_wait3A_372, %dma_wait3A_373] : memref<8x128x16xf32, #tpu.memory_space<vmem>> -> memref<1x128x16xf32, #tpu.memory_space<vmem>>
        %dma_wait3A_375 = tpu.memref_squeeze %dma_wait3A_374 : memref<1x128x16xf32, #tpu.memory_space<vmem>> -> memref<128x16xf32, #tpu.memory_space<vmem>>
        %dma_wait3A_376 = arith.constant 0 : i32
        %dma_wait3A_377 = tpu.memref_slice %arg12[%add3A_332, %dma_wait3A_369, %dma_wait3A_376] : memref<79x2x128xi32, #tpu.memory_space<vmem>> -> memref<1x1x128xi32, #tpu.memory_space<vmem>>
        %dma_wait3A_378 = tpu.memref_squeeze %dma_wait3A_377 : memref<1x1x128xi32, #tpu.memory_space<vmem>> -> memref<128xi32, #tpu.memory_space<vmem>>
        %dma_wait3A_379 = arith.constant 0 : i32
        %dma_wait3A_380 = arith.constant 0 : i32
        %dma_wait3A_381 = tpu.memref_slice %arg21[%dma_wait3A_379, %dma_wait3A_380] : memref<10240x16xf32, #tpu.memory_space<vmem_shared>> -> memref<10240x16xf32, #tpu.memory_space<vmem_shared>>
        %dma_wait3A_382 = tpu.memref_slice %arg23[%dma_wait3A_371] : memref<8x!tpu.dma_semaphore, #tpu.memory_space<semaphore_mem>> -> memref<1x!tpu.dma_semaphore, #tpu.memory_space<semaphore_mem>>
        %dma_wait3A_383 = tpu.memref_squeeze %dma_wait3A_382 : memref<1x!tpu.dma_semaphore, #tpu.memory_space<semaphore_mem>> -> memref<!tpu.dma_semaphore, #tpu.memory_space<semaphore_mem>>
        tpu.wait_indirect_dma semaphore(%dma_wait3A_383 : memref<!tpu.dma_semaphore, #tpu.memory_space<semaphore_mem>>) src(%dma_wait3A_381 : memref<10240x16xf32, #tpu.memory_space<vmem_shared>>) dst(%dma_wait3A_375 : memref<128x16xf32, #tpu.memory_space<vmem>>)
        %run_scoped3A = arith.constant 3 : i32
        %run_scoped3A_384 = arith.constant 1 : i32
        "tpu.region"() ({
          %run_scoped3A_391 = tpu.sem_alloc : memref<!tpu.dma_semaphore, #tpu.memory_space<semaphore_mem>>
          %dma_start3A_392 = arith.constant 0 : i32
          %dma_start3A_393 = arith.constant 0 : i32
          %dma_start3A_394 = tpu.memref_slice %arg13[%run_scoped3A, %dma_start3A_392, %dma_start3A_393] : memref<8x128x16xf32, #tpu.memory_space<vmem>> -> memref<1x128x16xf32, #tpu.memory_space<vmem>>
          %dma_start3A_395 = tpu.memref_squeeze %dma_start3A_394 : memref<1x128x16xf32, #tpu.memory_space<vmem>> -> memref<128x16xf32, #tpu.memory_space<vmem>>
          %dma_start3A_396 = arith.constant 0 : i32
          %dma_start3A_397 = tpu.memref_slice %arg12[%add3A_332, %run_scoped3A_384, %dma_start3A_396] : memref<79x2x128xi32, #tpu.memory_space<vmem>> -> memref<1x1x128xi32, #tpu.memory_space<vmem>>
          %dma_start3A_398 = tpu.memref_squeeze %dma_start3A_397 : memref<1x1x128xi32, #tpu.memory_space<vmem>> -> memref<128xi32, #tpu.memory_space<vmem>>
          %dma_start3A_399 = arith.constant 0 : i32
          %dma_start3A_400 = arith.constant 0 : i32
          %dma_start3A_401 = tpu.memref_slice %arg22[%dma_start3A_399, %dma_start3A_400] : memref<10240x16xf32, #tpu.memory_space<vmem_shared>> -> memref<10240x16xf32, #tpu.memory_space<vmem_shared>>
          tpu.enqueue_indirect_dma source(%dma_start3A_395 : memref<128x16xf32, #tpu.memory_space<vmem>>) target(%dma_start3A_401 : memref<10240x16xf32, #tpu.memory_space<vmem_shared>>) offsets(%dma_start3A_398 : memref<128xi32, #tpu.memory_space<vmem>>) semaphore(%run_scoped3A_391 : memref<!tpu.dma_semaphore, #tpu.memory_space<semaphore_mem>>) {add = true}
          %dma_wait3A_402 = arith.constant 0 : i32
          %dma_wait3A_403 = arith.constant 0 : i32
          %dma_wait3A_404 = tpu.memref_slice %arg13[%run_scoped3A, %dma_wait3A_402, %dma_wait3A_403] : memref<8x128x16xf32, #tpu.memory_space<vmem>> -> memref<1x128x16xf32, #tpu.memory_space<vmem>>
          %dma_wait3A_405 = tpu.memref_squeeze %dma_wait3A_404 : memref<1x128x16xf32, #tpu.memory_space<vmem>> -> memref<128x16xf32, #tpu.memory_space<vmem>>
          %dma_wait3A_406 = arith.constant 0 : i32
          %dma_wait3A_407 = tpu.memref_slice %arg12[%add3A_332, %run_scoped3A_384, %dma_wait3A_406] : memref<79x2x128xi32, #tpu.memory_space<vmem>> -> memref<1x1x128xi32, #tpu.memory_space<vmem>>
          %dma_wait3A_408 = tpu.memref_squeeze %dma_wait3A_407 : memref<1x1x128xi32, #tpu.memory_space<vmem>> -> memref<128xi32, #tpu.memory_space<vmem>>
          %dma_wait3A_409 = arith.constant 0 : i32
          %dma_wait3A_410 = arith.constant 0 : i32
          %dma_wait3A_411 = tpu.memref_slice %arg22[%dma_wait3A_409, %dma_wait3A_410] : memref<10240x16xf32, #tpu.memory_space<vmem_shared>> -> memref<10240x16xf32, #tpu.memory_space<vmem_shared>>
          tpu.wait_indirect_dma semaphore(%run_scoped3A_391 : memref<!tpu.dma_semaphore, #tpu.memory_space<semaphore_mem>>) src(%dma_wait3A_405 : memref<128x16xf32, #tpu.memory_space<vmem>>) dst(%dma_wait3A_411 : memref<10240x16xf32, #tpu.memory_space<vmem_shared>>)
          tpu.yield
        }) : () -> ()
        %add3A_385 = arith.constant 8 : i32
        %add3A_386 = arith.addi %add3A_332, %add3A_385 : i32
        %lt3A_387 = arith.cmpi slt, %add3A_386, %add3A_7 : i32
        %convert_element_type3A_388 = arith.extui %lt3A_387 : i1 to i32
        %cond3A_389 = arith.constant 0 : i32
        %cond3A_390 = arith.cmpi ne, %convert_element_type3A_388, %cond3A_389 : i32
        scf.if %cond3A_390 {
          %add3A_391 = arith.constant 8 : i32
          %add3A_392 = arith.addi %add3A_332, %add3A_391 : i32
          %dma_start3A_393 = arith.constant 0 : i32
          %dma_start3A_394 = arith.constant 3 : i32
          %dma_start3A_395 = arith.constant 3 : i32
          %dma_start3A_396 = arith.constant 0 : i32
          %dma_start3A_397 = arith.constant 0 : i32
          %dma_start3A_398 = tpu.memref_slice %arg13[%dma_start3A_394, %dma_start3A_396, %dma_start3A_397] : memref<8x128x16xf32, #tpu.memory_space<vmem>> -> memref<1x128x16xf32, #tpu.memory_space<vmem>>
          %dma_start3A_399 = tpu.memref_squeeze %dma_start3A_398 : memref<1x128x16xf32, #tpu.memory_space<vmem>> -> memref<128x16xf32, #tpu.memory_space<vmem>>
          %dma_start3A_400 = arith.constant 0 : i32
          %dma_start3A_401 = tpu.memref_slice %arg12[%add3A_392, %dma_start3A_393, %dma_start3A_400] : memref<79x2x128xi32, #tpu.memory_space<vmem>> -> memref<1x1x128xi32, #tpu.memory_space<vmem>>
          %dma_start3A_402 = tpu.memref_squeeze %dma_start3A_401 : memref<1x1x128xi32, #tpu.memory_space<vmem>> -> memref<128xi32, #tpu.memory_space<vmem>>
          %dma_start3A_403 = arith.constant 0 : i32
          %dma_start3A_404 = arith.constant 0 : i32
          %dma_start3A_405 = tpu.memref_slice %arg21[%dma_start3A_403, %dma_start3A_404] : memref<10240x16xf32, #tpu.memory_space<vmem_shared>> -> memref<10240x16xf32, #tpu.memory_space<vmem_shared>>
          %dma_start3A_406 = tpu.memref_slice %arg23[%dma_start3A_395] : memref<8x!tpu.dma_semaphore, #tpu.memory_space<semaphore_mem>> -> memref<1x!tpu.dma_semaphore, #tpu.memory_space<semaphore_mem>>
          %dma_start3A_407 = tpu.memref_squeeze %dma_start3A_406 : memref<1x!tpu.dma_semaphore, #tpu.memory_space<semaphore_mem>> -> memref<!tpu.dma_semaphore, #tpu.memory_space<semaphore_mem>>
          tpu.enqueue_indirect_dma source(%dma_start3A_405 : memref<10240x16xf32, #tpu.memory_space<vmem_shared>>) target(%dma_start3A_399 : memref<128x16xf32, #tpu.memory_space<vmem>>) offsets(%dma_start3A_402 : memref<128xi32, #tpu.memory_space<vmem>>) semaphore(%dma_start3A_407 : memref<!tpu.dma_semaphore, #tpu.memory_space<semaphore_mem>>)
        } else {
        }
      } else {
      }
      %mul3A_337 = arith.constant 8 : i32
      %mul3A_338 = arith.muli %scan3A_304, %mul3A_337 : i32
      %add3A_339 = arith.constant 4 : i32
      %add3A_340 = arith.addi %mul3A_338, %add3A_339 : i32
      %lt3A_341 = arith.cmpi slt, %add3A_340, %add3A_7 : i32
      %convert_element_type3A_342 = arith.extui %lt3A_341 : i1 to i32
      %cond3A_343 = arith.constant 0 : i32
      %cond3A_344 = arith.cmpi ne, %convert_element_type3A_342, %cond3A_343 : i32
      scf.if %cond3A_344 {
        %dma_wait3A_369 = arith.constant 0 : i32
        %dma_wait3A_370 = arith.constant 4 : i32
        %dma_wait3A_371 = arith.constant 4 : i32
        %dma_wait3A_372 = arith.constant 0 : i32
        %dma_wait3A_373 = arith.constant 0 : i32
        %dma_wait3A_374 = tpu.memref_slice %arg13[%dma_wait3A_370, %dma_wait3A_372, %dma_wait3A_373] : memref<8x128x16xf32, #tpu.memory_space<vmem>> -> memref<1x128x16xf32, #tpu.memory_space<vmem>>
        %dma_wait3A_375 = tpu.memref_squeeze %dma_wait3A_374 : memref<1x128x16xf32, #tpu.memory_space<vmem>> -> memref<128x16xf32, #tpu.memory_space<vmem>>
        %dma_wait3A_376 = arith.constant 0 : i32
        %dma_wait3A_377 = tpu.memref_slice %arg12[%add3A_340, %dma_wait3A_369, %dma_wait3A_376] : memref<79x2x128xi32, #tpu.memory_space<vmem>> -> memref<1x1x128xi32, #tpu.memory_space<vmem>>
        %dma_wait3A_378 = tpu.memref_squeeze %dma_wait3A_377 : memref<1x1x128xi32, #tpu.memory_space<vmem>> -> memref<128xi32, #tpu.memory_space<vmem>>
        %dma_wait3A_379 = arith.constant 0 : i32
        %dma_wait3A_380 = arith.constant 0 : i32
        %dma_wait3A_381 = tpu.memref_slice %arg21[%dma_wait3A_379, %dma_wait3A_380] : memref<10240x16xf32, #tpu.memory_space<vmem_shared>> -> memref<10240x16xf32, #tpu.memory_space<vmem_shared>>
        %dma_wait3A_382 = tpu.memref_slice %arg23[%dma_wait3A_371] : memref<8x!tpu.dma_semaphore, #tpu.memory_space<semaphore_mem>> -> memref<1x!tpu.dma_semaphore, #tpu.memory_space<semaphore_mem>>
        %dma_wait3A_383 = tpu.memref_squeeze %dma_wait3A_382 : memref<1x!tpu.dma_semaphore, #tpu.memory_space<semaphore_mem>> -> memref<!tpu.dma_semaphore, #tpu.memory_space<semaphore_mem>>
        tpu.wait_indirect_dma semaphore(%dma_wait3A_383 : memref<!tpu.dma_semaphore, #tpu.memory_space<semaphore_mem>>) src(%dma_wait3A_381 : memref<10240x16xf32, #tpu.memory_space<vmem_shared>>) dst(%dma_wait3A_375 : memref<128x16xf32, #tpu.memory_space<vmem>>)
        %run_scoped3A = arith.constant 4 : i32
        %run_scoped3A_384 = arith.constant 1 : i32
        "tpu.region"() ({
          %run_scoped3A_391 = tpu.sem_alloc : memref<!tpu.dma_semaphore, #tpu.memory_space<semaphore_mem>>
          %dma_start3A_392 = arith.constant 0 : i32
          %dma_start3A_393 = arith.constant 0 : i32
          %dma_start3A_394 = tpu.memref_slice %arg13[%run_scoped3A, %dma_start3A_392, %dma_start3A_393] : memref<8x128x16xf32, #tpu.memory_space<vmem>> -> memref<1x128x16xf32, #tpu.memory_space<vmem>>
          %dma_start3A_395 = tpu.memref_squeeze %dma_start3A_394 : memref<1x128x16xf32, #tpu.memory_space<vmem>> -> memref<128x16xf32, #tpu.memory_space<vmem>>
          %dma_start3A_396 = arith.constant 0 : i32
          %dma_start3A_397 = tpu.memref_slice %arg12[%add3A_340, %run_scoped3A_384, %dma_start3A_396] : memref<79x2x128xi32, #tpu.memory_space<vmem>> -> memref<1x1x128xi32, #tpu.memory_space<vmem>>
          %dma_start3A_398 = tpu.memref_squeeze %dma_start3A_397 : memref<1x1x128xi32, #tpu.memory_space<vmem>> -> memref<128xi32, #tpu.memory_space<vmem>>
          %dma_start3A_399 = arith.constant 0 : i32
          %dma_start3A_400 = arith.constant 0 : i32
          %dma_start3A_401 = tpu.memref_slice %arg22[%dma_start3A_399, %dma_start3A_400] : memref<10240x16xf32, #tpu.memory_space<vmem_shared>> -> memref<10240x16xf32, #tpu.memory_space<vmem_shared>>
          tpu.enqueue_indirect_dma source(%dma_start3A_395 : memref<128x16xf32, #tpu.memory_space<vmem>>) target(%dma_start3A_401 : memref<10240x16xf32, #tpu.memory_space<vmem_shared>>) offsets(%dma_start3A_398 : memref<128xi32, #tpu.memory_space<vmem>>) semaphore(%run_scoped3A_391 : memref<!tpu.dma_semaphore, #tpu.memory_space<semaphore_mem>>) {add = true}
          %dma_wait3A_402 = arith.constant 0 : i32
          %dma_wait3A_403 = arith.constant 0 : i32
          %dma_wait3A_404 = tpu.memref_slice %arg13[%run_scoped3A, %dma_wait3A_402, %dma_wait3A_403] : memref<8x128x16xf32, #tpu.memory_space<vmem>> -> memref<1x128x16xf32, #tpu.memory_space<vmem>>
          %dma_wait3A_405 = tpu.memref_squeeze %dma_wait3A_404 : memref<1x128x16xf32, #tpu.memory_space<vmem>> -> memref<128x16xf32, #tpu.memory_space<vmem>>
          %dma_wait3A_406 = arith.constant 0 : i32
          %dma_wait3A_407 = tpu.memref_slice %arg12[%add3A_340, %run_scoped3A_384, %dma_wait3A_406] : memref<79x2x128xi32, #tpu.memory_space<vmem>> -> memref<1x1x128xi32, #tpu.memory_space<vmem>>
          %dma_wait3A_408 = tpu.memref_squeeze %dma_wait3A_407 : memref<1x1x128xi32, #tpu.memory_space<vmem>> -> memref<128xi32, #tpu.memory_space<vmem>>
          %dma_wait3A_409 = arith.constant 0 : i32
          %dma_wait3A_410 = arith.constant 0 : i32
          %dma_wait3A_411 = tpu.memref_slice %arg22[%dma_wait3A_409, %dma_wait3A_410] : memref<10240x16xf32, #tpu.memory_space<vmem_shared>> -> memref<10240x16xf32, #tpu.memory_space<vmem_shared>>
          tpu.wait_indirect_dma semaphore(%run_scoped3A_391 : memref<!tpu.dma_semaphore, #tpu.memory_space<semaphore_mem>>) src(%dma_wait3A_405 : memref<128x16xf32, #tpu.memory_space<vmem>>) dst(%dma_wait3A_411 : memref<10240x16xf32, #tpu.memory_space<vmem_shared>>)
          tpu.yield
        }) : () -> ()
        %add3A_385 = arith.constant 8 : i32
        %add3A_386 = arith.addi %add3A_340, %add3A_385 : i32
        %lt3A_387 = arith.cmpi slt, %add3A_386, %add3A_7 : i32
        %convert_element_type3A_388 = arith.extui %lt3A_387 : i1 to i32
        %cond3A_389 = arith.constant 0 : i32
        %cond3A_390 = arith.cmpi ne, %convert_element_type3A_388, %cond3A_389 : i32
        scf.if %cond3A_390 {
          %add3A_391 = arith.constant 8 : i32
          %add3A_392 = arith.addi %add3A_340, %add3A_391 : i32
          %dma_start3A_393 = arith.constant 0 : i32
          %dma_start3A_394 = arith.constant 4 : i32
          %dma_start3A_395 = arith.constant 4 : i32
          %dma_start3A_396 = arith.constant 0 : i32
          %dma_start3A_397 = arith.constant 0 : i32
          %dma_start3A_398 = tpu.memref_slice %arg13[%dma_start3A_394, %dma_start3A_396, %dma_start3A_397] : memref<8x128x16xf32, #tpu.memory_space<vmem>> -> memref<1x128x16xf32, #tpu.memory_space<vmem>>
          %dma_start3A_399 = tpu.memref_squeeze %dma_start3A_398 : memref<1x128x16xf32, #tpu.memory_space<vmem>> -> memref<128x16xf32, #tpu.memory_space<vmem>>
          %dma_start3A_400 = arith.constant 0 : i32
          %dma_start3A_401 = tpu.memref_slice %arg12[%add3A_392, %dma_start3A_393, %dma_start3A_400] : memref<79x2x128xi32, #tpu.memory_space<vmem>> -> memref<1x1x128xi32, #tpu.memory_space<vmem>>
          %dma_start3A_402 = tpu.memref_squeeze %dma_start3A_401 : memref<1x1x128xi32, #tpu.memory_space<vmem>> -> memref<128xi32, #tpu.memory_space<vmem>>
          %dma_start3A_403 = arith.constant 0 : i32
          %dma_start3A_404 = arith.constant 0 : i32
          %dma_start3A_405 = tpu.memref_slice %arg21[%dma_start3A_403, %dma_start3A_404] : memref<10240x16xf32, #tpu.memory_space<vmem_shared>> -> memref<10240x16xf32, #tpu.memory_space<vmem_shared>>
          %dma_start3A_406 = tpu.memref_slice %arg23[%dma_start3A_395] : memref<8x!tpu.dma_semaphore, #tpu.memory_space<semaphore_mem>> -> memref<1x!tpu.dma_semaphore, #tpu.memory_space<semaphore_mem>>
          %dma_start3A_407 = tpu.memref_squeeze %dma_start3A_406 : memref<1x!tpu.dma_semaphore, #tpu.memory_space<semaphore_mem>> -> memref<!tpu.dma_semaphore, #tpu.memory_space<semaphore_mem>>
          tpu.enqueue_indirect_dma source(%dma_start3A_405 : memref<10240x16xf32, #tpu.memory_space<vmem_shared>>) target(%dma_start3A_399 : memref<128x16xf32, #tpu.memory_space<vmem>>) offsets(%dma_start3A_402 : memref<128xi32, #tpu.memory_space<vmem>>) semaphore(%dma_start3A_407 : memref<!tpu.dma_semaphore, #tpu.memory_space<semaphore_mem>>)
        } else {
        }
      } else {
      }
      %mul3A_345 = arith.constant 8 : i32
      %mul3A_346 = arith.muli %scan3A_304, %mul3A_345 : i32
      %add3A_347 = arith.constant 5 : i32
      %add3A_348 = arith.addi %mul3A_346, %add3A_347 : i32
      %lt3A_349 = arith.cmpi slt, %add3A_348, %add3A_7 : i32
      %convert_element_type3A_350 = arith.extui %lt3A_349 : i1 to i32
      %cond3A_351 = arith.constant 0 : i32
      %cond3A_352 = arith.cmpi ne, %convert_element_type3A_350, %cond3A_351 : i32
      scf.if %cond3A_352 {
        %dma_wait3A_369 = arith.constant 0 : i32
        %dma_wait3A_370 = arith.constant 5 : i32
        %dma_wait3A_371 = arith.constant 5 : i32
        %dma_wait3A_372 = arith.constant 0 : i32
        %dma_wait3A_373 = arith.constant 0 : i32
        %dma_wait3A_374 = tpu.memref_slice %arg13[%dma_wait3A_370, %dma_wait3A_372, %dma_wait3A_373] : memref<8x128x16xf32, #tpu.memory_space<vmem>> -> memref<1x128x16xf32, #tpu.memory_space<vmem>>
        %dma_wait3A_375 = tpu.memref_squeeze %dma_wait3A_374 : memref<1x128x16xf32, #tpu.memory_space<vmem>> -> memref<128x16xf32, #tpu.memory_space<vmem>>
        %dma_wait3A_376 = arith.constant 0 : i32
        %dma_wait3A_377 = tpu.memref_slice %arg12[%add3A_348, %dma_wait3A_369, %dma_wait3A_376] : memref<79x2x128xi32, #tpu.memory_space<vmem>> -> memref<1x1x128xi32, #tpu.memory_space<vmem>>
        %dma_wait3A_378 = tpu.memref_squeeze %dma_wait3A_377 : memref<1x1x128xi32, #tpu.memory_space<vmem>> -> memref<128xi32, #tpu.memory_space<vmem>>
        %dma_wait3A_379 = arith.constant 0 : i32
        %dma_wait3A_380 = arith.constant 0 : i32
        %dma_wait3A_381 = tpu.memref_slice %arg21[%dma_wait3A_379, %dma_wait3A_380] : memref<10240x16xf32, #tpu.memory_space<vmem_shared>> -> memref<10240x16xf32, #tpu.memory_space<vmem_shared>>
        %dma_wait3A_382 = tpu.memref_slice %arg23[%dma_wait3A_371] : memref<8x!tpu.dma_semaphore, #tpu.memory_space<semaphore_mem>> -> memref<1x!tpu.dma_semaphore, #tpu.memory_space<semaphore_mem>>
        %dma_wait3A_383 = tpu.memref_squeeze %dma_wait3A_382 : memref<1x!tpu.dma_semaphore, #tpu.memory_space<semaphore_mem>> -> memref<!tpu.dma_semaphore, #tpu.memory_space<semaphore_mem>>
        tpu.wait_indirect_dma semaphore(%dma_wait3A_383 : memref<!tpu.dma_semaphore, #tpu.memory_space<semaphore_mem>>) src(%dma_wait3A_381 : memref<10240x16xf32, #tpu.memory_space<vmem_shared>>) dst(%dma_wait3A_375 : memref<128x16xf32, #tpu.memory_space<vmem>>)
        %run_scoped3A = arith.constant 5 : i32
        %run_scoped3A_384 = arith.constant 1 : i32
        "tpu.region"() ({
          %run_scoped3A_391 = tpu.sem_alloc : memref<!tpu.dma_semaphore, #tpu.memory_space<semaphore_mem>>
          %dma_start3A_392 = arith.constant 0 : i32
          %dma_start3A_393 = arith.constant 0 : i32
          %dma_start3A_394 = tpu.memref_slice %arg13[%run_scoped3A, %dma_start3A_392, %dma_start3A_393] : memref<8x128x16xf32, #tpu.memory_space<vmem>> -> memref<1x128x16xf32, #tpu.memory_space<vmem>>
          %dma_start3A_395 = tpu.memref_squeeze %dma_start3A_394 : memref<1x128x16xf32, #tpu.memory_space<vmem>> -> memref<128x16xf32, #tpu.memory_space<vmem>>
          %dma_start3A_396 = arith.constant 0 : i32
          %dma_start3A_397 = tpu.memref_slice %arg12[%add3A_348, %run_scoped3A_384, %dma_start3A_396] : memref<79x2x128xi32, #tpu.memory_space<vmem>> -> memref<1x1x128xi32, #tpu.memory_space<vmem>>
          %dma_start3A_398 = tpu.memref_squeeze %dma_start3A_397 : memref<1x1x128xi32, #tpu.memory_space<vmem>> -> memref<128xi32, #tpu.memory_space<vmem>>
          %dma_start3A_399 = arith.constant 0 : i32
          %dma_start3A_400 = arith.constant 0 : i32
          %dma_start3A_401 = tpu.memref_slice %arg22[%dma_start3A_399, %dma_start3A_400] : memref<10240x16xf32, #tpu.memory_space<vmem_shared>> -> memref<10240x16xf32, #tpu.memory_space<vmem_shared>>
          tpu.enqueue_indirect_dma source(%dma_start3A_395 : memref<128x16xf32, #tpu.memory_space<vmem>>) target(%dma_start3A_401 : memref<10240x16xf32, #tpu.memory_space<vmem_shared>>) offsets(%dma_start3A_398 : memref<128xi32, #tpu.memory_space<vmem>>) semaphore(%run_scoped3A_391 : memref<!tpu.dma_semaphore, #tpu.memory_space<semaphore_mem>>) {add = true}
          %dma_wait3A_402 = arith.constant 0 : i32
          %dma_wait3A_403 = arith.constant 0 : i32
          %dma_wait3A_404 = tpu.memref_slice %arg13[%run_scoped3A, %dma_wait3A_402, %dma_wait3A_403] : memref<8x128x16xf32, #tpu.memory_space<vmem>> -> memref<1x128x16xf32, #tpu.memory_space<vmem>>
          %dma_wait3A_405 = tpu.memref_squeeze %dma_wait3A_404 : memref<1x128x16xf32, #tpu.memory_space<vmem>> -> memref<128x16xf32, #tpu.memory_space<vmem>>
          %dma_wait3A_406 = arith.constant 0 : i32
          %dma_wait3A_407 = tpu.memref_slice %arg12[%add3A_348, %run_scoped3A_384, %dma_wait3A_406] : memref<79x2x128xi32, #tpu.memory_space<vmem>> -> memref<1x1x128xi32, #tpu.memory_space<vmem>>
          %dma_wait3A_408 = tpu.memref_squeeze %dma_wait3A_407 : memref<1x1x128xi32, #tpu.memory_space<vmem>> -> memref<128xi32, #tpu.memory_space<vmem>>
          %dma_wait3A_409 = arith.constant 0 : i32
          %dma_wait3A_410 = arith.constant 0 : i32
          %dma_wait3A_411 = tpu.memref_slice %arg22[%dma_wait3A_409, %dma_wait3A_410] : memref<10240x16xf32, #tpu.memory_space<vmem_shared>> -> memref<10240x16xf32, #tpu.memory_space<vmem_shared>>
          tpu.wait_indirect_dma semaphore(%run_scoped3A_391 : memref<!tpu.dma_semaphore, #tpu.memory_space<semaphore_mem>>) src(%dma_wait3A_405 : memref<128x16xf32, #tpu.memory_space<vmem>>) dst(%dma_wait3A_411 : memref<10240x16xf32, #tpu.memory_space<vmem_shared>>)
          tpu.yield
        }) : () -> ()
        %add3A_385 = arith.constant 8 : i32
        %add3A_386 = arith.addi %add3A_348, %add3A_385 : i32
        %lt3A_387 = arith.cmpi slt, %add3A_386, %add3A_7 : i32
        %convert_element_type3A_388 = arith.extui %lt3A_387 : i1 to i32
        %cond3A_389 = arith.constant 0 : i32
        %cond3A_390 = arith.cmpi ne, %convert_element_type3A_388, %cond3A_389 : i32
        scf.if %cond3A_390 {
          %add3A_391 = arith.constant 8 : i32
          %add3A_392 = arith.addi %add3A_348, %add3A_391 : i32
          %dma_start3A_393 = arith.constant 0 : i32
          %dma_start3A_394 = arith.constant 5 : i32
          %dma_start3A_395 = arith.constant 5 : i32
          %dma_start3A_396 = arith.constant 0 : i32
          %dma_start3A_397 = arith.constant 0 : i32
          %dma_start3A_398 = tpu.memref_slice %arg13[%dma_start3A_394, %dma_start3A_396, %dma_start3A_397] : memref<8x128x16xf32, #tpu.memory_space<vmem>> -> memref<1x128x16xf32, #tpu.memory_space<vmem>>
          %dma_start3A_399 = tpu.memref_squeeze %dma_start3A_398 : memref<1x128x16xf32, #tpu.memory_space<vmem>> -> memref<128x16xf32, #tpu.memory_space<vmem>>
          %dma_start3A_400 = arith.constant 0 : i32
          %dma_start3A_401 = tpu.memref_slice %arg12[%add3A_392, %dma_start3A_393, %dma_start3A_400] : memref<79x2x128xi32, #tpu.memory_space<vmem>> -> memref<1x1x128xi32, #tpu.memory_space<vmem>>
          %dma_start3A_402 = tpu.memref_squeeze %dma_start3A_401 : memref<1x1x128xi32, #tpu.memory_space<vmem>> -> memref<128xi32, #tpu.memory_space<vmem>>
          %dma_start3A_403 = arith.constant 0 : i32
          %dma_start3A_404 = arith.constant 0 : i32
          %dma_start3A_405 = tpu.memref_slice %arg21[%dma_start3A_403, %dma_start3A_404] : memref<10240x16xf32, #tpu.memory_space<vmem_shared>> -> memref<10240x16xf32, #tpu.memory_space<vmem_shared>>
          %dma_start3A_406 = tpu.memref_slice %arg23[%dma_start3A_395] : memref<8x!tpu.dma_semaphore, #tpu.memory_space<semaphore_mem>> -> memref<1x!tpu.dma_semaphore, #tpu.memory_space<semaphore_mem>>
          %dma_start3A_407 = tpu.memref_squeeze %dma_start3A_406 : memref<1x!tpu.dma_semaphore, #tpu.memory_space<semaphore_mem>> -> memref<!tpu.dma_semaphore, #tpu.memory_space<semaphore_mem>>
          tpu.enqueue_indirect_dma source(%dma_start3A_405 : memref<10240x16xf32, #tpu.memory_space<vmem_shared>>) target(%dma_start3A_399 : memref<128x16xf32, #tpu.memory_space<vmem>>) offsets(%dma_start3A_402 : memref<128xi32, #tpu.memory_space<vmem>>) semaphore(%dma_start3A_407 : memref<!tpu.dma_semaphore, #tpu.memory_space<semaphore_mem>>)
        } else {
        }
      } else {
      }
      %mul3A_353 = arith.constant 8 : i32
      %mul3A_354 = arith.muli %scan3A_304, %mul3A_353 : i32
      %add3A_355 = arith.constant 6 : i32
      %add3A_356 = arith.addi %mul3A_354, %add3A_355 : i32
      %lt3A_357 = arith.cmpi slt, %add3A_356, %add3A_7 : i32
      %convert_element_type3A_358 = arith.extui %lt3A_357 : i1 to i32
      %cond3A_359 = arith.constant 0 : i32
      %cond3A_360 = arith.cmpi ne, %convert_element_type3A_358, %cond3A_359 : i32
      scf.if %cond3A_360 {
        %dma_wait3A_369 = arith.constant 0 : i32
        %dma_wait3A_370 = arith.constant 6 : i32
        %dma_wait3A_371 = arith.constant 6 : i32
        %dma_wait3A_372 = arith.constant 0 : i32
        %dma_wait3A_373 = arith.constant 0 : i32
        %dma_wait3A_374 = tpu.memref_slice %arg13[%dma_wait3A_370, %dma_wait3A_372, %dma_wait3A_373] : memref<8x128x16xf32, #tpu.memory_space<vmem>> -> memref<1x128x16xf32, #tpu.memory_space<vmem>>
        %dma_wait3A_375 = tpu.memref_squeeze %dma_wait3A_374 : memref<1x128x16xf32, #tpu.memory_space<vmem>> -> memref<128x16xf32, #tpu.memory_space<vmem>>
        %dma_wait3A_376 = arith.constant 0 : i32
        %dma_wait3A_377 = tpu.memref_slice %arg12[%add3A_356, %dma_wait3A_369, %dma_wait3A_376] : memref<79x2x128xi32, #tpu.memory_space<vmem>> -> memref<1x1x128xi32, #tpu.memory_space<vmem>>
        %dma_wait3A_378 = tpu.memref_squeeze %dma_wait3A_377 : memref<1x1x128xi32, #tpu.memory_space<vmem>> -> memref<128xi32, #tpu.memory_space<vmem>>
        %dma_wait3A_379 = arith.constant 0 : i32
        %dma_wait3A_380 = arith.constant 0 : i32
        %dma_wait3A_381 = tpu.memref_slice %arg21[%dma_wait3A_379, %dma_wait3A_380] : memref<10240x16xf32, #tpu.memory_space<vmem_shared>> -> memref<10240x16xf32, #tpu.memory_space<vmem_shared>>
        %dma_wait3A_382 = tpu.memref_slice %arg23[%dma_wait3A_371] : memref<8x!tpu.dma_semaphore, #tpu.memory_space<semaphore_mem>> -> memref<1x!tpu.dma_semaphore, #tpu.memory_space<semaphore_mem>>
        %dma_wait3A_383 = tpu.memref_squeeze %dma_wait3A_382 : memref<1x!tpu.dma_semaphore, #tpu.memory_space<semaphore_mem>> -> memref<!tpu.dma_semaphore, #tpu.memory_space<semaphore_mem>>
        tpu.wait_indirect_dma semaphore(%dma_wait3A_383 : memref<!tpu.dma_semaphore, #tpu.memory_space<semaphore_mem>>) src(%dma_wait3A_381 : memref<10240x16xf32, #tpu.memory_space<vmem_shared>>) dst(%dma_wait3A_375 : memref<128x16xf32, #tpu.memory_space<vmem>>)
        %run_scoped3A = arith.constant 6 : i32
        %run_scoped3A_384 = arith.constant 1 : i32
        "tpu.region"() ({
          %run_scoped3A_391 = tpu.sem_alloc : memref<!tpu.dma_semaphore, #tpu.memory_space<semaphore_mem>>
          %dma_start3A_392 = arith.constant 0 : i32
          %dma_start3A_393 = arith.constant 0 : i32
          %dma_start3A_394 = tpu.memref_slice %arg13[%run_scoped3A, %dma_start3A_392, %dma_start3A_393] : memref<8x128x16xf32, #tpu.memory_space<vmem>> -> memref<1x128x16xf32, #tpu.memory_space<vmem>>
          %dma_start3A_395 = tpu.memref_squeeze %dma_start3A_394 : memref<1x128x16xf32, #tpu.memory_space<vmem>> -> memref<128x16xf32, #tpu.memory_space<vmem>>
          %dma_start3A_396 = arith.constant 0 : i32
          %dma_start3A_397 = tpu.memref_slice %arg12[%add3A_356, %run_scoped3A_384, %dma_start3A_396] : memref<79x2x128xi32, #tpu.memory_space<vmem>> -> memref<1x1x128xi32, #tpu.memory_space<vmem>>
          %dma_start3A_398 = tpu.memref_squeeze %dma_start3A_397 : memref<1x1x128xi32, #tpu.memory_space<vmem>> -> memref<128xi32, #tpu.memory_space<vmem>>
          %dma_start3A_399 = arith.constant 0 : i32
          %dma_start3A_400 = arith.constant 0 : i32
          %dma_start3A_401 = tpu.memref_slice %arg22[%dma_start3A_399, %dma_start3A_400] : memref<10240x16xf32, #tpu.memory_space<vmem_shared>> -> memref<10240x16xf32, #tpu.memory_space<vmem_shared>>
          tpu.enqueue_indirect_dma source(%dma_start3A_395 : memref<128x16xf32, #tpu.memory_space<vmem>>) target(%dma_start3A_401 : memref<10240x16xf32, #tpu.memory_space<vmem_shared>>) offsets(%dma_start3A_398 : memref<128xi32, #tpu.memory_space<vmem>>) semaphore(%run_scoped3A_391 : memref<!tpu.dma_semaphore, #tpu.memory_space<semaphore_mem>>) {add = true}
          %dma_wait3A_402 = arith.constant 0 : i32
          %dma_wait3A_403 = arith.constant 0 : i32
          %dma_wait3A_404 = tpu.memref_slice %arg13[%run_scoped3A, %dma_wait3A_402, %dma_wait3A_403] : memref<8x128x16xf32, #tpu.memory_space<vmem>> -> memref<1x128x16xf32, #tpu.memory_space<vmem>>
          %dma_wait3A_405 = tpu.memref_squeeze %dma_wait3A_404 : memref<1x128x16xf32, #tpu.memory_space<vmem>> -> memref<128x16xf32, #tpu.memory_space<vmem>>
          %dma_wait3A_406 = arith.constant 0 : i32
          %dma_wait3A_407 = tpu.memref_slice %arg12[%add3A_356, %run_scoped3A_384, %dma_wait3A_406] : memref<79x2x128xi32, #tpu.memory_space<vmem>> -> memref<1x1x128xi32, #tpu.memory_space<vmem>>
          %dma_wait3A_408 = tpu.memref_squeeze %dma_wait3A_407 : memref<1x1x128xi32, #tpu.memory_space<vmem>> -> memref<128xi32, #tpu.memory_space<vmem>>
          %dma_wait3A_409 = arith.constant 0 : i32
          %dma_wait3A_410 = arith.constant 0 : i32
          %dma_wait3A_411 = tpu.memref_slice %arg22[%dma_wait3A_409, %dma_wait3A_410] : memref<10240x16xf32, #tpu.memory_space<vmem_shared>> -> memref<10240x16xf32, #tpu.memory_space<vmem_shared>>
          tpu.wait_indirect_dma semaphore(%run_scoped3A_391 : memref<!tpu.dma_semaphore, #tpu.memory_space<semaphore_mem>>) src(%dma_wait3A_405 : memref<128x16xf32, #tpu.memory_space<vmem>>) dst(%dma_wait3A_411 : memref<10240x16xf32, #tpu.memory_space<vmem_shared>>)
          tpu.yield
        }) : () -> ()
        %add3A_385 = arith.constant 8 : i32
        %add3A_386 = arith.addi %add3A_356, %add3A_385 : i32
        %lt3A_387 = arith.cmpi slt, %add3A_386, %add3A_7 : i32
        %convert_element_type3A_388 = arith.extui %lt3A_387 : i1 to i32
        %cond3A_389 = arith.constant 0 : i32
        %cond3A_390 = arith.cmpi ne, %convert_element_type3A_388, %cond3A_389 : i32
        scf.if %cond3A_390 {
          %add3A_391 = arith.constant 8 : i32
          %add3A_392 = arith.addi %add3A_356, %add3A_391 : i32
          %dma_start3A_393 = arith.constant 0 : i32
          %dma_start3A_394 = arith.constant 6 : i32
          %dma_start3A_395 = arith.constant 6 : i32
          %dma_start3A_396 = arith.constant 0 : i32
          %dma_start3A_397 = arith.constant 0 : i32
          %dma_start3A_398 = tpu.memref_slice %arg13[%dma_start3A_394, %dma_start3A_396, %dma_start3A_397] : memref<8x128x16xf32, #tpu.memory_space<vmem>> -> memref<1x128x16xf32, #tpu.memory_space<vmem>>
          %dma_start3A_399 = tpu.memref_squeeze %dma_start3A_398 : memref<1x128x16xf32, #tpu.memory_space<vmem>> -> memref<128x16xf32, #tpu.memory_space<vmem>>
          %dma_start3A_400 = arith.constant 0 : i32
          %dma_start3A_401 = tpu.memref_slice %arg12[%add3A_392, %dma_start3A_393, %dma_start3A_400] : memref<79x2x128xi32, #tpu.memory_space<vmem>> -> memref<1x1x128xi32, #tpu.memory_space<vmem>>
          %dma_start3A_402 = tpu.memref_squeeze %dma_start3A_401 : memref<1x1x128xi32, #tpu.memory_space<vmem>> -> memref<128xi32, #tpu.memory_space<vmem>>
          %dma_start3A_403 = arith.constant 0 : i32
          %dma_start3A_404 = arith.constant 0 : i32
          %dma_start3A_405 = tpu.memref_slice %arg21[%dma_start3A_403, %dma_start3A_404] : memref<10240x16xf32, #tpu.memory_space<vmem_shared>> -> memref<10240x16xf32, #tpu.memory_space<vmem_shared>>
          %dma_start3A_406 = tpu.memref_slice %arg23[%dma_start3A_395] : memref<8x!tpu.dma_semaphore, #tpu.memory_space<semaphore_mem>> -> memref<1x!tpu.dma_semaphore, #tpu.memory_space<semaphore_mem>>
          %dma_start3A_407 = tpu.memref_squeeze %dma_start3A_406 : memref<1x!tpu.dma_semaphore, #tpu.memory_space<semaphore_mem>> -> memref<!tpu.dma_semaphore, #tpu.memory_space<semaphore_mem>>
          tpu.enqueue_indirect_dma source(%dma_start3A_405 : memref<10240x16xf32, #tpu.memory_space<vmem_shared>>) target(%dma_start3A_399 : memref<128x16xf32, #tpu.memory_space<vmem>>) offsets(%dma_start3A_402 : memref<128xi32, #tpu.memory_space<vmem>>) semaphore(%dma_start3A_407 : memref<!tpu.dma_semaphore, #tpu.memory_space<semaphore_mem>>)
        } else {
        }
      } else {
      }
      %mul3A_361 = arith.constant 8 : i32
      %mul3A_362 = arith.muli %scan3A_304, %mul3A_361 : i32
      %add3A_363 = arith.constant 7 : i32
      %add3A_364 = arith.addi %mul3A_362, %add3A_363 : i32
      %lt3A_365 = arith.cmpi slt, %add3A_364, %add3A_7 : i32
      %convert_element_type3A_366 = arith.extui %lt3A_365 : i1 to i32
      %cond3A_367 = arith.constant 0 : i32
      %cond3A_368 = arith.cmpi ne, %convert_element_type3A_366, %cond3A_367 : i32
      scf.if %cond3A_368 {
        %dma_wait3A_369 = arith.constant 0 : i32
        %dma_wait3A_370 = arith.constant 7 : i32
        %dma_wait3A_371 = arith.constant 7 : i32
        %dma_wait3A_372 = arith.constant 0 : i32
        %dma_wait3A_373 = arith.constant 0 : i32
        %dma_wait3A_374 = tpu.memref_slice %arg13[%dma_wait3A_370, %dma_wait3A_372, %dma_wait3A_373] : memref<8x128x16xf32, #tpu.memory_space<vmem>> -> memref<1x128x16xf32, #tpu.memory_space<vmem>>
        %dma_wait3A_375 = tpu.memref_squeeze %dma_wait3A_374 : memref<1x128x16xf32, #tpu.memory_space<vmem>> -> memref<128x16xf32, #tpu.memory_space<vmem>>
        %dma_wait3A_376 = arith.constant 0 : i32
        %dma_wait3A_377 = tpu.memref_slice %arg12[%add3A_364, %dma_wait3A_369, %dma_wait3A_376] : memref<79x2x128xi32, #tpu.memory_space<vmem>> -> memref<1x1x128xi32, #tpu.memory_space<vmem>>
        %dma_wait3A_378 = tpu.memref_squeeze %dma_wait3A_377 : memref<1x1x128xi32, #tpu.memory_space<vmem>> -> memref<128xi32, #tpu.memory_space<vmem>>
        %dma_wait3A_379 = arith.constant 0 : i32
        %dma_wait3A_380 = arith.constant 0 : i32
        %dma_wait3A_381 = tpu.memref_slice %arg21[%dma_wait3A_379, %dma_wait3A_380] : memref<10240x16xf32, #tpu.memory_space<vmem_shared>> -> memref<10240x16xf32, #tpu.memory_space<vmem_shared>>
        %dma_wait3A_382 = tpu.memref_slice %arg23[%dma_wait3A_371] : memref<8x!tpu.dma_semaphore, #tpu.memory_space<semaphore_mem>> -> memref<1x!tpu.dma_semaphore, #tpu.memory_space<semaphore_mem>>
        %dma_wait3A_383 = tpu.memref_squeeze %dma_wait3A_382 : memref<1x!tpu.dma_semaphore, #tpu.memory_space<semaphore_mem>> -> memref<!tpu.dma_semaphore, #tpu.memory_space<semaphore_mem>>
        tpu.wait_indirect_dma semaphore(%dma_wait3A_383 : memref<!tpu.dma_semaphore, #tpu.memory_space<semaphore_mem>>) src(%dma_wait3A_381 : memref<10240x16xf32, #tpu.memory_space<vmem_shared>>) dst(%dma_wait3A_375 : memref<128x16xf32, #tpu.memory_space<vmem>>)
        %run_scoped3A = arith.constant 7 : i32
        %run_scoped3A_384 = arith.constant 1 : i32
        "tpu.region"() ({
          %run_scoped3A_391 = tpu.sem_alloc : memref<!tpu.dma_semaphore, #tpu.memory_space<semaphore_mem>>
          %dma_start3A_392 = arith.constant 0 : i32
          %dma_start3A_393 = arith.constant 0 : i32
          %dma_start3A_394 = tpu.memref_slice %arg13[%run_scoped3A, %dma_start3A_392, %dma_start3A_393] : memref<8x128x16xf32, #tpu.memory_space<vmem>> -> memref<1x128x16xf32, #tpu.memory_space<vmem>>
          %dma_start3A_395 = tpu.memref_squeeze %dma_start3A_394 : memref<1x128x16xf32, #tpu.memory_space<vmem>> -> memref<128x16xf32, #tpu.memory_space<vmem>>
          %dma_start3A_396 = arith.constant 0 : i32
          %dma_start3A_397 = tpu.memref_slice %arg12[%add3A_364, %run_scoped3A_384, %dma_start3A_396] : memref<79x2x128xi32, #tpu.memory_space<vmem>> -> memref<1x1x128xi32, #tpu.memory_space<vmem>>
          %dma_start3A_398 = tpu.memref_squeeze %dma_start3A_397 : memref<1x1x128xi32, #tpu.memory_space<vmem>> -> memref<128xi32, #tpu.memory_space<vmem>>
          %dma_start3A_399 = arith.constant 0 : i32
          %dma_start3A_400 = arith.constant 0 : i32
          %dma_start3A_401 = tpu.memref_slice %arg22[%dma_start3A_399, %dma_start3A_400] : memref<10240x16xf32, #tpu.memory_space<vmem_shared>> -> memref<10240x16xf32, #tpu.memory_space<vmem_shared>>
          tpu.enqueue_indirect_dma source(%dma_start3A_395 : memref<128x16xf32, #tpu.memory_space<vmem>>) target(%dma_start3A_401 : memref<10240x16xf32, #tpu.memory_space<vmem_shared>>) offsets(%dma_start3A_398 : memref<128xi32, #tpu.memory_space<vmem>>) semaphore(%run_scoped3A_391 : memref<!tpu.dma_semaphore, #tpu.memory_space<semaphore_mem>>) {add = true}
          %dma_wait3A_402 = arith.constant 0 : i32
          %dma_wait3A_403 = arith.constant 0 : i32
          %dma_wait3A_404 = tpu.memref_slice %arg13[%run_scoped3A, %dma_wait3A_402, %dma_wait3A_403] : memref<8x128x16xf32, #tpu.memory_space<vmem>> -> memref<1x128x16xf32, #tpu.memory_space<vmem>>
          %dma_wait3A_405 = tpu.memref_squeeze %dma_wait3A_404 : memref<1x128x16xf32, #tpu.memory_space<vmem>> -> memref<128x16xf32, #tpu.memory_space<vmem>>
          %dma_wait3A_406 = arith.constant 0 : i32
          %dma_wait3A_407 = tpu.memref_slice %arg12[%add3A_364, %run_scoped3A_384, %dma_wait3A_406] : memref<79x2x128xi32, #tpu.memory_space<vmem>> -> memref<1x1x128xi32, #tpu.memory_space<vmem>>
          %dma_wait3A_408 = tpu.memref_squeeze %dma_wait3A_407 : memref<1x1x128xi32, #tpu.memory_space<vmem>> -> memref<128xi32, #tpu.memory_space<vmem>>
          %dma_wait3A_409 = arith.constant 0 : i32
          %dma_wait3A_410 = arith.constant 0 : i32
          %dma_wait3A_411 = tpu.memref_slice %arg22[%dma_wait3A_409, %dma_wait3A_410] : memref<10240x16xf32, #tpu.memory_space<vmem_shared>> -> memref<10240x16xf32, #tpu.memory_space<vmem_shared>>
          tpu.wait_indirect_dma semaphore(%run_scoped3A_391 : memref<!tpu.dma_semaphore, #tpu.memory_space<semaphore_mem>>) src(%dma_wait3A_405 : memref<128x16xf32, #tpu.memory_space<vmem>>) dst(%dma_wait3A_411 : memref<10240x16xf32, #tpu.memory_space<vmem_shared>>)
          tpu.yield
        }) : () -> ()
        %add3A_385 = arith.constant 8 : i32
        %add3A_386 = arith.addi %add3A_364, %add3A_385 : i32
        %lt3A_387 = arith.cmpi slt, %add3A_386, %add3A_7 : i32
        %convert_element_type3A_388 = arith.extui %lt3A_387 : i1 to i32
        %cond3A_389 = arith.constant 0 : i32
        %cond3A_390 = arith.cmpi ne, %convert_element_type3A_388, %cond3A_389 : i32
        scf.if %cond3A_390 {
          %add3A_391 = arith.constant 8 : i32
          %add3A_392 = arith.addi %add3A_364, %add3A_391 : i32
          %dma_start3A_393 = arith.constant 0 : i32
          %dma_start3A_394 = arith.constant 7 : i32
          %dma_start3A_395 = arith.constant 7 : i32
          %dma_start3A_396 = arith.constant 0 : i32
          %dma_start3A_397 = arith.constant 0 : i32
          %dma_start3A_398 = tpu.memref_slice %arg13[%dma_start3A_394, %dma_start3A_396, %dma_start3A_397] : memref<8x128x16xf32, #tpu.memory_space<vmem>> -> memref<1x128x16xf32, #tpu.memory_space<vmem>>
          %dma_start3A_399 = tpu.memref_squeeze %dma_start3A_398 : memref<1x128x16xf32, #tpu.memory_space<vmem>> -> memref<128x16xf32, #tpu.memory_space<vmem>>
          %dma_start3A_400 = arith.constant 0 : i32
          %dma_start3A_401 = tpu.memref_slice %arg12[%add3A_392, %dma_start3A_393, %dma_start3A_400] : memref<79x2x128xi32, #tpu.memory_space<vmem>> -> memref<1x1x128xi32, #tpu.memory_space<vmem>>
          %dma_start3A_402 = tpu.memref_squeeze %dma_start3A_401 : memref<1x1x128xi32, #tpu.memory_space<vmem>> -> memref<128xi32, #tpu.memory_space<vmem>>
          %dma_start3A_403 = arith.constant 0 : i32
          %dma_start3A_404 = arith.constant 0 : i32
          %dma_start3A_405 = tpu.memref_slice %arg21[%dma_start3A_403, %dma_start3A_404] : memref<10240x16xf32, #tpu.memory_space<vmem_shared>> -> memref<10240x16xf32, #tpu.memory_space<vmem_shared>>
          %dma_start3A_406 = tpu.memref_slice %arg23[%dma_start3A_395] : memref<8x!tpu.dma_semaphore, #tpu.memory_space<semaphore_mem>> -> memref<1x!tpu.dma_semaphore, #tpu.memory_space<semaphore_mem>>
          %dma_start3A_407 = tpu.memref_squeeze %dma_start3A_406 : memref<1x!tpu.dma_semaphore, #tpu.memory_space<semaphore_mem>> -> memref<!tpu.dma_semaphore, #tpu.memory_space<semaphore_mem>>
          tpu.enqueue_indirect_dma source(%dma_start3A_405 : memref<10240x16xf32, #tpu.memory_space<vmem_shared>>) target(%dma_start3A_399 : memref<128x16xf32, #tpu.memory_space<vmem>>) offsets(%dma_start3A_402 : memref<128xi32, #tpu.memory_space<vmem>>) semaphore(%dma_start3A_407 : memref<!tpu.dma_semaphore, #tpu.memory_space<semaphore_mem>>)
        } else {
        }
      } else {
      }
    }
    %scan3A_292 = arith.constant 10 : i32
    %barrier3A_293 = arith.constant 0 : index
    tpu.barrier barrier_id(%barrier3A_293)
    %eq3A_294 = arith.constant 0 : i32
    %eq3A_295 = arith.cmpi eq, %arg0, %eq3A_294 : i32
    %convert_element_type3A_296 = arith.extui %eq3A_295 : i1 to i32
    %cond3A_297 = arith.constant 0 : i32
    %cond3A_298 = arith.cmpi ne, %convert_element_type3A_296, %cond3A_297 : i32
    scf.if %cond3A_298 {
      %mul3A_304 = arith.constant 640 : i32
      %mul3A_305 = arith.muli %arg1, %mul3A_304 : i32
      %mul3A_306 = arith.constant 640 : i32
      %mul3A_307 = arith.muli %arg1, %mul3A_306 : i32
      "tpu.region"() ({
        %run_scoped3A = tpu.sem_alloc : memref<!tpu.dma_semaphore, #tpu.memory_space<semaphore_mem>>
        %dma_start3A_308 = arith.constant 0 : i32
        %dma_start3A_309 = tpu.memref_slice %arg8[%mul3A_307, %dma_start3A_308] : memref<10240x16xf32, #tpu.memory_space<hbm>> -> memref<640x16xf32, #tpu.memory_space<hbm>>
        %dma_start3A_310 = arith.constant 0 : i32
        %dma_start3A_311 = tpu.memref_slice %arg22[%mul3A_305, %dma_start3A_310] : memref<10240x16xf32, #tpu.memory_space<vmem_shared>> -> memref<640x16xf32, #tpu.memory_space<vmem_shared>>
        tpu.enqueue_dma source(%dma_start3A_311 : memref<640x16xf32, #tpu.memory_space<vmem_shared>>) target(%dma_start3A_309 : memref<640x16xf32, #tpu.memory_space<hbm>>) target_semaphore(%run_scoped3A : memref<!tpu.dma_semaphore, #tpu.memory_space<semaphore_mem>>)
        %dma_wait3A_312 = arith.constant 0 : i32
        %dma_wait3A_313 = tpu.memref_slice %arg8[%mul3A_307, %dma_wait3A_312] : memref<10240x16xf32, #tpu.memory_space<hbm>> -> memref<640x16xf32, #tpu.memory_space<hbm>>
        %dma_wait3A_314 = arith.constant 0 : i32
        %dma_wait3A_315 = tpu.memref_slice %arg22[%mul3A_305, %dma_wait3A_314] : memref<10240x16xf32, #tpu.memory_space<vmem_shared>> -> memref<640x16xf32, #tpu.memory_space<vmem_shared>>
        tpu.wait_dma2 semaphore(%run_scoped3A : memref<!tpu.dma_semaphore, #tpu.memory_space<semaphore_mem>>) src(%dma_wait3A_315 : memref<640x16xf32, #tpu.memory_space<vmem_shared>>) dst(%dma_wait3A_313 : memref<640x16xf32, #tpu.memory_space<hbm>>)
        tpu.yield
      }) : () -> ()
    } else {
    }
    %eq3A_299 = arith.constant 1 : i32
    %eq3A_300 = arith.cmpi eq, %arg0, %eq3A_299 : i32
    %convert_element_type3A_301 = arith.extui %eq3A_300 : i1 to i32
    %cond3A_302 = arith.constant 0 : i32
    %cond3A_303 = arith.cmpi ne, %convert_element_type3A_301, %cond3A_302 : i32
    scf.if %cond3A_303 {
      %mul3A_304 = arith.constant 640 : i32
      %mul3A_305 = arith.muli %arg1, %mul3A_304 : i32
      %mul3A_306 = arith.constant 640 : i32
      %mul3A_307 = arith.muli %arg1, %mul3A_306 : i32
      "tpu.region"() ({
        %run_scoped3A = tpu.sem_alloc : memref<!tpu.dma_semaphore, #tpu.memory_space<semaphore_mem>>
        %dma_start3A_308 = arith.constant 0 : i32
        %dma_start3A_309 = tpu.memref_slice %arg9[%mul3A_307, %dma_start3A_308] : memref<10240x16xf32, #tpu.memory_space<hbm>> -> memref<640x16xf32, #tpu.memory_space<hbm>>
        %dma_start3A_310 = arith.constant 0 : i32
        %dma_start3A_311 = tpu.memref_slice %arg22[%mul3A_305, %dma_start3A_310] : memref<10240x16xf32, #tpu.memory_space<vmem_shared>> -> memref<640x16xf32, #tpu.memory_space<vmem_shared>>
        tpu.enqueue_dma source(%dma_start3A_311 : memref<640x16xf32, #tpu.memory_space<vmem_shared>>) target(%dma_start3A_309 : memref<640x16xf32, #tpu.memory_space<hbm>>) target_semaphore(%run_scoped3A : memref<!tpu.dma_semaphore, #tpu.memory_space<semaphore_mem>>)
        %dma_wait3A_312 = arith.constant 0 : i32
        %dma_wait3A_313 = tpu.memref_slice %arg9[%mul3A_307, %dma_wait3A_312] : memref<10240x16xf32, #tpu.memory_space<hbm>> -> memref<640x16xf32, #tpu.memory_space<hbm>>
        %dma_wait3A_314 = arith.constant 0 : i32
        %dma_wait3A_315 = tpu.memref_slice %arg22[%mul3A_305, %dma_wait3A_314] : memref<10240x16xf32, #tpu.memory_space<vmem_shared>> -> memref<640x16xf32, #tpu.memory_space<vmem_shared>>
        tpu.wait_dma2 semaphore(%run_scoped3A : memref<!tpu.dma_semaphore, #tpu.memory_space<semaphore_mem>>) src(%dma_wait3A_315 : memref<640x16xf32, #tpu.memory_space<vmem_shared>>) dst(%dma_wait3A_313 : memref<640x16xf32, #tpu.memory_space<hbm>>)
        tpu.yield
      }) : () -> ()
    } else {
    }
    return
  }
}

module attributes {stable_mosaic.version = 14 : i64} {
  func.func @_tc_xw_body(%arg0: memref<10000x128xf32, #tpu.memory_space<vmem>>, %arg1: memref<128x16xf32, #tpu.memory_space<vmem>>, %arg2: memref<10240x128xf32, #tpu.memory_space<vmem>>) attributes {dimension_semantics = [], scalar_prefetch = 0 : i64, scratch_operands = 0 : i64, tpu.core_type = #tpu.core_type<tc>} {
    %get3A = arith.constant 0 : index
    %get3A_0 = arith.constant 0 : index
    %get3A_1 = vector.load %arg0[%get3A, %get3A_0] : memref<10000x128xf32, #tpu.memory_space<vmem>>, vector<10000x128xf32>
    %get3A_2 = arith.constant 0 : index
    %get3A_3 = arith.constant 0 : index
    %get3A_4 = vector.load %arg1[%get3A_2, %get3A_3] : memref<128x16xf32, #tpu.memory_space<vmem>>, vector<128x16xf32>
    %dot_general3A = arith.constant dense<0.000000e+00> : vector<10000x16xf32>
    %dot_general3A_5 = tpu.matmul %get3A_1, %get3A_4, %dot_general3A {dimension_numbers = #tpu.dot_dimension_numbers<[1], [0], [0], [1], [0, 0, 1, 1], [], []>, transpose_lhs_hint = false} : vector<10000x128xf32>, vector<128x16xf32>, vector<10000x16xf32> -> vector<10000x16xf32>
    %jit3A = arith.constant 0 : i32
    %convert_element_type3A = arith.sitofp %jit3A : i32 to f32
    %pad3A = vector.broadcast %convert_element_type3A : f32 to vector<10000x112xf32>
    %pad3A_6 = tpu.concatenate %dot_general3A_5, %pad3A in 1 : vector<10000x16xf32>, vector<10000x112xf32> -> vector<10000x128xf32>
    %swap3A = arith.constant 0 : index
    %swap3A_7 = arith.constant 0 : index
    %swap3A_8 = vector.load %arg2[%swap3A, %swap3A_7] : memref<10240x128xf32, #tpu.memory_space<vmem>>, vector<10000x128xf32>
    tpu.vector_store %arg2[%swap3A, %swap3A_7], %pad3A_6 {strides = array<i32>} : memref<10240x128xf32, #tpu.memory_space<vmem>>, vector<10000x128xf32>,
    %broadcast_in_dim3A = arith.constant 0.000000e+00 : f32
    %broadcast_in_dim3A_9 = vector.broadcast %broadcast_in_dim3A : f32 to vector<240x128xf32>
    %swap3A_10 = arith.constant 10000 : index
    %swap3A_11 = arith.constant 0 : index
    %swap3A_12 = vector.load %arg2[%swap3A_10, %swap3A_11] : memref<10240x128xf32, #tpu.memory_space<vmem>>, vector<240x128xf32>
    tpu.vector_store %arg2[%swap3A_10, %swap3A_11], %broadcast_in_dim3A_9 {strides = array<i32>} : memref<10240x128xf32, #tpu.memory_space<vmem>>, vector<240x128xf32>,
    return
  }
}

module attributes {stable_mosaic.version = 14 : i64} {
  func.func @_tc_out_body(%arg0: memref<1280x128xf32, #tpu.memory_space<vmem>>, %arg1: memref<1280x128xf32, #tpu.memory_space<vmem>>, %arg2: memref<1280x128xf32, #tpu.memory_space<vmem>>, %arg3: memref<1280x128xf32, #tpu.memory_space<vmem>>, %arg4: memref<128x512xf32, #tpu.memory_space<vmem>>, %arg5: memref<1x512xf32, #tpu.memory_space<vmem>>, %arg6: memref<1280x512xf32, #tpu.memory_space<vmem>>) attributes {dimension_semantics = [], scalar_prefetch = 0 : i64, scratch_operands = 0 : i64, tpu.core_type = #tpu.core_type<tc>} {
    %get3A = arith.constant 0 : index
    %get3A_0 = arith.constant 0 : index
    %get3A_1 = vector.load %arg3[%get3A, %get3A_0] : memref<1280x128xf32, #tpu.memory_space<vmem>>, vector<1280x128xf32>
    %get3A_2 = arith.constant 0 : index
    %get3A_3 = arith.constant 0 : index
    %get3A_4 = vector.load %arg0[%get3A_2, %get3A_3] : memref<1280x128xf32, #tpu.memory_space<vmem>>, vector<1280x128xf32>
    %get3A_5 = arith.constant 0 : index
    %get3A_6 = arith.constant 0 : index
    %get3A_7 = vector.load %arg1[%get3A_5, %get3A_6] : memref<1280x128xf32, #tpu.memory_space<vmem>>, vector<1280x128xf32>
    %add3A = arith.addf %get3A_4, %get3A_7 : vector<1280x128xf32>
    %get3A_8 = arith.constant 0 : index
    %get3A_9 = arith.constant 0 : index
    %get3A_10 = vector.load %arg2[%get3A_8, %get3A_9] : memref<1280x128xf32, #tpu.memory_space<vmem>>, vector<1280x128xf32>
    %add3A_11 = arith.addf %add3A, %get3A_10 : vector<1280x128xf32>
    %mul3A = arith.mulf %get3A_1, %add3A_11 : vector<1280x128xf32>
    %get3A_12 = arith.constant 0 : index
    %get3A_13 = arith.constant 0 : index
    %get3A_14 = vector.load %arg4[%get3A_12, %get3A_13] : memref<128x512xf32, #tpu.memory_space<vmem>>, vector<128x512xf32>
    %dot_general3A = arith.constant dense<0.000000e+00> : vector<1280x512xf32>
    %dot_general3A_15 = tpu.matmul %mul3A, %get3A_14, %dot_general3A {dimension_numbers = #tpu.dot_dimension_numbers<[1], [0], [0], [1], [0, 0, 1, 1], [], []>, transpose_lhs_hint = false} : vector<1280x128xf32>, vector<128x512xf32>, vector<1280x512xf32> -> vector<1280x512xf32>
    %get3A_16 = arith.constant 0 : index
    %get3A_17 = arith.constant 0 : index
    %get3A_18 = vector.load %arg5[%get3A_16, %get3A_17] : memref<1x512xf32, #tpu.memory_space<vmem>>, vector<1x512xf32>
    %add3A_19 = vector.broadcast %get3A_18 : vector<1x512xf32> to vector<1280x512xf32>
    %add3A_20 = arith.addf %dot_general3A_15, %add3A_19 : vector<1280x512xf32>
    %swap3A = arith.constant 0 : index
    %swap3A_21 = arith.constant 0 : index
    %swap3A_22 = vector.load %arg6[%swap3A, %swap3A_21] : memref<1280x512xf32, #tpu.memory_space<vmem>>, vector<1280x512xf32>
    tpu.vector_store %arg6[%swap3A, %swap3A_21], %add3A_20 {strides = array<i32>} : memref<1280x512xf32, #tpu.memory_space<vmem>>, vector<1280x512xf32>,
    return
  }
}

</mosaic_0001>

<sc_bundles>
// kernel: kernel.6.cloned.1.call-start
scs
__scs_entry_jumppad:
0x0: {  	(pc) =	sbr.rel $0x88, $3  }
0x1: {  	(tag) =	ssettag $0x0;
	lr =	simm.s32 $0x1  }
0x2: {  	[smem:$0x3F9B] =	sst lr;
	_ =	strace $0xD0000000  }
0x3: {  	_ = 	snop  }
0x4: {  	_ = 	snop  }
0x5: {  	_ = 	snop  }
0x6: {  	_ = 	snop  }
0x7: {  	_ = 	snop  }
__scs_overlays_trampoline_lowered:
0x8: {  	[smem:$0x3FAA] =	sst s0  }
0x9: {  	[smem:$0x3FAB] =	sst s1  }
0xa: {  	[smem:$0x3FAC] =	sst s2  }
0xb: {  	[smem:$0x3FAD] =	sst s3  }
0xc: {  	[smem:$0x3FAE] =	sst s4  }
0xd: {  	[smem:$0x3FAF] =	sst s5  }
0xe: {  	[smem:$0x3FB0] =	sst s6  }
0xf: {  	[smem:$0x3FB1] =	sst s7  }
0x10: {  	[smem:$0x3FB2] =	sst s8  }
0x11: {  	[smem:$0x3FB3] =	sst s9;
	s0 =	simm.s32 @!p0 $0x0  }
0x12: {  	s1 =	sld [smem:$0x3F99];
	s0 =	simm.s32 @p0 $0x1  }
0x13: {  	[smem:$0x3FB4] =	sst s0;
	s0 =	simm.s32 @!p1 $0x0  }
0x14: {  	s2 =	sld [smem:$0x3F98];
	s0 =	simm.s32 @p1 $0x1  }
0x15: {  	[smem:$0x3FB5] =	sst s0;
	s0 =	simm.s32 @!p2 $0x0  }
0x16: {  	s3 =	sld [smem:$0x3FDB];
	s0 =	simm.s32 @p2 $0x1  }
0x17: {  	s4 =	simm.s32 $0x1BF5;
	[smem:$0x3FB7] =	sst s0  }
0x18: {  	s0 =	sld [smem:$0x3F9A];
	_ =	swait.ge [sflag:s4], $0x0  }
0x19: {  	s7 =	sld [smem:$0x3F9B]  }
0x1a: {  	s8 =	sadd.s32 $0xFFFFE003, lr  }
0x1b: {  	s9 =	sadd.s32 $0xFFFFFEF7, lr;
	s5 =	simm.s32 $0xFFFFFFFF;
	p2 =	slt.u32 s8, $0xFFFFF086  }
0x1c: {  	p1 =	slt.u32 s9, $0xF7A;
	s5 =	simm.s32 @!p2 $0x0  }
0x1d: {  	s5 =	simm.s32 @p1 $0x1;
	p0 =	seq.s32 s7, s2  }
0x1e: {  	s7 =	smul.u32 @!p0 $0xF7A, s2;
	p2 =	seq.s32 @!p0 s5, $0x0  }
0x1f: {  	s9 =	smul.u32 $0xF7A, s1;
	s8 =	simm.s32 @!p0 $0x1BF5;
	p2 =	por !p2, p0  }
0x20: {  	[sflag:s8] =	ssyncset.s32 @!p0 $0xFFFFF086;
	s6 =	sadd.s32 @!p0 s3, s7;
	s7 =	simm.s32 @!p0 $0x108  }
0x21: {  	s3 =	sadd.s32 s3, s9;
	s6 =	sadd.s32 @!p0 $0x88, s6;
	s7 =	simm.s32 @p2 $0x1082  }
0x22: {  	[simem:s7], [sflag:s8] =	dma.local @!p0 [hbm:s6], $0xF7A  }
0x23: {  	s9 =	sor.u32 $0xD0000000, s2;
	s6 =	simm.s32 $0x108;
	_ =	swait.ge @!p0 [sflag:s8], $0x0  }
0x24: {  	s3 =	sadd.s32 $0x88, s3;
	s6 =	simm.s32 @!p1 $0x1082;
	[sflag:s4] =	ssyncset.s32 $0xFFFFF086  }
0x25: {  	[simem:s6], [sflag:s4] =	dma.local [hbm:s3], $0xF7A  }
0x26: {  	[smem:$0x3F9B] =	sst s1;
	(tag) =	ssettag s2;
	_ =	strace s9  }
0x27: {  	s1 =	sld [smem:$0x3FAB]  }
0x28: {  	s2 =	sld [smem:$0x3FAC]  }
0x29: {  	s4 =	sld [smem:$0x3FAE]  }
0x2a: {  	p0 =	seq.s32 s5, $0x0;
	s5 =	sld [smem:$0x3FAF]  }
0x2b: {  	s6 =	sld [smem:$0x3FB0]  }
0x2c: {  	s7 =	sld [smem:$0x3FB1]  }
0x2d: {  	s3 =	simm.s32 $0x108;
	s8 =	sld [smem:$0x3FB2]  }
0x2e: {  	s3 =	simm.s32 @!p0 $0x1082;
	s9 =	sld [smem:$0x3FB3]  }
0x2f: {  	lr =	sadd.s32 s0, s3;
	s0 =	sld [smem:$0x3FAA]  }
0x30: {  	s3 =	sld [smem:$0x3FAD]  }
0x31: {  	[smem:$0x3FB6] =	sst s10  }
0x32: {  	s10 =	sld [smem:$0x3FB4];
	_ =	sdelay $0x3  }
0x33: {  	p0 =	seq.s32 s10, $0x1;
	s10 =	sld [smem:$0x3FB6];
	_ =	sdelay $0x3  }
0x34: {  	[smem:$0x3FB6] =	sst s10  }
0x35: {  	s10 =	sld [smem:$0x3FB5];
	_ =	sdelay $0x3  }
0x36: {  	p1 =	seq.s32 s10, $0x1;
	s10 =	sld [smem:$0x3FB6];
	_ =	sdelay $0x3  }
0x37: {  	[smem:$0x3FB6] =	sst s10  }
0x38: {  	s10 =	sld [smem:$0x3FB7]  }
0x39: {  	_ = 	snop;
	(pc) =	sbr.ind lr, $3  }
0x3a: {  	_ = 	snop  }
0x3b: {  	_ = 	snop  }
0x3c: {  	p2 =	seq.s32 s10, $0x1;
	s10 =	sld [smem:$0x3FB6]  }
0x3d: {  	_ =	shalt  }
0x3e: {  	_ =	shalt  }
0x3f: {  	_ =	shalt  }
0x40: {  	_ =	shalt  }
0x41: {  	_ =	shalt  }
0x42: {  	_ =	shalt  }
0x43: {  	_ =	shalt  }
0x44: {  	_ =	shalt  }
0x45: {  	_ =	shalt  }
0x46: {  	_ =	shalt  }
0x47: {  	_ =	shalt  }
0x48: {  	_ =	shalt  }
0x49: {  	_ =	shalt  }
0x4a: {  	_ =	shalt  }
0x4b: {  	_ =	shalt  }
0x4c: {  	_ =	shalt  }
0x4d: {  	_ =	shalt  }
0x4e: {  	_ =	shalt  }
0x4f: {  	_ =	shalt  }
0x50: {  	_ =	shalt  }
0x51: {  	_ =	shalt  }
0x52: {  	_ =	shalt  }
0x53: {  	_ =	shalt  }
0x54: {  	_ =	shalt  }
0x55: {  	_ =	shalt  }
0x56: {  	_ =	shalt  }
0x57: {  	_ =	shalt  }
0x58: {  	_ =	shalt  }
0x59: {  	_ =	shalt  }
0x5a: {  	_ =	shalt  }
0x5b: {  	_ =	shalt  }
0x5c: {  	_ =	shalt  }
0x5d: {  	_ =	shalt  }
0x5e: {  	_ =	shalt  }
0x5f: {  	_ =	shalt  }
0x60: {  	_ =	shalt  }
0x61: {  	_ =	shalt  }
0x62: {  	_ =	shalt  }
0x63: {  	_ =	shalt  }
0x64: {  	_ =	shalt  }
0x65: {  	_ =	shalt  }
0x66: {  	_ =	shalt  }
0x67: {  	_ =	shalt  }
0x68: {  	_ =	shalt  }
0x69: {  	_ =	shalt  }
0x6a: {  	_ =	shalt  }
0x6b: {  	_ =	shalt  }
0x6c: {  	_ =	shalt  }
0x6d: {  	_ =	shalt  }
0x6e: {  	_ =	shalt  }
0x6f: {  	_ =	shalt  }
0x70: {  	_ =	shalt  }
0x71: {  	_ =	shalt  }
0x72: {  	_ =	shalt  }
0x73: {  	_ =	shalt  }
0x74: {  	_ =	shalt  }
0x75: {  	_ =	shalt  }
0x76: {  	_ =	shalt  }
0x77: {  	_ =	shalt  }
0x78: {  	_ =	shalt  }
0x79: {  	_ =	shalt  }
0x7a: {  	_ =	shalt  }
0x7b: {  	_ =	shalt  }
0x7c: {  	_ =	shalt  }
0x7d: {  	_ =	shalt  }
0x7e: {  	_ =	shalt  }
0x7f: {  	_ =	shalt  }
0x80: {  	_ =	shalt  }
0x81: {  	_ =	shalt  }
0x82: {  	_ =	shalt  }
0x83: {  	_ =	shalt  }
0x84: {  	_ =	shalt  }
0x85: {  	_ =	shalt  }
0x86: {  	_ =	shalt  }
0x87: {  	_ =	shalt  }
.Lfunc_end0:
.L_simem_size_0:
called_computation_lowered:
.L_overlay_start_0:
0x88: {  	s2 =	sld [smem:$0x3FD9]  }
0x89: {  	s3 =	sld [smem:$0x3FFE];
	_ =	sdelay $0x1  }
0x8a: {  	s1 =	srdreg.scid  }
0x8b: {  	s0 =	sand.u32 $0x1, s1  }
0x8c: {  	s17 =	sshll.u32 s0, $0xA;
	s2 =	sadd.s32 s3, s2  }
0x8d: {  	s2 =	sadd.s32 s2, s17  }
0x8e: {  	[smem:$0x3FC2] =	sst s2  }
0x8f: {  	_ = 	snop  }
0x90: {  	s2 =	sld [smem:$0x3FC8]  }
0x91: {  	s18 =	sld [smem:$0x3FD0];
	(tm) =	ssettm $0x1  }
0x92: {  	s4 =	sld [smem:$0x3FFB];
	_ =	sdelay $0x3  }
0x93: {  	_ =	strace s4  }
0x94: {  	s4 =	sld [smem:$0x3FFC];
	_ =	sdelay $0x3  }
0x95: {  	_ =	strace s4  }
0x96: {  	s4 =	sld [smem:$0x3FFD];
	_ =	sdelay $0x3  }
0x97: {  	_ =	strace s4  }
0x98: {  	_ =	strace $0x8FFFFFFF  }
0x99: {  	s19 =	sld [smem:$0x3FDB];
	_ =	sdelay $0x1  }
0x9a: {  	s5 =	simm.s32 $_scs_section_size  }
0x9b: {  	s6 =	simm.s32 $_size__tile_overlayer_lowered;
	s7 =	simm.s32 $_tile_overlayer_lowered  }
0x9c: {  	s22 =	simm.s32 $0x1BFF;
	s21 =	sshll.u32 s7, $0x1;
	s4 =	sadd.s32 s5, s19  }
0x9d: {  	s8 =	simm.s32 $0x0;
	s20 =	sshll.u32 s6, $0x1;
	s6 =	sadd.s32 s21, s4  }
0x9e: {  	[timem:s8], [sflag:s22] =	dma.local [hbm:s6], s20  }
0x9f: {  	_ =	swait.ge [sflag:s22], s20  }
0xa0: {  	s5 =	ssub.s32 $0x0, s20;
	[sflag:s22] =	ssyncset.done $0x0  }
0xa1: {  	[sflag:s22] =	ssyncadd.s32 s5;
	_ =	sdelay $0x1  }
0xa2: {  	s23 =	simm.s32 $0x1B8B  }
0xa3: {  	_ =	swait.ge [sflag:s23], $0x1  }
0xa4: {  	[sflag:s23] =	ssyncset.done $0x0  }
0xa5: {  	s25 =	simm.s32 $0x1B8E;
	s24 =	sld [smem:$0x3FFE];
	[sflag:s23] =	ssyncadd.s32 $0xFFFFFFFF  }
0xa6: {  	s26 =	simm.s32 $execute0_lowered;
	[smem:$0x3FD2] =	sst s25  }
0xa7: {  	s6 =	sshll.u32 s26, $0x1;
	_ =	strace $0x80000046;
	[dreg:$0x1] =	wrdreg $0xFFFFFFFF  }
0xa8: {  	s28 =	simm.s32 $_size_execute0_lowered;
	s4 =	sadd.s32 s4, s6;
	[dreg:$0x0] =	wrdreg $0x0  }
0xa9: {  	s6 =	sshll.u32 s28, $0x1;
	[dreg:$0x2] =	wrdreg s4  }
0xaa: {  	[dreg:$0x3] =	wrdreg s6  }
0xab: {  	[dreg:$0x4] =	wrdreg $0xC0  }
0xac: {  	_ =	task [dreg:s8], $0x5FFFF  }
0xad: {  	[dreg:$0x1] =	wrdreg $0xFFFFFFFF  }
0xae: {  	[dreg:$0x0] =	wrdreg $0x60  }
0xaf: {  	[dreg:$0x2] =	wrdreg s24  }
0xb0: {  	[dreg:$0x3] =	wrdreg s2  }
0xb1: {  	[dreg:$0x4] =	wrdreg s18  }
0xb2: {  	[dreg:$0x5] =	wrdreg $0x132800  }
0xb3: {  	[dreg:$0x6] =	wrdreg $0x15A800  }
0xb4: {  	[dreg:$0x7] =	wrdreg $0x10A800  }
0xb5: {  	[dreg:$0x8] =	wrdreg $0x9  }
0xb6: {  	_ =	task.clear_ibuf [dreg:s8], $0x9FFFF;
	_ =	strace $0x90000046  }
0xb7: {  	s29 =	simm.s32 $0x9;
	_ =	strace $0x80000048  }
0xb8: {  	_ =	swait.ge [sflag:s29], $0x1  }
0xb9: {  	[sflag:s29] =	ssyncadd.s32 $0xFFFFFFFF  }
0xba: {  	_ =	strace $0x90000048  }
0xbb: {  	_ =	sfence  }
0xbc: {  	s30 =	sld [smem:$0x0];
	_ =	sdelay $0x2  }
0xbd: {  	s31 =	sshll.u32 s1, $0xD;
	s1 =	sshrl.u32 s1, $0x2  }
0xbe: {  	s3 =	sand.u32 $0x4000, s31;
	s1 =	sadd.s32 s1, s30  }
0xbf: {  	s0 =	sor.u32 s3, s0;
	s1 =	sshll.u32 s1, $0x11  }
0xc0: {  	s0 =	sor.u32 s1, s0  }
0xc1: {  	s0 =	sadd.s32 $0x8F2B, s0  }
0xc2: {  	[sflag:s0] =	ssyncadd.remote.s32 $0x1  }
0xc3: {  	_ =	sfence.sel $0xFFFF  }
0xc4: {  	[dreg:$0x0] =	wrdreg $0xFFFFFFFF;
	(pc) =	sbr.abs _section_cstart, $3  }
0xc5: {  	[dreg:$0x1] =	wrdreg $0xFFFFFFFF  }
0xc6: {  	_ =	task.clear_ibuf [dreg:s8], $0x2FFFF;
	_ =	strace $0x9FFFFFFF  }
0xc7: {  	(tm) =	ssettm $0x7FFFFFFF  }
tec
execute0_lowered:
.L_overlay_start_1:
0x0: {  	(tag) =	ssettag $0x1  }
0x1: {  	s0 =	rddreg [dreg:$0x0]  }
0x2: {  	s2 =	rddreg [dreg:$0x1]  }
0x3: {  	s5 =	rddreg [dreg:$0x2]  }
0x4: {  	s1 =	rddreg [dreg:$0x3]  }
0x5: {  	s3 =	rddreg [dreg:$0x4]  }
0x6: {  	s4 =	rddreg [dreg:$0x5]  }
0x7: {  	s6 =	simm.s32 $0x0;
	s15 =	stileid.u32;
	s8 =	srdreg.scid  }
0x8: {  	[smem:$0x7FF] =	sst s6;
	s6 =	smul.u32 $0x2800, s15  }
0x9: {  	s29 =	simm.s32 $0x9D;
	s28 =	simm.s32 $0x10A00;
	s7 =	smul.u32 $0x280, s15  }
0xa: {  	s8 =	sand.u32 $0x1, s8;
	s13 =	sadd.s32 $0x2F600, s0;
	s25 =	smul.u32 $0x9C, s15  }
0xb: {  	s14 =	smin.u32 s15, $0x4;
	p0 =	slt.u32 s15, $0x4;
	s30 =	sshll.u32 s15, $0x6  }
0xc: {  	_ =	strace $0x80000047;
	s12 =	ssub.s32 $0x2, s8;
	[dreg:$0x7] =	wrdreg s13  }
0xd: {  	s24 =	sshll.u32 s8, $0x4;
	s29 =	simm.s32 @!p0 $0x9C;
	s19 =	smul.u32 $0x28000, s8  }
0xe: {  	p2 =	sne.s32 s8, $0x0;
	s8 =	simm.s32 $0x10780;
	[dreg:$0xb] =	wrdreg s30  }
0xf: {  	s9 =	sadd.s32 s6, s0;
	s10 =	sshrl.u32 s6, $0x3;
	s11 =	sshrl.u32 s7, $0x3  }
0x10: {  	s23 =	sshrl.u32 s12, $0x1;
	s13 =	sadd.s32 s14, s25;
	s26 =	sadd.s32 s6, s1  }
0x11: {  	s14 =	sor.u32 $0x1C0A, s30;
	s31 =	sadd.s32 s7, s3;
	[dreg:$0x8] =	wrdreg s29  }
0x12: {  	s10 =	sadd.s32 s10, s0;
	s0 =	sadd.s32 s11, s0;
	[dreg:$0x9] =	wrdreg s26  }
0x13: {  	s11 =	ssub.s32 s12, s23;
	s12 =	sor.u32 s15, s24;
	[dreg:$0xc] =	wrdreg s14  }
0x14: {  	s18 =	sshll.u32 s13, $0x5;
	s9 =	sadd.s32 $0x2000, s9;
	s22 =	sadd.s32 s6, s19  }
0x15: {  	s6 =	sadd.s32 s6, s4;
	s19 =	simm.s32 $0x4F;
	s13 =	simm.s32 $0xAD00  }
0x16: {  	s14 =	simm.s32 $0xB500;
	[dreg:$0xd] =	wrdreg s31;
	s10 =	sadd.s32 $0x2A000, s10  }
0x17: {  	s16 =	smul.u32 $0x4E, s12;
	s17 =	sadd.s32 $0x2F000, s0;
	[dreg:$0xf] =	wrdreg s9  }
0x18: {  	s20 =	smin.u32 s12, $0x4;
	[dreg:$0x12] =	wrdreg s6;
	p0 =	slt.u32 s12, $0x4  }
0x19: {  	s24 =	sshrl.u32 s22, $0x3;
	s0 =	sadd.s32 $0x2F800, s0;
	s26 =	smax.u32 s11, $0x1  }
0x1a: {  	p1 =	sgt.u32 s12, $0x3;
	s9 =	simm.s32 $0x9D00;
	[dreg:$0xa] =	wrdreg s10  }
0x1b: {  	s11 =	simm.s32 $0xA500;
	s22 =	simm.s32 $0x4;
	[dreg:$0xe] =	wrdreg s17  }
0x1c: {  	s10 =	sadd.s32 s2, s18;
	s19 =	simm.s32 @!p0 $0x4E;
	[dreg:$0x16] =	wrdreg s0  }
0x1d: {  	[dreg:$0x17] =	wrdreg s26;
	p0 =	sgt.u32 s15, $0x3;
	s17 =	simm.s32 $0xC500  }
0x1e: {  	s26 =	simm.s32 $0x1;
	s15 =	simm.s32 $0x6;
	s18 =	simm.s32 $0x0  }
0x1f: {  	s7 =	sadd.s32 s20, s16;
	[dreg:$0x10] =	wrdreg s10;
	s21 =	sadd.s32 $0x1380, s10  }
0x20: {  	s16 =	simm.s32 $0xBD00;
	s20 =	simm.s32 $0x2;
	s23 =	sshll.u32 s7, $0x5  }
0x21: {  	[dreg:$0x11] =	wrdreg s21;
	s6 =	sadd.s32 s2, s23;
	s2 =	sadd.s32 s5, s24  }
0x22: {  	s21 =	simm.s32 $0x3;
	s24 =	simm.s32 $0x10;
	[dreg:$0x14] =	wrdreg s2  }
0x23: {  	s23 =	simm.s32 $0x5;
	[dreg:$0x13] =	wrdreg s6;
	s25 =	sadd.s32 $0x9C0, s6  }
0x24: {  	s6 =	simm.s32 $0x9;
	[dreg:$0x15] =	wrdreg s25;
	s25 =	simm.s32 $0x80  }
.LBB2_1:
0x25: {  	s0 =	rddreg [dreg:$0x9]  }
0x26: {  	s10 =	rddreg [dreg:$0xa]  }
0x27: {  	s2 =	rddreg [dreg:$0xc];
	s5 =	sshrl.u32 s0, $0x3  }
0x28: {  	[dreg:$0x18] =	wrdreg s5  }
0x29: {  	[spmem:s5], [sflag:s2] =	dma.local [hbm:s10], $0x500  }
0x2a: {  	s12 =	sor.u32 $0x1C0B, s30;
	s30 =	sshrl.u32 s31, $0x3;
	s5 =	rddreg [dreg:$0xe]  }
0x2b: {  	[spmem:s30], [sflag:s12] =	dma.local [hbm:s5], $0x50  }
0x2c: {  	s7 =	simm.s32 $0xDD00;
	s0 =	rddreg [dreg:$0xf]  }
0x2d: {  	[tilespmem:s7], [sflag:$0xD] =	stream.strided.gather [hbm4b:s0+s24], $0x2800, s25, s24, $0x38;
	[tilespmem:$0x15D00] =	vst v63  }
0x2e: {  	s10 =	simm.s32 $0x0;
	s12 =	rddreg [dreg:$0x7]  }
0x2f: {  	[tilespmem:s28], [sflag:$0xE] =	stream.linear.gather [hbm4b:s12+s10], $0x80, $0x38;
	[tilespmem:$0x15D00] =	vst v63  }
0x30: {  	s30 =	rddreg [dreg:$0x10]  }
0x31: {  	[tilespmem:s10], [sflag:$0xC] =	stream.linear.gather [hbm4b:s30+s10], $0x9C00, $0x38;
	[tilespmem:$0x15D00] =	vst v63  }
0x32: {  	s2 =	simm.s32 @!p0 $0x9C00;
	s5 =	rddreg [dreg:$0x11];
	s0 =	simm.s32 @!p0 $0x0  }
0x33: {  	[tilespmem:s2], [sflag:$0xF] =	stream.linear.gather @!p0 [hbm4b:s5+s0], $0x100, $0x38;
	[tilespmem:$0x15D00] =	vst v63  }
0x34: {  	s0 =	simm.s32 @!p0 $0xF  }
0x35: {  	_ =	swait.ge @!p0 [sflag:s0], $0x100  }
0x36: {  	[sflag:s0] =	ssyncset.done @!p0 $0x0  }
0x37: {  	s5 =	simm.s32 $0xC;
	[sflag:s0] =	ssyncadd.s32 @!p0 $0xFFFFFF00  }
0x38: {  	_ =	swait.ge [sflag:s5], $0x9C00  }
0x39: {  	[sflag:s5] =	ssyncset.done $0x0  }
0x3a: {  	s7 =	simm.s32 $0xA;
	[sflag:s5] =	ssyncadd.s32 $0xFFFF6400  }
0x3b: {  	_ =	swait.ge [sflag:s7], $0x500  }
0x3c: {  	[sflag:s7] =	ssyncset.done $0x0  }
0x3d: {  	s10 =	simm.s32 $0xB;
	[sflag:s7] =	ssyncadd.s32 $0xFFFFFB00  }
0x3e: {  	_ =	swait.ge [sflag:s10], $0x50  }
0x3f: {  	[sflag:s10] =	ssyncset.done $0x0  }
0x40: {  	s12 =	simm.s32 $0xD;
	[sflag:s10] =	ssyncadd.s32 $0xFFFFFFB0  }
0x41: {  	_ =	swait.ge [sflag:s12], $0x2800  }
0x42: {  	[sflag:s12] =	ssyncset.done $0x0  }
0x43: {  	p3 =	sne.s32 s29, $0x1;
	s30 =	simm.s32 $0xE;
	[sflag:s12] =	ssyncadd.s32 $0xFFFFD800  }
.Ltmp0:
0x44: {  	_ =	swait.ge [sflag:s30], $0x80;
	(pc) =	sbr.rel @!p3 .LBB2_3-.Ltmp0, $4  }
0x45: {  	[sflag:s30] =	ssyncset.done $0x0  }
0x46: {  	[sflag:s30] =	ssyncadd.s32 $0xFFFFFF80  }
0x47: {  	s2 =	simm.s32 $0x80;
	s0 =	sadd.s32 $0xFFFFFFFF, s29;
	[bflag:$0x0] =	sbarrier.arrive $0xFFFF  }
0x48: {  	[spmem:s3] =	stream.indirect.scatter.add.f32 [tilespmem:s28], [sflag:$0x9], $0x1, s25, s25, $0xb8;
	[tilespmem:$0x15D00] =	vst v63  }
.LBB2_2:
0x49: {  	p4 =	sne.s32 s0, $0x1  }
.Ltmp1:
0x4a: {  	_ = 	snop;
	(pc) =	sbr.rel @p4 .LBB2_2-.Ltmp1, $3  }
0x4b: {  	_ = 	snop  }
0x4c: {  	s0 =	sadd.s32 $0xFFFFFFFF, s0;
	s2 =	sadd.s32 $0x100, s2;
	_ =	sdelay $0x1  }
0x4d: {  	[spmem:s3] =	stream.indirect.scatter.add.f32 [tilespmem:s28], [sflag:$0x9], $0x1, s2, s25, $0xb8;
	[tilespmem:$0x15D00] =	vst v63  }
.LBB2_3:
.Ltmp2:
0x4e: {  	(pc) =	sbr.rel @!p3 .LBB2_5-.Ltmp2, $3  }
0x4f: {  	_ =	sdelay $0x1  }
0x50: {  	_ =	swait.ge [sflag:s6], $0x80  }
0x51: {  	s0 =	sadd.s32 $0xFFFFFFFF, s29;
	[sflag:s6] =	ssyncset.done $0x0  }
.LBB2_4:
0x52: {  	p3 =	sne.s32 s0, $0x1;
	s0 =	sadd.s32 $0xFFFFFFFF, s0;
	[sflag:s6] =	ssyncadd.s32 $0xFFFFFF80  }
.Ltmp3:
0x53: {  	(pc) =	sbr.rel @p3 .LBB2_4-.Ltmp3, $3  }
0x54: {  	_ =	sdelay $0x1  }
0x55: {  	_ =	swait.ge [sflag:s6], $0x80  }
0x56: {  	[sflag:s6] =	ssyncset.done $0x0  }
.LBB2_5:
0x57: {  	[sflag:s6] =	ssyncadd.s32 $0xFFFFFF80  }
0x58: {  	s0 =	simm.s32 $0x10500;
	[bflag:$0x0] =	sbarrier.arrive $0xFFFF  }
0x59: {  	[tilespmem:s0], [sflag:$0x10] =	stream.linear.gather [spmem:s31], $0x280, $0x38;
	[tilespmem:$0x15D00] =	vst v63  }
0x5a: {  	_ =	swait.ge [sflag:s24], $0x280  }
0x5b: {  	[sflag:s24] =	ssyncset.done $0x0  }
0x5c: {  	s29 =	simm.s32 $0x0;
	[sflag:s24] =	ssyncadd.s32 $0xFFFFFD80  }
0x5d: {  	v0 =	vld [tilespmem:s29+$0x10500];
	_ =	sdelay $0x4  }
0x5e: {  	s0 =	simm.s32 $0x10;
	v0 =	vadd.f32 $1.000000000e+00, v0  }
0x5f: {  	v1 =	vld [tilespmem:s0+$0x10500]  }
0x60: {  	v2 =	vshrl.u32 v0, $0x1;
	v3 =	vmul.f32 $5.000000000e-01, v0  }
0x61: {  	v0 =	vsub.s32 $0x5F3759DF, v2  }
0x62: {  	v2 =	vmul.f32 v0, v3  }
0x63: {  	s31 =	simm.s32 $0x20  }
0x64: {  	v4 =	vld [tilespmem:s31+$0x10500];
	v1 =	vadd.f32 $1.000000000e+00, v1;
	v2 =	vmul.f32 v0, v2;
	_ =	sdelay $0x1  }
0x65: {  	v5 =	vshrl.u32 v1, $0x1;
	v7 =	vmul.f32 $5.000000000e-01, v1;
	v1 =	vsub.f32 $1.500000000e+00, v2  }
0x66: {  	v2 =	vsub.s32 $0x5F3759DF, v5  }
0x67: {  	v5 =	vmul.f32 v2, v7;
	v1 =	vmul.f32 v0, v1  }
0x68: {  	s2 =	simm.s32 $0x30;
	v0 =	vadd.f32 $1.000000000e+00, v4  }
0x69: {  	v4 =	vld [tilespmem:s2+$0x10500];
	v5 =	vmul.f32 v2, v5;
	v6 =	vmul.f32 v1, v3  }
0x6a: {  	v8 =	vshrl.u32 v0, $0x1;
	v0 =	vmul.f32 $5.000000000e-01, v0  }
0x6b: {  	v5 =	vsub.f32 $1.500000000e+00, v5;
	v8 =	vsub.s32 $0x5F3759DF, v8;
	v6 =	vmul.f32 v6, v1  }
0x6c: {  	v9 =	vmul.f32 v8, v0  }
0x6d: {  	v2 =	vmul.f32 v2, v5;
	v5 =	vsub.f32 $1.500000000e+00, v6  }
0x6e: {  	v4 =	vadd.f32 $1.000000000e+00, v4;
	v9 =	vmul.f32 v8, v9  }
0x6f: {  	s10 =	simm.s32 $0x40;
	v10 =	vmul.f32 v2, v7;
	v5 =	vmul.f32 v5, v1  }
0x70: {  	v6 =	vld [tilespmem:s10+$0x10500];
	v11 =	vshrl.u32 v4, $0x1;
	v1 =	vmul.f32 $5.000000000e-01, v4;
	v4 =	vsub.f32 $1.500000000e+00, v9  }
0x71: {  	v12 =	vsub.s32 $0x5F3759DF, v11;
	v9 =	vmul.f32 v10, v2;
	v3 =	vmul.f32 v5, v3  }
0x72: {  	v10 =	vmul.f32 v12, v1;
	v4 =	vmul.f32 v8, v4  }
0x73: {  	v8 =	vsub.f32 $1.500000000e+00, v9;
	v3 =	vmul.f32 v3, v5  }
0x74: {  	v9 =	vmul.f32 v12, v10;
	v10 =	vmul.f32 v4, v0  }
0x75: {  	s12 =	simm.s32 $0x50;
	v6 =	vadd.f32 $1.000000000e+00, v6;
	v2 =	vmul.f32 v8, v2  }
0x76: {  	v13 =	vsub.f32 $1.500000000e+00, v3;
	v14 =	vsub.f32 $1.500000000e+00, v9;
	v9 =	vmul.f32 v10, v4;
	v10 =	vld [tilespmem:s12+$0x10500]  }
0x77: {  	v11 =	vshrl.u32 v6, $0x1;
	v3 =	vmul.f32 $5.000000000e-01, v6  }
0x78: {  	v6 =	vsub.s32 $0x5F3759DF, v11;
	v8 =	vmul.f32 v2, v7;
	v5 =	vmul.f32 v13, v5  }
0x79: {  	s7 =	simm.s32 $0x0;
	s30 =	simm.s32 $0x180;
	v11 =	vmul.f32 v6, v3;
	v7 =	vmul.f32 v12, v14  }
.LBB2_6:
0x7a: {  	s5 =	sshra.s32 s30, $0x2  }
0x7b: {  	v12 =	vadd.f32 $1.000000000e+00, v10;
	v9 =	vsub.f32 $1.500000000e+00, v9;
	v8 =	vmul.f32 v8, v2;
	[tilespmem:s29+$0x10780] =	vst v5;
	s29 =	smov.u32 s0;
	s0 =	smov.u32 s31;
	p3 =	sne.s32 s30, $0x9C0  }
.Ltmp4:
0x7c: {  	s31 =	smov.u32 s2;
	s2 =	smov.u32 s10;
	v10 =	vld [tilespmem:s5+$0x10500];
	v5 =	vmul.f32 v6, v11;
	v11 =	vmul.f32 v7, v1;
	(pc) =	sbr.rel @p3 .LBB2_6-.Ltmp4, $4  }
0x7d: {  	s30 =	sadd.s32 $0x40, s30;
	s10 =	smov.u32 s12;
	v13 =	vshrl.u32 v12, $0x1;
	v14 =	vmul.f32 v9, v4;
	v15 =	vsub.f32 $1.500000000e+00, v8;
	v4 =	vmovc v7  }
0x7e: {  	s12 =	smov.u32 s5;
	v12 =	vmul.f32 $5.000000000e-01, v12;
	v7 =	vsub.f32 $1.500000000e+00, v5;
	v9 =	vmul.f32 v11, v4  }
0x7f: {  	v13 =	vsub.s32 $0x5F3759DF, v13;
	v8 =	vmul.f32 v14, v0;
	v5 =	vmul.f32 v15, v2;
	v2 =	vmovc v14;
	v0 =	vmovc v1  }
0x80: {  	v11 =	vmul.f32 v13, v12;
	v1 =	vmovc v3;
	v3 =	vmovc v12;
	v7 =	vmul.f32 v6, v7;
	v6 =	vmov v13  }
0x81: {  	v10 =	vadd.f32 $1.000000000e+00, v10;
	_ =	sdelay $0x1  }
0x82: {  	v12 =	vshrl.u32 v10, $0x1;
	v10 =	vmul.f32 $5.000000000e-01, v10  }
0x83: {  	v12 =	vsub.s32 $0x5F3759DF, v12  }
0x84: {  	v13 =	vmul.f32 v12, v10  }
0x85: {  	v11 =	vmul.f32 v6, v11  }
0x86: {  	v13 =	vmul.f32 v12, v13  }
0x87: {  	v11 =	vsub.f32 $1.500000000e+00, v11  }
0x88: {  	v13 =	vsub.f32 $1.500000000e+00, v13  }
0x89: {  	v55 =	vmul.f32 v6, v11  }
0x8a: {  	v56 =	vmul.f32 v7, v1;
	v12 =	vmul.f32 v12, v13  }
0x8b: {  	v57 =	vmul.f32 v55, v3  }
0x8c: {  	v11 =	vmul.f32 v56, v7;
	v14 =	vmul.f32 v12, v10  }
0x8d: {  	v9 =	vsub.f32 $1.500000000e+00, v9;
	v13 =	vmul.f32 v57, v55  }
0x8e: {  	v11 =	vsub.f32 $1.500000000e+00, v11;
	v14 =	vmul.f32 v14, v12  }
0x8f: {  	v4 =	vmul.f32 v9, v4;
	v58 =	vsub.f32 $1.500000000e+00, v13  }
0x90: {  	v8 =	vmul.f32 v8, v2;
	v59 =	vmul.f32 v11, v7;
	v60 =	vsub.f32 $1.500000000e+00, v14  }
0x91: {  	v0 =	vmul.f32 v4, v0;
	v6 =	vmul.f32 v58, v55  }
0x92: {  	v1 =	vmul.f32 v59, v1;
	v61 =	vmul.f32 v60, v12  }
0x93: {  	v0 =	vmul.f32 v0, v4;
	v3 =	vmul.f32 v6, v3  }
0x94: {  	v8 =	vsub.f32 $1.500000000e+00, v8;
	v1 =	vmul.f32 v1, v59;
	v10 =	vmul.f32 v61, v10  }
0x95: {  	v0 =	vsub.f32 $1.500000000e+00, v0;
	v3 =	vmul.f32 v3, v6  }
0x96: {  	v2 =	vmul.f32 v8, v2;
	v1 =	vsub.f32 $1.500000000e+00, v1;
	v62 =	vmul.f32 v10, v61  }
0x97: {  	[tilespmem:s29+$0x10780] =	vst v5;
	v0 =	vmul.f32 v0, v4;
	v3 =	vsub.f32 $1.500000000e+00, v3  }
0x98: {  	v63 =	vmov s7;
	[tilespmem:s0+$0x10780] =	vst v2;
	v1 =	vmul.f32 v1, v59;
	v2 =	vsub.f32 $1.500000000e+00, v62  }
0x99: {  	[tilespmem:s31+$0x10780] =	vst v0;
	v0 =	vmul.f32 v3, v6  }
0x9a: {  	[tilespmem:s2+$0x10780] =	vst v1;
	v1 =	vmul.f32 v2, v61  }
0x9b: {  	[tilespmem:s10+$0x10780] =	vst v0  }
0x9c: {  	[tilespmem:s12+$0x10780] =	vst v1  }
0x9d: {  	s0 =	simm.s32 $0xDD00;
	v0 =	vld.idx.msk [tilespmem:v63+s8+$0x0], $0xffff  }
0x9e: {  	v2 =	vld [tilespmem:s0+$0x0];
	_ =	sdelay $0x1  }
0x9f: {  	s31 =	simm.s32 $0x1  }
0xa0: {  	s2 =	simm.s32 $0x2;
	v1 =	vmov s31  }
.LBB2_8:
0xa1: {  	p3 =	sne.s32 s2, $0x27F  }
0xa2: {  	v0 =	vmul.f32 v2, v0;
	_ =	sdelay $0x1  }
0xa3: {  	[tilespmem:s0+$0x0] =	vst v0  }
.Ltmp5:
0xa4: {  	s0 =	sadd.s32 $0x10, s0;
	v0 =	vld.idx.msk [tilespmem:v1+s8+$0x0], $0xffff;
	(pc) =	sbr.rel @p3 .LBB2_8-.Ltmp5, $2  }
0xa5: {  	v2 =	vld [tilespmem:s0+$0x0];
	_ =	sdelay $0x2  }
0xa6: {  	v1 =	vmov s2;
	s2 =	sadd.s32 $0x1, s2  }
0xa7: {  	_ = 	snop  }
0xa8: {  	v0 =	vmul.f32 v2, v0;
	_ =	sdelay $0x1  }
0xa9: {  	[tilespmem:s0+$0x0] =	vst v0  }
0xaa: {  	s12 =	sadd.s32 $0x10, s0;
	v0 =	vld.idx.msk [tilespmem:v1+s8+$0x0], $0xffff  }
0xab: {  	v63 =	vld [tilespmem:s12+$0x0];
	_ =	sdelay $0x4  }
0xac: {  	v0 =	vmul.f32 v63, v0;
	_ =	sdelay $0x1  }
0xad: {  	s30 =	rddreg [dreg:$0x12];
	s2 =	simm.s32 $0xDD00;
	[tilespmem:s12+$0x0] =	vst v0  }
0xae: {  	[spmem:s30] =	stream.linear.scatter [tilespmem:s2], [sflag:$0x10], $0x2800, $0x38;
	[tilespmem:$0x15D00] =	vst v63  }
0xaf: {  	_ =	swait.ge [sflag:s24], $0x2800  }
0xb0: {  	[sflag:s24] =	ssyncset.done $0x0  }
0xb1: {  	s2 =	simm.s32 $0x0;
	s5 =	rddreg [dreg:$0x13];
	[sflag:s24] =	ssyncadd.s32 $0xFFFFD800  }
0xb2: {  	[tilespmem:s2], [sflag:$0xA] =	stream.linear.gather [hbm4b:s5+s2], $0x4E00, $0x38;
	[tilespmem:$0x15D00] =	vst v63  }
0xb3: {  	s0 =	simm.s32 @!p1 $0x0;
	s2 =	simm.s32 @!p1 $0x4E00;
	s5 =	rddreg [dreg:$0x15]  }
0xb4: {  	[tilespmem:s2], [sflag:$0xB] =	stream.linear.gather @!p1 [hbm4b:s5+s0], $0x100, $0x38;
	[tilespmem:$0x15D00] =	vst v63  }
0xb5: {  	s0 =	simm.s32 @!p1 $0xB  }
0xb6: {  	_ =	swait.ge @!p1 [sflag:s0], $0x100  }
0xb7: {  	[sflag:s0] =	ssyncset.done @!p1 $0x0  }
0xb8: {  	s7 =	simm.s32 $0xA;
	[sflag:s0] =	ssyncadd.s32 @!p1 $0xFFFFFF00  }
0xb9: {  	_ =	swait.ge [sflag:s7], $0x4E00  }
0xba: {  	[sflag:s7] =	ssyncset.done $0x0  }
0xbb: {  	[sflag:s7] =	ssyncadd.s32 $0xFFFFB200  }
0xbc: {  	s29 =	simm.s32 $0x0;
	[bflag:$0x0] =	sbarrier.arrive $0xFFFF  }
0xbd: {  	[tilespmem:s9], [sflag:$0x1] =	stream.indirect.gather [spmem:s4], $0x10, s29, s25, $0xb8;
	[tilespmem:$0x15D00] =	vst v63  }
0xbe: {  	s10 =	simm.s32 $0x100  }
0xbf: {  	[tilespmem:s11], [sflag:$0x2] =	stream.indirect.gather [spmem:s4], $0x10, s10, s25, $0xb8;
	[tilespmem:$0x15D00] =	vst v63  }
0xc0: {  	s12 =	simm.s32 $0x200  }
0xc1: {  	[tilespmem:s13], [sflag:$0x3] =	stream.indirect.gather [spmem:s4], $0x10, s12, s25, $0xb8;
	[tilespmem:$0x15D00] =	vst v63  }
0xc2: {  	s30 =	simm.s32 $0x300  }
0xc3: {  	[tilespmem:s14], [sflag:$0x4] =	stream.indirect.gather [spmem:s4], $0x10, s30, s25, $0xb8;
	[tilespmem:$0x15D00] =	vst v63  }
0xc4: {  	s2 =	simm.s32 $0x400  }
0xc5: {  	[tilespmem:s16], [sflag:$0x5] =	stream.indirect.gather [spmem:s4], $0x10, s2, s25, $0xb8;
	[tilespmem:$0x15D00] =	vst v63  }
0xc6: {  	s5 =	simm.s32 $0x500  }
0xc7: {  	[tilespmem:s17], [sflag:$0x6] =	stream.indirect.gather [spmem:s4], $0x10, s5, s25, $0xb8;
	[tilespmem:$0x15D00] =	vst v63  }
0xc8: {  	s7 =	simm.s32 $0x600;
	s10 =	simm.s32 $0xCD00  }
0xc9: {  	[tilespmem:s10], [sflag:$0x7] =	stream.indirect.gather [spmem:s4], $0x10, s7, s25, $0xb8;
	[tilespmem:$0x15D00] =	vst v63  }
0xca: {  	s12 =	simm.s32 $0x700;
	s30 =	simm.s32 $0xD500  }
0xcb: {  	[tilespmem:s30], [sflag:$0x8] =	stream.indirect.gather [spmem:s4], $0x10, s12, s25, $0xb8;
	[tilespmem:$0x15D00] =	vst v63  }
0xcc: {  	_ =	swait.ge [sflag:s26], $0x800  }
0xcd: {  	[sflag:s26] =	ssyncset.done $0x0  }
0xce: {  	s2 =	simm.s32 $0x80;
	[sflag:s26] =	ssyncadd.s32 $0xFFFFF800  }
0xcf: {  	[spmem:s1] =	stream.indirect.scatter.add.f32 [tilespmem:s9], [sflag:$0x10], $0x10, s2, s25, $0xb8;
	[tilespmem:$0x15D00] =	vst v63  }
0xd0: {  	p3 =	sle.u32 s19, $0x8;
	_ =	swait.ge [sflag:s24], $0x800  }
0xd1: {  	s0 =	simm.s32 @!p3 $0x9D00;
	[sflag:s24] =	ssyncset.done $0x0  }
0xd2: {  	s5 =	simm.s32 @!p3 $0x80;
	s2 =	simm.s32 @!p3 $0x800;
	[sflag:s24] =	ssyncadd.s32 $0xFFFFF800  }
0xd3: {  	[tilespmem:s0], [sflag:$0x1] =	stream.indirect.gather @!p3 [spmem:s4], $0x10, s2, s5, $0xb8;
	[tilespmem:$0x15D00] =	vst v63  }
0xd4: {  	_ =	swait.ge [sflag:s20], $0x800  }
0xd5: {  	[sflag:s20] =	ssyncset.done $0x0  }
0xd6: {  	s5 =	simm.s32 $0x180;
	[sflag:s20] =	ssyncadd.s32 $0xFFFFF800  }
0xd7: {  	[spmem:s1] =	stream.indirect.scatter.add.f32 [tilespmem:s11], [sflag:$0x10], $0x10, s5, s25, $0xb8;
	[tilespmem:$0x15D00] =	vst v63  }
0xd8: {  	p3 =	sle.u32 s19, $0x9;
	_ =	swait.ge [sflag:s24], $0x800  }
0xd9: {  	s0 =	simm.s32 @!p3 $0xA500;
	[sflag:s24] =	ssyncset.done $0x0  }
0xda: {  	s2 =	simm.s32 @!p3 $0x900;
	s5 =	simm.s32 @!p3 $0x80;
	[sflag:s24] =	ssyncadd.s32 $0xFFFFF800  }
0xdb: {  	[tilespmem:s0], [sflag:$0x2] =	stream.indirect.gather @!p3 [spmem:s4], $0x10, s2, s5, $0xb8;
	[tilespmem:$0x15D00] =	vst v63  }
0xdc: {  	_ =	swait.ge [sflag:s21], $0x800  }
0xdd: {  	[sflag:s21] =	ssyncset.done $0x0  }
0xde: {  	s7 =	simm.s32 $0x280;
	[sflag:s21] =	ssyncadd.s32 $0xFFFFF800  }
0xdf: {  	[spmem:s1] =	stream.indirect.scatter.add.f32 [tilespmem:s13], [sflag:$0x10], $0x10, s7, s25, $0xb8;
	[tilespmem:$0x15D00] =	vst v63  }
0xe0: {  	p3 =	sle.u32 s19, $0xA;
	_ =	swait.ge [sflag:s24], $0x800  }
0xe1: {  	s0 =	simm.s32 @!p3 $0xAD00;
	[sflag:s24] =	ssyncset.done $0x0  }
0xe2: {  	s2 =	simm.s32 @!p3 $0xA00;
	s5 =	simm.s32 @!p3 $0x80;
	[sflag:s24] =	ssyncadd.s32 $0xFFFFF800  }
0xe3: {  	[tilespmem:s0], [sflag:$0x3] =	stream.indirect.gather @!p3 [spmem:s4], $0x10, s2, s5, $0xb8;
	[tilespmem:$0x15D00] =	vst v63  }
0xe4: {  	_ =	swait.ge [sflag:s22], $0x800  }
0xe5: {  	[sflag:s22] =	ssyncset.done $0x0  }
0xe6: {  	s10 =	simm.s32 $0x380;
	[sflag:s22] =	ssyncadd.s32 $0xFFFFF800  }
0xe7: {  	[spmem:s1] =	stream.indirect.scatter.add.f32 [tilespmem:s14], [sflag:$0x10], $0x10, s10, s25, $0xb8;
	[tilespmem:$0x15D00] =	vst v63  }
0xe8: {  	p3 =	sle.u32 s19, $0xB;
	_ =	swait.ge [sflag:s24], $0x800  }
0xe9: {  	s0 =	simm.s32 @!p3 $0xB500;
	[sflag:s24] =	ssyncset.done $0x0  }
0xea: {  	s2 =	simm.s32 @!p3 $0xB00;
	s5 =	simm.s32 @!p3 $0x80;
	[sflag:s24] =	ssyncadd.s32 $0xFFFFF800  }
0xeb: {  	[tilespmem:s0], [sflag:$0x4] =	stream.indirect.gather @!p3 [spmem:s4], $0x10, s2, s5, $0xb8;
	[tilespmem:$0x15D00] =	vst v63  }
0xec: {  	_ =	swait.ge [sflag:s23], $0x800  }
0xed: {  	[sflag:s23] =	ssyncset.done $0x0  }
0xee: {  	s12 =	simm.s32 $0x480;
	[sflag:s23] =	ssyncadd.s32 $0xFFFFF800  }
0xef: {  	[spmem:s1] =	stream.indirect.scatter.add.f32 [tilespmem:s16], [sflag:$0x10], $0x10, s12, s25, $0xb8;
	[tilespmem:$0x15D00] =	vst v63  }
0xf0: {  	p3 =	sle.u32 s19, $0xC;
	_ =	swait.ge [sflag:s24], $0x800  }
0xf1: {  	s0 =	simm.s32 @!p3 $0xBD00;
	[sflag:s24] =	ssyncset.done $0x0  }
0xf2: {  	s2 =	simm.s32 @!p3 $0xC00;
	s5 =	simm.s32 @!p3 $0x80;
	[sflag:s24] =	ssyncadd.s32 $0xFFFFF800  }
0xf3: {  	[tilespmem:s0], [sflag:$0x5] =	stream.indirect.gather @!p3 [spmem:s4], $0x10, s2, s5, $0xb8;
	[tilespmem:$0x15D00] =	vst v63  }
0xf4: {  	_ =	swait.ge [sflag:s15], $0x800  }
0xf5: {  	[sflag:s15] =	ssyncset.done $0x0  }
0xf6: {  	s30 =	simm.s32 $0x580;
	[sflag:s15] =	ssyncadd.s32 $0xFFFFF800  }
0xf7: {  	[spmem:s1] =	stream.indirect.scatter.add.f32 [tilespmem:s17], [sflag:$0x10], $0x10, s30, s25, $0xb8;
	[tilespmem:$0x15D00] =	vst v63  }
0xf8: {  	p4 =	sle.u32 s19, $0xD;
	_ =	swait.ge [sflag:s24], $0x800  }
0xf9: {  	s0 =	simm.s32 @!p4 $0xC500;
	s2 =	simm.s32 @!p4 $0xD00;
	[sflag:s24] =	ssyncset.done $0x0  }
0xfa: {  	p3 =	sle.u32 s19, $0x6;
	s5 =	simm.s32 @!p4 $0x80;
	[sflag:s24] =	ssyncadd.s32 $0xFFFFF800  }
0xfb: {  	[tilespmem:s0], [sflag:$0x6] =	stream.indirect.gather @!p4 [spmem:s4], $0x10, s2, s5, $0xb8;
	[tilespmem:$0x15D00] =	vst v63  }
0xfc: {  	s0 =	simm.s32 @!p3 $0x7  }
0xfd: {  	_ =	swait.ge @!p3 [sflag:s0], $0x800  }
0xfe: {  	s2 =	simm.s32 @!p3 $0x680;
	[sflag:s0] =	ssyncset.done @!p3 $0x0  }
0xff: {  	s5 =	simm.s32 @!p3 $0x80;
	[sflag:s0] =	ssyncadd.s32 @!p3 $0xFFFFF800;
	s0 =	simm.s32 @!p3 $0xCD00  }
0x100: {  	[spmem:s1] =	stream.indirect.scatter.add.f32 @!p3 [tilespmem:s0], [sflag:$0x10], $0x10, s2, s5, $0xb8;
	[tilespmem:$0x15D00] =	vst v63  }
0x101: {  	p4 =	sle.u32 @!p3 s19, $0xE;
	s0 =	simm.s32 @!p3 $0x10  }
0x102: {  	p5 =	por p4, p3;
	_ =	swait.ge @!p3 [sflag:s0], $0x800  }
0x103: {  	p4 =	sle.u32 s19, $0x7;
	s2 =	simm.s32 @!p5 $0xCD00;
	[sflag:s0] =	ssyncset.done @!p3 $0x0  }
0x104: {  	s5 =	simm.s32 @!p5 $0xE00;
	[sflag:s0] =	ssyncadd.s32 @!p3 $0xFFFFF800;
	s0 =	simm.s32 @!p5 $0x80  }
0x105: {  	[tilespmem:s2], [sflag:$0x7] =	stream.indirect.gather @!p5 [spmem:s4], $0x10, s5, s0, $0xb8;
	[tilespmem:$0x15D00] =	vst v63  }
0x106: {  	s0 =	simm.s32 @!p4 $0x8  }
0x107: {  	_ =	swait.ge @!p4 [sflag:s0], $0x800  }
0x108: {  	s2 =	simm.s32 @!p4 $0xD500;
	[sflag:s0] =	ssyncset.done @!p4 $0x0  }
0x109: {  	s5 =	simm.s32 @!p4 $0x780;
	[sflag:s0] =	ssyncadd.s32 @!p4 $0xFFFFF800;
	s0 =	simm.s32 @!p4 $0x80  }
0x10a: {  	[spmem:s1] =	stream.indirect.scatter.add.f32 @!p4 [tilespmem:s2], [sflag:$0x10], $0x10, s5, s0, $0xb8;
	[tilespmem:$0x15D00] =	vst v63  }
0x10b: {  	s31 =	simm.s32 $0x2000;
	p3 =	sle.u32 @!p4 s19, $0xF;
	s2 =	simm.s32 @!p4 $0x10  }
0x10c: {  	p5 =	por p3, p4;
	s0 =	simm.s32 $0x17;
	_ =	swait.ge @!p4 [sflag:s2], $0x800  }
.LBB2_10:
0x10d: {  	[sflag:s2] =	ssyncset.done @!p4 $0x0  }
0x10e: {  	s5 =	sshra.s32 @!p5 s29, $0x2;
	s7 =	simm.s32 @!p5 $0xD500;
	s29 =	smov.u32 s31  }
0x10f: {  	[sflag:s2] =	ssyncadd.s32 @!p4 $0xFFFFF800;
	s2 =	sadd.s32 @!p5 $0xF00, s5;
	s5 =	simm.s32 @!p5 $0x80  }
0x110: {  	[tilespmem:s7], [sflag:$0x8] =	stream.indirect.gather @!p5 [spmem:s4], $0x10, s2, s5, $0xb8;
	[tilespmem:$0x15D00] =	vst v63  }
0x111: {  	s31 =	sadd.s32 $0x2000, s31;
	s2 =	sshra.s32 s29, $0x2;
	_ =	swait.ge [sflag:s26], $0x800  }
0x112: {  	s7 =	sadd.s32 $0xFFFFFFF9, s0;
	s5 =	sadd.s32 $0x80, s2;
	[sflag:s26] =	ssyncset.done $0x0  }
0x113: {  	p3 =	sne.s32 s31, $0x14000;
	p4 =	sge.u32 s7, s19;
	[sflag:s26] =	ssyncadd.s32 $0xFFFFF800  }
0x114: {  	[spmem:s1] =	stream.indirect.scatter.add.f32 [tilespmem:s9], [sflag:$0x10], $0x10, s5, s25, $0xb8;
	[tilespmem:$0x15D00] =	vst v63  }
0x115: {  	s7 =	simm.s32 @!p4 $0x9D00;
	s5 =	sshra.s32 @!p4 s29, $0x2;
	_ =	swait.ge [sflag:s24], $0x800  }
0x116: {  	s10 =	simm.s32 @!p4 $0x80;
	s5 =	sadd.s32 @!p4 $0x800, s5;
	[sflag:s24] =	ssyncset.done $0x0  }
0x117: {  	[sflag:s24] =	ssyncadd.s32 $0xFFFFF800  }
0x118: {  	[tilespmem:s7], [sflag:$0x1] =	stream.indirect.gather @!p4 [spmem:s4], $0x10, s5, s10, $0xb8;
	[tilespmem:$0x15D00] =	vst v63  }
0x119: {  	_ =	swait.ge [sflag:s20], $0x800  }
0x11a: {  	s5 =	sadd.s32 $0x180, s2;
	s7 =	sadd.s32 $0xFFFFFFFA, s0;
	[sflag:s20] =	ssyncset.done $0x0  }
0x11b: {  	p4 =	sge.u32 s7, s19;
	[sflag:s20] =	ssyncadd.s32 $0xFFFFF800  }
0x11c: {  	[spmem:s1] =	stream.indirect.scatter.add.f32 [tilespmem:s11], [sflag:$0x10], $0x10, s5, s25, $0xb8;
	[tilespmem:$0x15D00] =	vst v63  }
0x11d: {  	s7 =	simm.s32 @!p4 $0xA500;
	s5 =	sshra.s32 @!p4 s29, $0x2;
	_ =	swait.ge [sflag:s24], $0x800  }
0x11e: {  	s10 =	simm.s32 @!p4 $0x80;
	s5 =	sadd.s32 @!p4 $0x900, s5;
	[sflag:s24] =	ssyncset.done $0x0  }
0x11f: {  	[sflag:s24] =	ssyncadd.s32 $0xFFFFF800  }
0x120: {  	[tilespmem:s7], [sflag:$0x2] =	stream.indirect.gather @!p4 [spmem:s4], $0x10, s5, s10, $0xb8;
	[tilespmem:$0x15D00] =	vst v63  }
0x121: {  	_ =	swait.ge [sflag:s21], $0x800  }
0x122: {  	s5 =	sadd.s32 $0x280, s2;
	s7 =	sadd.s32 $0xFFFFFFFB, s0;
	[sflag:s21] =	ssyncset.done $0x0  }
0x123: {  	p4 =	sge.u32 s7, s19;
	[sflag:s21] =	ssyncadd.s32 $0xFFFFF800  }
0x124: {  	[spmem:s1] =	stream.indirect.scatter.add.f32 [tilespmem:s13], [sflag:$0x10], $0x10, s5, s25, $0xb8;
	[tilespmem:$0x15D00] =	vst v63  }
0x125: {  	s7 =	simm.s32 @!p4 $0xAD00;
	s5 =	sshra.s32 @!p4 s29, $0x2;
	_ =	swait.ge [sflag:s24], $0x800  }
0x126: {  	s10 =	simm.s32 @!p4 $0x80;
	s5 =	sadd.s32 @!p4 $0xA00, s5;
	[sflag:s24] =	ssyncset.done $0x0  }
0x127: {  	[sflag:s24] =	ssyncadd.s32 $0xFFFFF800  }
0x128: {  	[tilespmem:s7], [sflag:$0x3] =	stream.indirect.gather @!p4 [spmem:s4], $0x10, s5, s10, $0xb8;
	[tilespmem:$0x15D00] =	vst v63  }
0x129: {  	_ =	swait.ge [sflag:s22], $0x800  }
0x12a: {  	s5 =	sadd.s32 $0x380, s2;
	s7 =	sadd.s32 $0xFFFFFFFC, s0;
	[sflag:s22] =	ssyncset.done $0x0  }
0x12b: {  	p4 =	sge.u32 s7, s19;
	[sflag:s22] =	ssyncadd.s32 $0xFFFFF800  }
0x12c: {  	[spmem:s1] =	stream.indirect.scatter.add.f32 [tilespmem:s14], [sflag:$0x10], $0x10, s5, s25, $0xb8;
	[tilespmem:$0x15D00] =	vst v63  }
0x12d: {  	s7 =	simm.s32 @!p4 $0xB500;
	s5 =	sshra.s32 @!p4 s29, $0x2;
	_ =	swait.ge [sflag:s24], $0x800  }
0x12e: {  	s10 =	simm.s32 @!p4 $0x80;
	s5 =	sadd.s32 @!p4 $0xB00, s5;
	[sflag:s24] =	ssyncset.done $0x0  }
0x12f: {  	[sflag:s24] =	ssyncadd.s32 $0xFFFFF800  }
0x130: {  	[tilespmem:s7], [sflag:$0x4] =	stream.indirect.gather @!p4 [spmem:s4], $0x10, s5, s10, $0xb8;
	[tilespmem:$0x15D00] =	vst v63  }
0x131: {  	_ =	swait.ge [sflag:s23], $0x800  }
0x132: {  	s5 =	sadd.s32 $0x480, s2;
	s7 =	sadd.s32 $0xFFFFFFFD, s0;
	[sflag:s23] =	ssyncset.done $0x0  }
0x133: {  	p4 =	sge.u32 s7, s19;
	[sflag:s23] =	ssyncadd.s32 $0xFFFFF800  }
0x134: {  	[spmem:s1] =	stream.indirect.scatter.add.f32 [tilespmem:s16], [sflag:$0x10], $0x10, s5, s25, $0xb8;
	[tilespmem:$0x15D00] =	vst v63  }
0x135: {  	s7 =	simm.s32 @!p4 $0xBD00;
	s5 =	sshra.s32 @!p4 s29, $0x2;
	_ =	swait.ge [sflag:s24], $0x800  }
0x136: {  	s10 =	simm.s32 @!p4 $0x80;
	s5 =	sadd.s32 @!p4 $0xC00, s5;
	[sflag:s24] =	ssyncset.done $0x0  }
0x137: {  	[sflag:s24] =	ssyncadd.s32 $0xFFFFF800  }
0x138: {  	[tilespmem:s7], [sflag:$0x5] =	stream.indirect.gather @!p4 [spmem:s4], $0x10, s5, s10, $0xb8;
	[tilespmem:$0x15D00] =	vst v63  }
0x139: {  	_ =	swait.ge [sflag:s15], $0x800  }
0x13a: {  	s2 =	sadd.s32 $0x580, s2;
	s5 =	sadd.s32 $0xFFFFFFFE, s0;
	[sflag:s15] =	ssyncset.done $0x0  }
0x13b: {  	p4 =	sge.u32 s5, s19;
	s5 =	sadd.s32 $0xFFFFFFF7, s0;
	[sflag:s15] =	ssyncadd.s32 $0xFFFFF800  }
0x13c: {  	[spmem:s1] =	stream.indirect.scatter.add.f32 [tilespmem:s17], [sflag:$0x10], $0x10, s2, s25, $0xb8;
	[tilespmem:$0x15D00] =	vst v63  }
0x13d: {  	s7 =	simm.s32 @!p4 $0xC500;
	s2 =	sshra.s32 @!p4 s29, $0x2;
	_ =	swait.ge [sflag:s24], $0x800  }
0x13e: {  	p5 =	sge.u32 s5, s19;
	s2 =	sadd.s32 @!p4 $0xD00, s2;
	[sflag:s24] =	ssyncset.done $0x0  }
0x13f: {  	s5 =	simm.s32 @!p4 $0x80;
	s10 =	simm.s32 @!p5 $0x7;
	s12 =	sshra.s32 @!p5 s29, $0x2  }
0x140: {  	s30 =	sadd.s32 @!p5 $0xFFFFFFFF, s0;
	s12 =	sadd.s32 @!p5 $0x680, s12;
	[sflag:s24] =	ssyncadd.s32 $0xFFFFF800  }
0x141: {  	[tilespmem:s7], [sflag:$0x6] =	stream.indirect.gather @!p4 [spmem:s4], $0x10, s2, s5, $0xb8;
	[tilespmem:$0x15D00] =	vst v63  }
0x142: {  	s2 =	simm.s32 @!p5 $0x80;
	s5 =	simm.s32 @!p5 $0xCD00;
	_ =	swait.ge @!p5 [sflag:s10], $0x800  }
0x143: {  	s7 =	simm.s32 @!p5 $0x10;
	p4 =	sge.u32 @!p5 s30, s19;
	[sflag:s10] =	ssyncset.done @!p5 $0x0  }
0x144: {  	p6 =	por p4, p5;
	[sflag:s10] =	ssyncadd.s32 @!p5 $0xFFFFF800;
	s10 =	sadd.s32 $0xFFFFFFF8, s0  }
0x145: {  	[spmem:s1] =	stream.indirect.scatter.add.f32 @!p5 [tilespmem:s5], [sflag:$0x10], $0x10, s12, s2, $0xb8;
	[tilespmem:$0x15D00] =	vst v63  }
0x146: {  	s2 =	sshra.s32 @!p6 s29, $0x2;
	s5 =	simm.s32 @!p6 $0xCD00;
	_ =	swait.ge @!p5 [sflag:s7], $0x800  }
0x147: {  	p4 =	sge.u32 s10, s19;
	s2 =	sadd.s32 @!p6 $0xE00, s2;
	[sflag:s7] =	ssyncset.done @!p5 $0x0  }
0x148: {  	s10 =	simm.s32 @!p4 $0x8;
	[sflag:s7] =	ssyncadd.s32 @!p5 $0xFFFFF800;
	s7 =	simm.s32 @!p6 $0x80  }
0x149: {  	[tilespmem:s5], [sflag:$0x7] =	stream.indirect.gather @!p6 [spmem:s4], $0x10, s2, s7, $0xb8;
	[tilespmem:$0x15D00] =	vst v63  }
0x14a: {  	s2 =	sshra.s32 @!p4 s29, $0x2  }
.Ltmp6:
0x14b: {  	s5 =	simm.s32 @!p4 $0xD500;
	_ =	swait.ge @!p4 [sflag:s10], $0x800;
	(pc) =	sbr.rel @p3 .LBB2_10-.Ltmp6, $4  }
0x14c: {  	s12 =	simm.s32 @!p4 $0x80;
	s7 =	sadd.s32 @!p4 $0x780, s2;
	[sflag:s10] =	ssyncset.done @!p4 $0x0  }
0x14d: {  	p5 =	sge.u32 @!p4 s0, s19;
	s2 =	simm.s32 @!p4 $0x10;
	[sflag:s10] =	ssyncadd.s32 @!p4 $0xFFFFF800  }
0x14e: {  	[spmem:s1] =	stream.indirect.scatter.add.f32 @!p4 [tilespmem:s5], [sflag:$0x10], $0x10, s7, s12, $0xb8;
	[tilespmem:$0x15D00] =	vst v63  }
0x14f: {  	s0 =	sadd.s32 $0x8, s0;
	p5 =	por p5, p4;
	_ =	swait.ge @!p4 [sflag:s2], $0x800  }
0x150: {  	[sflag:s2] =	ssyncset.done @!p4 $0x0;
	s0 =	sshra.s32 @!p5 s29, $0x2;
	s5 =	simm.s32 @!p5 $0xD500  }
0x151: {  	[sflag:s2] =	ssyncadd.s32 @!p4 $0xFFFFF800;
	s0 =	sadd.s32 @!p5 $0xF00, s0;
	s2 =	simm.s32 @!p5 $0x80  }
0x152: {  	[tilespmem:s5], [sflag:$0x8] =	stream.indirect.gather @!p5 [spmem:s4], $0x10, s0, s2, $0xb8;
	[tilespmem:$0x15D00] =	vst v63  }
0x153: {  	[bflag:$0x0] =	sbarrier.arrive $0xFFFF  }
0x154: {  	s30 =	rddreg [dreg:$0xb]  }
0x155: {  	s7 =	rddreg [dreg:$0x14]  }
0x156: {  	s10 =	rddreg [dreg:$0x18];
	s0 =	sor.u32 $0x1C10, s30  }
0x157: {  	[hbm:s7], [sflag:s0] =	dma.local [spmem:s10], $0x500  }
0x158: {  	_ =	swait.ge [sflag:s24], $0x500  }
0x159: {  	[sflag:s24] =	ssyncset.done $0x0;
	s31 =	rddreg [dreg:$0xd]  }
0x15a: {  	s5 =	rddreg [dreg:$0x16];
	[sflag:s24] =	ssyncadd.s32 $0xFFFFFB00;
	s2 =	sshrl.u32 @!p2 s31, $0x3  }
0x15b: {  	[hbm:s5], [sflag:s0] =	dma.local @!p2 [spmem:s2], $0x50  }
0x15c: {  	s0 =	simm.s32 @!p2 $0x10  }
0x15d: {  	_ =	swait.ge @!p2 [sflag:s0], $0x50  }
0x15e: {  	s18 =	sadd.s32 $0x1, s18;
	s12 =	rddreg [dreg:$0x17]  }
0x15f: {  	p3 =	sne.s32 s18, s12  }
.Ltmp7:
0x160: {  	_ = 	snop;
	(pc) =	sbr.rel @p3 .LBB2_1-.Ltmp7, $3  }
0x161: {  	_ =	sdelay $0x1  }
0x162: {  	[sflag:s0] =	ssyncset.done @!p2 $0x0  }
0x163: {  	s29 =	rddreg [dreg:$0x8];
	[sflag:s0] =	ssyncadd.s32 @!p2 $0xFFFFFFB0  }
0x164: {  	_ =	sfence.sel $0x180000  }
0x165: {  	[bflag:$0x0] =	sbarrier.arrive $0xFFFF  }
0x166: {  	_ =	strace $0x90000047  }
0x167: {  	s0 =	stileid.u32;
	[bflag:$0x2] =	sbarrier.arrive $0xFFFF  }
0x168: {  	p0 =	sne.s32 s0, $0x0;
	s0 =	rddreg [dreg:$0x6]  }
0x169: {  	s0 =	sadd.s32 @!p0 $0x100000, s0  }
0x16a: {  	[sflag:s0] =	ssyncadd.tile.s32 @!p0 $0x1;
	_ =	shalt  }
.Lfunc_end2:
_tile_overlayer_lowered:
.L_overlay_start_2:
0x16b: {  	(tag) =	ssettag $0x2  }
0x16c: {  	s0 =	rddreg [dreg:$0x0];
	s2 =	stileid.u32  }
0x16d: {  	s1 =	rddreg [dreg:$0x1];
	p0 =	sne.s32 s2, $0x0  }
0x16e: {  	s3 =	rddreg [dreg:$0x2];
	[bflag:$0x3] =	sbarrier.arrive $0xFFFF;
	s2 =	simm.s32 @!p0 $0x1C10  }
0x16f: {  	[timem:s3], [sflag:s2] =	dma.local @!p0 [hbm:s0], s1  }
0x170: {  	s0 =	simm.s32 @!p0 $0x10  }
0x171: {  	_ =	swait.ge @!p0 [sflag:s0], s1  }
0x172: {  	s1 =	ssub.s32 @!p0 $0x0, s1;
	[sflag:s0] =	ssyncset.done @!p0 $0x0  }
0x173: {  	[sflag:s0] =	ssyncadd.s32 @!p0 s1  }
0x174: {  	[bflag:$0x3] =	sbarrier.arrive $0xFFFF  }
0x175: {  	_ =	shalt  }

// kernel: kernel.9.cloned.1.call-start
scs
__scs_entry_jumppad:
0x0: {  	(pc) =	sbr.rel $0x88, $3  }
0x1: {  	(tag) =	ssettag $0x0;
	lr =	simm.s32 $0x1  }
0x2: {  	[smem:$0x3F9B] =	sst lr;
	_ =	strace $0xD0000000  }
0x3: {  	_ = 	snop  }
0x4: {  	_ = 	snop  }
0x5: {  	_ = 	snop  }
0x6: {  	_ = 	snop  }
0x7: {  	_ = 	snop  }
__scs_overlays_trampoline_lowered:
0x8: {  	[smem:$0x3FAA] =	sst s0  }
0x9: {  	[smem:$0x3FAB] =	sst s1  }
0xa: {  	[smem:$0x3FAC] =	sst s2  }
0xb: {  	[smem:$0x3FAD] =	sst s3  }
0xc: {  	[smem:$0x3FAE] =	sst s4  }
0xd: {  	[smem:$0x3FAF] =	sst s5  }
0xe: {  	[smem:$0x3FB0] =	sst s6  }
0xf: {  	[smem:$0x3FB1] =	sst s7  }
0x10: {  	[smem:$0x3FB2] =	sst s8  }
0x11: {  	[smem:$0x3FB3] =	sst s9;
	s0 =	simm.s32 @!p0 $0x0  }
0x12: {  	s1 =	sld [smem:$0x3F99];
	s0 =	simm.s32 @p0 $0x1  }
0x13: {  	[smem:$0x3FB4] =	sst s0;
	s0 =	simm.s32 @!p1 $0x0  }
0x14: {  	s2 =	sld [smem:$0x3F98];
	s0 =	simm.s32 @p1 $0x1  }
0x15: {  	[smem:$0x3FB5] =	sst s0;
	s0 =	simm.s32 @!p2 $0x0  }
0x16: {  	s3 =	sld [smem:$0x3FDB];
	s0 =	simm.s32 @p2 $0x1  }
0x17: {  	s4 =	simm.s32 $0x1BF5;
	[smem:$0x3FB7] =	sst s0  }
0x18: {  	s0 =	sld [smem:$0x3F9A];
	_ =	swait.ge [sflag:s4], $0x0  }
0x19: {  	s7 =	sld [smem:$0x3F9B]  }
0x1a: {  	s8 =	sadd.s32 $0xFFFFE003, lr  }
0x1b: {  	s9 =	sadd.s32 $0xFFFFFEF7, lr;
	s5 =	simm.s32 $0xFFFFFFFF;
	p2 =	slt.u32 s8, $0xFFFFF086  }
0x1c: {  	p1 =	slt.u32 s9, $0xF7A;
	s5 =	simm.s32 @!p2 $0x0  }
0x1d: {  	s5 =	simm.s32 @p1 $0x1;
	p0 =	seq.s32 s7, s2  }
0x1e: {  	s7 =	smul.u32 @!p0 $0xF7A, s2;
	p2 =	seq.s32 @!p0 s5, $0x0  }
0x1f: {  	s9 =	smul.u32 $0xF7A, s1;
	s8 =	simm.s32 @!p0 $0x1BF5;
	p2 =	por !p2, p0  }
0x20: {  	[sflag:s8] =	ssyncset.s32 @!p0 $0xFFFFF086;
	s6 =	sadd.s32 @!p0 s3, s7;
	s7 =	simm.s32 @!p0 $0x108  }
0x21: {  	s3 =	sadd.s32 s3, s9;
	s6 =	sadd.s32 @!p0 $0x88, s6;
	s7 =	simm.s32 @p2 $0x1082  }
0x22: {  	[simem:s7], [sflag:s8] =	dma.local @!p0 [hbm:s6], $0xF7A  }
0x23: {  	s9 =	sor.u32 $0xD0000000, s2;
	s6 =	simm.s32 $0x108;
	_ =	swait.ge @!p0 [sflag:s8], $0x0  }
0x24: {  	s3 =	sadd.s32 $0x88, s3;
	s6 =	simm.s32 @!p1 $0x1082;
	[sflag:s4] =	ssyncset.s32 $0xFFFFF086  }
0x25: {  	[simem:s6], [sflag:s4] =	dma.local [hbm:s3], $0xF7A  }
0x26: {  	[smem:$0x3F9B] =	sst s1;
	(tag) =	ssettag s2;
	_ =	strace s9  }
0x27: {  	s1 =	sld [smem:$0x3FAB]  }
0x28: {  	s2 =	sld [smem:$0x3FAC]  }
0x29: {  	s4 =	sld [smem:$0x3FAE]  }
0x2a: {  	p0 =	seq.s32 s5, $0x0;
	s5 =	sld [smem:$0x3FAF]  }
0x2b: {  	s6 =	sld [smem:$0x3FB0]  }
0x2c: {  	s7 =	sld [smem:$0x3FB1]  }
0x2d: {  	s3 =	simm.s32 $0x108;
	s8 =	sld [smem:$0x3FB2]  }
0x2e: {  	s3 =	simm.s32 @!p0 $0x1082;
	s9 =	sld [smem:$0x3FB3]  }
0x2f: {  	lr =	sadd.s32 s0, s3;
	s0 =	sld [smem:$0x3FAA]  }
0x30: {  	s3 =	sld [smem:$0x3FAD]  }
0x31: {  	[smem:$0x3FB6] =	sst s10  }
0x32: {  	s10 =	sld [smem:$0x3FB4];
	_ =	sdelay $0x3  }
0x33: {  	p0 =	seq.s32 s10, $0x1;
	s10 =	sld [smem:$0x3FB6];
	_ =	sdelay $0x3  }
0x34: {  	[smem:$0x3FB6] =	sst s10  }
0x35: {  	s10 =	sld [smem:$0x3FB5];
	_ =	sdelay $0x3  }
0x36: {  	p1 =	seq.s32 s10, $0x1;
	s10 =	sld [smem:$0x3FB6];
	_ =	sdelay $0x3  }
0x37: {  	[smem:$0x3FB6] =	sst s10  }
0x38: {  	s10 =	sld [smem:$0x3FB7]  }
0x39: {  	_ = 	snop;
	(pc) =	sbr.ind lr, $3  }
0x3a: {  	_ = 	snop  }
0x3b: {  	_ = 	snop  }
0x3c: {  	p2 =	seq.s32 s10, $0x1;
	s10 =	sld [smem:$0x3FB6]  }
0x3d: {  	_ =	shalt  }
0x3e: {  	_ =	shalt  }
0x3f: {  	_ =	shalt  }
0x40: {  	_ =	shalt  }
0x41: {  	_ =	shalt  }
0x42: {  	_ =	shalt  }
0x43: {  	_ =	shalt  }
0x44: {  	_ =	shalt  }
0x45: {  	_ =	shalt  }
0x46: {  	_ =	shalt  }
0x47: {  	_ =	shalt  }
0x48: {  	_ =	shalt  }
0x49: {  	_ =	shalt  }
0x4a: {  	_ =	shalt  }
0x4b: {  	_ =	shalt  }
0x4c: {  	_ =	shalt  }
0x4d: {  	_ =	shalt  }
0x4e: {  	_ =	shalt  }
0x4f: {  	_ =	shalt  }
0x50: {  	_ =	shalt  }
0x51: {  	_ =	shalt  }
0x52: {  	_ =	shalt  }
0x53: {  	_ =	shalt  }
0x54: {  	_ =	shalt  }
0x55: {  	_ =	shalt  }
0x56: {  	_ =	shalt  }
0x57: {  	_ =	shalt  }
0x58: {  	_ =	shalt  }
0x59: {  	_ =	shalt  }
0x5a: {  	_ =	shalt  }
0x5b: {  	_ =	shalt  }
0x5c: {  	_ =	shalt  }
0x5d: {  	_ =	shalt  }
0x5e: {  	_ =	shalt  }
0x5f: {  	_ =	shalt  }
0x60: {  	_ =	shalt  }
0x61: {  	_ =	shalt  }
0x62: {  	_ =	shalt  }
0x63: {  	_ =	shalt  }
0x64: {  	_ =	shalt  }
0x65: {  	_ =	shalt  }
0x66: {  	_ =	shalt  }
0x67: {  	_ =	shalt  }
0x68: {  	_ =	shalt  }
0x69: {  	_ =	shalt  }
0x6a: {  	_ =	shalt  }
0x6b: {  	_ =	shalt  }
0x6c: {  	_ =	shalt  }
0x6d: {  	_ =	shalt  }
0x6e: {  	_ =	shalt  }
0x6f: {  	_ =	shalt  }
0x70: {  	_ =	shalt  }
0x71: {  	_ =	shalt  }
0x72: {  	_ =	shalt  }
0x73: {  	_ =	shalt  }
0x74: {  	_ =	shalt  }
0x75: {  	_ =	shalt  }
0x76: {  	_ =	shalt  }
0x77: {  	_ =	shalt  }
0x78: {  	_ =	shalt  }
0x79: {  	_ =	shalt  }
0x7a: {  	_ =	shalt  }
0x7b: {  	_ =	shalt  }
0x7c: {  	_ =	shalt  }
0x7d: {  	_ =	shalt  }
0x7e: {  	_ =	shalt  }
0x7f: {  	_ =	shalt  }
0x80: {  	_ =	shalt  }
0x81: {  	_ =	shalt  }
0x82: {  	_ =	shalt  }
0x83: {  	_ =	shalt  }
0x84: {  	_ =	shalt  }
0x85: {  	_ =	shalt  }
0x86: {  	_ =	shalt  }
0x87: {  	_ =	shalt  }
.Lfunc_end0:
.L_simem_size_0:
called_computation.1_lowered:
.L_overlay_start_0:
0x88: {  	s2 =	sld [smem:$0x3FD9]  }
0x89: {  	s3 =	sld [smem:$0x3FFE];
	_ =	sdelay $0x1  }
0x8a: {  	s1 =	srdreg.scid  }
0x8b: {  	s0 =	sand.u32 $0x1, s1  }
0x8c: {  	s17 =	sshll.u32 s0, $0xA;
	s2 =	sadd.s32 s3, s2  }
0x8d: {  	s2 =	sadd.s32 s2, s17  }
0x8e: {  	[smem:$0x3FC2] =	sst s2  }
0x8f: {  	_ = 	snop  }
0x90: {  	s2 =	sld [smem:$0x3FC8]  }
0x91: {  	s18 =	sld [smem:$0x3FC6]  }
0x92: {  	s4 =	sld [smem:$0x3FD0];
	(tm) =	ssettm $0x1  }
0x93: {  	s5 =	sld [smem:$0x3FFB];
	_ =	sdelay $0x3  }
0x94: {  	_ =	strace s5  }
0x95: {  	s5 =	sld [smem:$0x3FFC];
	_ =	sdelay $0x3  }
0x96: {  	_ =	strace s5  }
0x97: {  	s5 =	sld [smem:$0x3FFD];
	_ =	sdelay $0x3  }
0x98: {  	_ =	strace s5  }
0x99: {  	_ =	strace $0x8FFFFFFF  }
0x9a: {  	s19 =	sld [smem:$0x3FDB];
	_ =	sdelay $0x1  }
0x9b: {  	s6 =	simm.s32 $_scs_section_size  }
0x9c: {  	s7 =	simm.s32 $_size__tile_overlayer_lowered;
	s8 =	simm.s32 $_tile_overlayer_lowered  }
0x9d: {  	s22 =	simm.s32 $0x1BFF;
	s21 =	sshll.u32 s8, $0x1;
	s5 =	sadd.s32 s6, s19  }
0x9e: {  	s9 =	simm.s32 $0x0;
	s20 =	sshll.u32 s7, $0x1;
	s7 =	sadd.s32 s21, s5  }
0x9f: {  	[timem:s9], [sflag:s22] =	dma.local [hbm:s7], s20  }
0xa0: {  	_ =	swait.ge [sflag:s22], s20  }
0xa1: {  	s6 =	ssub.s32 $0x0, s20;
	[sflag:s22] =	ssyncset.done $0x0  }
0xa2: {  	[sflag:s22] =	ssyncadd.s32 s6;
	_ =	sdelay $0x1  }
0xa3: {  	s23 =	simm.s32 $0x1B8B  }
0xa4: {  	_ =	swait.ge [sflag:s23], $0x1  }
0xa5: {  	[sflag:s23] =	ssyncset.done $0x0  }
0xa6: {  	s25 =	simm.s32 $0x1B8E;
	s24 =	sld [smem:$0x3FFE];
	[sflag:s23] =	ssyncadd.s32 $0xFFFFFFFF  }
0xa7: {  	s26 =	simm.s32 $execute0_lowered;
	[smem:$0x3FD2] =	sst s25  }
0xa8: {  	s7 =	sshll.u32 s26, $0x1;
	_ =	strace $0x80000049;
	[dreg:$0x1] =	wrdreg $0xFFFFFFFF  }
0xa9: {  	s28 =	simm.s32 $_size_execute0_lowered;
	s5 =	sadd.s32 s5, s7;
	[dreg:$0x0] =	wrdreg $0x0  }
0xaa: {  	s7 =	sshll.u32 s28, $0x1;
	[dreg:$0x2] =	wrdreg s5  }
0xab: {  	[dreg:$0x3] =	wrdreg s7  }
0xac: {  	[dreg:$0x4] =	wrdreg $0xC0  }
0xad: {  	_ =	task [dreg:s9], $0x5FFFF  }
0xae: {  	[dreg:$0x1] =	wrdreg $0xFFFFFFFF  }
0xaf: {  	[dreg:$0x0] =	wrdreg $0x60  }
0xb0: {  	[dreg:$0x2] =	wrdreg s24  }
0xb1: {  	[dreg:$0x3] =	wrdreg s4  }
0xb2: {  	[dreg:$0x4] =	wrdreg s18  }
0xb3: {  	[dreg:$0x5] =	wrdreg s2  }
0xb4: {  	[dreg:$0x6] =	wrdreg $0x15C100  }
0xb5: {  	[dreg:$0x7] =	wrdreg $0x134100  }
0xb6: {  	[dreg:$0x8] =	wrdreg $0x9  }
0xb7: {  	_ =	task.clear_ibuf [dreg:s9], $0x9FFFF;
	_ =	strace $0x90000049  }
0xb8: {  	s29 =	simm.s32 $0x9;
	_ =	strace $0x8000004B  }
0xb9: {  	_ =	swait.ge [sflag:s29], $0x1  }
0xba: {  	[sflag:s29] =	ssyncadd.s32 $0xFFFFFFFF  }
0xbb: {  	_ =	strace $0x9000004B  }
0xbc: {  	_ =	sfence  }
0xbd: {  	s30 =	sld [smem:$0x0];
	_ =	sdelay $0x2  }
0xbe: {  	s31 =	sshll.u32 s1, $0xD;
	s1 =	sshrl.u32 s1, $0x2  }
0xbf: {  	s3 =	sand.u32 $0x4000, s31;
	s1 =	sadd.s32 s1, s30  }
0xc0: {  	s0 =	sor.u32 s3, s0;
	s1 =	sshll.u32 s1, $0x11  }
0xc1: {  	s0 =	sor.u32 s1, s0  }
0xc2: {  	s0 =	sadd.s32 $0x8F2B, s0  }
0xc3: {  	[sflag:s0] =	ssyncadd.remote.s32 $0x1  }
0xc4: {  	_ =	sfence.sel $0xFFFF  }
0xc5: {  	[dreg:$0x0] =	wrdreg $0xFFFFFFFF;
	(pc) =	sbr.abs _section_cstart, $3  }
0xc6: {  	[dreg:$0x1] =	wrdreg $0xFFFFFFFF  }
0xc7: {  	_ =	task.clear_ibuf [dreg:s9], $0x2FFFF;
	_ =	strace $0x9FFFFFFF  }
0xc8: {  	(tm) =	ssettm $0x7FFFFFFF  }
0xc9: {  	_ =	shalt  }
tec
execute0_lowered:
.L_overlay_start_1:
0x0: {  	(tag) =	ssettag $0x1  }
0x1: {  	s0 =	rddreg [dreg:$0x0]  }
0x2: {  	s1 =	rddreg [dreg:$0x1]  }
0x3: {  	s2 =	rddreg [dreg:$0x3]  }
0x4: {  	s3 =	rddreg [dreg:$0x4]  }
0x5: {  	s4 =	rddreg [dreg:$0x5];
	s5 =	simm.s32 $0x0;
	s17 =	stileid.u32  }
0x6: {  	s8 =	srdreg.scid;
	s28 =	simm.s32 $0x11;
	s7 =	smul.u32 $0x2800, s17  }
0x7: {  	s29 =	simm.s32 $0x4F00;
	[smem:$0x7FF] =	sst s5;
	s6 =	smul.u32 $0x50, s17  }
0x8: {  	s8 =	sand.u32 $0x1, s8;
	s21 =	sshll.u32 s17, $0x6;
	_ =	strace $0x8000004A  }
0x9: {  	s16 =	sshll.u32 s8, $0x4;
	s12 =	ssub.s32 $0x2, s8;
	[dreg:$0x8] =	wrdreg s21  }
0xa: {  	p1 =	sne.s32 s8, $0x0;
	s9 =	sadd.s32 s7, s0;
	s10 =	sadd.s32 s6, s0  }
0xb: {  	s11 =	sshrl.u32 s7, $0x3;
	s13 =	sor.u32 s17, s16;
	s14 =	sshrl.u32 s12, $0x1  }
0xc: {  	s6 =	simm.s32 $0x4F;
	s19 =	sadd.s32 s7, s3;
	s25 =	sadd.s32 s7, s4  }
0xd: {  	s7 =	simm.s32 $0x5700;
	s17 =	simm.s32 $0x4;
	s0 =	sadd.s32 s11, s0  }
0xe: {  	s15 =	smul.u32 $0x4E, s13;
	s16 =	smin.u32 s13, $0x4;
	p0 =	slt.u32 s13, $0x4  }
0xf: {  	s12 =	ssub.s32 s12, s14;
	s11 =	sadd.s32 s1, s11;
	s9 =	sadd.s32 $0x2000, s9  }
0x10: {  	s24 =	sadd.s32 $0x2F800, s10;
	[dreg:$0x10] =	wrdreg s25;
	s25 =	simm.s32 $0xE  }
0x11: {  	s14 =	simm.s32 $0x7700;
	s6 =	simm.s32 @!p0 $0x4E;
	[dreg:$0xb] =	wrdreg s9  }
0x12: {  	s20 =	sadd.s32 $0x2A000, s0;
	[dreg:$0xa] =	wrdreg s11;
	s23 =	sadd.s32 $0x5000, s11  }
0x13: {  	[dreg:$0xe] =	wrdreg s24;
	p0 =	seq.s32 s8, $0x0;
	s26 =	sadd.s32 $0x39E00, s0  }
0x14: {  	s30 =	sadd.s32 $0x3EE00, s0;
	s31 =	smax.u32 s12, $0x1;
	[dreg:$0x7] =	wrdreg s20  }
0x15: {  	s9 =	simm.s32 $0x5F00;
	s11 =	simm.s32 $0x6700;
	[dreg:$0xc] =	wrdreg s23  }
0x16: {  	s12 =	simm.s32 $0x6F00;
	s24 =	simm.s32 $0x3;
	[dreg:$0x11] =	wrdreg s26  }
0x17: {  	s18 =	sadd.s32 s16, s15;
	s16 =	sor.u32 $0x1C09, s21;
	[dreg:$0x12] =	wrdreg s30  }
0x18: {  	[dreg:$0x13] =	wrdreg s31;
	s21 =	sshrl.u32 s19, $0x3;
	s22 =	sshll.u32 s18, $0x5  }
0x19: {  	s23 =	simm.s32 $0x80;
	s26 =	simm.s32 $0x10980;
	s1 =	sadd.s32 s2, s22  }
0x1a: {  	s15 =	simm.s32 $0x1;
	[dreg:$0xd] =	wrdreg s1;
	s1 =	sadd.s32 $0x9C0, s1  }
0x1b: {  	s19 =	simm.s32 $0x6;
	[dreg:$0xf] =	wrdreg s1;
	s1 =	simm.s32 $0x2FE00  }
0x1c: {  	s20 =	simm.s32 $0x0;
	[dreg:$0x9] =	wrdreg s16;
	s1 =	simm.s32 @!p0 $0x34E00  }
0x1d: {  	s16 =	simm.s32 $0x2;
	s18 =	simm.s32 $0x5;
	s0 =	sadd.s32 s1, s0  }
0x1e: {  	s22 =	simm.s32 $0x8F00;
	p0 =	sgt.u32 s13, $0x3;
	[dreg:$0x14] =	wrdreg s0  }
.LBB2_1:
0x1f: {  	s0 =	rddreg [dreg:$0x7]  }
0x20: {  	s1 =	rddreg [dreg:$0x9]  }
0x21: {  	[spmem:s21], [sflag:s1] =	dma.local [hbm:s0], $0x500  }
0x22: {  	s8 =	simm.s32 $0x10;
	s0 =	rddreg [dreg:$0xb]  }
0x23: {  	[tilespmem:s22], [sflag:$0xA] =	stream.strided.gather [hbm4b:s0+s8], $0x2800, s23, s8, $0x38;
	[tilespmem:$0x18410] =	vst v63  }
0x24: {  	s13 =	simm.s32 $0xB700;
	s10 =	rddreg [dreg:$0xa]  }
0x25: {  	[tilespmem:s13], [sflag:$0xB] =	stream.linear.gather [hbm4b:s10+s5], $0x2800, $0x38;
	[tilespmem:$0x18410] =	vst v63  }
0x26: {  	s2 =	rddreg [dreg:$0xc];
	s8 =	simm.s32 $0xDF00  }
0x27: {  	[tilespmem:s8], [sflag:$0xC] =	stream.linear.gather [hbm4b:s2+s5], $0x2800, $0x38;
	[tilespmem:$0x18410] =	vst v63  }
0x28: {  	s10 =	rddreg [dreg:$0xe];
	s13 =	simm.s32 $0x10700  }
0x29: {  	[tilespmem:s13], [sflag:$0xD] =	stream.linear.gather [hbm4b:s10+s5], $0x280, $0x38;
	[tilespmem:$0x18410] =	vst v63  }
0x2a: {  	s2 =	rddreg [dreg:$0x2];
	s8 =	simm.s32 $0x13400  }
0x2b: {  	[tilespmem:s8], [sflag:$0xE] =	stream.linear.gather [hbm4b:s2+s5], $0x10, $0x38;
	[tilespmem:$0x18410] =	vst v63  }
0x2c: {  	s10 =	rddreg [dreg:$0xd]  }
0x2d: {  	[tilespmem:s5], [sflag:$0xF] =	stream.linear.gather [hbm4b:s10+s5], $0x4E00, $0x38;
	[tilespmem:$0x18410] =	vst v63  }
0x2e: {  	s1 =	rddreg [dreg:$0xf];
	s0 =	simm.s32 @!p0 $0x0;
	s2 =	simm.s32 @!p0 $0x4E00  }
0x2f: {  	[tilespmem:s2], [sflag:$0x10] =	stream.linear.gather @!p0 [hbm4b:s1+s0], $0x100, $0x38;
	[tilespmem:$0x18410] =	vst v63  }
0x30: {  	s0 =	simm.s32 @!p0 $0x10  }
0x31: {  	_ =	swait.ge @!p0 [sflag:s0], $0x100  }
0x32: {  	[sflag:s0] =	ssyncset.done @!p0 $0x0  }
0x33: {  	s13 =	simm.s32 $0xF;
	[sflag:s0] =	ssyncadd.s32 @!p0 $0xFFFFFF00  }
0x34: {  	_ =	swait.ge [sflag:s13], $0x4E00  }
0x35: {  	[sflag:s13] =	ssyncset.done $0x0  }
0x36: {  	s1 =	simm.s32 $0x9;
	[sflag:s13] =	ssyncadd.s32 $0xFFFFB200  }
0x37: {  	_ =	swait.ge [sflag:s1], $0x500  }
0x38: {  	[sflag:s1] =	ssyncset.done $0x0  }
0x39: {  	s2 =	simm.s32 $0xA;
	[sflag:s1] =	ssyncadd.s32 $0xFFFFFB00  }
0x3a: {  	_ =	swait.ge [sflag:s2], $0x2800  }
0x3b: {  	[sflag:s2] =	ssyncset.done $0x0  }
0x3c: {  	s8 =	simm.s32 $0xB;
	[sflag:s2] =	ssyncadd.s32 $0xFFFFD800  }
0x3d: {  	_ =	swait.ge [sflag:s8], $0x2800  }
0x3e: {  	[sflag:s8] =	ssyncset.done $0x0  }
0x3f: {  	s10 =	simm.s32 $0xC;
	[sflag:s8] =	ssyncadd.s32 $0xFFFFD800  }
0x40: {  	_ =	swait.ge [sflag:s10], $0x2800  }
0x41: {  	[sflag:s10] =	ssyncset.done $0x0  }
0x42: {  	s13 =	simm.s32 $0xD;
	[sflag:s10] =	ssyncadd.s32 $0xFFFFD800  }
0x43: {  	_ =	swait.ge [sflag:s13], $0x280  }
0x44: {  	[sflag:s13] =	ssyncset.done $0x0  }
0x45: {  	[sflag:s13] =	ssyncadd.s32 $0xFFFFFD80  }
0x46: {  	_ =	swait.ge [sflag:s25], $0x10  }
0x47: {  	[sflag:s25] =	ssyncset.done $0x0  }
0x48: {  	s10 =	simm.s32 $0x0;
	[sflag:s25] =	ssyncadd.s32 $0xFFFFFFF0  }
0x49: {  	v0 =	vld [tilespmem:s10+$0x10700];
	_ =	sdelay $0x4  }
0x4a: {  	s8 =	simm.s32 $0x10;
	v0 =	vadd.f32 $1.000000000e+00, v0  }
0x4b: {  	v1 =	vld [tilespmem:s8+$0x10700]  }
0x4c: {  	v2 =	vshrl.u32 v0, $0x1;
	v3 =	vmul.f32 $5.000000000e-01, v0  }
0x4d: {  	v0 =	vsub.s32 $0x5F3759DF, v2  }
0x4e: {  	v2 =	vmul.f32 v0, v3  }
0x4f: {  	s13 =	simm.s32 $0x20  }
0x50: {  	v4 =	vld [tilespmem:s13+$0x10700];
	v1 =	vadd.f32 $1.000000000e+00, v1;
	v2 =	vmul.f32 v0, v2;
	_ =	sdelay $0x1  }
0x51: {  	v5 =	vshrl.u32 v1, $0x1;
	v7 =	vmul.f32 $5.000000000e-01, v1;
	v1 =	vsub.f32 $1.500000000e+00, v2  }
0x52: {  	v2 =	vsub.s32 $0x5F3759DF, v5  }
0x53: {  	v5 =	vmul.f32 v2, v7;
	v1 =	vmul.f32 v0, v1  }
0x54: {  	s30 =	simm.s32 $0x30;
	v0 =	vadd.f32 $1.000000000e+00, v4  }
0x55: {  	v4 =	vld [tilespmem:s30+$0x10700];
	v5 =	vmul.f32 v2, v5;
	v6 =	vmul.f32 v1, v3  }
0x56: {  	v8 =	vshrl.u32 v0, $0x1;
	v0 =	vmul.f32 $5.000000000e-01, v0  }
0x57: {  	v5 =	vsub.f32 $1.500000000e+00, v5;
	v8 =	vsub.s32 $0x5F3759DF, v8;
	v6 =	vmul.f32 v6, v1  }
0x58: {  	v9 =	vmul.f32 v8, v0  }
0x59: {  	v2 =	vmul.f32 v2, v5;
	v5 =	vsub.f32 $1.500000000e+00, v6  }
0x5a: {  	v4 =	vadd.f32 $1.000000000e+00, v4;
	v9 =	vmul.f32 v8, v9  }
0x5b: {  	s31 =	simm.s32 $0x40;
	v10 =	vmul.f32 v2, v7;
	v5 =	vmul.f32 v5, v1  }
0x5c: {  	v6 =	vld [tilespmem:s31+$0x10700];
	v11 =	vshrl.u32 v4, $0x1;
	v1 =	vmul.f32 $5.000000000e-01, v4;
	v4 =	vsub.f32 $1.500000000e+00, v9  }
0x5d: {  	v12 =	vsub.s32 $0x5F3759DF, v11;
	v9 =	vmul.f32 v10, v2;
	v3 =	vmul.f32 v5, v3  }
0x5e: {  	v10 =	vmul.f32 v12, v1;
	v4 =	vmul.f32 v8, v4  }
0x5f: {  	v8 =	vsub.f32 $1.500000000e+00, v9;
	v3 =	vmul.f32 v3, v5  }
0x60: {  	v9 =	vmul.f32 v12, v10;
	v10 =	vmul.f32 v4, v0  }
0x61: {  	s0 =	simm.s32 $0x50;
	v6 =	vadd.f32 $1.000000000e+00, v6;
	v2 =	vmul.f32 v8, v2  }
0x62: {  	v13 =	vsub.f32 $1.500000000e+00, v3;
	v14 =	vsub.f32 $1.500000000e+00, v9;
	v9 =	vmul.f32 v10, v4;
	v10 =	vld [tilespmem:s0+$0x10700]  }
0x63: {  	v11 =	vshrl.u32 v6, $0x1;
	v3 =	vmul.f32 $5.000000000e-01, v6  }
0x64: {  	v6 =	vsub.s32 $0x5F3759DF, v11;
	v8 =	vmul.f32 v2, v7;
	v5 =	vmul.f32 v13, v5  }
0x65: {  	s2 =	simm.s32 $0x180;
	v11 =	vmul.f32 v6, v3;
	v7 =	vmul.f32 v12, v14  }
.LBB2_2:
0x66: {  	s1 =	sshra.s32 s2, $0x2  }
0x67: {  	v12 =	vadd.f32 $1.000000000e+00, v10;
	v9 =	vsub.f32 $1.500000000e+00, v9;
	v8 =	vmul.f32 v8, v2;
	[tilespmem:s10+$0x10980] =	vst v5;
	s10 =	smov.u32 s8;
	s8 =	smov.u32 s13;
	p2 =	sne.s32 s2, $0x9C0  }
.Ltmp0:
0x68: {  	s13 =	smov.u32 s30;
	s30 =	smov.u32 s31;
	v10 =	vld [tilespmem:s1+$0x10700];
	v5 =	vmul.f32 v6, v11;
	v11 =	vmul.f32 v7, v1;
	(pc) =	sbr.rel @p2 .LBB2_2-.Ltmp0, $4  }
0x69: {  	s2 =	sadd.s32 $0x40, s2;
	s31 =	smov.u32 s0;
	v13 =	vshrl.u32 v12, $0x1;
	v14 =	vmul.f32 v9, v4;
	v15 =	vsub.f32 $1.500000000e+00, v8;
	v4 =	vmovc v7  }
0x6a: {  	s0 =	smov.u32 s1;
	v12 =	vmul.f32 $5.000000000e-01, v12;
	v7 =	vsub.f32 $1.500000000e+00, v5;
	v9 =	vmul.f32 v11, v4  }
0x6b: {  	v13 =	vsub.s32 $0x5F3759DF, v13;
	v8 =	vmul.f32 v14, v0;
	v5 =	vmul.f32 v15, v2;
	v2 =	vmovc v14;
	v0 =	vmovc v1  }
0x6c: {  	v11 =	vmul.f32 v13, v12;
	v1 =	vmovc v3;
	v3 =	vmovc v12;
	v7 =	vmul.f32 v6, v7;
	v6 =	vmov v13  }
0x6d: {  	v10 =	vadd.f32 $1.000000000e+00, v10;
	_ =	sdelay $0x1  }
0x6e: {  	v12 =	vshrl.u32 v10, $0x1;
	v10 =	vmul.f32 $5.000000000e-01, v10  }
0x6f: {  	v12 =	vsub.s32 $0x5F3759DF, v12  }
0x70: {  	v13 =	vmul.f32 v12, v10  }
0x71: {  	v11 =	vmul.f32 v6, v11  }
0x72: {  	v13 =	vmul.f32 v12, v13  }
0x73: {  	v11 =	vsub.f32 $1.500000000e+00, v11  }
0x74: {  	v13 =	vsub.f32 $1.500000000e+00, v13  }
0x75: {  	v55 =	vmul.f32 v6, v11  }
0x76: {  	v56 =	vmul.f32 v7, v1;
	v12 =	vmul.f32 v12, v13  }
0x77: {  	v57 =	vmul.f32 v55, v3  }
0x78: {  	v11 =	vmul.f32 v56, v7;
	v14 =	vmul.f32 v12, v10  }
0x79: {  	v9 =	vsub.f32 $1.500000000e+00, v9;
	v13 =	vmul.f32 v57, v55  }
0x7a: {  	v11 =	vsub.f32 $1.500000000e+00, v11;
	v14 =	vmul.f32 v14, v12  }
0x7b: {  	v4 =	vmul.f32 v9, v4;
	v58 =	vsub.f32 $1.500000000e+00, v13  }
0x7c: {  	v8 =	vmul.f32 v8, v2;
	v59 =	vmul.f32 v11, v7;
	v60 =	vsub.f32 $1.500000000e+00, v14  }
0x7d: {  	v0 =	vmul.f32 v4, v0;
	v6 =	vmul.f32 v58, v55  }
0x7e: {  	v1 =	vmul.f32 v59, v1;
	v61 =	vmul.f32 v60, v12  }
0x7f: {  	v0 =	vmul.f32 v0, v4;
	v3 =	vmul.f32 v6, v3  }
0x80: {  	v8 =	vsub.f32 $1.500000000e+00, v8;
	v1 =	vmul.f32 v1, v59;
	v10 =	vmul.f32 v61, v10  }
0x81: {  	v0 =	vsub.f32 $1.500000000e+00, v0;
	v3 =	vmul.f32 v3, v6  }
0x82: {  	v2 =	vmul.f32 v8, v2;
	v1 =	vsub.f32 $1.500000000e+00, v1;
	v62 =	vmul.f32 v10, v61  }
0x83: {  	[tilespmem:s10+$0x10980] =	vst v5;
	v0 =	vmul.f32 v0, v4;
	v3 =	vsub.f32 $1.500000000e+00, v3  }
0x84: {  	s1 =	simm.s32 $0x0;
	[tilespmem:s8+$0x10980] =	vst v2;
	v1 =	vmul.f32 v1, v59;
	v2 =	vsub.f32 $1.500000000e+00, v62  }
0x85: {  	[tilespmem:s13+$0x10980] =	vst v0;
	v0 =	vmul.f32 v3, v6;
	v3 =	vmov s1  }
0x86: {  	[tilespmem:s30+$0x10980] =	vst v1;
	v1 =	vmul.f32 v2, v61  }
0x87: {  	[tilespmem:s31+$0x10980] =	vst v0  }
0x88: {  	s10 =	simm.s32 $0x8F00;
	[tilespmem:s0+$0x10980] =	vst v1  }
0x89: {  	v0 =	vld [tilespmem:s10+$0x0]  }
0x8a: {  	s0 =	simm.s32 $0xB700;
	v1 =	vld.idx.msk [tilespmem:v3+s26+$0x0], $0xffff  }
0x8b: {  	s8 =	simm.s32 $0xDF00;
	v2 =	vld [tilespmem:s0+$0x0]  }
0x8c: {  	v3 =	vld [tilespmem:s8+$0x0];
	_ =	sdelay $0x4  }
0x8d: {  	v63 =	vmul.f32 v0, v1;
	v2 =	vadd.f32 v3, v2  }
0x8e: {  	v0 =	vld [tilespmem:$0x13400]  }
0x8f: {  	v2 =	vadd.f32 v2, v63;
	_ =	sdelay $0x1  }
0x90: {  	v2 =	vmul.f32 v2, v1;
	_ =	sdelay $0x1  }
0x91: {  	v2 =	vadd.f32 v2, v0;
	_ =	sdelay $0x1  }
0x92: {  	s31 =	simm.s32 $0x1;
	v2 =	vmax.f32 v2, $0.0e+00  }
0x93: {  	v3 =	vmul.f32 v2, v1;
	v2 =	vmov s31;
	_ =	sdelay $0x1  }
0x94: {  	s13 =	simm.s32 $0x10C00;
	s30 =	simm.s32 $0x2;
	[tilespmem:s10+$0x0] =	vst v3  }
.LBB2_4:
0x95: {  	p2 =	sne.s32 s30, $0x27F;
	[tilespmem:s13+$0x0] =	vst v1;
	s10 =	sadd.s32 $0x10, s10  }
0x96: {  	v3 =	vld [tilespmem:s10+$0x0]  }
0x97: {  	s0 =	sadd.s32 $0x10, s0;
	v1 =	vld.idx.msk [tilespmem:v2+s26+$0x0], $0xffff  }
0x98: {  	s8 =	sadd.s32 $0x10, s8;
	v2 =	vld [tilespmem:s0+$0x0]  }
0x99: {  	v4 =	vld [tilespmem:s8+$0x0];
	_ =	sdelay $0x4  }
0x9a: {  	v3 =	vmul.f32 v3, v1;
	v2 =	vadd.f32 v4, v2;
	_ =	sdelay $0x1  }
0x9b: {  	v2 =	vadd.f32 v2, v3;
	_ =	sdelay $0x1  }
0x9c: {  	v2 =	vmul.f32 v2, v1;
	_ =	sdelay $0x1  }
0x9d: {  	v2 =	vadd.f32 v2, v0  }
.Ltmp1:
0x9e: {  	(pc) =	sbr.rel @p2 .LBB2_4-.Ltmp1, $3  }
0x9f: {  	v3 =	vmax.f32 v2, $0.0e+00  }
0xa0: {  	v2 =	vmov s30;
	v3 =	vmul.f32 v3, v1;
	_ =	sdelay $0x1  }
0xa1: {  	s13 =	sadd.s32 $0x10, s13;
	s30 =	sadd.s32 $0x1, s30;
	[tilespmem:s10+$0x0] =	vst v3  }
0xa2: {  	_ =	sdelay $0x1  }
0xa3: {  	[tilespmem:s13+$0x0] =	vst v1;
	s1 =	sadd.s32 $0x10, s10  }
0xa4: {  	v1 =	vld [tilespmem:s1+$0x0]  }
0xa5: {  	s0 =	sadd.s32 $0x10, s0;
	v2 =	vld.idx.msk [tilespmem:v2+s26+$0x0], $0xffff  }
0xa6: {  	s8 =	sadd.s32 $0x10, s8;
	v3 =	vld [tilespmem:s0+$0x0]  }
0xa7: {  	v4 =	vld [tilespmem:s8+$0x0];
	_ =	sdelay $0x4  }
0xa8: {  	v1 =	vmul.f32 v1, v2;
	v3 =	vadd.f32 v4, v3;
	_ =	sdelay $0x1  }
0xa9: {  	v1 =	vadd.f32 v3, v1;
	_ =	sdelay $0x1  }
0xaa: {  	v1 =	vmul.f32 v1, v2;
	_ =	sdelay $0x1  }
0xab: {  	v0 =	vadd.f32 v1, v0;
	_ =	sdelay $0x1  }
0xac: {  	v0 =	vmax.f32 v0, $0.0e+00  }
0xad: {  	v0 =	vmul.f32 v0, v2;
	_ =	sdelay $0x1  }
0xae: {  	s10 =	sadd.s32 $0x10, s13;
	[tilespmem:s1+$0x0] =	vst v0  }
0xaf: {  	s13 =	rddreg [dreg:$0x10];
	[tilespmem:s10+$0x0] =	vst v2  }
0xb0: {  	[spmem:s13] =	stream.linear.scatter [tilespmem:s22], [sflag:$0x11], $0x2800, $0x38;
	[tilespmem:$0x18410] =	vst v63  }
0xb1: {  	_ =	swait.ge [sflag:s28], $0x2800  }
0xb2: {  	s0 =	simm.s32 @!p1 $0x0;
	[sflag:s28] =	ssyncset.done $0x0  }
0xb3: {  	s1 =	simm.s32 @!p1 $0x8F00;
	s2 =	rddreg [dreg:$0x11];
	[sflag:s28] =	ssyncadd.s32 $0xFFFFD800  }
0xb4: {  	[hbm4b:s2+s0] =	stream.linear.scatter @!p1 [tilespmem:s1], [sflag:$0x11], $0x2800, $0x38;
	[tilespmem:$0x18410] =	vst v63  }
0xb5: {  	s1 =	simm.s32 @!p1 $0x11  }
0xb6: {  	_ =	swait.ge @!p1 [sflag:s1], $0x2800  }
0xb7: {  	[sflag:s1] =	ssyncset.done @!p1 $0x0  }
0xb8: {  	s2 =	simm.s32 @!p1 $0x10C00;
	s8 =	rddreg [dreg:$0x12];
	[sflag:s1] =	ssyncadd.s32 @!p1 $0xFFFFD800  }
0xb9: {  	[hbm4b:s8+s0] =	stream.linear.scatter @!p1 [tilespmem:s2], [sflag:$0x11], $0x2800, $0x38;
	[tilespmem:$0x18410] =	vst v63  }
0xba: {  	_ =	swait.ge @!p1 [sflag:s1], $0x2800  }
0xbb: {  	[sflag:s1] =	ssyncset.done @!p1 $0x0  }
0xbc: {  	[sflag:s1] =	ssyncadd.s32 @!p1 $0xFFFFD800  }
0xbd: {  	s8 =	simm.s32 $0x0;
	[bflag:$0x0] =	sbarrier.arrive $0xFFFF  }
0xbe: {  	[tilespmem:s29], [sflag:$0x1] =	stream.indirect.gather [spmem:s4], $0x10, s8, s23, $0xb8;
	[tilespmem:$0x18410] =	vst v63  }
0xbf: {  	s30 =	simm.s32 $0x100  }
0xc0: {  	[tilespmem:s7], [sflag:$0x2] =	stream.indirect.gather [spmem:s4], $0x10, s30, s23, $0xb8;
	[tilespmem:$0x18410] =	vst v63  }
0xc1: {  	s31 =	simm.s32 $0x200  }
0xc2: {  	[tilespmem:s9], [sflag:$0x3] =	stream.indirect.gather [spmem:s4], $0x10, s31, s23, $0xb8;
	[tilespmem:$0x18410] =	vst v63  }
0xc3: {  	s1 =	simm.s32 $0x300  }
0xc4: {  	[tilespmem:s11], [sflag:$0x4] =	stream.indirect.gather [spmem:s4], $0x10, s1, s23, $0xb8;
	[tilespmem:$0x18410] =	vst v63  }
0xc5: {  	s2 =	simm.s32 $0x400  }
0xc6: {  	[tilespmem:s12], [sflag:$0x5] =	stream.indirect.gather [spmem:s4], $0x10, s2, s23, $0xb8;
	[tilespmem:$0x18410] =	vst v63  }
0xc7: {  	s10 =	simm.s32 $0x500  }
0xc8: {  	[tilespmem:s14], [sflag:$0x6] =	stream.indirect.gather [spmem:s4], $0x10, s10, s23, $0xb8;
	[tilespmem:$0x18410] =	vst v63  }
0xc9: {  	s13 =	simm.s32 $0x600;
	s22 =	simm.s32 $0x7F00  }
0xca: {  	[tilespmem:s22], [sflag:$0x7] =	stream.indirect.gather [spmem:s4], $0x10, s13, s23, $0xb8;
	[tilespmem:$0x18410] =	vst v63  }
0xcb: {  	s30 =	simm.s32 $0x700;
	s31 =	simm.s32 $0x8700  }
0xcc: {  	[tilespmem:s31], [sflag:$0x8] =	stream.indirect.gather [spmem:s4], $0x10, s30, s23, $0xb8;
	[tilespmem:$0x18410] =	vst v63  }
0xcd: {  	_ =	swait.ge [sflag:s15], $0x800  }
0xce: {  	[sflag:s15] =	ssyncset.done $0x0  }
0xcf: {  	s2 =	simm.s32 $0x80;
	[sflag:s15] =	ssyncadd.s32 $0xFFFFF800  }
0xd0: {  	[spmem:s3] =	stream.indirect.scatter.add.f32 [tilespmem:s29], [sflag:$0x11], $0x10, s2, s23, $0xb8;
	[tilespmem:$0x18410] =	vst v63  }
0xd1: {  	p2 =	sle.u32 s6, $0x8;
	_ =	swait.ge [sflag:s28], $0x800  }
0xd2: {  	s0 =	simm.s32 @!p2 $0x4F00;
	[sflag:s28] =	ssyncset.done $0x0  }
0xd3: {  	s1 =	simm.s32 @!p2 $0x800;
	s2 =	simm.s32 @!p2 $0x80;
	[sflag:s28] =	ssyncadd.s32 $0xFFFFF800  }
0xd4: {  	[tilespmem:s0], [sflag:$0x1] =	stream.indirect.gather @!p2 [spmem:s4], $0x10, s1, s2, $0xb8;
	[tilespmem:$0x18410] =	vst v63  }
0xd5: {  	_ =	swait.ge [sflag:s16], $0x800  }
0xd6: {  	[sflag:s16] =	ssyncset.done $0x0  }
0xd7: {  	s10 =	simm.s32 $0x180;
	[sflag:s16] =	ssyncadd.s32 $0xFFFFF800  }
0xd8: {  	[spmem:s3] =	stream.indirect.scatter.add.f32 [tilespmem:s7], [sflag:$0x11], $0x10, s10, s23, $0xb8;
	[tilespmem:$0x18410] =	vst v63  }
0xd9: {  	p2 =	sle.u32 s6, $0x9;
	_ =	swait.ge [sflag:s28], $0x800  }
0xda: {  	s0 =	simm.s32 @!p2 $0x5700;
	[sflag:s28] =	ssyncset.done $0x0  }
0xdb: {  	s1 =	simm.s32 @!p2 $0x900;
	s2 =	simm.s32 @!p2 $0x80;
	[sflag:s28] =	ssyncadd.s32 $0xFFFFF800  }
0xdc: {  	[tilespmem:s0], [sflag:$0x2] =	stream.indirect.gather @!p2 [spmem:s4], $0x10, s1, s2, $0xb8;
	[tilespmem:$0x18410] =	vst v63  }
0xdd: {  	_ =	swait.ge [sflag:s24], $0x800  }
0xde: {  	[sflag:s24] =	ssyncset.done $0x0  }
0xdf: {  	s13 =	simm.s32 $0x280;
	[sflag:s24] =	ssyncadd.s32 $0xFFFFF800  }
0xe0: {  	[spmem:s3] =	stream.indirect.scatter.add.f32 [tilespmem:s9], [sflag:$0x11], $0x10, s13, s23, $0xb8;
	[tilespmem:$0x18410] =	vst v63  }
0xe1: {  	p2 =	sle.u32 s6, $0xA;
	_ =	swait.ge [sflag:s28], $0x800  }
0xe2: {  	s0 =	simm.s32 @!p2 $0x5F00;
	[sflag:s28] =	ssyncset.done $0x0  }
0xe3: {  	s1 =	simm.s32 @!p2 $0xA00;
	s2 =	simm.s32 @!p2 $0x80;
	[sflag:s28] =	ssyncadd.s32 $0xFFFFF800  }
0xe4: {  	[tilespmem:s0], [sflag:$0x3] =	stream.indirect.gather @!p2 [spmem:s4], $0x10, s1, s2, $0xb8;
	[tilespmem:$0x18410] =	vst v63  }
0xe5: {  	_ =	swait.ge [sflag:s17], $0x800  }
0xe6: {  	[sflag:s17] =	ssyncset.done $0x0  }
0xe7: {  	s22 =	simm.s32 $0x380;
	[sflag:s17] =	ssyncadd.s32 $0xFFFFF800  }
0xe8: {  	[spmem:s3] =	stream.indirect.scatter.add.f32 [tilespmem:s11], [sflag:$0x11], $0x10, s22, s23, $0xb8;
	[tilespmem:$0x18410] =	vst v63  }
0xe9: {  	p2 =	sle.u32 s6, $0xB;
	_ =	swait.ge [sflag:s28], $0x800  }
0xea: {  	s0 =	simm.s32 @!p2 $0x6700;
	[sflag:s28] =	ssyncset.done $0x0  }
0xeb: {  	s1 =	simm.s32 @!p2 $0xB00;
	s2 =	simm.s32 @!p2 $0x80;
	[sflag:s28] =	ssyncadd.s32 $0xFFFFF800  }
0xec: {  	[tilespmem:s0], [sflag:$0x4] =	stream.indirect.gather @!p2 [spmem:s4], $0x10, s1, s2, $0xb8;
	[tilespmem:$0x18410] =	vst v63  }
0xed: {  	_ =	swait.ge [sflag:s18], $0x800  }
0xee: {  	[sflag:s18] =	ssyncset.done $0x0  }
0xef: {  	s30 =	simm.s32 $0x480;
	[sflag:s18] =	ssyncadd.s32 $0xFFFFF800  }
0xf0: {  	[spmem:s3] =	stream.indirect.scatter.add.f32 [tilespmem:s12], [sflag:$0x11], $0x10, s30, s23, $0xb8;
	[tilespmem:$0x18410] =	vst v63  }
0xf1: {  	p2 =	sle.u32 s6, $0xC;
	_ =	swait.ge [sflag:s28], $0x800  }
0xf2: {  	s0 =	simm.s32 @!p2 $0x6F00;
	[sflag:s28] =	ssyncset.done $0x0  }
0xf3: {  	s1 =	simm.s32 @!p2 $0xC00;
	s2 =	simm.s32 @!p2 $0x80;
	[sflag:s28] =	ssyncadd.s32 $0xFFFFF800  }
0xf4: {  	[tilespmem:s0], [sflag:$0x5] =	stream.indirect.gather @!p2 [spmem:s4], $0x10, s1, s2, $0xb8;
	[tilespmem:$0x18410] =	vst v63  }
0xf5: {  	_ =	swait.ge [sflag:s19], $0x800  }
0xf6: {  	[sflag:s19] =	ssyncset.done $0x0  }
0xf7: {  	s31 =	simm.s32 $0x580;
	[sflag:s19] =	ssyncadd.s32 $0xFFFFF800  }
0xf8: {  	[spmem:s3] =	stream.indirect.scatter.add.f32 [tilespmem:s14], [sflag:$0x11], $0x10, s31, s23, $0xb8;
	[tilespmem:$0x18410] =	vst v63  }
0xf9: {  	p3 =	sle.u32 s6, $0xD;
	_ =	swait.ge [sflag:s28], $0x800  }
0xfa: {  	s0 =	simm.s32 @!p3 $0x7700;
	s1 =	simm.s32 @!p3 $0xD00;
	[sflag:s28] =	ssyncset.done $0x0  }
0xfb: {  	p2 =	sle.u32 s6, $0x6;
	s2 =	simm.s32 @!p3 $0x80;
	[sflag:s28] =	ssyncadd.s32 $0xFFFFF800  }
0xfc: {  	[tilespmem:s0], [sflag:$0x6] =	stream.indirect.gather @!p3 [spmem:s4], $0x10, s1, s2, $0xb8;
	[tilespmem:$0x18410] =	vst v63  }
0xfd: {  	s0 =	simm.s32 @!p2 $0x7  }
0xfe: {  	_ =	swait.ge @!p2 [sflag:s0], $0x800  }
0xff: {  	s1 =	simm.s32 @!p2 $0x680;
	[sflag:s0] =	ssyncset.done @!p2 $0x0  }
0x100: {  	s2 =	simm.s32 @!p2 $0x80;
	[sflag:s0] =	ssyncadd.s32 @!p2 $0xFFFFF800;
	s0 =	simm.s32 @!p2 $0x7F00  }
0x101: {  	[spmem:s3] =	stream.indirect.scatter.add.f32 @!p2 [tilespmem:s0], [sflag:$0x11], $0x10, s1, s2, $0xb8;
	[tilespmem:$0x18410] =	vst v63  }
0x102: {  	p3 =	sle.u32 @!p2 s6, $0xE;
	s0 =	simm.s32 @!p2 $0x11  }
0x103: {  	p4 =	por p3, p2;
	_ =	swait.ge @!p2 [sflag:s0], $0x800  }
0x104: {  	p3 =	sle.u32 s6, $0x7;
	s1 =	simm.s32 @!p4 $0x7F00;
	[sflag:s0] =	ssyncset.done @!p2 $0x0  }
0x105: {  	s2 =	simm.s32 @!p4 $0xE00;
	[sflag:s0] =	ssyncadd.s32 @!p2 $0xFFFFF800;
	s0 =	simm.s32 @!p4 $0x80  }
0x106: {  	[tilespmem:s1], [sflag:$0x7] =	stream.indirect.gather @!p4 [spmem:s4], $0x10, s2, s0, $0xb8;
	[tilespmem:$0x18410] =	vst v63  }
0x107: {  	s0 =	simm.s32 @!p3 $0x8  }
0x108: {  	_ =	swait.ge @!p3 [sflag:s0], $0x800  }
0x109: {  	s1 =	simm.s32 @!p3 $0x8700;
	[sflag:s0] =	ssyncset.done @!p3 $0x0  }
0x10a: {  	s2 =	simm.s32 @!p3 $0x780;
	[sflag:s0] =	ssyncadd.s32 @!p3 $0xFFFFF800;
	s0 =	simm.s32 @!p3 $0x80  }
0x10b: {  	[spmem:s3] =	stream.indirect.scatter.add.f32 @!p3 [tilespmem:s1], [sflag:$0x11], $0x10, s2, s0, $0xb8;
	[tilespmem:$0x18410] =	vst v63  }
0x10c: {  	s10 =	simm.s32 $0x2000;
	p2 =	sle.u32 @!p3 s6, $0xF;
	s0 =	simm.s32 @!p3 $0x11  }
0x10d: {  	s13 =	simm.s32 $0x17;
	p4 =	por p2, p3;
	_ =	swait.ge @!p3 [sflag:s0], $0x800  }
.LBB2_6:
0x10e: {  	[sflag:s0] =	ssyncset.done @!p3 $0x0  }
0x10f: {  	s1 =	sshra.s32 @!p4 s8, $0x2;
	s2 =	simm.s32 @!p4 $0x8700;
	s8 =	smov.u32 s10  }
0x110: {  	[sflag:s0] =	ssyncadd.s32 @!p3 $0xFFFFF800;
	s0 =	sadd.s32 @!p4 $0xF00, s1;
	s1 =	simm.s32 @!p4 $0x80  }
0x111: {  	[tilespmem:s2], [sflag:$0x8] =	stream.indirect.gather @!p4 [spmem:s4], $0x10, s0, s1, $0xb8;
	[tilespmem:$0x18410] =	vst v63  }
0x112: {  	s10 =	sadd.s32 $0x2000, s10;
	s30 =	sshra.s32 s8, $0x2;
	_ =	swait.ge [sflag:s15], $0x800  }
0x113: {  	s0 =	sadd.s32 $0x80, s30;
	s1 =	sadd.s32 $0xFFFFFFF9, s13;
	[sflag:s15] =	ssyncset.done $0x0  }
0x114: {  	p2 =	sne.s32 s10, $0x14000;
	p3 =	sge.u32 s1, s6;
	[sflag:s15] =	ssyncadd.s32 $0xFFFFF800  }
0x115: {  	[spmem:s3] =	stream.indirect.scatter.add.f32 [tilespmem:s29], [sflag:$0x11], $0x10, s0, s23, $0xb8;
	[tilespmem:$0x18410] =	vst v63  }
0x116: {  	s1 =	simm.s32 @!p3 $0x4F00;
	s0 =	sshra.s32 @!p3 s8, $0x2;
	_ =	swait.ge [sflag:s28], $0x800  }
0x117: {  	s2 =	simm.s32 @!p3 $0x80;
	s0 =	sadd.s32 @!p3 $0x800, s0;
	[sflag:s28] =	ssyncset.done $0x0  }
0x118: {  	[sflag:s28] =	ssyncadd.s32 $0xFFFFF800  }
0x119: {  	[tilespmem:s1], [sflag:$0x1] =	stream.indirect.gather @!p3 [spmem:s4], $0x10, s0, s2, $0xb8;
	[tilespmem:$0x18410] =	vst v63  }
0x11a: {  	_ =	swait.ge [sflag:s16], $0x800  }
0x11b: {  	s0 =	sadd.s32 $0x180, s30;
	s1 =	sadd.s32 $0xFFFFFFFA, s13;
	[sflag:s16] =	ssyncset.done $0x0  }
0x11c: {  	p3 =	sge.u32 s1, s6;
	[sflag:s16] =	ssyncadd.s32 $0xFFFFF800  }
0x11d: {  	[spmem:s3] =	stream.indirect.scatter.add.f32 [tilespmem:s7], [sflag:$0x11], $0x10, s0, s23, $0xb8;
	[tilespmem:$0x18410] =	vst v63  }
0x11e: {  	s1 =	simm.s32 @!p3 $0x5700;
	s0 =	sshra.s32 @!p3 s8, $0x2;
	_ =	swait.ge [sflag:s28], $0x800  }
0x11f: {  	s2 =	simm.s32 @!p3 $0x80;
	s0 =	sadd.s32 @!p3 $0x900, s0;
	[sflag:s28] =	ssyncset.done $0x0  }
0x120: {  	[sflag:s28] =	ssyncadd.s32 $0xFFFFF800  }
0x121: {  	[tilespmem:s1], [sflag:$0x2] =	stream.indirect.gather @!p3 [spmem:s4], $0x10, s0, s2, $0xb8;
	[tilespmem:$0x18410] =	vst v63  }
0x122: {  	_ =	swait.ge [sflag:s24], $0x800  }
0x123: {  	s0 =	sadd.s32 $0x280, s30;
	s1 =	sadd.s32 $0xFFFFFFFB, s13;
	[sflag:s24] =	ssyncset.done $0x0  }
0x124: {  	p3 =	sge.u32 s1, s6;
	[sflag:s24] =	ssyncadd.s32 $0xFFFFF800  }
0x125: {  	[spmem:s3] =	stream.indirect.scatter.add.f32 [tilespmem:s9], [sflag:$0x11], $0x10, s0, s23, $0xb8;
	[tilespmem:$0x18410] =	vst v63  }
0x126: {  	s1 =	simm.s32 @!p3 $0x5F00;
	s0 =	sshra.s32 @!p3 s8, $0x2;
	_ =	swait.ge [sflag:s28], $0x800  }
0x127: {  	s2 =	simm.s32 @!p3 $0x80;
	s0 =	sadd.s32 @!p3 $0xA00, s0;
	[sflag:s28] =	ssyncset.done $0x0  }
0x128: {  	[sflag:s28] =	ssyncadd.s32 $0xFFFFF800  }
0x129: {  	[tilespmem:s1], [sflag:$0x3] =	stream.indirect.gather @!p3 [spmem:s4], $0x10, s0, s2, $0xb8;
	[tilespmem:$0x18410] =	vst v63  }
0x12a: {  	_ =	swait.ge [sflag:s17], $0x800  }
0x12b: {  	s0 =	sadd.s32 $0x380, s30;
	s1 =	sadd.s32 $0xFFFFFFFC, s13;
	[sflag:s17] =	ssyncset.done $0x0  }
0x12c: {  	p3 =	sge.u32 s1, s6;
	[sflag:s17] =	ssyncadd.s32 $0xFFFFF800  }
0x12d: {  	[spmem:s3] =	stream.indirect.scatter.add.f32 [tilespmem:s11], [sflag:$0x11], $0x10, s0, s23, $0xb8;
	[tilespmem:$0x18410] =	vst v63  }
0x12e: {  	s1 =	simm.s32 @!p3 $0x6700;
	s0 =	sshra.s32 @!p3 s8, $0x2;
	_ =	swait.ge [sflag:s28], $0x800  }
0x12f: {  	s2 =	simm.s32 @!p3 $0x80;
	s0 =	sadd.s32 @!p3 $0xB00, s0;
	[sflag:s28] =	ssyncset.done $0x0  }
0x130: {  	[sflag:s28] =	ssyncadd.s32 $0xFFFFF800  }
0x131: {  	[tilespmem:s1], [sflag:$0x4] =	stream.indirect.gather @!p3 [spmem:s4], $0x10, s0, s2, $0xb8;
	[tilespmem:$0x18410] =	vst v63  }
0x132: {  	_ =	swait.ge [sflag:s18], $0x800  }
0x133: {  	s0 =	sadd.s32 $0x480, s30;
	s1 =	sadd.s32 $0xFFFFFFFD, s13;
	[sflag:s18] =	ssyncset.done $0x0  }
0x134: {  	p3 =	sge.u32 s1, s6;
	[sflag:s18] =	ssyncadd.s32 $0xFFFFF800  }
0x135: {  	[spmem:s3] =	stream.indirect.scatter.add.f32 [tilespmem:s12], [sflag:$0x11], $0x10, s0, s23, $0xb8;
	[tilespmem:$0x18410] =	vst v63  }
0x136: {  	s1 =	simm.s32 @!p3 $0x6F00;
	s0 =	sshra.s32 @!p3 s8, $0x2;
	_ =	swait.ge [sflag:s28], $0x800  }
0x137: {  	s2 =	simm.s32 @!p3 $0x80;
	s0 =	sadd.s32 @!p3 $0xC00, s0;
	[sflag:s28] =	ssyncset.done $0x0  }
0x138: {  	[sflag:s28] =	ssyncadd.s32 $0xFFFFF800  }
0x139: {  	[tilespmem:s1], [sflag:$0x5] =	stream.indirect.gather @!p3 [spmem:s4], $0x10, s0, s2, $0xb8;
	[tilespmem:$0x18410] =	vst v63  }
0x13a: {  	_ =	swait.ge [sflag:s19], $0x800  }
0x13b: {  	s0 =	sadd.s32 $0x580, s30;
	s1 =	sadd.s32 $0xFFFFFFFE, s13;
	[sflag:s19] =	ssyncset.done $0x0  }
0x13c: {  	p3 =	sge.u32 s1, s6;
	s1 =	sadd.s32 $0xFFFFFFF7, s13;
	[sflag:s19] =	ssyncadd.s32 $0xFFFFF800  }
0x13d: {  	[spmem:s3] =	stream.indirect.scatter.add.f32 [tilespmem:s14], [sflag:$0x11], $0x10, s0, s23, $0xb8;
	[tilespmem:$0x18410] =	vst v63  }
0x13e: {  	s2 =	simm.s32 @!p3 $0x7700;
	s0 =	sshra.s32 @!p3 s8, $0x2;
	_ =	swait.ge [sflag:s28], $0x800  }
0x13f: {  	p4 =	sge.u32 s1, s6;
	s0 =	sadd.s32 @!p3 $0xD00, s0;
	[sflag:s28] =	ssyncset.done $0x0  }
0x140: {  	s1 =	simm.s32 @!p3 $0x80;
	s30 =	simm.s32 @!p4 $0x7;
	s31 =	sshra.s32 @!p4 s8, $0x2  }
0x141: {  	s22 =	sadd.s32 @!p4 $0xFFFFFFFF, s13;
	s31 =	sadd.s32 @!p4 $0x680, s31;
	[sflag:s28] =	ssyncadd.s32 $0xFFFFF800  }
0x142: {  	[tilespmem:s2], [sflag:$0x6] =	stream.indirect.gather @!p3 [spmem:s4], $0x10, s0, s1, $0xb8;
	[tilespmem:$0x18410] =	vst v63  }
0x143: {  	s0 =	simm.s32 @!p4 $0x80;
	s1 =	simm.s32 @!p4 $0x7F00;
	_ =	swait.ge @!p4 [sflag:s30], $0x800  }
0x144: {  	s2 =	simm.s32 @!p4 $0x11;
	p3 =	sge.u32 @!p4 s22, s6;
	[sflag:s30] =	ssyncset.done @!p4 $0x0  }
0x145: {  	s22 =	sadd.s32 $0xFFFFFFF8, s13;
	p5 =	por p3, p4;
	[sflag:s30] =	ssyncadd.s32 @!p4 $0xFFFFF800  }
0x146: {  	[spmem:s3] =	stream.indirect.scatter.add.f32 @!p4 [tilespmem:s1], [sflag:$0x11], $0x10, s31, s0, $0xb8;
	[tilespmem:$0x18410] =	vst v63  }
0x147: {  	s0 =	sshra.s32 @!p5 s8, $0x2;
	s1 =	simm.s32 @!p5 $0x7F00;
	_ =	swait.ge @!p4 [sflag:s2], $0x800  }
0x148: {  	p3 =	sge.u32 s22, s6;
	s0 =	sadd.s32 @!p5 $0xE00, s0;
	[sflag:s2] =	ssyncset.done @!p4 $0x0  }
0x149: {  	s22 =	simm.s32 @!p3 $0x8;
	[sflag:s2] =	ssyncadd.s32 @!p4 $0xFFFFF800;
	s2 =	simm.s32 @!p5 $0x80  }
0x14a: {  	[tilespmem:s1], [sflag:$0x7] =	stream.indirect.gather @!p5 [spmem:s4], $0x10, s0, s2, $0xb8;
	[tilespmem:$0x18410] =	vst v63  }
0x14b: {  	s0 =	sshra.s32 @!p3 s8, $0x2  }
.Ltmp2:
0x14c: {  	s1 =	simm.s32 @!p3 $0x8700;
	_ =	swait.ge @!p3 [sflag:s22], $0x800;
	(pc) =	sbr.rel @p2 .LBB2_6-.Ltmp2, $4  }
0x14d: {  	s30 =	simm.s32 @!p3 $0x80;
	s2 =	sadd.s32 @!p3 $0x780, s0;
	[sflag:s22] =	ssyncset.done @!p3 $0x0  }
0x14e: {  	p4 =	sge.u32 @!p3 s13, s6;
	s0 =	simm.s32 @!p3 $0x11;
	[sflag:s22] =	ssyncadd.s32 @!p3 $0xFFFFF800  }
0x14f: {  	[spmem:s3] =	stream.indirect.scatter.add.f32 @!p3 [tilespmem:s1], [sflag:$0x11], $0x10, s2, s30, $0xb8;
	[tilespmem:$0x18410] =	vst v63  }
0x150: {  	s13 =	sadd.s32 $0x8, s13;
	p4 =	por p4, p3;
	_ =	swait.ge @!p3 [sflag:s0], $0x800  }
0x151: {  	[sflag:s0] =	ssyncset.done @!p3 $0x0;
	s1 =	sshra.s32 @!p4 s8, $0x2;
	s2 =	simm.s32 @!p4 $0x8700  }
0x152: {  	[sflag:s0] =	ssyncadd.s32 @!p3 $0xFFFFF800;
	s0 =	sadd.s32 @!p4 $0xF00, s1;
	s1 =	simm.s32 @!p4 $0x80  }
0x153: {  	[tilespmem:s2], [sflag:$0x8] =	stream.indirect.gather @!p4 [spmem:s4], $0x10, s0, s1, $0xb8;
	[tilespmem:$0x18410] =	vst v63  }
0x154: {  	[bflag:$0x0] =	sbarrier.arrive $0xFFFF  }
0x155: {  	s22 =	rddreg [dreg:$0x8]  }
0x156: {  	s30 =	rddreg [dreg:$0x14];
	s0 =	sor.u32 $0x1C11, s22  }
0x157: {  	[hbm:s30], [sflag:s0] =	dma.local [spmem:s21], $0x500  }
0x158: {  	_ =	swait.ge [sflag:s28], $0x500  }
0x159: {  	s20 =	sadd.s32 $0x1, s20;
	s31 =	rddreg [dreg:$0x13]  }
0x15a: {  	p2 =	sne.s32 s20, s31  }
.Ltmp3:
0x15b: {  	_ = 	snop;
	(pc) =	sbr.rel @p2 .LBB2_1-.Ltmp3, $3  }
0x15c: {  	_ =	sdelay $0x1  }
0x15d: {  	[sflag:s28] =	ssyncset.done $0x0  }
0x15e: {  	s22 =	simm.s32 $0x8F00;
	[sflag:s28] =	ssyncadd.s32 $0xFFFFFB00  }
0x15f: {  	_ =	sfence.sel $0x180000  }
0x160: {  	[bflag:$0x0] =	sbarrier.arrive $0xFFFF  }
0x161: {  	_ =	strace $0x9000004A  }
0x162: {  	s0 =	stileid.u32;
	[bflag:$0x2] =	sbarrier.arrive $0xFFFF  }
0x163: {  	p0 =	sne.s32 s0, $0x0;
	s0 =	rddreg [dreg:$0x6]  }
0x164: {  	s0 =	sadd.s32 @!p0 $0x100000, s0  }
0x165: {  	[sflag:s0] =	ssyncadd.tile.s32 @!p0 $0x1;
	_ =	shalt  }
.Lfunc_end2:
_tile_overlayer_lowered:
.L_overlay_start_2:
0x166: {  	(tag) =	ssettag $0x2  }
0x167: {  	s0 =	rddreg [dreg:$0x0];
	s2 =	stileid.u32  }
0x168: {  	s1 =	rddreg [dreg:$0x1];
	p0 =	sne.s32 s2, $0x0  }
0x169: {  	s3 =	rddreg [dreg:$0x2];
	[bflag:$0x3] =	sbarrier.arrive $0xFFFF;
	s2 =	simm.s32 @!p0 $0x1C11  }
0x16a: {  	[timem:s3], [sflag:s2] =	dma.local @!p0 [hbm:s0], s1  }
0x16b: {  	s0 =	simm.s32 @!p0 $0x11  }
0x16c: {  	_ =	swait.ge @!p0 [sflag:s0], s1  }
0x16d: {  	s1 =	ssub.s32 @!p0 $0x0, s1;
	[sflag:s0] =	ssyncset.done @!p0 $0x0  }
0x16e: {  	[sflag:s0] =	ssyncadd.s32 @!p0 s1  }
0x16f: {  	[bflag:$0x3] =	sbarrier.arrive $0xFFFF  }
0x170: {  	_ =	shalt  }

</sc_bundles>
